<compile_context>
chip_gen: v7x
topology: tpu7x:2x2x1
jax: 0.10.2.dev20260603
libtpu: 0.0.44.dev20260713+nightly
codegen_flags: <defaults>
</compile_context>

<pallas_src>
import functools

import jax
import jax.numpy as jnp
from jax import lax
from jax.experimental import pallas as pl
from jax.experimental.pallas import tpu as pltpu
from jax.experimental.pallas import tpu_sc as plsc

BATCH = 2
SEQ = 2048
D = 768
N = BATCH * SEQ
NW = 32
N_PER_W = N // NW
W_PER_B = NW // BATCH
CHUNK = 16
N_CHUNKS = N_PER_W // CHUNK
NB = 4
LOOKAHEAD = 3
GROUPS = N_CHUNKS // NB
LANES = 16


def _sc_embed_add(ids, hidden, table):
    mesh = plsc.VectorSubcoreMesh(core_axis_name="c", subcore_axis_name="s")

    scratch = [pltpu.VMEM((N_PER_W,), jnp.int32)]
    scratch += [pltpu.VMEM((CHUNK, D), jnp.float32) for _ in range(2 * NB)]
    scratch += [pltpu.SemaphoreType.DMA for _ in range(3 * NB)]

    @functools.partial(
        pl.kernel,
        mesh=mesh,
        out_type=jax.ShapeDtypeStruct((BATCH, SEQ, D), jnp.float32),
        scratch_types=scratch,
    )
    def k(ids_hbm, hid_hbm, table_hbm, out_hbm, idx_v, *bufs):
        rows = bufs[0:NB]
        hid = bufs[NB:2 * NB]
        gsem = bufs[2 * NB:3 * NB]
        hsem = bufs[3 * NB:4 * NB]
        osem = bufs[4 * NB:5 * NB]

        wid = lax.axis_index("s") * 2 + lax.axis_index("c")
        bi = wid // W_PER_B
        seq0 = (wid % W_PER_B) * N_PER_W
        pltpu.sync_copy(ids_hbm.at[bi, pl.ds(seq0, N_PER_W)], idx_v)

        g = [None] * N_CHUNKS
        h = [None] * N_CHUNKS
        o = [None] * N_CHUNKS

        def issue(c):
            b = c % NB
            g[c] = pltpu.async_copy(
                table_hbm.at[idx_v.at[pl.ds(c * CHUNK, CHUNK)]], rows[b], gsem[b]
            )
            h[c] = pltpu.async_copy(
                hid_hbm.at[bi, pl.ds(seq0 + c * CHUNK, CHUNK)], hid[b], hsem[b]
            )

        def mk_g(c, b):
            return pltpu.make_async_copy(
                table_hbm.at[idx_v.at[pl.ds(c * CHUNK, CHUNK)]], rows[b], gsem[b]
            )

        def mk_h(c, b):
            return pltpu.make_async_copy(
                hid_hbm.at[bi, pl.ds(seq0 + c * CHUNK, CHUNK)], hid[b], hsem[b]
            )

        def mk_o(c, b):
            return pltpu.make_async_copy(
                rows[b], out_hbm.at[bi, pl.ds(seq0 + c * CHUNK, CHUNK)], osem[b]
            )

        for c in range(LOOKAHEAD):
            issue(c)

        def group(gi, carry):
            for b in range(NB):
                c = gi * NB + b
                bn = (b + LOOKAHEAD) % NB
                bp = (b - 1) % NB
                if b == 0:
                    @pl.when(gi > 0)
                    def _():
                        mk_o(c - 1, bp).wait()
                    mk_g(c + LOOKAHEAD, bn).start()
                    mk_h(c + LOOKAHEAD, bn).start()
                else:
                    @pl.when(gi == 0)
                    def _():
                        mk_o(c - 1, bp).wait()
                        mk_g(c + LOOKAHEAD, bn).start()
                        mk_h(c + LOOKAHEAD, bn).start()
                mk_g(c, b).wait()
                mk_h(c, b).wait()

                def add_row(i, carry2):
                    for j in range(D // LANES):
                        sl = pl.ds(j * LANES, LANES)
                        rows[b][i, sl] = rows[b][i, sl] + hid[b][i, sl]
                    return carry2

                lax.fori_loop(0, CHUNK, add_row, 0)
                mk_o(c, b).start()
            return carry

        lax.fori_loop(0, GROUPS, group, 0)
        for c in range(N_CHUNKS - NB, N_CHUNKS):
            mk_o(c, c % NB).wait()

    return k(ids, hidden, table)


def kernel(input_ids, hidden_states, positions, embed_table):
    return _sc_embed_add(
        input_ids.astype(jnp.int32), hidden_states, embed_table
    )

# --- scband reference (transcript-rebuilt; emitter-appended) ---
"""Pipeline reference for scband-dummy-eagle-model-45732811768258 (READ-ONLY COPY).

The authoritative reference and input builder live on the scoring server;
editing this copy changes nothing except your own understanding.
"""

import jax, jax.numpy as jnp
import numpy as np

VOCAB = 100000
D_MODEL = 768
BATCH = 2
SEQ = 2048

def setup_inputs(seed: int = 0) -> dict:
    key = jax.random.key(seed)
    k_ids, k_hid, k_tab = jax.random.split(key, 3)
    input_ids = jax.random.randint(k_ids, (BATCH, SEQ), 0, VOCAB, dtype=jnp.int64)
    hidden_states = jax.random.normal(k_hid, (BATCH, SEQ, D_MODEL), dtype=jnp.float32)
    positions = jnp.arange(BATCH * SEQ, dtype=jnp.int64).reshape(BATCH, SEQ) % SEQ
    embed_table = jax.random.normal(k_tab, (VOCAB, D_MODEL), dtype=jnp.float32) * 0.02
    return {"input_ids": input_ids, "hidden_states": hidden_states, "positions": positions, "embed_table": embed_table}

def reference(input_ids, hidden_states, positions, embed_table):
    # get_input_embeddings(input_ids) -> embedding table gather (SparseCore gather)
    input_embeddings = jnp.take(embed_table, input_ids, axis=0)
    # positions is accepted by the forward signature but unused in the computation
    return hidden_states + input_embeddings

if __name__ == "__main__":
    import jax
    _d = setup_inputs()
    print(jax.jit(kernel)(*tuple(_d.values())))

</pallas_src>

<mosaic_0001>
#map = affine_map<(d0, d1) -> (0, 0)>
#map1 = affine_map<(d0, d1) -> (0, 0, 0)>
module attributes {stable_mosaic.version = 14 : i64} {
  func.func @k(%arg0: i32, %arg1: i32, %arg2: memref<2x2048xi32, #tpu.memory_space<hbm>>, %arg3: memref<2x2048x768xf32, #tpu.memory_space<hbm>>, %arg4: memref<100000x768xf32, #tpu.memory_space<hbm>>, %arg5: memref<2x2048x768xf32, #tpu.memory_space<hbm>>, %arg6: memref<128xi32, #tpu.memory_space<vmem>>, %arg7: memref<16x768xf32, #tpu.memory_space<vmem>>, %arg8: memref<16x768xf32, #tpu.memory_space<vmem>>, %arg9: memref<16x768xf32, #tpu.memory_space<vmem>>, %arg10: memref<16x768xf32, #tpu.memory_space<vmem>>, %arg11: memref<16x768xf32, #tpu.memory_space<vmem>>, %arg12: memref<16x768xf32, #tpu.memory_space<vmem>>, %arg13: memref<16x768xf32, #tpu.memory_space<vmem>>, %arg14: memref<16x768xf32, #tpu.memory_space<vmem>>, %arg15: memref<!tpu.dma_semaphore, #tpu.memory_space<semaphore_mem>>, %arg16: memref<!tpu.dma_semaphore, #tpu.memory_space<semaphore_mem>>, %arg17: memref<!tpu.dma_semaphore, #tpu.memory_space<semaphore_mem>>, %arg18: memref<!tpu.dma_semaphore, #tpu.memory_space<semaphore_mem>>, %arg19: memref<!tpu.dma_semaphore, #tpu.memory_space<semaphore_mem>>, %arg20: memref<!tpu.dma_semaphore, #tpu.memory_space<semaphore_mem>>, %arg21: memref<!tpu.dma_semaphore, #tpu.memory_space<semaphore_mem>>, %arg22: memref<!tpu.dma_semaphore, #tpu.memory_space<semaphore_mem>>, %arg23: memref<!tpu.dma_semaphore, #tpu.memory_space<semaphore_mem>>, %arg24: memref<!tpu.dma_semaphore, #tpu.memory_space<semaphore_mem>>, %arg25: memref<!tpu.dma_semaphore, #tpu.memory_space<semaphore_mem>>, %arg26: memref<!tpu.dma_semaphore, #tpu.memory_space<semaphore_mem>>) attributes {dimension_semantics = [#tpu.dimension_semantics<core_parallel>, #tpu.dimension_semantics<subcore_parallel>], iteration_bounds = array<i64: 2, 16>, scalar_prefetch = 0 : i64, scratch_operands = 21 : i64, tpu.core_type = #tpu.core_type<sc_vector_subcore>, window_params = [{transform_indices = #map}, {transform_indices = #map1}, {transform_indices = #map}, {transform_indices = #map1}]} {
    %mul3A = arith.constant 2 : i32
    %mul3A_0 = arith.muli %arg1, %mul3A : i32
    %add3A = arith.addi %mul3A_0, %arg0 : i32
    %jit3A = arith.constant 16 : i32
    %div3A = arith.divsi %add3A, %jit3A : i32
    %sign3A = arith.constant 0 : i32
    %sign3A_1 = arith.cmpi sgt, %add3A, %sign3A : i32
    %sign3A_2 = arith.extui %sign3A_1 : i1 to i32
    %sign3A_3 = arith.constant 0 : i32
    %sign3A_4 = arith.cmpi slt, %add3A, %sign3A_3 : i32
    %sign3A_5 = arith.extui %sign3A_4 : i1 to i32
    %sign3A_6 = arith.subi %sign3A_2, %sign3A_5 : i32
    %sign3A_7 = arith.constant 0 : i32
    %sign3A_8 = arith.cmpi sgt, %jit3A, %sign3A_7 : i32
    %sign3A_9 = arith.extui %sign3A_8 : i1 to i32
    %sign3A_10 = arith.constant 0 : i32
    %sign3A_11 = arith.cmpi slt, %jit3A, %sign3A_10 : i32
    %sign3A_12 = arith.extui %sign3A_11 : i1 to i32
    %sign3A_13 = arith.subi %sign3A_9, %sign3A_12 : i32
    %ne3A = arith.cmpi ne, %sign3A_6, %sign3A_13 : i32
    %rem3A = arith.remsi %add3A, %jit3A : i32
    %ne3A_14 = arith.constant 0 : i32
    %ne3A_15 = arith.cmpi ne, %rem3A, %ne3A_14 : i32
    %and3A = arith.andi %ne3A, %ne3A_15 : i1
    %sub3A = arith.constant 1 : i32
    %sub3A_16 = arith.subi %div3A, %sub3A : i32
    %select_n3A = arith.select %and3A, %sub3A_16, %div3A : i32
    %jit3A_17 = arith.constant 16 : i32
    %eq3A = arith.constant 0 : i32
    %eq3A_18 = arith.cmpi eq, %jit3A_17, %eq3A : i32
    %jit3A_19 = arith.constant 1 : i32
    %select_n3A_20 = arith.select %eq3A_18, %jit3A_19, %jit3A_17 : i32
    %rem3A_21 = arith.remsi %add3A, %select_n3A_20 : i32
    %ne3A_22 = arith.constant 0 : i32
    %ne3A_23 = arith.cmpi ne, %rem3A_21, %ne3A_22 : i32
    %lt3A = arith.constant 0 : i32
    %lt3A_24 = arith.cmpi slt, %rem3A_21, %lt3A : i32
    %lt3A_25 = arith.constant 0 : i32
    %lt3A_26 = arith.cmpi slt, %select_n3A_20, %lt3A_25 : i32
    %ne3A_27 = arith.xori %lt3A_24, %lt3A_26 : i1
    %and3A_28 = arith.andi %ne3A_27, %ne3A_23 : i1
    %add3A_29 = arith.addi %rem3A_21, %select_n3A_20 : i32
    %select_n3A_30 = arith.select %and3A_28, %add3A_29, %rem3A_21 : i32
    %mul3A_31 = arith.constant 128 : i32
    %mul3A_32 = arith.muli %select_n3A_30, %mul3A_31 : i32
    "tpu.region"() ({
      %run_scoped3A = tpu.sem_alloc : memref<!tpu.dma_semaphore, #tpu.memory_space<semaphore_mem>>
      %dma_start3A_107 = tpu.memref_slice %arg2[%select_n3A, %mul3A_32] : memref<2x2048xi32, #tpu.memory_space<hbm>> -> memref<1x128xi32, #tpu.memory_space<hbm>>
      %dma_start3A_108 = tpu.memref_squeeze %dma_start3A_107 : memref<1x128xi32, #tpu.memory_space<hbm>> -> memref<128xi32, #tpu.memory_space<hbm>>
      %dma_start3A_109 = tpu.memref_slice %arg2[%select_n3A, %mul3A_32] : memref<2x2048xi32, #tpu.memory_space<hbm>> -> memref<1x128xi32, #tpu.memory_space<hbm>>
      %dma_start3A_110 = tpu.memref_squeeze %dma_start3A_109 : memref<1x128xi32, #tpu.memory_space<hbm>> -> memref<128xi32, #tpu.memory_space<hbm>>
      tpu.enqueue_dma source(%dma_start3A_110 : memref<128xi32, #tpu.memory_space<hbm>>) target(%arg6 : memref<128xi32, #tpu.memory_space<vmem>>) target_semaphore(%run_scoped3A : memref<!tpu.dma_semaphore, #tpu.memory_space<semaphore_mem>>)
      %dma_wait3A_111 = tpu.memref_slice %arg2[%select_n3A, %mul3A_32] : memref<2x2048xi32, #tpu.memory_space<hbm>> -> memref<1x128xi32, #tpu.memory_space<hbm>>
      %dma_wait3A_112 = tpu.memref_squeeze %dma_wait3A_111 : memref<1x128xi32, #tpu.memory_space<hbm>> -> memref<128xi32, #tpu.memory_space<hbm>>
      %dma_wait3A_113 = tpu.memref_slice %arg2[%select_n3A, %mul3A_32] : memref<2x2048xi32, #tpu.memory_space<hbm>> -> memref<1x128xi32, #tpu.memory_space<hbm>>
      %dma_wait3A_114 = tpu.memref_squeeze %dma_wait3A_113 : memref<1x128xi32, #tpu.memory_space<hbm>> -> memref<128xi32, #tpu.memory_space<hbm>>
      tpu.wait_dma2 semaphore(%run_scoped3A : memref<!tpu.dma_semaphore, #tpu.memory_space<semaphore_mem>>) src(%dma_wait3A_114 : memref<128xi32, #tpu.memory_space<hbm>>) dst(%arg6 : memref<128xi32, #tpu.memory_space<vmem>>)
      tpu.yield
    }) : () -> ()
    %dma_start3A = arith.constant 0 : i32
    %dma_start3A_33 = tpu.memref_slice %arg6[%dma_start3A] : memref<128xi32, #tpu.memory_space<vmem>> -> memref<16xi32, #tpu.memory_space<vmem>>
    %dma_start3A_34 = arith.constant 0 : i32
    %dma_start3A_35 = arith.constant 0 : i32
    %dma_start3A_36 = tpu.memref_slice %arg4[%dma_start3A_34, %dma_start3A_35] : memref<100000x768xf32, #tpu.memory_space<hbm>> -> memref<100000x768xf32, #tpu.memory_space<hbm>>
    tpu.enqueue_indirect_dma source(%dma_start3A_36 : memref<100000x768xf32, #tpu.memory_space<hbm>>) target(%arg7 : memref<16x768xf32, #tpu.memory_space<vmem>>) offsets(%dma_start3A_33 : memref<16xi32, #tpu.memory_space<vmem>>) semaphore(%arg15 : memref<!tpu.dma_semaphore, #tpu.memory_space<semaphore_mem>>)
    %add3A_37 = arith.constant 0 : i32
    %add3A_38 = arith.addi %mul3A_32, %add3A_37 : i32
    %dma_start3A_39 = arith.constant 0 : i32
    %dma_start3A_40 = tpu.memref_slice %arg3[%select_n3A, %add3A_38, %dma_start3A_39] : memref<2x2048x768xf32, #tpu.memory_space<hbm>> -> memref<1x16x768xf32, #tpu.memory_space<hbm>>
    %dma_start3A_41 = tpu.memref_squeeze %dma_start3A_40 : memref<1x16x768xf32, #tpu.memory_space<hbm>> -> memref<16x768xf32, #tpu.memory_space<hbm>>
    %dma_start3A_42 = arith.constant 0 : i32
    %dma_start3A_43 = tpu.memref_slice %arg3[%select_n3A, %add3A_38, %dma_start3A_42] : memref<2x2048x768xf32, #tpu.memory_space<hbm>> -> memref<1x16x768xf32, #tpu.memory_space<hbm>>
    %dma_start3A_44 = tpu.memref_squeeze %dma_start3A_43 : memref<1x16x768xf32, #tpu.memory_space<hbm>> -> memref<16x768xf32, #tpu.memory_space<hbm>>
    tpu.enqueue_dma source(%dma_start3A_44 : memref<16x768xf32, #tpu.memory_space<hbm>>) target(%arg11 : memref<16x768xf32, #tpu.memory_space<vmem>>) target_semaphore(%arg19 : memref<!tpu.dma_semaphore, #tpu.memory_space<semaphore_mem>>)
    %dma_start3A_45 = arith.constant 16 : i32
    %dma_start3A_46 = tpu.memref_slice %arg6[%dma_start3A_45] : memref<128xi32, #tpu.memory_space<vmem>> -> memref<16xi32, #tpu.memory_space<vmem>>
    %dma_start3A_47 = arith.constant 0 : i32
    %dma_start3A_48 = arith.constant 0 : i32
    %dma_start3A_49 = tpu.memref_slice %arg4[%dma_start3A_47, %dma_start3A_48] : memref<100000x768xf32, #tpu.memory_space<hbm>> -> memref<100000x768xf32, #tpu.memory_space<hbm>>
    tpu.enqueue_indirect_dma source(%dma_start3A_49 : memref<100000x768xf32, #tpu.memory_space<hbm>>) target(%arg8 : memref<16x768xf32, #tpu.memory_space<vmem>>) offsets(%dma_start3A_46 : memref<16xi32, #tpu.memory_space<vmem>>) semaphore(%arg16 : memref<!tpu.dma_semaphore, #tpu.memory_space<semaphore_mem>>)
    %add3A_50 = arith.constant 16 : i32
    %add3A_51 = arith.addi %mul3A_32, %add3A_50 : i32
    %dma_start3A_52 = arith.constant 0 : i32
    %dma_start3A_53 = tpu.memref_slice %arg3[%select_n3A, %add3A_51, %dma_start3A_52] : memref<2x2048x768xf32, #tpu.memory_space<hbm>> -> memref<1x16x768xf32, #tpu.memory_space<hbm>>
    %dma_start3A_54 = tpu.memref_squeeze %dma_start3A_53 : memref<1x16x768xf32, #tpu.memory_space<hbm>> -> memref<16x768xf32, #tpu.memory_space<hbm>>
    %dma_start3A_55 = arith.constant 0 : i32
    %dma_start3A_56 = tpu.memref_slice %arg3[%select_n3A, %add3A_51, %dma_start3A_55] : memref<2x2048x768xf32, #tpu.memory_space<hbm>> -> memref<1x16x768xf32, #tpu.memory_space<hbm>>
    %dma_start3A_57 = tpu.memref_squeeze %dma_start3A_56 : memref<1x16x768xf32, #tpu.memory_space<hbm>> -> memref<16x768xf32, #tpu.memory_space<hbm>>
    tpu.enqueue_dma source(%dma_start3A_57 : memref<16x768xf32, #tpu.memory_space<hbm>>) target(%arg12 : memref<16x768xf32, #tpu.memory_space<vmem>>) target_semaphore(%arg20 : memref<!tpu.dma_semaphore, #tpu.memory_space<semaphore_mem>>)
    %dma_start3A_58 = arith.constant 32 : i32
    %dma_start3A_59 = tpu.memref_slice %arg6[%dma_start3A_58] : memref<128xi32, #tpu.memory_space<vmem>> -> memref<16xi32, #tpu.memory_space<vmem>>
    %dma_start3A_60 = arith.constant 0 : i32
    %dma_start3A_61 = arith.constant 0 : i32
    %dma_start3A_62 = tpu.memref_slice %arg4[%dma_start3A_60, %dma_start3A_61] : memref<100000x768xf32, #tpu.memory_space<hbm>> -> memref<100000x768xf32, #tpu.memory_space<hbm>>
    tpu.enqueue_indirect_dma source(%dma_start3A_62 : memref<100000x768xf32, #tpu.memory_space<hbm>>) target(%arg9 : memref<16x768xf32, #tpu.memory_space<vmem>>) offsets(%dma_start3A_59 : memref<16xi32, #tpu.memory_space<vmem>>) semaphore(%arg17 : memref<!tpu.dma_semaphore, #tpu.memory_space<semaphore_mem>>)
    %add3A_63 = arith.constant 32 : i32
    %add3A_64 = arith.addi %mul3A_32, %add3A_63 : i32
    %dma_start3A_65 = arith.constant 0 : i32
    %dma_start3A_66 = tpu.memref_slice %arg3[%select_n3A, %add3A_64, %dma_start3A_65] : memref<2x2048x768xf32, #tpu.memory_space<hbm>> -> memref<1x16x768xf32, #tpu.memory_space<hbm>>
    %dma_start3A_67 = tpu.memref_squeeze %dma_start3A_66 : memref<1x16x768xf32, #tpu.memory_space<hbm>> -> memref<16x768xf32, #tpu.memory_space<hbm>>
    %dma_start3A_68 = arith.constant 0 : i32
    %dma_start3A_69 = tpu.memref_slice %arg3[%select_n3A, %add3A_64, %dma_start3A_68] : memref<2x2048x768xf32, #tpu.memory_space<hbm>> -> memref<1x16x768xf32, #tpu.memory_space<hbm>>
    %dma_start3A_70 = tpu.memref_squeeze %dma_start3A_69 : memref<1x16x768xf32, #tpu.memory_space<hbm>> -> memref<16x768xf32, #tpu.memory_space<hbm>>
    tpu.enqueue_dma source(%dma_start3A_70 : memref<16x768xf32, #tpu.memory_space<hbm>>) target(%arg13 : memref<16x768xf32, #tpu.memory_space<vmem>>) target_semaphore(%arg21 : memref<!tpu.dma_semaphore, #tpu.memory_space<semaphore_mem>>)
    %scan3A = arith.constant 0 : i32
    %scan3A_71 = arith.constant 0 : i32
    %scan3A_72 = arith.constant 2 : i32
    %scan3A_73 = arith.addi %scan3A_71, %scan3A_72 : i32
    %scan3A_74 = arith.constant 1 : i32
    scf.for %scan3A_107 = %scan3A_71 to %scan3A_73 step %scan3A_74  : i32 {
      %mul3A_108 = arith.constant 4 : i32
      %mul3A_109 = arith.muli %scan3A_107, %mul3A_108 : i32
      %add3A_110 = arith.constant 0 : i32
      %add3A_111 = arith.addi %mul3A_109, %add3A_110 : i32
      %gt3A = arith.constant 0 : i32
      %gt3A_112 = arith.cmpi sgt, %scan3A_107, %gt3A : i32
      %convert_element_type3A = arith.extui %gt3A_112 : i1 to i32
      %cond3A = arith.constant 0 : i32
      %cond3A_113 = arith.cmpi ne, %convert_element_type3A, %cond3A : i32
      scf.if %cond3A_113 {
        %sub3A_280 = arith.constant 1 : i32
        %sub3A_281 = arith.subi %add3A_111, %sub3A_280 : i32
        %mul3A_282 = arith.constant 16 : i32
        %mul3A_283 = arith.muli %sub3A_281, %mul3A_282 : i32
        %add3A_284 = arith.addi %mul3A_32, %mul3A_283 : i32
        %dma_wait3A_285 = arith.constant 0 : i32
        %dma_wait3A_286 = tpu.memref_slice %arg5[%select_n3A, %add3A_284, %dma_wait3A_285] : memref<2x2048x768xf32, #tpu.memory_space<hbm>> -> memref<1x16x768xf32, #tpu.memory_space<hbm>>
        %dma_wait3A_287 = tpu.memref_squeeze %dma_wait3A_286 : memref<1x16x768xf32, #tpu.memory_space<hbm>> -> memref<16x768xf32, #tpu.memory_space<hbm>>
        %dma_wait3A_288 = arith.constant 0 : i32
        %dma_wait3A_289 = tpu.memref_slice %arg5[%select_n3A, %add3A_284, %dma_wait3A_288] : memref<2x2048x768xf32, #tpu.memory_space<hbm>> -> memref<1x16x768xf32, #tpu.memory_space<hbm>>
        %dma_wait3A_290 = tpu.memref_squeeze %dma_wait3A_289 : memref<1x16x768xf32, #tpu.memory_space<hbm>> -> memref<16x768xf32, #tpu.memory_space<hbm>>
        tpu.wait_dma2 semaphore(%arg26 : memref<!tpu.dma_semaphore, #tpu.memory_space<semaphore_mem>>) src(%arg10 : memref<16x768xf32, #tpu.memory_space<vmem>>) dst(%dma_wait3A_290 : memref<16x768xf32, #tpu.memory_space<hbm>>)
      } else {
      }
      %add3A_114 = arith.constant 3 : i32
      %add3A_115 = arith.addi %add3A_111, %add3A_114 : i32
      %mul3A_116 = arith.constant 16 : i32
      %mul3A_117 = arith.muli %add3A_115, %mul3A_116 : i32
      %dma_start3A_118 = tpu.memref_slice %arg6[%mul3A_117] : memref<128xi32, #tpu.memory_space<vmem>> -> memref<16xi32, #tpu.memory_space<vmem>>
      %dma_start3A_119 = arith.constant 0 : i32
      %dma_start3A_120 = arith.constant 0 : i32
      %dma_start3A_121 = tpu.memref_slice %arg4[%dma_start3A_119, %dma_start3A_120] : memref<100000x768xf32, #tpu.memory_space<hbm>> -> memref<100000x768xf32, #tpu.memory_space<hbm>>
      tpu.enqueue_indirect_dma source(%dma_start3A_121 : memref<100000x768xf32, #tpu.memory_space<hbm>>) target(%arg10 : memref<16x768xf32, #tpu.memory_space<vmem>>) offsets(%dma_start3A_118 : memref<16xi32, #tpu.memory_space<vmem>>) semaphore(%arg18 : memref<!tpu.dma_semaphore, #tpu.memory_space<semaphore_mem>>)
      %add3A_122 = arith.constant 3 : i32
      %add3A_123 = arith.addi %add3A_111, %add3A_122 : i32
      %mul3A_124 = arith.constant 16 : i32
      %mul3A_125 = arith.muli %add3A_123, %mul3A_124 : i32
      %add3A_126 = arith.addi %mul3A_32, %mul3A_125 : i32
      %dma_start3A_127 = arith.constant 0 : i32
      %dma_start3A_128 = tpu.memref_slice %arg3[%select_n3A, %add3A_126, %dma_start3A_127] : memref<2x2048x768xf32, #tpu.memory_space<hbm>> -> memref<1x16x768xf32, #tpu.memory_space<hbm>>
      %dma_start3A_129 = tpu.memref_squeeze %dma_start3A_128 : memref<1x16x768xf32, #tpu.memory_space<hbm>> -> memref<16x768xf32, #tpu.memory_space<hbm>>
      %dma_start3A_130 = arith.constant 0 : i32
      %dma_start3A_131 = tpu.memref_slice %arg3[%select_n3A, %add3A_126, %dma_start3A_130] : memref<2x2048x768xf32, #tpu.memory_space<hbm>> -> memref<1x16x768xf32, #tpu.memory_space<hbm>>
      %dma_start3A_132 = tpu.memref_squeeze %dma_start3A_131 : memref<1x16x768xf32, #tpu.memory_space<hbm>> -> memref<16x768xf32, #tpu.memory_space<hbm>>
      tpu.enqueue_dma source(%dma_start3A_132 : memref<16x768xf32, #tpu.memory_space<hbm>>) target(%arg14 : memref<16x768xf32, #tpu.memory_space<vmem>>) target_semaphore(%arg22 : memref<!tpu.dma_semaphore, #tpu.memory_space<semaphore_mem>>)
      %mul3A_133 = arith.constant 16 : i32
      %mul3A_134 = arith.muli %add3A_111, %mul3A_133 : i32
      %dma_wait3A_135 = tpu.memref_slice %arg6[%mul3A_134] : memref<128xi32, #tpu.memory_space<vmem>> -> memref<16xi32, #tpu.memory_space<vmem>>
      %dma_wait3A_136 = arith.constant 0 : i32
      %dma_wait3A_137 = arith.constant 0 : i32
      %dma_wait3A_138 = tpu.memref_slice %arg4[%dma_wait3A_136, %dma_wait3A_137] : memref<100000x768xf32, #tpu.memory_space<hbm>> -> memref<100000x768xf32, #tpu.memory_space<hbm>>
      tpu.wait_indirect_dma semaphore(%arg15 : memref<!tpu.dma_semaphore, #tpu.memory_space<semaphore_mem>>) src(%dma_wait3A_138 : memref<100000x768xf32, #tpu.memory_space<hbm>>) dst(%arg7 : memref<16x768xf32, #tpu.memory_space<vmem>>)
      %mul3A_139 = arith.constant 16 : i32
      %mul3A_140 = arith.muli %add3A_111, %mul3A_139 : i32
      %add3A_141 = arith.addi %mul3A_32, %mul3A_140 : i32
      %dma_wait3A_142 = arith.constant 0 : i32
      %dma_wait3A_143 = tpu.memref_slice %arg3[%select_n3A, %add3A_141, %dma_wait3A_142] : memref<2x2048x768xf32, #tpu.memory_space<hbm>> -> memref<1x16x768xf32, #tpu.memory_space<hbm>>
      %dma_wait3A_144 = tpu.memref_squeeze %dma_wait3A_143 : memref<1x16x768xf32, #tpu.memory_space<hbm>> -> memref<16x768xf32, #tpu.memory_space<hbm>>
      %dma_wait3A_145 = arith.constant 0 : i32
      %dma_wait3A_146 = tpu.memref_slice %arg3[%select_n3A, %add3A_141, %dma_wait3A_145] : memref<2x2048x768xf32, #tpu.memory_space<hbm>> -> memref<1x16x768xf32, #tpu.memory_space<hbm>>
      %dma_wait3A_147 = tpu.memref_squeeze %dma_wait3A_146 : memref<1x16x768xf32, #tpu.memory_space<hbm>> -> memref<16x768xf32, #tpu.memory_space<hbm>>
      tpu.wait_dma2 semaphore(%arg19 : memref<!tpu.dma_semaphore, #tpu.memory_space<semaphore_mem>>) src(%dma_wait3A_147 : memref<16x768xf32, #tpu.memory_space<hbm>>) dst(%arg11 : memref<16x768xf32, #tpu.memory_space<vmem>>)
      %scan3A_148 = arith.constant 0 : i32
      %scan3A_149 = arith.constant 0 : i32
      %scan3A_150 = arith.constant 16 : i32
      %scan3A_151 = arith.addi %scan3A_149, %scan3A_150 : i32
      %scan3A_152 = arith.constant 1 : i32
      scf.for %scan3A_280 = %scan3A_149 to %scan3A_151 step %scan3A_152  : i32 {
        %get3A = arith.index_cast %scan3A_280 : i32 to index
        %get3A_281 = arith.constant 0 : index
        %get3A_282 = tpu.vector_load %arg7[%get3A, %get3A_281] {strides = array<i32>} : memref<16x768xf32, #tpu.memory_space<vmem>>, vector<1x16xf32>,
        %get3A_283 = vector.shape_cast %get3A_282 : vector<1x16xf32> to vector<16xf32>
        %get3A_284 = arith.index_cast %scan3A_280 : i32 to index
        %get3A_285 = arith.constant 0 : index
        %get3A_286 = tpu.vector_load %arg11[%get3A_284, %get3A_285] {strides = array<i32>} : memref<16x768xf32, #tpu.memory_space<vmem>>, vector<1x16xf32>,
        %get3A_287 = vector.shape_cast %get3A_286 : vector<1x16xf32> to vector<16xf32>
        %add3A_288 = arith.addf %get3A_283, %get3A_287 : vector<16xf32>
        %swap3A = arith.index_cast %scan3A_280 : i32 to index
        %swap3A_289 = arith.constant 0 : index
        %swap3A_290 = tpu.vector_load %arg7[%swap3A, %swap3A_289] {strides = array<i32>} : memref<16x768xf32, #tpu.memory_space<vmem>>, vector<1x16xf32>,
        %swap3A_291 = vector.shape_cast %swap3A_290 : vector<1x16xf32> to vector<16xf32>
        %swap3A_292 = vector.shape_cast %add3A_288 : vector<16xf32> to vector<1x16xf32>
        tpu.vector_store %arg7[%swap3A, %swap3A_289], %swap3A_292 {strides = array<i32>} : memref<16x768xf32, #tpu.memory_space<vmem>>, vector<1x16xf32>,
        %get3A_293 = arith.index_cast %scan3A_280 : i32 to index
        %get3A_294 = arith.constant 16 : index
        %get3A_295 = tpu.vector_load %arg7[%get3A_293, %get3A_294] {strides = array<i32>} : memref<16x768xf32, #tpu.memory_space<vmem>>, vector<1x16xf32>,
        %get3A_296 = vector.shape_cast %get3A_295 : vector<1x16xf32> to vector<16xf32>
        %get3A_297 = arith.index_cast %scan3A_280 : i32 to index
        %get3A_298 = arith.constant 16 : index
        %get3A_299 = tpu.vector_load %arg11[%get3A_297, %get3A_298] {strides = array<i32>} : memref<16x768xf32, #tpu.memory_space<vmem>>, vector<1x16xf32>,
        %get3A_300 = vector.shape_cast %get3A_299 : vector<1x16xf32> to vector<16xf32>
        %add3A_301 = arith.addf %get3A_296, %get3A_300 : vector<16xf32>
        %swap3A_302 = arith.index_cast %scan3A_280 : i32 to index
        %swap3A_303 = arith.constant 16 : index
        %swap3A_304 = tpu.vector_load %arg7[%swap3A_302, %swap3A_303] {strides = array<i32>} : memref<16x768xf32, #tpu.memory_space<vmem>>, vector<1x16xf32>,
        %swap3A_305 = vector.shape_cast %swap3A_304 : vector<1x16xf32> to vector<16xf32>
        %swap3A_306 = vector.shape_cast %add3A_301 : vector<16xf32> to vector<1x16xf32>
        tpu.vector_store %arg7[%swap3A_302, %swap3A_303], %swap3A_306 {strides = array<i32>} : memref<16x768xf32, #tpu.memory_space<vmem>>, vector<1x16xf32>,
        %get3A_307 = arith.index_cast %scan3A_280 : i32 to index
        %get3A_308 = arith.constant 32 : index
        %get3A_309 = tpu.vector_load %arg7[%get3A_307, %get3A_308] {strides = array<i32>} : memref<16x768xf32, #tpu.memory_space<vmem>>, vector<1x16xf32>,
        %get3A_310 = vector.shape_cast %get3A_309 : vector<1x16xf32> to vector<16xf32>
        %get3A_311 = arith.index_cast %scan3A_280 : i32 to index
        %get3A_312 = arith.constant 32 : index
        %get3A_313 = tpu.vector_load %arg11[%get3A_311, %get3A_312] {strides = array<i32>} : memref<16x768xf32, #tpu.memory_space<vmem>>, vector<1x16xf32>,
        %get3A_314 = vector.shape_cast %get3A_313 : vector<1x16xf32> to vector<16xf32>
        %add3A_315 = arith.addf %get3A_310, %get3A_314 : vector<16xf32>
        %swap3A_316 = arith.index_cast %scan3A_280 : i32 to index
        %swap3A_317 = arith.constant 32 : index
        %swap3A_318 = tpu.vector_load %arg7[%swap3A_316, %swap3A_317] {strides = array<i32>} : memref<16x768xf32, #tpu.memory_space<vmem>>, vector<1x16xf32>,
        %swap3A_319 = vector.shape_cast %swap3A_318 : vector<1x16xf32> to vector<16xf32>
        %swap3A_320 = vector.shape_cast %add3A_315 : vector<16xf32> to vector<1x16xf32>
        tpu.vector_store %arg7[%swap3A_316, %swap3A_317], %swap3A_320 {strides = array<i32>} : memref<16x768xf32, #tpu.memory_space<vmem>>, vector<1x16xf32>,
        %get3A_321 = arith.index_cast %scan3A_280 : i32 to index
        %get3A_322 = arith.constant 48 : index
        %get3A_323 = tpu.vector_load %arg7[%get3A_321, %get3A_322] {strides = array<i32>} : memref<16x768xf32, #tpu.memory_space<vmem>>, vector<1x16xf32>,
        %get3A_324 = vector.shape_cast %get3A_323 : vector<1x16xf32> to vector<16xf32>
        %get3A_325 = arith.index_cast %scan3A_280 : i32 to index
        %get3A_326 = arith.constant 48 : index
        %get3A_327 = tpu.vector_load %arg11[%get3A_325, %get3A_326] {strides = array<i32>} : memref<16x768xf32, #tpu.memory_space<vmem>>, vector<1x16xf32>,
        %get3A_328 = vector.shape_cast %get3A_327 : vector<1x16xf32> to vector<16xf32>
        %add3A_329 = arith.addf %get3A_324, %get3A_328 : vector<16xf32>
        %swap3A_330 = arith.index_cast %scan3A_280 : i32 to index
        %swap3A_331 = arith.constant 48 : index
        %swap3A_332 = tpu.vector_load %arg7[%swap3A_330, %swap3A_331] {strides = array<i32>} : memref<16x768xf32, #tpu.memory_space<vmem>>, vector<1x16xf32>,
        %swap3A_333 = vector.shape_cast %swap3A_332 : vector<1x16xf32> to vector<16xf32>
        %swap3A_334 = vector.shape_cast %add3A_329 : vector<16xf32> to vector<1x16xf32>
        tpu.vector_store %arg7[%swap3A_330, %swap3A_331], %swap3A_334 {strides = array<i32>} : memref<16x768xf32, #tpu.memory_space<vmem>>, vector<1x16xf32>,
        %get3A_335 = arith.index_cast %scan3A_280 : i32 to index
        %get3A_336 = arith.constant 64 : index
        %get3A_337 = tpu.vector_load %arg7[%get3A_335, %get3A_336] {strides = array<i32>} : memref<16x768xf32, #tpu.memory_space<vmem>>, vector<1x16xf32>,
        %get3A_338 = vector.shape_cast %get3A_337 : vector<1x16xf32> to vector<16xf32>
        %get3A_339 = arith.index_cast %scan3A_280 : i32 to index
        %get3A_340 = arith.constant 64 : index
        %get3A_341 = tpu.vector_load %arg11[%get3A_339, %get3A_340] {strides = array<i32>} : memref<16x768xf32, #tpu.memory_space<vmem>>, vector<1x16xf32>,
        %get3A_342 = vector.shape_cast %get3A_341 : vector<1x16xf32> to vector<16xf32>
        %add3A_343 = arith.addf %get3A_338, %get3A_342 : vector<16xf32>
        %swap3A_344 = arith.index_cast %scan3A_280 : i32 to index
        %swap3A_345 = arith.constant 64 : index
        %swap3A_346 = tpu.vector_load %arg7[%swap3A_344, %swap3A_345] {strides = array<i32>} : memref<16x768xf32, #tpu.memory_space<vmem>>, vector<1x16xf32>,
        %swap3A_347 = vector.shape_cast %swap3A_346 : vector<1x16xf32> to vector<16xf32>
        %swap3A_348 = vector.shape_cast %add3A_343 : vector<16xf32> to vector<1x16xf32>
        tpu.vector_store %arg7[%swap3A_344, %swap3A_345], %swap3A_348 {strides = array<i32>} : memref<16x768xf32, #tpu.memory_space<vmem>>, vector<1x16xf32>,
        %get3A_349 = arith.index_cast %scan3A_280 : i32 to index
        %get3A_350 = arith.constant 80 : index
        %get3A_351 = tpu.vector_load %arg7[%get3A_349, %get3A_350] {strides = array<i32>} : memref<16x768xf32, #tpu.memory_space<vmem>>, vector<1x16xf32>,
        %get3A_352 = vector.shape_cast %get3A_351 : vector<1x16xf32> to vector<16xf32>
        %get3A_353 = arith.index_cast %scan3A_280 : i32 to index
        %get3A_354 = arith.constant 80 : index
        %get3A_355 = tpu.vector_load %arg11[%get3A_353, %get3A_354] {strides = array<i32>} : memref<16x768xf32, #tpu.memory_space<vmem>>, vector<1x16xf32>,
        %get3A_356 = vector.shape_cast %get3A_355 : vector<1x16xf32> to vector<16xf32>
        %add3A_357 = arith.addf %get3A_352, %get3A_356 : vector<16xf32>
        %swap3A_358 = arith.index_cast %scan3A_280 : i32 to index
        %swap3A_359 = arith.constant 80 : index
        %swap3A_360 = tpu.vector_load %arg7[%swap3A_358, %swap3A_359] {strides = array<i32>} : memref<16x768xf32, #tpu.memory_space<vmem>>, vector<1x16xf32>,
        %swap3A_361 = vector.shape_cast %swap3A_360 : vector<1x16xf32> to vector<16xf32>
        %swap3A_362 = vector.shape_cast %add3A_357 : vector<16xf32> to vector<1x16xf32>
        tpu.vector_store %arg7[%swap3A_358, %swap3A_359], %swap3A_362 {strides = array<i32>} : memref<16x768xf32, #tpu.memory_space<vmem>>, vector<1x16xf32>,
        %get3A_363 = arith.index_cast %scan3A_280 : i32 to index
        %get3A_364 = arith.constant 96 : index
        %get3A_365 = tpu.vector_load %arg7[%get3A_363, %get3A_364] {strides = array<i32>} : memref<16x768xf32, #tpu.memory_space<vmem>>, vector<1x16xf32>,
        %get3A_366 = vector.shape_cast %get3A_365 : vector<1x16xf32> to vector<16xf32>
        %get3A_367 = arith.index_cast %scan3A_280 : i32 to index
        %get3A_368 = arith.constant 96 : index
        %get3A_369 = tpu.vector_load %arg11[%get3A_367, %get3A_368] {strides = array<i32>} : memref<16x768xf32, #tpu.memory_space<vmem>>, vector<1x16xf32>,
        %get3A_370 = vector.shape_cast %get3A_369 : vector<1x16xf32> to vector<16xf32>
        %add3A_371 = arith.addf %get3A_366, %get3A_370 : vector<16xf32>
        %swap3A_372 = arith.index_cast %scan3A_280 : i32 to index
        %swap3A_373 = arith.constant 96 : index
        %swap3A_374 = tpu.vector_load %arg7[%swap3A_372, %swap3A_373] {strides = array<i32>} : memref<16x768xf32, #tpu.memory_space<vmem>>, vector<1x16xf32>,
        %swap3A_375 = vector.shape_cast %swap3A_374 : vector<1x16xf32> to vector<16xf32>
        %swap3A_376 = vector.shape_cast %add3A_371 : vector<16xf32> to vector<1x16xf32>
        tpu.vector_store %arg7[%swap3A_372, %swap3A_373], %swap3A_376 {strides = array<i32>} : memref<16x768xf32, #tpu.memory_space<vmem>>, vector<1x16xf32>,
        %get3A_377 = arith.index_cast %scan3A_280 : i32 to index
        %get3A_378 = arith.constant 112 : index
        %get3A_379 = tpu.vector_load %arg7[%get3A_377, %get3A_378] {strides = array<i32>} : memref<16x768xf32, #tpu.memory_space<vmem>>, vector<1x16xf32>,
        %get3A_380 = vector.shape_cast %get3A_379 : vector<1x16xf32> to vector<16xf32>
        %get3A_381 = arith.index_cast %scan3A_280 : i32 to index
        %get3A_382 = arith.constant 112 : index
        %get3A_383 = tpu.vector_load %arg11[%get3A_381, %get3A_382] {strides = array<i32>} : memref<16x768xf32, #tpu.memory_space<vmem>>, vector<1x16xf32>,
        %get3A_384 = vector.shape_cast %get3A_383 : vector<1x16xf32> to vector<16xf32>
        %add3A_385 = arith.addf %get3A_380, %get3A_384 : vector<16xf32>
        %swap3A_386 = arith.index_cast %scan3A_280 : i32 to index
        %swap3A_387 = arith.constant 112 : index
        %swap3A_388 = tpu.vector_load %arg7[%swap3A_386, %swap3A_387] {strides = array<i32>} : memref<16x768xf32, #tpu.memory_space<vmem>>, vector<1x16xf32>,
        %swap3A_389 = vector.shape_cast %swap3A_388 : vector<1x16xf32> to vector<16xf32>
        %swap3A_390 = vector.shape_cast %add3A_385 : vector<16xf32> to vector<1x16xf32>
        tpu.vector_store %arg7[%swap3A_386, %swap3A_387], %swap3A_390 {strides = array<i32>} : memref<16x768xf32, #tpu.memory_space<vmem>>, vector<1x16xf32>,
        %get3A_391 = arith.index_cast %scan3A_280 : i32 to index
        %get3A_392 = arith.constant 128 : index
        %get3A_393 = tpu.vector_load %arg7[%get3A_391, %get3A_392] {strides = array<i32>} : memref<16x768xf32, #tpu.memory_space<vmem>>, vector<1x16xf32>,
        %get3A_394 = vector.shape_cast %get3A_393 : vector<1x16xf32> to vector<16xf32>
        %get3A_395 = arith.index_cast %scan3A_280 : i32 to index
        %get3A_396 = arith.constant 128 : index
        %get3A_397 = tpu.vector_load %arg11[%get3A_395, %get3A_396] {strides = array<i32>} : memref<16x768xf32, #tpu.memory_space<vmem>>, vector<1x16xf32>,
        %get3A_398 = vector.shape_cast %get3A_397 : vector<1x16xf32> to vector<16xf32>
        %add3A_399 = arith.addf %get3A_394, %get3A_398 : vector<16xf32>
        %swap3A_400 = arith.index_cast %scan3A_280 : i32 to index
        %swap3A_401 = arith.constant 128 : index
        %swap3A_402 = tpu.vector_load %arg7[%swap3A_400, %swap3A_401] {strides = array<i32>} : memref<16x768xf32, #tpu.memory_space<vmem>>, vector<1x16xf32>,
        %swap3A_403 = vector.shape_cast %swap3A_402 : vector<1x16xf32> to vector<16xf32>
        %swap3A_404 = vector.shape_cast %add3A_399 : vector<16xf32> to vector<1x16xf32>
        tpu.vector_store %arg7[%swap3A_400, %swap3A_401], %swap3A_404 {strides = array<i32>} : memref<16x768xf32, #tpu.memory_space<vmem>>, vector<1x16xf32>,
        %get3A_405 = arith.index_cast %scan3A_280 : i32 to index
        %get3A_406 = arith.constant 144 : index
        %get3A_407 = tpu.vector_load %arg7[%get3A_405, %get3A_406] {strides = array<i32>} : memref<16x768xf32, #tpu.memory_space<vmem>>, vector<1x16xf32>,
        %get3A_408 = vector.shape_cast %get3A_407 : vector<1x16xf32> to vector<16xf32>
        %get3A_409 = arith.index_cast %scan3A_280 : i32 to index
        %get3A_410 = arith.constant 144 : index
        %get3A_411 = tpu.vector_load %arg11[%get3A_409, %get3A_410] {strides = array<i32>} : memref<16x768xf32, #tpu.memory_space<vmem>>, vector<1x16xf32>,
        %get3A_412 = vector.shape_cast %get3A_411 : vector<1x16xf32> to vector<16xf32>
        %add3A_413 = arith.addf %get3A_408, %get3A_412 : vector<16xf32>
        %swap3A_414 = arith.index_cast %scan3A_280 : i32 to index
        %swap3A_415 = arith.constant 144 : index
        %swap3A_416 = tpu.vector_load %arg7[%swap3A_414, %swap3A_415] {strides = array<i32>} : memref<16x768xf32, #tpu.memory_space<vmem>>, vector<1x16xf32>,
        %swap3A_417 = vector.shape_cast %swap3A_416 : vector<1x16xf32> to vector<16xf32>
        %swap3A_418 = vector.shape_cast %add3A_413 : vector<16xf32> to vector<1x16xf32>
        tpu.vector_store %arg7[%swap3A_414, %swap3A_415], %swap3A_418 {strides = array<i32>} : memref<16x768xf32, #tpu.memory_space<vmem>>, vector<1x16xf32>,
        %get3A_419 = arith.index_cast %scan3A_280 : i32 to index
        %get3A_420 = arith.constant 160 : index
        %get3A_421 = tpu.vector_load %arg7[%get3A_419, %get3A_420] {strides = array<i32>} : memref<16x768xf32, #tpu.memory_space<vmem>>, vector<1x16xf32>,
        %get3A_422 = vector.shape_cast %get3A_421 : vector<1x16xf32> to vector<16xf32>
        %get3A_423 = arith.index_cast %scan3A_280 : i32 to index
        %get3A_424 = arith.constant 160 : index
        %get3A_425 = tpu.vector_load %arg11[%get3A_423, %get3A_424] {strides = array<i32>} : memref<16x768xf32, #tpu.memory_space<vmem>>, vector<1x16xf32>,
        %get3A_426 = vector.shape_cast %get3A_425 : vector<1x16xf32> to vector<16xf32>
        %add3A_427 = arith.addf %get3A_422, %get3A_426 : vector<16xf32>
        %swap3A_428 = arith.index_cast %scan3A_280 : i32 to index
        %swap3A_429 = arith.constant 160 : index
        %swap3A_430 = tpu.vector_load %arg7[%swap3A_428, %swap3A_429] {strides = array<i32>} : memref<16x768xf32, #tpu.memory_space<vmem>>, vector<1x16xf32>,
        %swap3A_431 = vector.shape_cast %swap3A_430 : vector<1x16xf32> to vector<16xf32>
        %swap3A_432 = vector.shape_cast %add3A_427 : vector<16xf32> to vector<1x16xf32>
        tpu.vector_store %arg7[%swap3A_428, %swap3A_429], %swap3A_432 {strides = array<i32>} : memref<16x768xf32, #tpu.memory_space<vmem>>, vector<1x16xf32>,
        %get3A_433 = arith.index_cast %scan3A_280 : i32 to index
        %get3A_434 = arith.constant 176 : index
        %get3A_435 = tpu.vector_load %arg7[%get3A_433, %get3A_434] {strides = array<i32>} : memref<16x768xf32, #tpu.memory_space<vmem>>, vector<1x16xf32>,
        %get3A_436 = vector.shape_cast %get3A_435 : vector<1x16xf32> to vector<16xf32>
        %get3A_437 = arith.index_cast %scan3A_280 : i32 to index
        %get3A_438 = arith.constant 176 : index
        %get3A_439 = tpu.vector_load %arg11[%get3A_437, %get3A_438] {strides = array<i32>} : memref<16x768xf32, #tpu.memory_space<vmem>>, vector<1x16xf32>,
        %get3A_440 = vector.shape_cast %get3A_439 : vector<1x16xf32> to vector<16xf32>
        %add3A_441 = arith.addf %get3A_436, %get3A_440 : vector<16xf32>
        %swap3A_442 = arith.index_cast %scan3A_280 : i32 to index
        %swap3A_443 = arith.constant 176 : index
        %swap3A_444 = tpu.vector_load %arg7[%swap3A_442, %swap3A_443] {strides = array<i32>} : memref<16x768xf32, #tpu.memory_space<vmem>>, vector<1x16xf32>,
        %swap3A_445 = vector.shape_cast %swap3A_444 : vector<1x16xf32> to vector<16xf32>
        %swap3A_446 = vector.shape_cast %add3A_441 : vector<16xf32> to vector<1x16xf32>
        tpu.vector_store %arg7[%swap3A_442, %swap3A_443], %swap3A_446 {strides = array<i32>} : memref<16x768xf32, #tpu.memory_space<vmem>>, vector<1x16xf32>,
        %get3A_447 = arith.index_cast %scan3A_280 : i32 to index
        %get3A_448 = arith.constant 192 : index
        %get3A_449 = tpu.vector_load %arg7[%get3A_447, %get3A_448] {strides = array<i32>} : memref<16x768xf32, #tpu.memory_space<vmem>>, vector<1x16xf32>,
        %get3A_450 = vector.shape_cast %get3A_449 : vector<1x16xf32> to vector<16xf32>
        %get3A_451 = arith.index_cast %scan3A_280 : i32 to index
        %get3A_452 = arith.constant 192 : index
        %get3A_453 = tpu.vector_load %arg11[%get3A_451, %get3A_452] {strides = array<i32>} : memref<16x768xf32, #tpu.memory_space<vmem>>, vector<1x16xf32>,
        %get3A_454 = vector.shape_cast %get3A_453 : vector<1x16xf32> to vector<16xf32>
        %add3A_455 = arith.addf %get3A_450, %get3A_454 : vector<16xf32>
        %swap3A_456 = arith.index_cast %scan3A_280 : i32 to index
        %swap3A_457 = arith.constant 192 : index
        %swap3A_458 = tpu.vector_load %arg7[%swap3A_456, %swap3A_457] {strides = array<i32>} : memref<16x768xf32, #tpu.memory_space<vmem>>, vector<1x16xf32>,
        %swap3A_459 = vector.shape_cast %swap3A_458 : vector<1x16xf32> to vector<16xf32>
        %swap3A_460 = vector.shape_cast %add3A_455 : vector<16xf32> to vector<1x16xf32>
        tpu.vector_store %arg7[%swap3A_456, %swap3A_457], %swap3A_460 {strides = array<i32>} : memref<16x768xf32, #tpu.memory_space<vmem>>, vector<1x16xf32>,
        %get3A_461 = arith.index_cast %scan3A_280 : i32 to index
        %get3A_462 = arith.constant 208 : index
        %get3A_463 = tpu.vector_load %arg7[%get3A_461, %get3A_462] {strides = array<i32>} : memref<16x768xf32, #tpu.memory_space<vmem>>, vector<1x16xf32>,
        %get3A_464 = vector.shape_cast %get3A_463 : vector<1x16xf32> to vector<16xf32>
        %get3A_465 = arith.index_cast %scan3A_280 : i32 to index
        %get3A_466 = arith.constant 208 : index
        %get3A_467 = tpu.vector_load %arg11[%get3A_465, %get3A_466] {strides = array<i32>} : memref<16x768xf32, #tpu.memory_space<vmem>>, vector<1x16xf32>,
        %get3A_468 = vector.shape_cast %get3A_467 : vector<1x16xf32> to vector<16xf32>
        %add3A_469 = arith.addf %get3A_464, %get3A_468 : vector<16xf32>
        %swap3A_470 = arith.index_cast %scan3A_280 : i32 to index
        %swap3A_471 = arith.constant 208 : index
        %swap3A_472 = tpu.vector_load %arg7[%swap3A_470, %swap3A_471] {strides = array<i32>} : memref<16x768xf32, #tpu.memory_space<vmem>>, vector<1x16xf32>,
        %swap3A_473 = vector.shape_cast %swap3A_472 : vector<1x16xf32> to vector<16xf32>
        %swap3A_474 = vector.shape_cast %add3A_469 : vector<16xf32> to vector<1x16xf32>
        tpu.vector_store %arg7[%swap3A_470, %swap3A_471], %swap3A_474 {strides = array<i32>} : memref<16x768xf32, #tpu.memory_space<vmem>>, vector<1x16xf32>,
        %get3A_475 = arith.index_cast %scan3A_280 : i32 to index
        %get3A_476 = arith.constant 224 : index
        %get3A_477 = tpu.vector_load %arg7[%get3A_475, %get3A_476] {strides = array<i32>} : memref<16x768xf32, #tpu.memory_space<vmem>>, vector<1x16xf32>,
        %get3A_478 = vector.shape_cast %get3A_477 : vector<1x16xf32> to vector<16xf32>
        %get3A_479 = arith.index_cast %scan3A_280 : i32 to index
        %get3A_480 = arith.constant 224 : index
        %get3A_481 = tpu.vector_load %arg11[%get3A_479, %get3A_480] {strides = array<i32>} : memref<16x768xf32, #tpu.memory_space<vmem>>, vector<1x16xf32>,
        %get3A_482 = vector.shape_cast %get3A_481 : vector<1x16xf32> to vector<16xf32>
        %add3A_483 = arith.addf %get3A_478, %get3A_482 : vector<16xf32>
        %swap3A_484 = arith.index_cast %scan3A_280 : i32 to index
        %swap3A_485 = arith.constant 224 : index
        %swap3A_486 = tpu.vector_load %arg7[%swap3A_484, %swap3A_485] {strides = array<i32>} : memref<16x768xf32, #tpu.memory_space<vmem>>, vector<1x16xf32>,
        %swap3A_487 = vector.shape_cast %swap3A_486 : vector<1x16xf32> to vector<16xf32>
        %swap3A_488 = vector.shape_cast %add3A_483 : vector<16xf32> to vector<1x16xf32>
        tpu.vector_store %arg7[%swap3A_484, %swap3A_485], %swap3A_488 {strides = array<i32>} : memref<16x768xf32, #tpu.memory_space<vmem>>, vector<1x16xf32>,
        %get3A_489 = arith.index_cast %scan3A_280 : i32 to index
        %get3A_490 = arith.constant 240 : index
        %get3A_491 = tpu.vector_load %arg7[%get3A_489, %get3A_490] {strides = array<i32>} : memref<16x768xf32, #tpu.memory_space<vmem>>, vector<1x16xf32>,
        %get3A_492 = vector.shape_cast %get3A_491 : vector<1x16xf32> to vector<16xf32>
        %get3A_493 = arith.index_cast %scan3A_280 : i32 to index
        %get3A_494 = arith.constant 240 : index
        %get3A_495 = tpu.vector_load %arg11[%get3A_493, %get3A_494] {strides = array<i32>} : memref<16x768xf32, #tpu.memory_space<vmem>>, vector<1x16xf32>,
        %get3A_496 = vector.shape_cast %get3A_495 : vector<1x16xf32> to vector<16xf32>
        %add3A_497 = arith.addf %get3A_492, %get3A_496 : vector<16xf32>
        %swap3A_498 = arith.index_cast %scan3A_280 : i32 to index
        %swap3A_499 = arith.constant 240 : index
        %swap3A_500 = tpu.vector_load %arg7[%swap3A_498, %swap3A_499] {strides = array<i32>} : memref<16x768xf32, #tpu.memory_space<vmem>>, vector<1x16xf32>,
        %swap3A_501 = vector.shape_cast %swap3A_500 : vector<1x16xf32> to vector<16xf32>
        %swap3A_502 = vector.shape_cast %add3A_497 : vector<16xf32> to vector<1x16xf32>
        tpu.vector_store %arg7[%swap3A_498, %swap3A_499], %swap3A_502 {strides = array<i32>} : memref<16x768xf32, #tpu.memory_space<vmem>>, vector<1x16xf32>,
        %get3A_503 = arith.index_cast %scan3A_280 : i32 to index
        %get3A_504 = arith.constant 256 : index
        %get3A_505 = tpu.vector_load %arg7[%get3A_503, %get3A_504] {strides = array<i32>} : memref<16x768xf32, #tpu.memory_space<vmem>>, vector<1x16xf32>,
        %get3A_506 = vector.shape_cast %get3A_505 : vector<1x16xf32> to vector<16xf32>
        %get3A_507 = arith.index_cast %scan3A_280 : i32 to index
        %get3A_508 = arith.constant 256 : index
        %get3A_509 = tpu.vector_load %arg11[%get3A_507, %get3A_508] {strides = array<i32>} : memref<16x768xf32, #tpu.memory_space<vmem>>, vector<1x16xf32>,
        %get3A_510 = vector.shape_cast %get3A_509 : vector<1x16xf32> to vector<16xf32>
        %add3A_511 = arith.addf %get3A_506, %get3A_510 : vector<16xf32>
        %swap3A_512 = arith.index_cast %scan3A_280 : i32 to index
        %swap3A_513 = arith.constant 256 : index
        %swap3A_514 = tpu.vector_load %arg7[%swap3A_512, %swap3A_513] {strides = array<i32>} : memref<16x768xf32, #tpu.memory_space<vmem>>, vector<1x16xf32>,
        %swap3A_515 = vector.shape_cast %swap3A_514 : vector<1x16xf32> to vector<16xf32>
        %swap3A_516 = vector.shape_cast %add3A_511 : vector<16xf32> to vector<1x16xf32>
        tpu.vector_store %arg7[%swap3A_512, %swap3A_513], %swap3A_516 {strides = array<i32>} : memref<16x768xf32, #tpu.memory_space<vmem>>, vector<1x16xf32>,
        %get3A_517 = arith.index_cast %scan3A_280 : i32 to index
        %get3A_518 = arith.constant 272 : index
        %get3A_519 = tpu.vector_load %arg7[%get3A_517, %get3A_518] {strides = array<i32>} : memref<16x768xf32, #tpu.memory_space<vmem>>, vector<1x16xf32>,
        %get3A_520 = vector.shape_cast %get3A_519 : vector<1x16xf32> to vector<16xf32>
        %get3A_521 = arith.index_cast %scan3A_280 : i32 to index
        %get3A_522 = arith.constant 272 : index
        %get3A_523 = tpu.vector_load %arg11[%get3A_521, %get3A_522] {strides = array<i32>} : memref<16x768xf32, #tpu.memory_space<vmem>>, vector<1x16xf32>,
        %get3A_524 = vector.shape_cast %get3A_523 : vector<1x16xf32> to vector<16xf32>
        %add3A_525 = arith.addf %get3A_520, %get3A_524 : vector<16xf32>
        %swap3A_526 = arith.index_cast %scan3A_280 : i32 to index
        %swap3A_527 = arith.constant 272 : index
        %swap3A_528 = tpu.vector_load %arg7[%swap3A_526, %swap3A_527] {strides = array<i32>} : memref<16x768xf32, #tpu.memory_space<vmem>>, vector<1x16xf32>,
        %swap3A_529 = vector.shape_cast %swap3A_528 : vector<1x16xf32> to vector<16xf32>
        %swap3A_530 = vector.shape_cast %add3A_525 : vector<16xf32> to vector<1x16xf32>
        tpu.vector_store %arg7[%swap3A_526, %swap3A_527], %swap3A_530 {strides = array<i32>} : memref<16x768xf32, #tpu.memory_space<vmem>>, vector<1x16xf32>,
        %get3A_531 = arith.index_cast %scan3A_280 : i32 to index
        %get3A_532 = arith.constant 288 : index
        %get3A_533 = tpu.vector_load %arg7[%get3A_531, %get3A_532] {strides = array<i32>} : memref<16x768xf32, #tpu.memory_space<vmem>>, vector<1x16xf32>,
        %get3A_534 = vector.shape_cast %get3A_533 : vector<1x16xf32> to vector<16xf32>
        %get3A_535 = arith.index_cast %scan3A_280 : i32 to index
        %get3A_536 = arith.constant 288 : index
        %get3A_537 = tpu.vector_load %arg11[%get3A_535, %get3A_536] {strides = array<i32>} : memref<16x768xf32, #tpu.memory_space<vmem>>, vector<1x16xf32>,
        %get3A_538 = vector.shape_cast %get3A_537 : vector<1x16xf32> to vector<16xf32>
        %add3A_539 = arith.addf %get3A_534, %get3A_538 : vector<16xf32>
        %swap3A_540 = arith.index_cast %scan3A_280 : i32 to index
        %swap3A_541 = arith.constant 288 : index
        %swap3A_542 = tpu.vector_load %arg7[%swap3A_540, %swap3A_541] {strides = array<i32>} : memref<16x768xf32, #tpu.memory_space<vmem>>, vector<1x16xf32>,
        %swap3A_543 = vector.shape_cast %swap3A_542 : vector<1x16xf32> to vector<16xf32>
        %swap3A_544 = vector.shape_cast %add3A_539 : vector<16xf32> to vector<1x16xf32>
        tpu.vector_store %arg7[%swap3A_540, %swap3A_541], %swap3A_544 {strides = array<i32>} : memref<16x768xf32, #tpu.memory_space<vmem>>, vector<1x16xf32>,
        %get3A_545 = arith.index_cast %scan3A_280 : i32 to index
        %get3A_546 = arith.constant 304 : index
        %get3A_547 = tpu.vector_load %arg7[%get3A_545, %get3A_546] {strides = array<i32>} : memref<16x768xf32, #tpu.memory_space<vmem>>, vector<1x16xf32>,
        %get3A_548 = vector.shape_cast %get3A_547 : vector<1x16xf32> to vector<16xf32>
        %get3A_549 = arith.index_cast %scan3A_280 : i32 to index
        %get3A_550 = arith.constant 304 : index
        %get3A_551 = tpu.vector_load %arg11[%get3A_549, %get3A_550] {strides = array<i32>} : memref<16x768xf32, #tpu.memory_space<vmem>>, vector<1x16xf32>,
        %get3A_552 = vector.shape_cast %get3A_551 : vector<1x16xf32> to vector<16xf32>
        %add3A_553 = arith.addf %get3A_548, %get3A_552 : vector<16xf32>
        %swap3A_554 = arith.index_cast %scan3A_280 : i32 to index
        %swap3A_555 = arith.constant 304 : index
        %swap3A_556 = tpu.vector_load %arg7[%swap3A_554, %swap3A_555] {strides = array<i32>} : memref<16x768xf32, #tpu.memory_space<vmem>>, vector<1x16xf32>,
        %swap3A_557 = vector.shape_cast %swap3A_556 : vector<1x16xf32> to vector<16xf32>
        %swap3A_558 = vector.shape_cast %add3A_553 : vector<16xf32> to vector<1x16xf32>
        tpu.vector_store %arg7[%swap3A_554, %swap3A_555], %swap3A_558 {strides = array<i32>} : memref<16x768xf32, #tpu.memory_space<vmem>>, vector<1x16xf32>,
        %get3A_559 = arith.index_cast %scan3A_280 : i32 to index
        %get3A_560 = arith.constant 320 : index
        %get3A_561 = tpu.vector_load %arg7[%get3A_559, %get3A_560] {strides = array<i32>} : memref<16x768xf32, #tpu.memory_space<vmem>>, vector<1x16xf32>,
        %get3A_562 = vector.shape_cast %get3A_561 : vector<1x16xf32> to vector<16xf32>
        %get3A_563 = arith.index_cast %scan3A_280 : i32 to index
        %get3A_564 = arith.constant 320 : index
        %get3A_565 = tpu.vector_load %arg11[%get3A_563, %get3A_564] {strides = array<i32>} : memref<16x768xf32, #tpu.memory_space<vmem>>, vector<1x16xf32>,
        %get3A_566 = vector.shape_cast %get3A_565 : vector<1x16xf32> to vector<16xf32>
        %add3A_567 = arith.addf %get3A_562, %get3A_566 : vector<16xf32>
        %swap3A_568 = arith.index_cast %scan3A_280 : i32 to index
        %swap3A_569 = arith.constant 320 : index
        %swap3A_570 = tpu.vector_load %arg7[%swap3A_568, %swap3A_569] {strides = array<i32>} : memref<16x768xf32, #tpu.memory_space<vmem>>, vector<1x16xf32>,
        %swap3A_571 = vector.shape_cast %swap3A_570 : vector<1x16xf32> to vector<16xf32>
        %swap3A_572 = vector.shape_cast %add3A_567 : vector<16xf32> to vector<1x16xf32>
        tpu.vector_store %arg7[%swap3A_568, %swap3A_569], %swap3A_572 {strides = array<i32>} : memref<16x768xf32, #tpu.memory_space<vmem>>, vector<1x16xf32>,
        %get3A_573 = arith.index_cast %scan3A_280 : i32 to index
        %get3A_574 = arith.constant 336 : index
        %get3A_575 = tpu.vector_load %arg7[%get3A_573, %get3A_574] {strides = array<i32>} : memref<16x768xf32, #tpu.memory_space<vmem>>, vector<1x16xf32>,
        %get3A_576 = vector.shape_cast %get3A_575 : vector<1x16xf32> to vector<16xf32>
        %get3A_577 = arith.index_cast %scan3A_280 : i32 to index
        %get3A_578 = arith.constant 336 : index
        %get3A_579 = tpu.vector_load %arg11[%get3A_577, %get3A_578] {strides = array<i32>} : memref<16x768xf32, #tpu.memory_space<vmem>>, vector<1x16xf32>,
        %get3A_580 = vector.shape_cast %get3A_579 : vector<1x16xf32> to vector<16xf32>
        %add3A_581 = arith.addf %get3A_576, %get3A_580 : vector<16xf32>
        %swap3A_582 = arith.index_cast %scan3A_280 : i32 to index
        %swap3A_583 = arith.constant 336 : index
        %swap3A_584 = tpu.vector_load %arg7[%swap3A_582, %swap3A_583] {strides = array<i32>} : memref<16x768xf32, #tpu.memory_space<vmem>>, vector<1x16xf32>,
        %swap3A_585 = vector.shape_cast %swap3A_584 : vector<1x16xf32> to vector<16xf32>
        %swap3A_586 = vector.shape_cast %add3A_581 : vector<16xf32> to vector<1x16xf32>
        tpu.vector_store %arg7[%swap3A_582, %swap3A_583], %swap3A_586 {strides = array<i32>} : memref<16x768xf32, #tpu.memory_space<vmem>>, vector<1x16xf32>,
        %get3A_587 = arith.index_cast %scan3A_280 : i32 to index
        %get3A_588 = arith.constant 352 : index
        %get3A_589 = tpu.vector_load %arg7[%get3A_587, %get3A_588] {strides = array<i32>} : memref<16x768xf32, #tpu.memory_space<vmem>>, vector<1x16xf32>,
        %get3A_590 = vector.shape_cast %get3A_589 : vector<1x16xf32> to vector<16xf32>
        %get3A_591 = arith.index_cast %scan3A_280 : i32 to index
        %get3A_592 = arith.constant 352 : index
        %get3A_593 = tpu.vector_load %arg11[%get3A_591, %get3A_592] {strides = array<i32>} : memref<16x768xf32, #tpu.memory_space<vmem>>, vector<1x16xf32>,
        %get3A_594 = vector.shape_cast %get3A_593 : vector<1x16xf32> to vector<16xf32>
        %add3A_595 = arith.addf %get3A_590, %get3A_594 : vector<16xf32>
        %swap3A_596 = arith.index_cast %scan3A_280 : i32 to index
        %swap3A_597 = arith.constant 352 : index
        %swap3A_598 = tpu.vector_load %arg7[%swap3A_596, %swap3A_597] {strides = array<i32>} : memref<16x768xf32, #tpu.memory_space<vmem>>, vector<1x16xf32>,
        %swap3A_599 = vector.shape_cast %swap3A_598 : vector<1x16xf32> to vector<16xf32>
        %swap3A_600 = vector.shape_cast %add3A_595 : vector<16xf32> to vector<1x16xf32>
        tpu.vector_store %arg7[%swap3A_596, %swap3A_597], %swap3A_600 {strides = array<i32>} : memref<16x768xf32, #tpu.memory_space<vmem>>, vector<1x16xf32>,
        %get3A_601 = arith.index_cast %scan3A_280 : i32 to index
        %get3A_602 = arith.constant 368 : index
        %get3A_603 = tpu.vector_load %arg7[%get3A_601, %get3A_602] {strides = array<i32>} : memref<16x768xf32, #tpu.memory_space<vmem>>, vector<1x16xf32>,
        %get3A_604 = vector.shape_cast %get3A_603 : vector<1x16xf32> to vector<16xf32>
        %get3A_605 = arith.index_cast %scan3A_280 : i32 to index
        %get3A_606 = arith.constant 368 : index
        %get3A_607 = tpu.vector_load %arg11[%get3A_605, %get3A_606] {strides = array<i32>} : memref<16x768xf32, #tpu.memory_space<vmem>>, vector<1x16xf32>,
        %get3A_608 = vector.shape_cast %get3A_607 : vector<1x16xf32> to vector<16xf32>
        %add3A_609 = arith.addf %get3A_604, %get3A_608 : vector<16xf32>
        %swap3A_610 = arith.index_cast %scan3A_280 : i32 to index
        %swap3A_611 = arith.constant 368 : index
        %swap3A_612 = tpu.vector_load %arg7[%swap3A_610, %swap3A_611] {strides = array<i32>} : memref<16x768xf32, #tpu.memory_space<vmem>>, vector<1x16xf32>,
        %swap3A_613 = vector.shape_cast %swap3A_612 : vector<1x16xf32> to vector<16xf32>
        %swap3A_614 = vector.shape_cast %add3A_609 : vector<16xf32> to vector<1x16xf32>
        tpu.vector_store %arg7[%swap3A_610, %swap3A_611], %swap3A_614 {strides = array<i32>} : memref<16x768xf32, #tpu.memory_space<vmem>>, vector<1x16xf32>,
        %get3A_615 = arith.index_cast %scan3A_280 : i32 to index
        %get3A_616 = arith.constant 384 : index
        %get3A_617 = tpu.vector_load %arg7[%get3A_615, %get3A_616] {strides = array<i32>} : memref<16x768xf32, #tpu.memory_space<vmem>>, vector<1x16xf32>,
        %get3A_618 = vector.shape_cast %get3A_617 : vector<1x16xf32> to vector<16xf32>
        %get3A_619 = arith.index_cast %scan3A_280 : i32 to index
        %get3A_620 = arith.constant 384 : index
        %get3A_621 = tpu.vector_load %arg11[%get3A_619, %get3A_620] {strides = array<i32>} : memref<16x768xf32, #tpu.memory_space<vmem>>, vector<1x16xf32>,
        %get3A_622 = vector.shape_cast %get3A_621 : vector<1x16xf32> to vector<16xf32>
        %add3A_623 = arith.addf %get3A_618, %get3A_622 : vector<16xf32>
        %swap3A_624 = arith.index_cast %scan3A_280 : i32 to index
        %swap3A_625 = arith.constant 384 : index
        %swap3A_626 = tpu.vector_load %arg7[%swap3A_624, %swap3A_625] {strides = array<i32>} : memref<16x768xf32, #tpu.memory_space<vmem>>, vector<1x16xf32>,
        %swap3A_627 = vector.shape_cast %swap3A_626 : vector<1x16xf32> to vector<16xf32>
        %swap3A_628 = vector.shape_cast %add3A_623 : vector<16xf32> to vector<1x16xf32>
        tpu.vector_store %arg7[%swap3A_624, %swap3A_625], %swap3A_628 {strides = array<i32>} : memref<16x768xf32, #tpu.memory_space<vmem>>, vector<1x16xf32>,
        %get3A_629 = arith.index_cast %scan3A_280 : i32 to index
        %get3A_630 = arith.constant 400 : index
        %get3A_631 = tpu.vector_load %arg7[%get3A_629, %get3A_630] {strides = array<i32>} : memref<16x768xf32, #tpu.memory_space<vmem>>, vector<1x16xf32>,
        %get3A_632 = vector.shape_cast %get3A_631 : vector<1x16xf32> to vector<16xf32>
        %get3A_633 = arith.index_cast %scan3A_280 : i32 to index
        %get3A_634 = arith.constant 400 : index
        %get3A_635 = tpu.vector_load %arg11[%get3A_633, %get3A_634] {strides = array<i32>} : memref<16x768xf32, #tpu.memory_space<vmem>>, vector<1x16xf32>,
        %get3A_636 = vector.shape_cast %get3A_635 : vector<1x16xf32> to vector<16xf32>
        %add3A_637 = arith.addf %get3A_632, %get3A_636 : vector<16xf32>
        %swap3A_638 = arith.index_cast %scan3A_280 : i32 to index
        %swap3A_639 = arith.constant 400 : index
        %swap3A_640 = tpu.vector_load %arg7[%swap3A_638, %swap3A_639] {strides = array<i32>} : memref<16x768xf32, #tpu.memory_space<vmem>>, vector<1x16xf32>,
        %swap3A_641 = vector.shape_cast %swap3A_640 : vector<1x16xf32> to vector<16xf32>
        %swap3A_642 = vector.shape_cast %add3A_637 : vector<16xf32> to vector<1x16xf32>
        tpu.vector_store %arg7[%swap3A_638, %swap3A_639], %swap3A_642 {strides = array<i32>} : memref<16x768xf32, #tpu.memory_space<vmem>>, vector<1x16xf32>,
        %get3A_643 = arith.index_cast %scan3A_280 : i32 to index
        %get3A_644 = arith.constant 416 : index
        %get3A_645 = tpu.vector_load %arg7[%get3A_643, %get3A_644] {strides = array<i32>} : memref<16x768xf32, #tpu.memory_space<vmem>>, vector<1x16xf32>,
        %get3A_646 = vector.shape_cast %get3A_645 : vector<1x16xf32> to vector<16xf32>
        %get3A_647 = arith.index_cast %scan3A_280 : i32 to index
        %get3A_648 = arith.constant 416 : index
        %get3A_649 = tpu.vector_load %arg11[%get3A_647, %get3A_648] {strides = array<i32>} : memref<16x768xf32, #tpu.memory_space<vmem>>, vector<1x16xf32>,
        %get3A_650 = vector.shape_cast %get3A_649 : vector<1x16xf32> to vector<16xf32>
        %add3A_651 = arith.addf %get3A_646, %get3A_650 : vector<16xf32>
        %swap3A_652 = arith.index_cast %scan3A_280 : i32 to index
        %swap3A_653 = arith.constant 416 : index
        %swap3A_654 = tpu.vector_load %arg7[%swap3A_652, %swap3A_653] {strides = array<i32>} : memref<16x768xf32, #tpu.memory_space<vmem>>, vector<1x16xf32>,
        %swap3A_655 = vector.shape_cast %swap3A_654 : vector<1x16xf32> to vector<16xf32>
        %swap3A_656 = vector.shape_cast %add3A_651 : vector<16xf32> to vector<1x16xf32>
        tpu.vector_store %arg7[%swap3A_652, %swap3A_653], %swap3A_656 {strides = array<i32>} : memref<16x768xf32, #tpu.memory_space<vmem>>, vector<1x16xf32>,
        %get3A_657 = arith.index_cast %scan3A_280 : i32 to index
        %get3A_658 = arith.constant 432 : index
        %get3A_659 = tpu.vector_load %arg7[%get3A_657, %get3A_658] {strides = array<i32>} : memref<16x768xf32, #tpu.memory_space<vmem>>, vector<1x16xf32>,
        %get3A_660 = vector.shape_cast %get3A_659 : vector<1x16xf32> to vector<16xf32>
        %get3A_661 = arith.index_cast %scan3A_280 : i32 to index
        %get3A_662 = arith.constant 432 : index
        %get3A_663 = tpu.vector_load %arg11[%get3A_661, %get3A_662] {strides = array<i32>} : memref<16x768xf32, #tpu.memory_space<vmem>>, vector<1x16xf32>,
        %get3A_664 = vector.shape_cast %get3A_663 : vector<1x16xf32> to vector<16xf32>
        %add3A_665 = arith.addf %get3A_660, %get3A_664 : vector<16xf32>
        %swap3A_666 = arith.index_cast %scan3A_280 : i32 to index
        %swap3A_667 = arith.constant 432 : index
        %swap3A_668 = tpu.vector_load %arg7[%swap3A_666, %swap3A_667] {strides = array<i32>} : memref<16x768xf32, #tpu.memory_space<vmem>>, vector<1x16xf32>,
        %swap3A_669 = vector.shape_cast %swap3A_668 : vector<1x16xf32> to vector<16xf32>
        %swap3A_670 = vector.shape_cast %add3A_665 : vector<16xf32> to vector<1x16xf32>
        tpu.vector_store %arg7[%swap3A_666, %swap3A_667], %swap3A_670 {strides = array<i32>} : memref<16x768xf32, #tpu.memory_space<vmem>>, vector<1x16xf32>,
        %get3A_671 = arith.index_cast %scan3A_280 : i32 to index
        %get3A_672 = arith.constant 448 : index
        %get3A_673 = tpu.vector_load %arg7[%get3A_671, %get3A_672] {strides = array<i32>} : memref<16x768xf32, #tpu.memory_space<vmem>>, vector<1x16xf32>,
        %get3A_674 = vector.shape_cast %get3A_673 : vector<1x16xf32> to vector<16xf32>
        %get3A_675 = arith.index_cast %scan3A_280 : i32 to index
        %get3A_676 = arith.constant 448 : index
        %get3A_677 = tpu.vector_load %arg11[%get3A_675, %get3A_676] {strides = array<i32>} : memref<16x768xf32, #tpu.memory_space<vmem>>, vector<1x16xf32>,
        %get3A_678 = vector.shape_cast %get3A_677 : vector<1x16xf32> to vector<16xf32>
        %add3A_679 = arith.addf %get3A_674, %get3A_678 : vector<16xf32>
        %swap3A_680 = arith.index_cast %scan3A_280 : i32 to index
        %swap3A_681 = arith.constant 448 : index
        %swap3A_682 = tpu.vector_load %arg7[%swap3A_680, %swap3A_681] {strides = array<i32>} : memref<16x768xf32, #tpu.memory_space<vmem>>, vector<1x16xf32>,
        %swap3A_683 = vector.shape_cast %swap3A_682 : vector<1x16xf32> to vector<16xf32>
        %swap3A_684 = vector.shape_cast %add3A_679 : vector<16xf32> to vector<1x16xf32>
        tpu.vector_store %arg7[%swap3A_680, %swap3A_681], %swap3A_684 {strides = array<i32>} : memref<16x768xf32, #tpu.memory_space<vmem>>, vector<1x16xf32>,
        %get3A_685 = arith.index_cast %scan3A_280 : i32 to index
        %get3A_686 = arith.constant 464 : index
        %get3A_687 = tpu.vector_load %arg7[%get3A_685, %get3A_686] {strides = array<i32>} : memref<16x768xf32, #tpu.memory_space<vmem>>, vector<1x16xf32>,
        %get3A_688 = vector.shape_cast %get3A_687 : vector<1x16xf32> to vector<16xf32>
        %get3A_689 = arith.index_cast %scan3A_280 : i32 to index
        %get3A_690 = arith.constant 464 : index
        %get3A_691 = tpu.vector_load %arg11[%get3A_689, %get3A_690] {strides = array<i32>} : memref<16x768xf32, #tpu.memory_space<vmem>>, vector<1x16xf32>,
        %get3A_692 = vector.shape_cast %get3A_691 : vector<1x16xf32> to vector<16xf32>
        %add3A_693 = arith.addf %get3A_688, %get3A_692 : vector<16xf32>
        %swap3A_694 = arith.index_cast %scan3A_280 : i32 to index
        %swap3A_695 = arith.constant 464 : index
        %swap3A_696 = tpu.vector_load %arg7[%swap3A_694, %swap3A_695] {strides = array<i32>} : memref<16x768xf32, #tpu.memory_space<vmem>>, vector<1x16xf32>,
        %swap3A_697 = vector.shape_cast %swap3A_696 : vector<1x16xf32> to vector<16xf32>
        %swap3A_698 = vector.shape_cast %add3A_693 : vector<16xf32> to vector<1x16xf32>
        tpu.vector_store %arg7[%swap3A_694, %swap3A_695], %swap3A_698 {strides = array<i32>} : memref<16x768xf32, #tpu.memory_space<vmem>>, vector<1x16xf32>,
        %get3A_699 = arith.index_cast %scan3A_280 : i32 to index
        %get3A_700 = arith.constant 480 : index
        %get3A_701 = tpu.vector_load %arg7[%get3A_699, %get3A_700] {strides = array<i32>} : memref<16x768xf32, #tpu.memory_space<vmem>>, vector<1x16xf32>,
        %get3A_702 = vector.shape_cast %get3A_701 : vector<1x16xf32> to vector<16xf32>
        %get3A_703 = arith.index_cast %scan3A_280 : i32 to index
        %get3A_704 = arith.constant 480 : index
        %get3A_705 = tpu.vector_load %arg11[%get3A_703, %get3A_704] {strides = array<i32>} : memref<16x768xf32, #tpu.memory_space<vmem>>, vector<1x16xf32>,
        %get3A_706 = vector.shape_cast %get3A_705 : vector<1x16xf32> to vector<16xf32>
        %add3A_707 = arith.addf %get3A_702, %get3A_706 : vector<16xf32>
        %swap3A_708 = arith.index_cast %scan3A_280 : i32 to index
        %swap3A_709 = arith.constant 480 : index
        %swap3A_710 = tpu.vector_load %arg7[%swap3A_708, %swap3A_709] {strides = array<i32>} : memref<16x768xf32, #tpu.memory_space<vmem>>, vector<1x16xf32>,
        %swap3A_711 = vector.shape_cast %swap3A_710 : vector<1x16xf32> to vector<16xf32>
        %swap3A_712 = vector.shape_cast %add3A_707 : vector<16xf32> to vector<1x16xf32>
        tpu.vector_store %arg7[%swap3A_708, %swap3A_709], %swap3A_712 {strides = array<i32>} : memref<16x768xf32, #tpu.memory_space<vmem>>, vector<1x16xf32>,
        %get3A_713 = arith.index_cast %scan3A_280 : i32 to index
        %get3A_714 = arith.constant 496 : index
        %get3A_715 = tpu.vector_load %arg7[%get3A_713, %get3A_714] {strides = array<i32>} : memref<16x768xf32, #tpu.memory_space<vmem>>, vector<1x16xf32>,
        %get3A_716 = vector.shape_cast %get3A_715 : vector<1x16xf32> to vector<16xf32>
        %get3A_717 = arith.index_cast %scan3A_280 : i32 to index
        %get3A_718 = arith.constant 496 : index
        %get3A_719 = tpu.vector_load %arg11[%get3A_717, %get3A_718] {strides = array<i32>} : memref<16x768xf32, #tpu.memory_space<vmem>>, vector<1x16xf32>,
        %get3A_720 = vector.shape_cast %get3A_719 : vector<1x16xf32> to vector<16xf32>
        %add3A_721 = arith.addf %get3A_716, %get3A_720 : vector<16xf32>
        %swap3A_722 = arith.index_cast %scan3A_280 : i32 to index
        %swap3A_723 = arith.constant 496 : index
        %swap3A_724 = tpu.vector_load %arg7[%swap3A_722, %swap3A_723] {strides = array<i32>} : memref<16x768xf32, #tpu.memory_space<vmem>>, vector<1x16xf32>,
        %swap3A_725 = vector.shape_cast %swap3A_724 : vector<1x16xf32> to vector<16xf32>
        %swap3A_726 = vector.shape_cast %add3A_721 : vector<16xf32> to vector<1x16xf32>
        tpu.vector_store %arg7[%swap3A_722, %swap3A_723], %swap3A_726 {strides = array<i32>} : memref<16x768xf32, #tpu.memory_space<vmem>>, vector<1x16xf32>,
        %get3A_727 = arith.index_cast %scan3A_280 : i32 to index
        %get3A_728 = arith.constant 512 : index
        %get3A_729 = tpu.vector_load %arg7[%get3A_727, %get3A_728] {strides = array<i32>} : memref<16x768xf32, #tpu.memory_space<vmem>>, vector<1x16xf32>,
        %get3A_730 = vector.shape_cast %get3A_729 : vector<1x16xf32> to vector<16xf32>
        %get3A_731 = arith.index_cast %scan3A_280 : i32 to index
        %get3A_732 = arith.constant 512 : index
        %get3A_733 = tpu.vector_load %arg11[%get3A_731, %get3A_732] {strides = array<i32>} : memref<16x768xf32, #tpu.memory_space<vmem>>, vector<1x16xf32>,
        %get3A_734 = vector.shape_cast %get3A_733 : vector<1x16xf32> to vector<16xf32>
        %add3A_735 = arith.addf %get3A_730, %get3A_734 : vector<16xf32>
        %swap3A_736 = arith.index_cast %scan3A_280 : i32 to index
        %swap3A_737 = arith.constant 512 : index
        %swap3A_738 = tpu.vector_load %arg7[%swap3A_736, %swap3A_737] {strides = array<i32>} : memref<16x768xf32, #tpu.memory_space<vmem>>, vector<1x16xf32>,
        %swap3A_739 = vector.shape_cast %swap3A_738 : vector<1x16xf32> to vector<16xf32>
        %swap3A_740 = vector.shape_cast %add3A_735 : vector<16xf32> to vector<1x16xf32>
        tpu.vector_store %arg7[%swap3A_736, %swap3A_737], %swap3A_740 {strides = array<i32>} : memref<16x768xf32, #tpu.memory_space<vmem>>, vector<1x16xf32>,
        %get3A_741 = arith.index_cast %scan3A_280 : i32 to index
        %get3A_742 = arith.constant 528 : index
        %get3A_743 = tpu.vector_load %arg7[%get3A_741, %get3A_742] {strides = array<i32>} : memref<16x768xf32, #tpu.memory_space<vmem>>, vector<1x16xf32>,
        %get3A_744 = vector.shape_cast %get3A_743 : vector<1x16xf32> to vector<16xf32>
        %get3A_745 = arith.index_cast %scan3A_280 : i32 to index
        %get3A_746 = arith.constant 528 : index
        %get3A_747 = tpu.vector_load %arg11[%get3A_745, %get3A_746] {strides = array<i32>} : memref<16x768xf32, #tpu.memory_space<vmem>>, vector<1x16xf32>,
        %get3A_748 = vector.shape_cast %get3A_747 : vector<1x16xf32> to vector<16xf32>
        %add3A_749 = arith.addf %get3A_744, %get3A_748 : vector<16xf32>
        %swap3A_750 = arith.index_cast %scan3A_280 : i32 to index
        %swap3A_751 = arith.constant 528 : index
        %swap3A_752 = tpu.vector_load %arg7[%swap3A_750, %swap3A_751] {strides = array<i32>} : memref<16x768xf32, #tpu.memory_space<vmem>>, vector<1x16xf32>,
        %swap3A_753 = vector.shape_cast %swap3A_752 : vector<1x16xf32> to vector<16xf32>
        %swap3A_754 = vector.shape_cast %add3A_749 : vector<16xf32> to vector<1x16xf32>
        tpu.vector_store %arg7[%swap3A_750, %swap3A_751], %swap3A_754 {strides = array<i32>} : memref<16x768xf32, #tpu.memory_space<vmem>>, vector<1x16xf32>,
        %get3A_755 = arith.index_cast %scan3A_280 : i32 to index
        %get3A_756 = arith.constant 544 : index
        %get3A_757 = tpu.vector_load %arg7[%get3A_755, %get3A_756] {strides = array<i32>} : memref<16x768xf32, #tpu.memory_space<vmem>>, vector<1x16xf32>,
        %get3A_758 = vector.shape_cast %get3A_757 : vector<1x16xf32> to vector<16xf32>
        %get3A_759 = arith.index_cast %scan3A_280 : i32 to index
        %get3A_760 = arith.constant 544 : index
        %get3A_761 = tpu.vector_load %arg11[%get3A_759, %get3A_760] {strides = array<i32>} : memref<16x768xf32, #tpu.memory_space<vmem>>, vector<1x16xf32>,
        %get3A_762 = vector.shape_cast %get3A_761 : vector<1x16xf32> to vector<16xf32>
        %add3A_763 = arith.addf %get3A_758, %get3A_762 : vector<16xf32>
        %swap3A_764 = arith.index_cast %scan3A_280 : i32 to index
        %swap3A_765 = arith.constant 544 : index
        %swap3A_766 = tpu.vector_load %arg7[%swap3A_764, %swap3A_765] {strides = array<i32>} : memref<16x768xf32, #tpu.memory_space<vmem>>, vector<1x16xf32>,
        %swap3A_767 = vector.shape_cast %swap3A_766 : vector<1x16xf32> to vector<16xf32>
        %swap3A_768 = vector.shape_cast %add3A_763 : vector<16xf32> to vector<1x16xf32>
        tpu.vector_store %arg7[%swap3A_764, %swap3A_765], %swap3A_768 {strides = array<i32>} : memref<16x768xf32, #tpu.memory_space<vmem>>, vector<1x16xf32>,
        %get3A_769 = arith.index_cast %scan3A_280 : i32 to index
        %get3A_770 = arith.constant 560 : index
        %get3A_771 = tpu.vector_load %arg7[%get3A_769, %get3A_770] {strides = array<i32>} : memref<16x768xf32, #tpu.memory_space<vmem>>, vector<1x16xf32>,
        %get3A_772 = vector.shape_cast %get3A_771 : vector<1x16xf32> to vector<16xf32>
        %get3A_773 = arith.index_cast %scan3A_280 : i32 to index
        %get3A_774 = arith.constant 560 : index
        %get3A_775 = tpu.vector_load %arg11[%get3A_773, %get3A_774] {strides = array<i32>} : memref<16x768xf32, #tpu.memory_space<vmem>>, vector<1x16xf32>,
        %get3A_776 = vector.shape_cast %get3A_775 : vector<1x16xf32> to vector<16xf32>
        %add3A_777 = arith.addf %get3A_772, %get3A_776 : vector<16xf32>
        %swap3A_778 = arith.index_cast %scan3A_280 : i32 to index
        %swap3A_779 = arith.constant 560 : index
        %swap3A_780 = tpu.vector_load %arg7[%swap3A_778, %swap3A_779] {strides = array<i32>} : memref<16x768xf32, #tpu.memory_space<vmem>>, vector<1x16xf32>,
        %swap3A_781 = vector.shape_cast %swap3A_780 : vector<1x16xf32> to vector<16xf32>
        %swap3A_782 = vector.shape_cast %add3A_777 : vector<16xf32> to vector<1x16xf32>
        tpu.vector_store %arg7[%swap3A_778, %swap3A_779], %swap3A_782 {strides = array<i32>} : memref<16x768xf32, #tpu.memory_space<vmem>>, vector<1x16xf32>,
        %get3A_783 = arith.index_cast %scan3A_280 : i32 to index
        %get3A_784 = arith.constant 576 : index
        %get3A_785 = tpu.vector_load %arg7[%get3A_783, %get3A_784] {strides = array<i32>} : memref<16x768xf32, #tpu.memory_space<vmem>>, vector<1x16xf32>,
        %get3A_786 = vector.shape_cast %get3A_785 : vector<1x16xf32> to vector<16xf32>
        %get3A_787 = arith.index_cast %scan3A_280 : i32 to index
        %get3A_788 = arith.constant 576 : index
        %get3A_789 = tpu.vector_load %arg11[%get3A_787, %get3A_788] {strides = array<i32>} : memref<16x768xf32, #tpu.memory_space<vmem>>, vector<1x16xf32>,
        %get3A_790 = vector.shape_cast %get3A_789 : vector<1x16xf32> to vector<16xf32>
        %add3A_791 = arith.addf %get3A_786, %get3A_790 : vector<16xf32>
        %swap3A_792 = arith.index_cast %scan3A_280 : i32 to index
        %swap3A_793 = arith.constant 576 : index
        %swap3A_794 = tpu.vector_load %arg7[%swap3A_792, %swap3A_793] {strides = array<i32>} : memref<16x768xf32, #tpu.memory_space<vmem>>, vector<1x16xf32>,
        %swap3A_795 = vector.shape_cast %swap3A_794 : vector<1x16xf32> to vector<16xf32>
        %swap3A_796 = vector.shape_cast %add3A_791 : vector<16xf32> to vector<1x16xf32>
        tpu.vector_store %arg7[%swap3A_792, %swap3A_793], %swap3A_796 {strides = array<i32>} : memref<16x768xf32, #tpu.memory_space<vmem>>, vector<1x16xf32>,
        %get3A_797 = arith.index_cast %scan3A_280 : i32 to index
        %get3A_798 = arith.constant 592 : index
        %get3A_799 = tpu.vector_load %arg7[%get3A_797, %get3A_798] {strides = array<i32>} : memref<16x768xf32, #tpu.memory_space<vmem>>, vector<1x16xf32>,
        %get3A_800 = vector.shape_cast %get3A_799 : vector<1x16xf32> to vector<16xf32>
        %get3A_801 = arith.index_cast %scan3A_280 : i32 to index
        %get3A_802 = arith.constant 592 : index
        %get3A_803 = tpu.vector_load %arg11[%get3A_801, %get3A_802] {strides = array<i32>} : memref<16x768xf32, #tpu.memory_space<vmem>>, vector<1x16xf32>,
        %get3A_804 = vector.shape_cast %get3A_803 : vector<1x16xf32> to vector<16xf32>
        %add3A_805 = arith.addf %get3A_800, %get3A_804 : vector<16xf32>
        %swap3A_806 = arith.index_cast %scan3A_280 : i32 to index
        %swap3A_807 = arith.constant 592 : index
        %swap3A_808 = tpu.vector_load %arg7[%swap3A_806, %swap3A_807] {strides = array<i32>} : memref<16x768xf32, #tpu.memory_space<vmem>>, vector<1x16xf32>,
        %swap3A_809 = vector.shape_cast %swap3A_808 : vector<1x16xf32> to vector<16xf32>
        %swap3A_810 = vector.shape_cast %add3A_805 : vector<16xf32> to vector<1x16xf32>
        tpu.vector_store %arg7[%swap3A_806, %swap3A_807], %swap3A_810 {strides = array<i32>} : memref<16x768xf32, #tpu.memory_space<vmem>>, vector<1x16xf32>,
        %get3A_811 = arith.index_cast %scan3A_280 : i32 to index
        %get3A_812 = arith.constant 608 : index
        %get3A_813 = tpu.vector_load %arg7[%get3A_811, %get3A_812] {strides = array<i32>} : memref<16x768xf32, #tpu.memory_space<vmem>>, vector<1x16xf32>,
        %get3A_814 = vector.shape_cast %get3A_813 : vector<1x16xf32> to vector<16xf32>
        %get3A_815 = arith.index_cast %scan3A_280 : i32 to index
        %get3A_816 = arith.constant 608 : index
        %get3A_817 = tpu.vector_load %arg11[%get3A_815, %get3A_816] {strides = array<i32>} : memref<16x768xf32, #tpu.memory_space<vmem>>, vector<1x16xf32>,
        %get3A_818 = vector.shape_cast %get3A_817 : vector<1x16xf32> to vector<16xf32>
        %add3A_819 = arith.addf %get3A_814, %get3A_818 : vector<16xf32>
        %swap3A_820 = arith.index_cast %scan3A_280 : i32 to index
        %swap3A_821 = arith.constant 608 : index
        %swap3A_822 = tpu.vector_load %arg7[%swap3A_820, %swap3A_821] {strides = array<i32>} : memref<16x768xf32, #tpu.memory_space<vmem>>, vector<1x16xf32>,
        %swap3A_823 = vector.shape_cast %swap3A_822 : vector<1x16xf32> to vector<16xf32>
        %swap3A_824 = vector.shape_cast %add3A_819 : vector<16xf32> to vector<1x16xf32>
        tpu.vector_store %arg7[%swap3A_820, %swap3A_821], %swap3A_824 {strides = array<i32>} : memref<16x768xf32, #tpu.memory_space<vmem>>, vector<1x16xf32>,
        %get3A_825 = arith.index_cast %scan3A_280 : i32 to index
        %get3A_826 = arith.constant 624 : index
        %get3A_827 = tpu.vector_load %arg7[%get3A_825, %get3A_826] {strides = array<i32>} : memref<16x768xf32, #tpu.memory_space<vmem>>, vector<1x16xf32>,
        %get3A_828 = vector.shape_cast %get3A_827 : vector<1x16xf32> to vector<16xf32>
        %get3A_829 = arith.index_cast %scan3A_280 : i32 to index
        %get3A_830 = arith.constant 624 : index
        %get3A_831 = tpu.vector_load %arg11[%get3A_829, %get3A_830] {strides = array<i32>} : memref<16x768xf32, #tpu.memory_space<vmem>>, vector<1x16xf32>,
        %get3A_832 = vector.shape_cast %get3A_831 : vector<1x16xf32> to vector<16xf32>
        %add3A_833 = arith.addf %get3A_828, %get3A_832 : vector<16xf32>
        %swap3A_834 = arith.index_cast %scan3A_280 : i32 to index
        %swap3A_835 = arith.constant 624 : index
        %swap3A_836 = tpu.vector_load %arg7[%swap3A_834, %swap3A_835] {strides = array<i32>} : memref<16x768xf32, #tpu.memory_space<vmem>>, vector<1x16xf32>,
        %swap3A_837 = vector.shape_cast %swap3A_836 : vector<1x16xf32> to vector<16xf32>
        %swap3A_838 = vector.shape_cast %add3A_833 : vector<16xf32> to vector<1x16xf32>
        tpu.vector_store %arg7[%swap3A_834, %swap3A_835], %swap3A_838 {strides = array<i32>} : memref<16x768xf32, #tpu.memory_space<vmem>>, vector<1x16xf32>,
        %get3A_839 = arith.index_cast %scan3A_280 : i32 to index
        %get3A_840 = arith.constant 640 : index
        %get3A_841 = tpu.vector_load %arg7[%get3A_839, %get3A_840] {strides = array<i32>} : memref<16x768xf32, #tpu.memory_space<vmem>>, vector<1x16xf32>,
        %get3A_842 = vector.shape_cast %get3A_841 : vector<1x16xf32> to vector<16xf32>
        %get3A_843 = arith.index_cast %scan3A_280 : i32 to index
        %get3A_844 = arith.constant 640 : index
        %get3A_845 = tpu.vector_load %arg11[%get3A_843, %get3A_844] {strides = array<i32>} : memref<16x768xf32, #tpu.memory_space<vmem>>, vector<1x16xf32>,
        %get3A_846 = vector.shape_cast %get3A_845 : vector<1x16xf32> to vector<16xf32>
        %add3A_847 = arith.addf %get3A_842, %get3A_846 : vector<16xf32>
        %swap3A_848 = arith.index_cast %scan3A_280 : i32 to index
        %swap3A_849 = arith.constant 640 : index
        %swap3A_850 = tpu.vector_load %arg7[%swap3A_848, %swap3A_849] {strides = array<i32>} : memref<16x768xf32, #tpu.memory_space<vmem>>, vector<1x16xf32>,
        %swap3A_851 = vector.shape_cast %swap3A_850 : vector<1x16xf32> to vector<16xf32>
        %swap3A_852 = vector.shape_cast %add3A_847 : vector<16xf32> to vector<1x16xf32>
        tpu.vector_store %arg7[%swap3A_848, %swap3A_849], %swap3A_852 {strides = array<i32>} : memref<16x768xf32, #tpu.memory_space<vmem>>, vector<1x16xf32>,
        %get3A_853 = arith.index_cast %scan3A_280 : i32 to index
        %get3A_854 = arith.constant 656 : index
        %get3A_855 = tpu.vector_load %arg7[%get3A_853, %get3A_854] {strides = array<i32>} : memref<16x768xf32, #tpu.memory_space<vmem>>, vector<1x16xf32>,
        %get3A_856 = vector.shape_cast %get3A_855 : vector<1x16xf32> to vector<16xf32>
        %get3A_857 = arith.index_cast %scan3A_280 : i32 to index
        %get3A_858 = arith.constant 656 : index
        %get3A_859 = tpu.vector_load %arg11[%get3A_857, %get3A_858] {strides = array<i32>} : memref<16x768xf32, #tpu.memory_space<vmem>>, vector<1x16xf32>,
        %get3A_860 = vector.shape_cast %get3A_859 : vector<1x16xf32> to vector<16xf32>
        %add3A_861 = arith.addf %get3A_856, %get3A_860 : vector<16xf32>
        %swap3A_862 = arith.index_cast %scan3A_280 : i32 to index
        %swap3A_863 = arith.constant 656 : index
        %swap3A_864 = tpu.vector_load %arg7[%swap3A_862, %swap3A_863] {strides = array<i32>} : memref<16x768xf32, #tpu.memory_space<vmem>>, vector<1x16xf32>,
        %swap3A_865 = vector.shape_cast %swap3A_864 : vector<1x16xf32> to vector<16xf32>
        %swap3A_866 = vector.shape_cast %add3A_861 : vector<16xf32> to vector<1x16xf32>
        tpu.vector_store %arg7[%swap3A_862, %swap3A_863], %swap3A_866 {strides = array<i32>} : memref<16x768xf32, #tpu.memory_space<vmem>>, vector<1x16xf32>,
        %get3A_867 = arith.index_cast %scan3A_280 : i32 to index
        %get3A_868 = arith.constant 672 : index
        %get3A_869 = tpu.vector_load %arg7[%get3A_867, %get3A_868] {strides = array<i32>} : memref<16x768xf32, #tpu.memory_space<vmem>>, vector<1x16xf32>,
        %get3A_870 = vector.shape_cast %get3A_869 : vector<1x16xf32> to vector<16xf32>
        %get3A_871 = arith.index_cast %scan3A_280 : i32 to index
        %get3A_872 = arith.constant 672 : index
        %get3A_873 = tpu.vector_load %arg11[%get3A_871, %get3A_872] {strides = array<i32>} : memref<16x768xf32, #tpu.memory_space<vmem>>, vector<1x16xf32>,
        %get3A_874 = vector.shape_cast %get3A_873 : vector<1x16xf32> to vector<16xf32>
        %add3A_875 = arith.addf %get3A_870, %get3A_874 : vector<16xf32>
        %swap3A_876 = arith.index_cast %scan3A_280 : i32 to index
        %swap3A_877 = arith.constant 672 : index
        %swap3A_878 = tpu.vector_load %arg7[%swap3A_876, %swap3A_877] {strides = array<i32>} : memref<16x768xf32, #tpu.memory_space<vmem>>, vector<1x16xf32>,
        %swap3A_879 = vector.shape_cast %swap3A_878 : vector<1x16xf32> to vector<16xf32>
        %swap3A_880 = vector.shape_cast %add3A_875 : vector<16xf32> to vector<1x16xf32>
        tpu.vector_store %arg7[%swap3A_876, %swap3A_877], %swap3A_880 {strides = array<i32>} : memref<16x768xf32, #tpu.memory_space<vmem>>, vector<1x16xf32>,
        %get3A_881 = arith.index_cast %scan3A_280 : i32 to index
        %get3A_882 = arith.constant 688 : index
        %get3A_883 = tpu.vector_load %arg7[%get3A_881, %get3A_882] {strides = array<i32>} : memref<16x768xf32, #tpu.memory_space<vmem>>, vector<1x16xf32>,
        %get3A_884 = vector.shape_cast %get3A_883 : vector<1x16xf32> to vector<16xf32>
        %get3A_885 = arith.index_cast %scan3A_280 : i32 to index
        %get3A_886 = arith.constant 688 : index
        %get3A_887 = tpu.vector_load %arg11[%get3A_885, %get3A_886] {strides = array<i32>} : memref<16x768xf32, #tpu.memory_space<vmem>>, vector<1x16xf32>,
        %get3A_888 = vector.shape_cast %get3A_887 : vector<1x16xf32> to vector<16xf32>
        %add3A_889 = arith.addf %get3A_884, %get3A_888 : vector<16xf32>
        %swap3A_890 = arith.index_cast %scan3A_280 : i32 to index
        %swap3A_891 = arith.constant 688 : index
        %swap3A_892 = tpu.vector_load %arg7[%swap3A_890, %swap3A_891] {strides = array<i32>} : memref<16x768xf32, #tpu.memory_space<vmem>>, vector<1x16xf32>,
        %swap3A_893 = vector.shape_cast %swap3A_892 : vector<1x16xf32> to vector<16xf32>
        %swap3A_894 = vector.shape_cast %add3A_889 : vector<16xf32> to vector<1x16xf32>
        tpu.vector_store %arg7[%swap3A_890, %swap3A_891], %swap3A_894 {strides = array<i32>} : memref<16x768xf32, #tpu.memory_space<vmem>>, vector<1x16xf32>,
        %get3A_895 = arith.index_cast %scan3A_280 : i32 to index
        %get3A_896 = arith.constant 704 : index
        %get3A_897 = tpu.vector_load %arg7[%get3A_895, %get3A_896] {strides = array<i32>} : memref<16x768xf32, #tpu.memory_space<vmem>>, vector<1x16xf32>,
        %get3A_898 = vector.shape_cast %get3A_897 : vector<1x16xf32> to vector<16xf32>
        %get3A_899 = arith.index_cast %scan3A_280 : i32 to index
        %get3A_900 = arith.constant 704 : index
        %get3A_901 = tpu.vector_load %arg11[%get3A_899, %get3A_900] {strides = array<i32>} : memref<16x768xf32, #tpu.memory_space<vmem>>, vector<1x16xf32>,
        %get3A_902 = vector.shape_cast %get3A_901 : vector<1x16xf32> to vector<16xf32>
        %add3A_903 = arith.addf %get3A_898, %get3A_902 : vector<16xf32>
        %swap3A_904 = arith.index_cast %scan3A_280 : i32 to index
        %swap3A_905 = arith.constant 704 : index
        %swap3A_906 = tpu.vector_load %arg7[%swap3A_904, %swap3A_905] {strides = array<i32>} : memref<16x768xf32, #tpu.memory_space<vmem>>, vector<1x16xf32>,
        %swap3A_907 = vector.shape_cast %swap3A_906 : vector<1x16xf32> to vector<16xf32>
        %swap3A_908 = vector.shape_cast %add3A_903 : vector<16xf32> to vector<1x16xf32>
        tpu.vector_store %arg7[%swap3A_904, %swap3A_905], %swap3A_908 {strides = array<i32>} : memref<16x768xf32, #tpu.memory_space<vmem>>, vector<1x16xf32>,
        %get3A_909 = arith.index_cast %scan3A_280 : i32 to index
        %get3A_910 = arith.constant 720 : index
        %get3A_911 = tpu.vector_load %arg7[%get3A_909, %get3A_910] {strides = array<i32>} : memref<16x768xf32, #tpu.memory_space<vmem>>, vector<1x16xf32>,
        %get3A_912 = vector.shape_cast %get3A_911 : vector<1x16xf32> to vector<16xf32>
        %get3A_913 = arith.index_cast %scan3A_280 : i32 to index
        %get3A_914 = arith.constant 720 : index
        %get3A_915 = tpu.vector_load %arg11[%get3A_913, %get3A_914] {strides = array<i32>} : memref<16x768xf32, #tpu.memory_space<vmem>>, vector<1x16xf32>,
        %get3A_916 = vector.shape_cast %get3A_915 : vector<1x16xf32> to vector<16xf32>
        %add3A_917 = arith.addf %get3A_912, %get3A_916 : vector<16xf32>
        %swap3A_918 = arith.index_cast %scan3A_280 : i32 to index
        %swap3A_919 = arith.constant 720 : index
        %swap3A_920 = tpu.vector_load %arg7[%swap3A_918, %swap3A_919] {strides = array<i32>} : memref<16x768xf32, #tpu.memory_space<vmem>>, vector<1x16xf32>,
        %swap3A_921 = vector.shape_cast %swap3A_920 : vector<1x16xf32> to vector<16xf32>
        %swap3A_922 = vector.shape_cast %add3A_917 : vector<16xf32> to vector<1x16xf32>
        tpu.vector_store %arg7[%swap3A_918, %swap3A_919], %swap3A_922 {strides = array<i32>} : memref<16x768xf32, #tpu.memory_space<vmem>>, vector<1x16xf32>,
        %get3A_923 = arith.index_cast %scan3A_280 : i32 to index
        %get3A_924 = arith.constant 736 : index
        %get3A_925 = tpu.vector_load %arg7[%get3A_923, %get3A_924] {strides = array<i32>} : memref<16x768xf32, #tpu.memory_space<vmem>>, vector<1x16xf32>,
        %get3A_926 = vector.shape_cast %get3A_925 : vector<1x16xf32> to vector<16xf32>
        %get3A_927 = arith.index_cast %scan3A_280 : i32 to index
        %get3A_928 = arith.constant 736 : index
        %get3A_929 = tpu.vector_load %arg11[%get3A_927, %get3A_928] {strides = array<i32>} : memref<16x768xf32, #tpu.memory_space<vmem>>, vector<1x16xf32>,
        %get3A_930 = vector.shape_cast %get3A_929 : vector<1x16xf32> to vector<16xf32>
        %add3A_931 = arith.addf %get3A_926, %get3A_930 : vector<16xf32>
        %swap3A_932 = arith.index_cast %scan3A_280 : i32 to index
        %swap3A_933 = arith.constant 736 : index
        %swap3A_934 = tpu.vector_load %arg7[%swap3A_932, %swap3A_933] {strides = array<i32>} : memref<16x768xf32, #tpu.memory_space<vmem>>, vector<1x16xf32>,
        %swap3A_935 = vector.shape_cast %swap3A_934 : vector<1x16xf32> to vector<16xf32>
        %swap3A_936 = vector.shape_cast %add3A_931 : vector<16xf32> to vector<1x16xf32>
        tpu.vector_store %arg7[%swap3A_932, %swap3A_933], %swap3A_936 {strides = array<i32>} : memref<16x768xf32, #tpu.memory_space<vmem>>, vector<1x16xf32>,
        %get3A_937 = arith.index_cast %scan3A_280 : i32 to index
        %get3A_938 = arith.constant 752 : index
        %get3A_939 = tpu.vector_load %arg7[%get3A_937, %get3A_938] {strides = array<i32>} : memref<16x768xf32, #tpu.memory_space<vmem>>, vector<1x16xf32>,
        %get3A_940 = vector.shape_cast %get3A_939 : vector<1x16xf32> to vector<16xf32>
        %get3A_941 = arith.index_cast %scan3A_280 : i32 to index
        %get3A_942 = arith.constant 752 : index
        %get3A_943 = tpu.vector_load %arg11[%get3A_941, %get3A_942] {strides = array<i32>} : memref<16x768xf32, #tpu.memory_space<vmem>>, vector<1x16xf32>,
        %get3A_944 = vector.shape_cast %get3A_943 : vector<1x16xf32> to vector<16xf32>
        %add3A_945 = arith.addf %get3A_940, %get3A_944 : vector<16xf32>
        %swap3A_946 = arith.index_cast %scan3A_280 : i32 to index
        %swap3A_947 = arith.constant 752 : index
        %swap3A_948 = tpu.vector_load %arg7[%swap3A_946, %swap3A_947] {strides = array<i32>} : memref<16x768xf32, #tpu.memory_space<vmem>>, vector<1x16xf32>,
        %swap3A_949 = vector.shape_cast %swap3A_948 : vector<1x16xf32> to vector<16xf32>
        %swap3A_950 = vector.shape_cast %add3A_945 : vector<16xf32> to vector<1x16xf32>
        tpu.vector_store %arg7[%swap3A_946, %swap3A_947], %swap3A_950 {strides = array<i32>} : memref<16x768xf32, #tpu.memory_space<vmem>>, vector<1x16xf32>,
      }
      %scan3A_153 = arith.constant 16 : i32
      %mul3A_154 = arith.constant 16 : i32
      %mul3A_155 = arith.muli %add3A_111, %mul3A_154 : i32
      %add3A_156 = arith.addi %mul3A_32, %mul3A_155 : i32
      %dma_start3A_157 = arith.constant 0 : i32
      %dma_start3A_158 = tpu.memref_slice %arg5[%select_n3A, %add3A_156, %dma_start3A_157] : memref<2x2048x768xf32, #tpu.memory_space<hbm>> -> memref<1x16x768xf32, #tpu.memory_space<hbm>>
      %dma_start3A_159 = tpu.memref_squeeze %dma_start3A_158 : memref<1x16x768xf32, #tpu.memory_space<hbm>> -> memref<16x768xf32, #tpu.memory_space<hbm>>
      %dma_start3A_160 = arith.constant 0 : i32
      %dma_start3A_161 = tpu.memref_slice %arg5[%select_n3A, %add3A_156, %dma_start3A_160] : memref<2x2048x768xf32, #tpu.memory_space<hbm>> -> memref<1x16x768xf32, #tpu.memory_space<hbm>>
      %dma_start3A_162 = tpu.memref_squeeze %dma_start3A_161 : memref<1x16x768xf32, #tpu.memory_space<hbm>> -> memref<16x768xf32, #tpu.memory_space<hbm>>
      tpu.enqueue_dma source(%arg7 : memref<16x768xf32, #tpu.memory_space<vmem>>) target(%dma_start3A_162 : memref<16x768xf32, #tpu.memory_space<hbm>>) target_semaphore(%arg23 : memref<!tpu.dma_semaphore, #tpu.memory_space<semaphore_mem>>)
      %mul3A_163 = arith.constant 4 : i32
      %mul3A_164 = arith.muli %scan3A_107, %mul3A_163 : i32
      %add3A_165 = arith.constant 1 : i32
      %add3A_166 = arith.addi %mul3A_164, %add3A_165 : i32
      %eq3A_167 = arith.constant 0 : i32
      %eq3A_168 = arith.cmpi eq, %scan3A_107, %eq3A_167 : i32
      %convert_element_type3A_169 = arith.extui %eq3A_168 : i1 to i32
      %cond3A_170 = arith.constant 0 : i32
      %cond3A_171 = arith.cmpi ne, %convert_element_type3A_169, %cond3A_170 : i32
      scf.if %cond3A_171 {
        %sub3A_280 = arith.constant 1 : i32
        %sub3A_281 = arith.subi %add3A_166, %sub3A_280 : i32
        %mul3A_282 = arith.constant 16 : i32
        %mul3A_283 = arith.muli %sub3A_281, %mul3A_282 : i32
        %add3A_284 = arith.addi %mul3A_32, %mul3A_283 : i32
        %dma_wait3A_285 = arith.constant 0 : i32
        %dma_wait3A_286 = tpu.memref_slice %arg5[%select_n3A, %add3A_284, %dma_wait3A_285] : memref<2x2048x768xf32, #tpu.memory_space<hbm>> -> memref<1x16x768xf32, #tpu.memory_space<hbm>>
        %dma_wait3A_287 = tpu.memref_squeeze %dma_wait3A_286 : memref<1x16x768xf32, #tpu.memory_space<hbm>> -> memref<16x768xf32, #tpu.memory_space<hbm>>
        %dma_wait3A_288 = arith.constant 0 : i32
        %dma_wait3A_289 = tpu.memref_slice %arg5[%select_n3A, %add3A_284, %dma_wait3A_288] : memref<2x2048x768xf32, #tpu.memory_space<hbm>> -> memref<1x16x768xf32, #tpu.memory_space<hbm>>
        %dma_wait3A_290 = tpu.memref_squeeze %dma_wait3A_289 : memref<1x16x768xf32, #tpu.memory_space<hbm>> -> memref<16x768xf32, #tpu.memory_space<hbm>>
        tpu.wait_dma2 semaphore(%arg23 : memref<!tpu.dma_semaphore, #tpu.memory_space<semaphore_mem>>) src(%arg7 : memref<16x768xf32, #tpu.memory_space<vmem>>) dst(%dma_wait3A_290 : memref<16x768xf32, #tpu.memory_space<hbm>>)
        %add3A_291 = arith.constant 3 : i32
        %add3A_292 = arith.addi %add3A_166, %add3A_291 : i32
        %mul3A_293 = arith.constant 16 : i32
        %mul3A_294 = arith.muli %add3A_292, %mul3A_293 : i32
        %dma_start3A_295 = tpu.memref_slice %arg6[%mul3A_294] : memref<128xi32, #tpu.memory_space<vmem>> -> memref<16xi32, #tpu.memory_space<vmem>>
        %dma_start3A_296 = arith.constant 0 : i32
        %dma_start3A_297 = arith.constant 0 : i32
        %dma_start3A_298 = tpu.memref_slice %arg4[%dma_start3A_296, %dma_start3A_297] : memref<100000x768xf32, #tpu.memory_space<hbm>> -> memref<100000x768xf32, #tpu.memory_space<hbm>>
        tpu.enqueue_indirect_dma source(%dma_start3A_298 : memref<100000x768xf32, #tpu.memory_space<hbm>>) target(%arg7 : memref<16x768xf32, #tpu.memory_space<vmem>>) offsets(%dma_start3A_295 : memref<16xi32, #tpu.memory_space<vmem>>) semaphore(%arg15 : memref<!tpu.dma_semaphore, #tpu.memory_space<semaphore_mem>>)
        %add3A_299 = arith.constant 3 : i32
        %add3A_300 = arith.addi %add3A_166, %add3A_299 : i32
        %mul3A_301 = arith.constant 16 : i32
        %mul3A_302 = arith.muli %add3A_300, %mul3A_301 : i32
        %add3A_303 = arith.addi %mul3A_32, %mul3A_302 : i32
        %dma_start3A_304 = arith.constant 0 : i32
        %dma_start3A_305 = tpu.memref_slice %arg3[%select_n3A, %add3A_303, %dma_start3A_304] : memref<2x2048x768xf32, #tpu.memory_space<hbm>> -> memref<1x16x768xf32, #tpu.memory_space<hbm>>
        %dma_start3A_306 = tpu.memref_squeeze %dma_start3A_305 : memref<1x16x768xf32, #tpu.memory_space<hbm>> -> memref<16x768xf32, #tpu.memory_space<hbm>>
        %dma_start3A_307 = arith.constant 0 : i32
        %dma_start3A_308 = tpu.memref_slice %arg3[%select_n3A, %add3A_303, %dma_start3A_307] : memref<2x2048x768xf32, #tpu.memory_space<hbm>> -> memref<1x16x768xf32, #tpu.memory_space<hbm>>
        %dma_start3A_309 = tpu.memref_squeeze %dma_start3A_308 : memref<1x16x768xf32, #tpu.memory_space<hbm>> -> memref<16x768xf32, #tpu.memory_space<hbm>>
        tpu.enqueue_dma source(%dma_start3A_309 : memref<16x768xf32, #tpu.memory_space<hbm>>) target(%arg11 : memref<16x768xf32, #tpu.memory_space<vmem>>) target_semaphore(%arg19 : memref<!tpu.dma_semaphore, #tpu.memory_space<semaphore_mem>>)
      } else {
      }
      %mul3A_172 = arith.constant 16 : i32
      %mul3A_173 = arith.muli %add3A_166, %mul3A_172 : i32
      %dma_wait3A_174 = tpu.memref_slice %arg6[%mul3A_173] : memref<128xi32, #tpu.memory_space<vmem>> -> memref<16xi32, #tpu.memory_space<vmem>>
      %dma_wait3A_175 = arith.constant 0 : i32
      %dma_wait3A_176 = arith.constant 0 : i32
      %dma_wait3A_177 = tpu.memref_slice %arg4[%dma_wait3A_175, %dma_wait3A_176] : memref<100000x768xf32, #tpu.memory_space<hbm>> -> memref<100000x768xf32, #tpu.memory_space<hbm>>
      tpu.wait_indirect_dma semaphore(%arg16 : memref<!tpu.dma_semaphore, #tpu.memory_space<semaphore_mem>>) src(%dma_wait3A_177 : memref<100000x768xf32, #tpu.memory_space<hbm>>) dst(%arg8 : memref<16x768xf32, #tpu.memory_space<vmem>>)
      %mul3A_178 = arith.constant 16 : i32
      %mul3A_179 = arith.muli %add3A_166, %mul3A_178 : i32
      %add3A_180 = arith.addi %mul3A_32, %mul3A_179 : i32
      %dma_wait3A_181 = arith.constant 0 : i32
      %dma_wait3A_182 = tpu.memref_slice %arg3[%select_n3A, %add3A_180, %dma_wait3A_181] : memref<2x2048x768xf32, #tpu.memory_space<hbm>> -> memref<1x16x768xf32, #tpu.memory_space<hbm>>
      %dma_wait3A_183 = tpu.memref_squeeze %dma_wait3A_182 : memref<1x16x768xf32, #tpu.memory_space<hbm>> -> memref<16x768xf32, #tpu.memory_space<hbm>>
      %dma_wait3A_184 = arith.constant 0 : i32
      %dma_wait3A_185 = tpu.memref_slice %arg3[%select_n3A, %add3A_180, %dma_wait3A_184] : memref<2x2048x768xf32, #tpu.memory_space<hbm>> -> memref<1x16x768xf32, #tpu.memory_space<hbm>>
      %dma_wait3A_186 = tpu.memref_squeeze %dma_wait3A_185 : memref<1x16x768xf32, #tpu.memory_space<hbm>> -> memref<16x768xf32, #tpu.memory_space<hbm>>
      tpu.wait_dma2 semaphore(%arg20 : memref<!tpu.dma_semaphore, #tpu.memory_space<semaphore_mem>>) src(%dma_wait3A_186 : memref<16x768xf32, #tpu.memory_space<hbm>>) dst(%arg12 : memref<16x768xf32, #tpu.memory_space<vmem>>)
      %scan3A_187 = arith.constant 0 : i32
      %scan3A_188 = arith.constant 0 : i32
      %scan3A_189 = arith.constant 16 : i32
      %scan3A_190 = arith.addi %scan3A_188, %scan3A_189 : i32
      %scan3A_191 = arith.constant 1 : i32
      scf.for %scan3A_280 = %scan3A_188 to %scan3A_190 step %scan3A_191  : i32 {
        %get3A = arith.index_cast %scan3A_280 : i32 to index
        %get3A_281 = arith.constant 0 : index
        %get3A_282 = tpu.vector_load %arg8[%get3A, %get3A_281] {strides = array<i32>} : memref<16x768xf32, #tpu.memory_space<vmem>>, vector<1x16xf32>,
        %get3A_283 = vector.shape_cast %get3A_282 : vector<1x16xf32> to vector<16xf32>
        %get3A_284 = arith.index_cast %scan3A_280 : i32 to index
        %get3A_285 = arith.constant 0 : index
        %get3A_286 = tpu.vector_load %arg12[%get3A_284, %get3A_285] {strides = array<i32>} : memref<16x768xf32, #tpu.memory_space<vmem>>, vector<1x16xf32>,
        %get3A_287 = vector.shape_cast %get3A_286 : vector<1x16xf32> to vector<16xf32>
        %add3A_288 = arith.addf %get3A_283, %get3A_287 : vector<16xf32>
        %swap3A = arith.index_cast %scan3A_280 : i32 to index
        %swap3A_289 = arith.constant 0 : index
        %swap3A_290 = tpu.vector_load %arg8[%swap3A, %swap3A_289] {strides = array<i32>} : memref<16x768xf32, #tpu.memory_space<vmem>>, vector<1x16xf32>,
        %swap3A_291 = vector.shape_cast %swap3A_290 : vector<1x16xf32> to vector<16xf32>
        %swap3A_292 = vector.shape_cast %add3A_288 : vector<16xf32> to vector<1x16xf32>
        tpu.vector_store %arg8[%swap3A, %swap3A_289], %swap3A_292 {strides = array<i32>} : memref<16x768xf32, #tpu.memory_space<vmem>>, vector<1x16xf32>,
        %get3A_293 = arith.index_cast %scan3A_280 : i32 to index
        %get3A_294 = arith.constant 16 : index
        %get3A_295 = tpu.vector_load %arg8[%get3A_293, %get3A_294] {strides = array<i32>} : memref<16x768xf32, #tpu.memory_space<vmem>>, vector<1x16xf32>,
        %get3A_296 = vector.shape_cast %get3A_295 : vector<1x16xf32> to vector<16xf32>
        %get3A_297 = arith.index_cast %scan3A_280 : i32 to index
        %get3A_298 = arith.constant 16 : index
        %get3A_299 = tpu.vector_load %arg12[%get3A_297, %get3A_298] {strides = array<i32>} : memref<16x768xf32, #tpu.memory_space<vmem>>, vector<1x16xf32>,
        %get3A_300 = vector.shape_cast %get3A_299 : vector<1x16xf32> to vector<16xf32>
        %add3A_301 = arith.addf %get3A_296, %get3A_300 : vector<16xf32>
        %swap3A_302 = arith.index_cast %scan3A_280 : i32 to index
        %swap3A_303 = arith.constant 16 : index
        %swap3A_304 = tpu.vector_load %arg8[%swap3A_302, %swap3A_303] {strides = array<i32>} : memref<16x768xf32, #tpu.memory_space<vmem>>, vector<1x16xf32>,
        %swap3A_305 = vector.shape_cast %swap3A_304 : vector<1x16xf32> to vector<16xf32>
        %swap3A_306 = vector.shape_cast %add3A_301 : vector<16xf32> to vector<1x16xf32>
        tpu.vector_store %arg8[%swap3A_302, %swap3A_303], %swap3A_306 {strides = array<i32>} : memref<16x768xf32, #tpu.memory_space<vmem>>, vector<1x16xf32>,
        %get3A_307 = arith.index_cast %scan3A_280 : i32 to index
        %get3A_308 = arith.constant 32 : index
        %get3A_309 = tpu.vector_load %arg8[%get3A_307, %get3A_308] {strides = array<i32>} : memref<16x768xf32, #tpu.memory_space<vmem>>, vector<1x16xf32>,
        %get3A_310 = vector.shape_cast %get3A_309 : vector<1x16xf32> to vector<16xf32>
        %get3A_311 = arith.index_cast %scan3A_280 : i32 to index
        %get3A_312 = arith.constant 32 : index
        %get3A_313 = tpu.vector_load %arg12[%get3A_311, %get3A_312] {strides = array<i32>} : memref<16x768xf32, #tpu.memory_space<vmem>>, vector<1x16xf32>,
        %get3A_314 = vector.shape_cast %get3A_313 : vector<1x16xf32> to vector<16xf32>
        %add3A_315 = arith.addf %get3A_310, %get3A_314 : vector<16xf32>
        %swap3A_316 = arith.index_cast %scan3A_280 : i32 to index
        %swap3A_317 = arith.constant 32 : index
        %swap3A_318 = tpu.vector_load %arg8[%swap3A_316, %swap3A_317] {strides = array<i32>} : memref<16x768xf32, #tpu.memory_space<vmem>>, vector<1x16xf32>,
        %swap3A_319 = vector.shape_cast %swap3A_318 : vector<1x16xf32> to vector<16xf32>
        %swap3A_320 = vector.shape_cast %add3A_315 : vector<16xf32> to vector<1x16xf32>
        tpu.vector_store %arg8[%swap3A_316, %swap3A_317], %swap3A_320 {strides = array<i32>} : memref<16x768xf32, #tpu.memory_space<vmem>>, vector<1x16xf32>,
        %get3A_321 = arith.index_cast %scan3A_280 : i32 to index
        %get3A_322 = arith.constant 48 : index
        %get3A_323 = tpu.vector_load %arg8[%get3A_321, %get3A_322] {strides = array<i32>} : memref<16x768xf32, #tpu.memory_space<vmem>>, vector<1x16xf32>,
        %get3A_324 = vector.shape_cast %get3A_323 : vector<1x16xf32> to vector<16xf32>
        %get3A_325 = arith.index_cast %scan3A_280 : i32 to index
        %get3A_326 = arith.constant 48 : index
        %get3A_327 = tpu.vector_load %arg12[%get3A_325, %get3A_326] {strides = array<i32>} : memref<16x768xf32, #tpu.memory_space<vmem>>, vector<1x16xf32>,
        %get3A_328 = vector.shape_cast %get3A_327 : vector<1x16xf32> to vector<16xf32>
        %add3A_329 = arith.addf %get3A_324, %get3A_328 : vector<16xf32>
        %swap3A_330 = arith.index_cast %scan3A_280 : i32 to index
        %swap3A_331 = arith.constant 48 : index
        %swap3A_332 = tpu.vector_load %arg8[%swap3A_330, %swap3A_331] {strides = array<i32>} : memref<16x768xf32, #tpu.memory_space<vmem>>, vector<1x16xf32>,
        %swap3A_333 = vector.shape_cast %swap3A_332 : vector<1x16xf32> to vector<16xf32>
        %swap3A_334 = vector.shape_cast %add3A_329 : vector<16xf32> to vector<1x16xf32>
        tpu.vector_store %arg8[%swap3A_330, %swap3A_331], %swap3A_334 {strides = array<i32>} : memref<16x768xf32, #tpu.memory_space<vmem>>, vector<1x16xf32>,
        %get3A_335 = arith.index_cast %scan3A_280 : i32 to index
        %get3A_336 = arith.constant 64 : index
        %get3A_337 = tpu.vector_load %arg8[%get3A_335, %get3A_336] {strides = array<i32>} : memref<16x768xf32, #tpu.memory_space<vmem>>, vector<1x16xf32>,
        %get3A_338 = vector.shape_cast %get3A_337 : vector<1x16xf32> to vector<16xf32>
        %get3A_339 = arith.index_cast %scan3A_280 : i32 to index
        %get3A_340 = arith.constant 64 : index
        %get3A_341 = tpu.vector_load %arg12[%get3A_339, %get3A_340] {strides = array<i32>} : memref<16x768xf32, #tpu.memory_space<vmem>>, vector<1x16xf32>,
        %get3A_342 = vector.shape_cast %get3A_341 : vector<1x16xf32> to vector<16xf32>
        %add3A_343 = arith.addf %get3A_338, %get3A_342 : vector<16xf32>
        %swap3A_344 = arith.index_cast %scan3A_280 : i32 to index
        %swap3A_345 = arith.constant 64 : index
        %swap3A_346 = tpu.vector_load %arg8[%swap3A_344, %swap3A_345] {strides = array<i32>} : memref<16x768xf32, #tpu.memory_space<vmem>>, vector<1x16xf32>,
        %swap3A_347 = vector.shape_cast %swap3A_346 : vector<1x16xf32> to vector<16xf32>
        %swap3A_348 = vector.shape_cast %add3A_343 : vector<16xf32> to vector<1x16xf32>
        tpu.vector_store %arg8[%swap3A_344, %swap3A_345], %swap3A_348 {strides = array<i32>} : memref<16x768xf32, #tpu.memory_space<vmem>>, vector<1x16xf32>,
        %get3A_349 = arith.index_cast %scan3A_280 : i32 to index
        %get3A_350 = arith.constant 80 : index
        %get3A_351 = tpu.vector_load %arg8[%get3A_349, %get3A_350] {strides = array<i32>} : memref<16x768xf32, #tpu.memory_space<vmem>>, vector<1x16xf32>,
        %get3A_352 = vector.shape_cast %get3A_351 : vector<1x16xf32> to vector<16xf32>
        %get3A_353 = arith.index_cast %scan3A_280 : i32 to index
        %get3A_354 = arith.constant 80 : index
        %get3A_355 = tpu.vector_load %arg12[%get3A_353, %get3A_354] {strides = array<i32>} : memref<16x768xf32, #tpu.memory_space<vmem>>, vector<1x16xf32>,
        %get3A_356 = vector.shape_cast %get3A_355 : vector<1x16xf32> to vector<16xf32>
        %add3A_357 = arith.addf %get3A_352, %get3A_356 : vector<16xf32>
        %swap3A_358 = arith.index_cast %scan3A_280 : i32 to index
        %swap3A_359 = arith.constant 80 : index
        %swap3A_360 = tpu.vector_load %arg8[%swap3A_358, %swap3A_359] {strides = array<i32>} : memref<16x768xf32, #tpu.memory_space<vmem>>, vector<1x16xf32>,
        %swap3A_361 = vector.shape_cast %swap3A_360 : vector<1x16xf32> to vector<16xf32>
        %swap3A_362 = vector.shape_cast %add3A_357 : vector<16xf32> to vector<1x16xf32>
        tpu.vector_store %arg8[%swap3A_358, %swap3A_359], %swap3A_362 {strides = array<i32>} : memref<16x768xf32, #tpu.memory_space<vmem>>, vector<1x16xf32>,
        %get3A_363 = arith.index_cast %scan3A_280 : i32 to index
        %get3A_364 = arith.constant 96 : index
        %get3A_365 = tpu.vector_load %arg8[%get3A_363, %get3A_364] {strides = array<i32>} : memref<16x768xf32, #tpu.memory_space<vmem>>, vector<1x16xf32>,
        %get3A_366 = vector.shape_cast %get3A_365 : vector<1x16xf32> to vector<16xf32>
        %get3A_367 = arith.index_cast %scan3A_280 : i32 to index
        %get3A_368 = arith.constant 96 : index
        %get3A_369 = tpu.vector_load %arg12[%get3A_367, %get3A_368] {strides = array<i32>} : memref<16x768xf32, #tpu.memory_space<vmem>>, vector<1x16xf32>,
        %get3A_370 = vector.shape_cast %get3A_369 : vector<1x16xf32> to vector<16xf32>
        %add3A_371 = arith.addf %get3A_366, %get3A_370 : vector<16xf32>
        %swap3A_372 = arith.index_cast %scan3A_280 : i32 to index
        %swap3A_373 = arith.constant 96 : index
        %swap3A_374 = tpu.vector_load %arg8[%swap3A_372, %swap3A_373] {strides = array<i32>} : memref<16x768xf32, #tpu.memory_space<vmem>>, vector<1x16xf32>,
        %swap3A_375 = vector.shape_cast %swap3A_374 : vector<1x16xf32> to vector<16xf32>
        %swap3A_376 = vector.shape_cast %add3A_371 : vector<16xf32> to vector<1x16xf32>
        tpu.vector_store %arg8[%swap3A_372, %swap3A_373], %swap3A_376 {strides = array<i32>} : memref<16x768xf32, #tpu.memory_space<vmem>>, vector<1x16xf32>,
        %get3A_377 = arith.index_cast %scan3A_280 : i32 to index
        %get3A_378 = arith.constant 112 : index
        %get3A_379 = tpu.vector_load %arg8[%get3A_377, %get3A_378] {strides = array<i32>} : memref<16x768xf32, #tpu.memory_space<vmem>>, vector<1x16xf32>,
        %get3A_380 = vector.shape_cast %get3A_379 : vector<1x16xf32> to vector<16xf32>
        %get3A_381 = arith.index_cast %scan3A_280 : i32 to index
        %get3A_382 = arith.constant 112 : index
        %get3A_383 = tpu.vector_load %arg12[%get3A_381, %get3A_382] {strides = array<i32>} : memref<16x768xf32, #tpu.memory_space<vmem>>, vector<1x16xf32>,
        %get3A_384 = vector.shape_cast %get3A_383 : vector<1x16xf32> to vector<16xf32>
        %add3A_385 = arith.addf %get3A_380, %get3A_384 : vector<16xf32>
        %swap3A_386 = arith.index_cast %scan3A_280 : i32 to index
        %swap3A_387 = arith.constant 112 : index
        %swap3A_388 = tpu.vector_load %arg8[%swap3A_386, %swap3A_387] {strides = array<i32>} : memref<16x768xf32, #tpu.memory_space<vmem>>, vector<1x16xf32>,
        %swap3A_389 = vector.shape_cast %swap3A_388 : vector<1x16xf32> to vector<16xf32>
        %swap3A_390 = vector.shape_cast %add3A_385 : vector<16xf32> to vector<1x16xf32>
        tpu.vector_store %arg8[%swap3A_386, %swap3A_387], %swap3A_390 {strides = array<i32>} : memref<16x768xf32, #tpu.memory_space<vmem>>, vector<1x16xf32>,
        %get3A_391 = arith.index_cast %scan3A_280 : i32 to index
        %get3A_392 = arith.constant 128 : index
        %get3A_393 = tpu.vector_load %arg8[%get3A_391, %get3A_392] {strides = array<i32>} : memref<16x768xf32, #tpu.memory_space<vmem>>, vector<1x16xf32>,
        %get3A_394 = vector.shape_cast %get3A_393 : vector<1x16xf32> to vector<16xf32>
        %get3A_395 = arith.index_cast %scan3A_280 : i32 to index
        %get3A_396 = arith.constant 128 : index
        %get3A_397 = tpu.vector_load %arg12[%get3A_395, %get3A_396] {strides = array<i32>} : memref<16x768xf32, #tpu.memory_space<vmem>>, vector<1x16xf32>,
        %get3A_398 = vector.shape_cast %get3A_397 : vector<1x16xf32> to vector<16xf32>
        %add3A_399 = arith.addf %get3A_394, %get3A_398 : vector<16xf32>
        %swap3A_400 = arith.index_cast %scan3A_280 : i32 to index
        %swap3A_401 = arith.constant 128 : index
        %swap3A_402 = tpu.vector_load %arg8[%swap3A_400, %swap3A_401] {strides = array<i32>} : memref<16x768xf32, #tpu.memory_space<vmem>>, vector<1x16xf32>,
        %swap3A_403 = vector.shape_cast %swap3A_402 : vector<1x16xf32> to vector<16xf32>
        %swap3A_404 = vector.shape_cast %add3A_399 : vector<16xf32> to vector<1x16xf32>
        tpu.vector_store %arg8[%swap3A_400, %swap3A_401], %swap3A_404 {strides = array<i32>} : memref<16x768xf32, #tpu.memory_space<vmem>>, vector<1x16xf32>,
        %get3A_405 = arith.index_cast %scan3A_280 : i32 to index
        %get3A_406 = arith.constant 144 : index
        %get3A_407 = tpu.vector_load %arg8[%get3A_405, %get3A_406] {strides = array<i32>} : memref<16x768xf32, #tpu.memory_space<vmem>>, vector<1x16xf32>,
        %get3A_408 = vector.shape_cast %get3A_407 : vector<1x16xf32> to vector<16xf32>
        %get3A_409 = arith.index_cast %scan3A_280 : i32 to index
        %get3A_410 = arith.constant 144 : index
        %get3A_411 = tpu.vector_load %arg12[%get3A_409, %get3A_410] {strides = array<i32>} : memref<16x768xf32, #tpu.memory_space<vmem>>, vector<1x16xf32>,
        %get3A_412 = vector.shape_cast %get3A_411 : vector<1x16xf32> to vector<16xf32>
        %add3A_413 = arith.addf %get3A_408, %get3A_412 : vector<16xf32>
        %swap3A_414 = arith.index_cast %scan3A_280 : i32 to index
        %swap3A_415 = arith.constant 144 : index
        %swap3A_416 = tpu.vector_load %arg8[%swap3A_414, %swap3A_415] {strides = array<i32>} : memref<16x768xf32, #tpu.memory_space<vmem>>, vector<1x16xf32>,
        %swap3A_417 = vector.shape_cast %swap3A_416 : vector<1x16xf32> to vector<16xf32>
        %swap3A_418 = vector.shape_cast %add3A_413 : vector<16xf32> to vector<1x16xf32>
        tpu.vector_store %arg8[%swap3A_414, %swap3A_415], %swap3A_418 {strides = array<i32>} : memref<16x768xf32, #tpu.memory_space<vmem>>, vector<1x16xf32>,
        %get3A_419 = arith.index_cast %scan3A_280 : i32 to index
        %get3A_420 = arith.constant 160 : index
        %get3A_421 = tpu.vector_load %arg8[%get3A_419, %get3A_420] {strides = array<i32>} : memref<16x768xf32, #tpu.memory_space<vmem>>, vector<1x16xf32>,
        %get3A_422 = vector.shape_cast %get3A_421 : vector<1x16xf32> to vector<16xf32>
        %get3A_423 = arith.index_cast %scan3A_280 : i32 to index
        %get3A_424 = arith.constant 160 : index
        %get3A_425 = tpu.vector_load %arg12[%get3A_423, %get3A_424] {strides = array<i32>} : memref<16x768xf32, #tpu.memory_space<vmem>>, vector<1x16xf32>,
        %get3A_426 = vector.shape_cast %get3A_425 : vector<1x16xf32> to vector<16xf32>
        %add3A_427 = arith.addf %get3A_422, %get3A_426 : vector<16xf32>
        %swap3A_428 = arith.index_cast %scan3A_280 : i32 to index
        %swap3A_429 = arith.constant 160 : index
        %swap3A_430 = tpu.vector_load %arg8[%swap3A_428, %swap3A_429] {strides = array<i32>} : memref<16x768xf32, #tpu.memory_space<vmem>>, vector<1x16xf32>,
        %swap3A_431 = vector.shape_cast %swap3A_430 : vector<1x16xf32> to vector<16xf32>
        %swap3A_432 = vector.shape_cast %add3A_427 : vector<16xf32> to vector<1x16xf32>
        tpu.vector_store %arg8[%swap3A_428, %swap3A_429], %swap3A_432 {strides = array<i32>} : memref<16x768xf32, #tpu.memory_space<vmem>>, vector<1x16xf32>,
        %get3A_433 = arith.index_cast %scan3A_280 : i32 to index
        %get3A_434 = arith.constant 176 : index
        %get3A_435 = tpu.vector_load %arg8[%get3A_433, %get3A_434] {strides = array<i32>} : memref<16x768xf32, #tpu.memory_space<vmem>>, vector<1x16xf32>,
        %get3A_436 = vector.shape_cast %get3A_435 : vector<1x16xf32> to vector<16xf32>
        %get3A_437 = arith.index_cast %scan3A_280 : i32 to index
        %get3A_438 = arith.constant 176 : index
        %get3A_439 = tpu.vector_load %arg12[%get3A_437, %get3A_438] {strides = array<i32>} : memref<16x768xf32, #tpu.memory_space<vmem>>, vector<1x16xf32>,
        %get3A_440 = vector.shape_cast %get3A_439 : vector<1x16xf32> to vector<16xf32>
        %add3A_441 = arith.addf %get3A_436, %get3A_440 : vector<16xf32>
        %swap3A_442 = arith.index_cast %scan3A_280 : i32 to index
        %swap3A_443 = arith.constant 176 : index
        %swap3A_444 = tpu.vector_load %arg8[%swap3A_442, %swap3A_443] {strides = array<i32>} : memref<16x768xf32, #tpu.memory_space<vmem>>, vector<1x16xf32>,
        %swap3A_445 = vector.shape_cast %swap3A_444 : vector<1x16xf32> to vector<16xf32>
        %swap3A_446 = vector.shape_cast %add3A_441 : vector<16xf32> to vector<1x16xf32>
        tpu.vector_store %arg8[%swap3A_442, %swap3A_443], %swap3A_446 {strides = array<i32>} : memref<16x768xf32, #tpu.memory_space<vmem>>, vector<1x16xf32>,
        %get3A_447 = arith.index_cast %scan3A_280 : i32 to index
        %get3A_448 = arith.constant 192 : index
        %get3A_449 = tpu.vector_load %arg8[%get3A_447, %get3A_448] {strides = array<i32>} : memref<16x768xf32, #tpu.memory_space<vmem>>, vector<1x16xf32>,
        %get3A_450 = vector.shape_cast %get3A_449 : vector<1x16xf32> to vector<16xf32>
        %get3A_451 = arith.index_cast %scan3A_280 : i32 to index
        %get3A_452 = arith.constant 192 : index
        %get3A_453 = tpu.vector_load %arg12[%get3A_451, %get3A_452] {strides = array<i32>} : memref<16x768xf32, #tpu.memory_space<vmem>>, vector<1x16xf32>,
        %get3A_454 = vector.shape_cast %get3A_453 : vector<1x16xf32> to vector<16xf32>
        %add3A_455 = arith.addf %get3A_450, %get3A_454 : vector<16xf32>
        %swap3A_456 = arith.index_cast %scan3A_280 : i32 to index
        %swap3A_457 = arith.constant 192 : index
        %swap3A_458 = tpu.vector_load %arg8[%swap3A_456, %swap3A_457] {strides = array<i32>} : memref<16x768xf32, #tpu.memory_space<vmem>>, vector<1x16xf32>,
        %swap3A_459 = vector.shape_cast %swap3A_458 : vector<1x16xf32> to vector<16xf32>
        %swap3A_460 = vector.shape_cast %add3A_455 : vector<16xf32> to vector<1x16xf32>
        tpu.vector_store %arg8[%swap3A_456, %swap3A_457], %swap3A_460 {strides = array<i32>} : memref<16x768xf32, #tpu.memory_space<vmem>>, vector<1x16xf32>,
        %get3A_461 = arith.index_cast %scan3A_280 : i32 to index
        %get3A_462 = arith.constant 208 : index
        %get3A_463 = tpu.vector_load %arg8[%get3A_461, %get3A_462] {strides = array<i32>} : memref<16x768xf32, #tpu.memory_space<vmem>>, vector<1x16xf32>,
        %get3A_464 = vector.shape_cast %get3A_463 : vector<1x16xf32> to vector<16xf32>
        %get3A_465 = arith.index_cast %scan3A_280 : i32 to index
        %get3A_466 = arith.constant 208 : index
        %get3A_467 = tpu.vector_load %arg12[%get3A_465, %get3A_466] {strides = array<i32>} : memref<16x768xf32, #tpu.memory_space<vmem>>, vector<1x16xf32>,
        %get3A_468 = vector.shape_cast %get3A_467 : vector<1x16xf32> to vector<16xf32>
        %add3A_469 = arith.addf %get3A_464, %get3A_468 : vector<16xf32>
        %swap3A_470 = arith.index_cast %scan3A_280 : i32 to index
        %swap3A_471 = arith.constant 208 : index
        %swap3A_472 = tpu.vector_load %arg8[%swap3A_470, %swap3A_471] {strides = array<i32>} : memref<16x768xf32, #tpu.memory_space<vmem>>, vector<1x16xf32>,
        %swap3A_473 = vector.shape_cast %swap3A_472 : vector<1x16xf32> to vector<16xf32>
        %swap3A_474 = vector.shape_cast %add3A_469 : vector<16xf32> to vector<1x16xf32>
        tpu.vector_store %arg8[%swap3A_470, %swap3A_471], %swap3A_474 {strides = array<i32>} : memref<16x768xf32, #tpu.memory_space<vmem>>, vector<1x16xf32>,
        %get3A_475 = arith.index_cast %scan3A_280 : i32 to index
        %get3A_476 = arith.constant 224 : index
        %get3A_477 = tpu.vector_load %arg8[%get3A_475, %get3A_476] {strides = array<i32>} : memref<16x768xf32, #tpu.memory_space<vmem>>, vector<1x16xf32>,
        %get3A_478 = vector.shape_cast %get3A_477 : vector<1x16xf32> to vector<16xf32>
        %get3A_479 = arith.index_cast %scan3A_280 : i32 to index
        %get3A_480 = arith.constant 224 : index
        %get3A_481 = tpu.vector_load %arg12[%get3A_479, %get3A_480] {strides = array<i32>} : memref<16x768xf32, #tpu.memory_space<vmem>>, vector<1x16xf32>,
        %get3A_482 = vector.shape_cast %get3A_481 : vector<1x16xf32> to vector<16xf32>
        %add3A_483 = arith.addf %get3A_478, %get3A_482 : vector<16xf32>
        %swap3A_484 = arith.index_cast %scan3A_280 : i32 to index
        %swap3A_485 = arith.constant 224 : index
        %swap3A_486 = tpu.vector_load %arg8[%swap3A_484, %swap3A_485] {strides = array<i32>} : memref<16x768xf32, #tpu.memory_space<vmem>>, vector<1x16xf32>,
        %swap3A_487 = vector.shape_cast %swap3A_486 : vector<1x16xf32> to vector<16xf32>
        %swap3A_488 = vector.shape_cast %add3A_483 : vector<16xf32> to vector<1x16xf32>
        tpu.vector_store %arg8[%swap3A_484, %swap3A_485], %swap3A_488 {strides = array<i32>} : memref<16x768xf32, #tpu.memory_space<vmem>>, vector<1x16xf32>,
        %get3A_489 = arith.index_cast %scan3A_280 : i32 to index
        %get3A_490 = arith.constant 240 : index
        %get3A_491 = tpu.vector_load %arg8[%get3A_489, %get3A_490] {strides = array<i32>} : memref<16x768xf32, #tpu.memory_space<vmem>>, vector<1x16xf32>,
        %get3A_492 = vector.shape_cast %get3A_491 : vector<1x16xf32> to vector<16xf32>
        %get3A_493 = arith.index_cast %scan3A_280 : i32 to index
        %get3A_494 = arith.constant 240 : index
        %get3A_495 = tpu.vector_load %arg12[%get3A_493, %get3A_494] {strides = array<i32>} : memref<16x768xf32, #tpu.memory_space<vmem>>, vector<1x16xf32>,
        %get3A_496 = vector.shape_cast %get3A_495 : vector<1x16xf32> to vector<16xf32>
        %add3A_497 = arith.addf %get3A_492, %get3A_496 : vector<16xf32>
        %swap3A_498 = arith.index_cast %scan3A_280 : i32 to index
        %swap3A_499 = arith.constant 240 : index
        %swap3A_500 = tpu.vector_load %arg8[%swap3A_498, %swap3A_499] {strides = array<i32>} : memref<16x768xf32, #tpu.memory_space<vmem>>, vector<1x16xf32>,
        %swap3A_501 = vector.shape_cast %swap3A_500 : vector<1x16xf32> to vector<16xf32>
        %swap3A_502 = vector.shape_cast %add3A_497 : vector<16xf32> to vector<1x16xf32>
        tpu.vector_store %arg8[%swap3A_498, %swap3A_499], %swap3A_502 {strides = array<i32>} : memref<16x768xf32, #tpu.memory_space<vmem>>, vector<1x16xf32>,
        %get3A_503 = arith.index_cast %scan3A_280 : i32 to index
        %get3A_504 = arith.constant 256 : index
        %get3A_505 = tpu.vector_load %arg8[%get3A_503, %get3A_504] {strides = array<i32>} : memref<16x768xf32, #tpu.memory_space<vmem>>, vector<1x16xf32>,
        %get3A_506 = vector.shape_cast %get3A_505 : vector<1x16xf32> to vector<16xf32>
        %get3A_507 = arith.index_cast %scan3A_280 : i32 to index
        %get3A_508 = arith.constant 256 : index
        %get3A_509 = tpu.vector_load %arg12[%get3A_507, %get3A_508] {strides = array<i32>} : memref<16x768xf32, #tpu.memory_space<vmem>>, vector<1x16xf32>,
        %get3A_510 = vector.shape_cast %get3A_509 : vector<1x16xf32> to vector<16xf32>
        %add3A_511 = arith.addf %get3A_506, %get3A_510 : vector<16xf32>
        %swap3A_512 = arith.index_cast %scan3A_280 : i32 to index
        %swap3A_513 = arith.constant 256 : index
        %swap3A_514 = tpu.vector_load %arg8[%swap3A_512, %swap3A_513] {strides = array<i32>} : memref<16x768xf32, #tpu.memory_space<vmem>>, vector<1x16xf32>,
        %swap3A_515 = vector.shape_cast %swap3A_514 : vector<1x16xf32> to vector<16xf32>
        %swap3A_516 = vector.shape_cast %add3A_511 : vector<16xf32> to vector<1x16xf32>
        tpu.vector_store %arg8[%swap3A_512, %swap3A_513], %swap3A_516 {strides = array<i32>} : memref<16x768xf32, #tpu.memory_space<vmem>>, vector<1x16xf32>,
        %get3A_517 = arith.index_cast %scan3A_280 : i32 to index
        %get3A_518 = arith.constant 272 : index
        %get3A_519 = tpu.vector_load %arg8[%get3A_517, %get3A_518] {strides = array<i32>} : memref<16x768xf32, #tpu.memory_space<vmem>>, vector<1x16xf32>,
        %get3A_520 = vector.shape_cast %get3A_519 : vector<1x16xf32> to vector<16xf32>
        %get3A_521 = arith.index_cast %scan3A_280 : i32 to index
        %get3A_522 = arith.constant 272 : index
        %get3A_523 = tpu.vector_load %arg12[%get3A_521, %get3A_522] {strides = array<i32>} : memref<16x768xf32, #tpu.memory_space<vmem>>, vector<1x16xf32>,
        %get3A_524 = vector.shape_cast %get3A_523 : vector<1x16xf32> to vector<16xf32>
        %add3A_525 = arith.addf %get3A_520, %get3A_524 : vector<16xf32>
        %swap3A_526 = arith.index_cast %scan3A_280 : i32 to index
        %swap3A_527 = arith.constant 272 : index
        %swap3A_528 = tpu.vector_load %arg8[%swap3A_526, %swap3A_527] {strides = array<i32>} : memref<16x768xf32, #tpu.memory_space<vmem>>, vector<1x16xf32>,
        %swap3A_529 = vector.shape_cast %swap3A_528 : vector<1x16xf32> to vector<16xf32>
        %swap3A_530 = vector.shape_cast %add3A_525 : vector<16xf32> to vector<1x16xf32>
        tpu.vector_store %arg8[%swap3A_526, %swap3A_527], %swap3A_530 {strides = array<i32>} : memref<16x768xf32, #tpu.memory_space<vmem>>, vector<1x16xf32>,
        %get3A_531 = arith.index_cast %scan3A_280 : i32 to index
        %get3A_532 = arith.constant 288 : index
        %get3A_533 = tpu.vector_load %arg8[%get3A_531, %get3A_532] {strides = array<i32>} : memref<16x768xf32, #tpu.memory_space<vmem>>, vector<1x16xf32>,
        %get3A_534 = vector.shape_cast %get3A_533 : vector<1x16xf32> to vector<16xf32>
        %get3A_535 = arith.index_cast %scan3A_280 : i32 to index
        %get3A_536 = arith.constant 288 : index
        %get3A_537 = tpu.vector_load %arg12[%get3A_535, %get3A_536] {strides = array<i32>} : memref<16x768xf32, #tpu.memory_space<vmem>>, vector<1x16xf32>,
        %get3A_538 = vector.shape_cast %get3A_537 : vector<1x16xf32> to vector<16xf32>
        %add3A_539 = arith.addf %get3A_534, %get3A_538 : vector<16xf32>
        %swap3A_540 = arith.index_cast %scan3A_280 : i32 to index
        %swap3A_541 = arith.constant 288 : index
        %swap3A_542 = tpu.vector_load %arg8[%swap3A_540, %swap3A_541] {strides = array<i32>} : memref<16x768xf32, #tpu.memory_space<vmem>>, vector<1x16xf32>,
        %swap3A_543 = vector.shape_cast %swap3A_542 : vector<1x16xf32> to vector<16xf32>
        %swap3A_544 = vector.shape_cast %add3A_539 : vector<16xf32> to vector<1x16xf32>
        tpu.vector_store %arg8[%swap3A_540, %swap3A_541], %swap3A_544 {strides = array<i32>} : memref<16x768xf32, #tpu.memory_space<vmem>>, vector<1x16xf32>,
        %get3A_545 = arith.index_cast %scan3A_280 : i32 to index
        %get3A_546 = arith.constant 304 : index
        %get3A_547 = tpu.vector_load %arg8[%get3A_545, %get3A_546] {strides = array<i32>} : memref<16x768xf32, #tpu.memory_space<vmem>>, vector<1x16xf32>,
        %get3A_548 = vector.shape_cast %get3A_547 : vector<1x16xf32> to vector<16xf32>
        %get3A_549 = arith.index_cast %scan3A_280 : i32 to index
        %get3A_550 = arith.constant 304 : index
        %get3A_551 = tpu.vector_load %arg12[%get3A_549, %get3A_550] {strides = array<i32>} : memref<16x768xf32, #tpu.memory_space<vmem>>, vector<1x16xf32>,
        %get3A_552 = vector.shape_cast %get3A_551 : vector<1x16xf32> to vector<16xf32>
        %add3A_553 = arith.addf %get3A_548, %get3A_552 : vector<16xf32>
        %swap3A_554 = arith.index_cast %scan3A_280 : i32 to index
        %swap3A_555 = arith.constant 304 : index
        %swap3A_556 = tpu.vector_load %arg8[%swap3A_554, %swap3A_555] {strides = array<i32>} : memref<16x768xf32, #tpu.memory_space<vmem>>, vector<1x16xf32>,
        %swap3A_557 = vector.shape_cast %swap3A_556 : vector<1x16xf32> to vector<16xf32>
        %swap3A_558 = vector.shape_cast %add3A_553 : vector<16xf32> to vector<1x16xf32>
        tpu.vector_store %arg8[%swap3A_554, %swap3A_555], %swap3A_558 {strides = array<i32>} : memref<16x768xf32, #tpu.memory_space<vmem>>, vector<1x16xf32>,
        %get3A_559 = arith.index_cast %scan3A_280 : i32 to index
        %get3A_560 = arith.constant 320 : index
        %get3A_561 = tpu.vector_load %arg8[%get3A_559, %get3A_560] {strides = array<i32>} : memref<16x768xf32, #tpu.memory_space<vmem>>, vector<1x16xf32>,
        %get3A_562 = vector.shape_cast %get3A_561 : vector<1x16xf32> to vector<16xf32>
        %get3A_563 = arith.index_cast %scan3A_280 : i32 to index
        %get3A_564 = arith.constant 320 : index
        %get3A_565 = tpu.vector_load %arg12[%get3A_563, %get3A_564] {strides = array<i32>} : memref<16x768xf32, #tpu.memory_space<vmem>>, vector<1x16xf32>,
        %get3A_566 = vector.shape_cast %get3A_565 : vector<1x16xf32> to vector<16xf32>
        %add3A_567 = arith.addf %get3A_562, %get3A_566 : vector<16xf32>
        %swap3A_568 = arith.index_cast %scan3A_280 : i32 to index
        %swap3A_569 = arith.constant 320 : index
        %swap3A_570 = tpu.vector_load %arg8[%swap3A_568, %swap3A_569] {strides = array<i32>} : memref<16x768xf32, #tpu.memory_space<vmem>>, vector<1x16xf32>,
        %swap3A_571 = vector.shape_cast %swap3A_570 : vector<1x16xf32> to vector<16xf32>
        %swap3A_572 = vector.shape_cast %add3A_567 : vector<16xf32> to vector<1x16xf32>
        tpu.vector_store %arg8[%swap3A_568, %swap3A_569], %swap3A_572 {strides = array<i32>} : memref<16x768xf32, #tpu.memory_space<vmem>>, vector<1x16xf32>,
        %get3A_573 = arith.index_cast %scan3A_280 : i32 to index
        %get3A_574 = arith.constant 336 : index
        %get3A_575 = tpu.vector_load %arg8[%get3A_573, %get3A_574] {strides = array<i32>} : memref<16x768xf32, #tpu.memory_space<vmem>>, vector<1x16xf32>,
        %get3A_576 = vector.shape_cast %get3A_575 : vector<1x16xf32> to vector<16xf32>
        %get3A_577 = arith.index_cast %scan3A_280 : i32 to index
        %get3A_578 = arith.constant 336 : index
        %get3A_579 = tpu.vector_load %arg12[%get3A_577, %get3A_578] {strides = array<i32>} : memref<16x768xf32, #tpu.memory_space<vmem>>, vector<1x16xf32>,
        %get3A_580 = vector.shape_cast %get3A_579 : vector<1x16xf32> to vector<16xf32>
        %add3A_581 = arith.addf %get3A_576, %get3A_580 : vector<16xf32>
        %swap3A_582 = arith.index_cast %scan3A_280 : i32 to index
        %swap3A_583 = arith.constant 336 : index
        %swap3A_584 = tpu.vector_load %arg8[%swap3A_582, %swap3A_583] {strides = array<i32>} : memref<16x768xf32, #tpu.memory_space<vmem>>, vector<1x16xf32>,
        %swap3A_585 = vector.shape_cast %swap3A_584 : vector<1x16xf32> to vector<16xf32>
        %swap3A_586 = vector.shape_cast %add3A_581 : vector<16xf32> to vector<1x16xf32>
        tpu.vector_store %arg8[%swap3A_582, %swap3A_583], %swap3A_586 {strides = array<i32>} : memref<16x768xf32, #tpu.memory_space<vmem>>, vector<1x16xf32>,
        %get3A_587 = arith.index_cast %scan3A_280 : i32 to index
        %get3A_588 = arith.constant 352 : index
        %get3A_589 = tpu.vector_load %arg8[%get3A_587, %get3A_588] {strides = array<i32>} : memref<16x768xf32, #tpu.memory_space<vmem>>, vector<1x16xf32>,
        %get3A_590 = vector.shape_cast %get3A_589 : vector<1x16xf32> to vector<16xf32>
        %get3A_591 = arith.index_cast %scan3A_280 : i32 to index
        %get3A_592 = arith.constant 352 : index
        %get3A_593 = tpu.vector_load %arg12[%get3A_591, %get3A_592] {strides = array<i32>} : memref<16x768xf32, #tpu.memory_space<vmem>>, vector<1x16xf32>,
        %get3A_594 = vector.shape_cast %get3A_593 : vector<1x16xf32> to vector<16xf32>
        %add3A_595 = arith.addf %get3A_590, %get3A_594 : vector<16xf32>
        %swap3A_596 = arith.index_cast %scan3A_280 : i32 to index
        %swap3A_597 = arith.constant 352 : index
        %swap3A_598 = tpu.vector_load %arg8[%swap3A_596, %swap3A_597] {strides = array<i32>} : memref<16x768xf32, #tpu.memory_space<vmem>>, vector<1x16xf32>,
        %swap3A_599 = vector.shape_cast %swap3A_598 : vector<1x16xf32> to vector<16xf32>
        %swap3A_600 = vector.shape_cast %add3A_595 : vector<16xf32> to vector<1x16xf32>
        tpu.vector_store %arg8[%swap3A_596, %swap3A_597], %swap3A_600 {strides = array<i32>} : memref<16x768xf32, #tpu.memory_space<vmem>>, vector<1x16xf32>,
        %get3A_601 = arith.index_cast %scan3A_280 : i32 to index
        %get3A_602 = arith.constant 368 : index
        %get3A_603 = tpu.vector_load %arg8[%get3A_601, %get3A_602] {strides = array<i32>} : memref<16x768xf32, #tpu.memory_space<vmem>>, vector<1x16xf32>,
        %get3A_604 = vector.shape_cast %get3A_603 : vector<1x16xf32> to vector<16xf32>
        %get3A_605 = arith.index_cast %scan3A_280 : i32 to index
        %get3A_606 = arith.constant 368 : index
        %get3A_607 = tpu.vector_load %arg12[%get3A_605, %get3A_606] {strides = array<i32>} : memref<16x768xf32, #tpu.memory_space<vmem>>, vector<1x16xf32>,
        %get3A_608 = vector.shape_cast %get3A_607 : vector<1x16xf32> to vector<16xf32>
        %add3A_609 = arith.addf %get3A_604, %get3A_608 : vector<16xf32>
        %swap3A_610 = arith.index_cast %scan3A_280 : i32 to index
        %swap3A_611 = arith.constant 368 : index
        %swap3A_612 = tpu.vector_load %arg8[%swap3A_610, %swap3A_611] {strides = array<i32>} : memref<16x768xf32, #tpu.memory_space<vmem>>, vector<1x16xf32>,
        %swap3A_613 = vector.shape_cast %swap3A_612 : vector<1x16xf32> to vector<16xf32>
        %swap3A_614 = vector.shape_cast %add3A_609 : vector<16xf32> to vector<1x16xf32>
        tpu.vector_store %arg8[%swap3A_610, %swap3A_611], %swap3A_614 {strides = array<i32>} : memref<16x768xf32, #tpu.memory_space<vmem>>, vector<1x16xf32>,
        %get3A_615 = arith.index_cast %scan3A_280 : i32 to index
        %get3A_616 = arith.constant 384 : index
        %get3A_617 = tpu.vector_load %arg8[%get3A_615, %get3A_616] {strides = array<i32>} : memref<16x768xf32, #tpu.memory_space<vmem>>, vector<1x16xf32>,
        %get3A_618 = vector.shape_cast %get3A_617 : vector<1x16xf32> to vector<16xf32>
        %get3A_619 = arith.index_cast %scan3A_280 : i32 to index
        %get3A_620 = arith.constant 384 : index
        %get3A_621 = tpu.vector_load %arg12[%get3A_619, %get3A_620] {strides = array<i32>} : memref<16x768xf32, #tpu.memory_space<vmem>>, vector<1x16xf32>,
        %get3A_622 = vector.shape_cast %get3A_621 : vector<1x16xf32> to vector<16xf32>
        %add3A_623 = arith.addf %get3A_618, %get3A_622 : vector<16xf32>
        %swap3A_624 = arith.index_cast %scan3A_280 : i32 to index
        %swap3A_625 = arith.constant 384 : index
        %swap3A_626 = tpu.vector_load %arg8[%swap3A_624, %swap3A_625] {strides = array<i32>} : memref<16x768xf32, #tpu.memory_space<vmem>>, vector<1x16xf32>,
        %swap3A_627 = vector.shape_cast %swap3A_626 : vector<1x16xf32> to vector<16xf32>
        %swap3A_628 = vector.shape_cast %add3A_623 : vector<16xf32> to vector<1x16xf32>
        tpu.vector_store %arg8[%swap3A_624, %swap3A_625], %swap3A_628 {strides = array<i32>} : memref<16x768xf32, #tpu.memory_space<vmem>>, vector<1x16xf32>,
        %get3A_629 = arith.index_cast %scan3A_280 : i32 to index
        %get3A_630 = arith.constant 400 : index
        %get3A_631 = tpu.vector_load %arg8[%get3A_629, %get3A_630] {strides = array<i32>} : memref<16x768xf32, #tpu.memory_space<vmem>>, vector<1x16xf32>,
        %get3A_632 = vector.shape_cast %get3A_631 : vector<1x16xf32> to vector<16xf32>
        %get3A_633 = arith.index_cast %scan3A_280 : i32 to index
        %get3A_634 = arith.constant 400 : index
        %get3A_635 = tpu.vector_load %arg12[%get3A_633, %get3A_634] {strides = array<i32>} : memref<16x768xf32, #tpu.memory_space<vmem>>, vector<1x16xf32>,
        %get3A_636 = vector.shape_cast %get3A_635 : vector<1x16xf32> to vector<16xf32>
        %add3A_637 = arith.addf %get3A_632, %get3A_636 : vector<16xf32>
        %swap3A_638 = arith.index_cast %scan3A_280 : i32 to index
        %swap3A_639 = arith.constant 400 : index
        %swap3A_640 = tpu.vector_load %arg8[%swap3A_638, %swap3A_639] {strides = array<i32>} : memref<16x768xf32, #tpu.memory_space<vmem>>, vector<1x16xf32>,
        %swap3A_641 = vector.shape_cast %swap3A_640 : vector<1x16xf32> to vector<16xf32>
        %swap3A_642 = vector.shape_cast %add3A_637 : vector<16xf32> to vector<1x16xf32>
        tpu.vector_store %arg8[%swap3A_638, %swap3A_639], %swap3A_642 {strides = array<i32>} : memref<16x768xf32, #tpu.memory_space<vmem>>, vector<1x16xf32>,
        %get3A_643 = arith.index_cast %scan3A_280 : i32 to index
        %get3A_644 = arith.constant 416 : index
        %get3A_645 = tpu.vector_load %arg8[%get3A_643, %get3A_644] {strides = array<i32>} : memref<16x768xf32, #tpu.memory_space<vmem>>, vector<1x16xf32>,
        %get3A_646 = vector.shape_cast %get3A_645 : vector<1x16xf32> to vector<16xf32>
        %get3A_647 = arith.index_cast %scan3A_280 : i32 to index
        %get3A_648 = arith.constant 416 : index
        %get3A_649 = tpu.vector_load %arg12[%get3A_647, %get3A_648] {strides = array<i32>} : memref<16x768xf32, #tpu.memory_space<vmem>>, vector<1x16xf32>,
        %get3A_650 = vector.shape_cast %get3A_649 : vector<1x16xf32> to vector<16xf32>
        %add3A_651 = arith.addf %get3A_646, %get3A_650 : vector<16xf32>
        %swap3A_652 = arith.index_cast %scan3A_280 : i32 to index
        %swap3A_653 = arith.constant 416 : index
        %swap3A_654 = tpu.vector_load %arg8[%swap3A_652, %swap3A_653] {strides = array<i32>} : memref<16x768xf32, #tpu.memory_space<vmem>>, vector<1x16xf32>,
        %swap3A_655 = vector.shape_cast %swap3A_654 : vector<1x16xf32> to vector<16xf32>
        %swap3A_656 = vector.shape_cast %add3A_651 : vector<16xf32> to vector<1x16xf32>
        tpu.vector_store %arg8[%swap3A_652, %swap3A_653], %swap3A_656 {strides = array<i32>} : memref<16x768xf32, #tpu.memory_space<vmem>>, vector<1x16xf32>,
        %get3A_657 = arith.index_cast %scan3A_280 : i32 to index
        %get3A_658 = arith.constant 432 : index
        %get3A_659 = tpu.vector_load %arg8[%get3A_657, %get3A_658] {strides = array<i32>} : memref<16x768xf32, #tpu.memory_space<vmem>>, vector<1x16xf32>,
        %get3A_660 = vector.shape_cast %get3A_659 : vector<1x16xf32> to vector<16xf32>
        %get3A_661 = arith.index_cast %scan3A_280 : i32 to index
        %get3A_662 = arith.constant 432 : index
        %get3A_663 = tpu.vector_load %arg12[%get3A_661, %get3A_662] {strides = array<i32>} : memref<16x768xf32, #tpu.memory_space<vmem>>, vector<1x16xf32>,
        %get3A_664 = vector.shape_cast %get3A_663 : vector<1x16xf32> to vector<16xf32>
        %add3A_665 = arith.addf %get3A_660, %get3A_664 : vector<16xf32>
        %swap3A_666 = arith.index_cast %scan3A_280 : i32 to index
        %swap3A_667 = arith.constant 432 : index
        %swap3A_668 = tpu.vector_load %arg8[%swap3A_666, %swap3A_667] {strides = array<i32>} : memref<16x768xf32, #tpu.memory_space<vmem>>, vector<1x16xf32>,
        %swap3A_669 = vector.shape_cast %swap3A_668 : vector<1x16xf32> to vector<16xf32>
        %swap3A_670 = vector.shape_cast %add3A_665 : vector<16xf32> to vector<1x16xf32>
        tpu.vector_store %arg8[%swap3A_666, %swap3A_667], %swap3A_670 {strides = array<i32>} : memref<16x768xf32, #tpu.memory_space<vmem>>, vector<1x16xf32>,
        %get3A_671 = arith.index_cast %scan3A_280 : i32 to index
        %get3A_672 = arith.constant 448 : index
        %get3A_673 = tpu.vector_load %arg8[%get3A_671, %get3A_672] {strides = array<i32>} : memref<16x768xf32, #tpu.memory_space<vmem>>, vector<1x16xf32>,
        %get3A_674 = vector.shape_cast %get3A_673 : vector<1x16xf32> to vector<16xf32>
        %get3A_675 = arith.index_cast %scan3A_280 : i32 to index
        %get3A_676 = arith.constant 448 : index
        %get3A_677 = tpu.vector_load %arg12[%get3A_675, %get3A_676] {strides = array<i32>} : memref<16x768xf32, #tpu.memory_space<vmem>>, vector<1x16xf32>,
        %get3A_678 = vector.shape_cast %get3A_677 : vector<1x16xf32> to vector<16xf32>
        %add3A_679 = arith.addf %get3A_674, %get3A_678 : vector<16xf32>
        %swap3A_680 = arith.index_cast %scan3A_280 : i32 to index
        %swap3A_681 = arith.constant 448 : index
        %swap3A_682 = tpu.vector_load %arg8[%swap3A_680, %swap3A_681] {strides = array<i32>} : memref<16x768xf32, #tpu.memory_space<vmem>>, vector<1x16xf32>,
        %swap3A_683 = vector.shape_cast %swap3A_682 : vector<1x16xf32> to vector<16xf32>
        %swap3A_684 = vector.shape_cast %add3A_679 : vector<16xf32> to vector<1x16xf32>
        tpu.vector_store %arg8[%swap3A_680, %swap3A_681], %swap3A_684 {strides = array<i32>} : memref<16x768xf32, #tpu.memory_space<vmem>>, vector<1x16xf32>,
        %get3A_685 = arith.index_cast %scan3A_280 : i32 to index
        %get3A_686 = arith.constant 464 : index
        %get3A_687 = tpu.vector_load %arg8[%get3A_685, %get3A_686] {strides = array<i32>} : memref<16x768xf32, #tpu.memory_space<vmem>>, vector<1x16xf32>,
        %get3A_688 = vector.shape_cast %get3A_687 : vector<1x16xf32> to vector<16xf32>
        %get3A_689 = arith.index_cast %scan3A_280 : i32 to index
        %get3A_690 = arith.constant 464 : index
        %get3A_691 = tpu.vector_load %arg12[%get3A_689, %get3A_690] {strides = array<i32>} : memref<16x768xf32, #tpu.memory_space<vmem>>, vector<1x16xf32>,
        %get3A_692 = vector.shape_cast %get3A_691 : vector<1x16xf32> to vector<16xf32>
        %add3A_693 = arith.addf %get3A_688, %get3A_692 : vector<16xf32>
        %swap3A_694 = arith.index_cast %scan3A_280 : i32 to index
        %swap3A_695 = arith.constant 464 : index
        %swap3A_696 = tpu.vector_load %arg8[%swap3A_694, %swap3A_695] {strides = array<i32>} : memref<16x768xf32, #tpu.memory_space<vmem>>, vector<1x16xf32>,
        %swap3A_697 = vector.shape_cast %swap3A_696 : vector<1x16xf32> to vector<16xf32>
        %swap3A_698 = vector.shape_cast %add3A_693 : vector<16xf32> to vector<1x16xf32>
        tpu.vector_store %arg8[%swap3A_694, %swap3A_695], %swap3A_698 {strides = array<i32>} : memref<16x768xf32, #tpu.memory_space<vmem>>, vector<1x16xf32>,
        %get3A_699 = arith.index_cast %scan3A_280 : i32 to index
        %get3A_700 = arith.constant 480 : index
        %get3A_701 = tpu.vector_load %arg8[%get3A_699, %get3A_700] {strides = array<i32>} : memref<16x768xf32, #tpu.memory_space<vmem>>, vector<1x16xf32>,
        %get3A_702 = vector.shape_cast %get3A_701 : vector<1x16xf32> to vector<16xf32>
        %get3A_703 = arith.index_cast %scan3A_280 : i32 to index
        %get3A_704 = arith.constant 480 : index
        %get3A_705 = tpu.vector_load %arg12[%get3A_703, %get3A_704] {strides = array<i32>} : memref<16x768xf32, #tpu.memory_space<vmem>>, vector<1x16xf32>,
        %get3A_706 = vector.shape_cast %get3A_705 : vector<1x16xf32> to vector<16xf32>
        %add3A_707 = arith.addf %get3A_702, %get3A_706 : vector<16xf32>
        %swap3A_708 = arith.index_cast %scan3A_280 : i32 to index
        %swap3A_709 = arith.constant 480 : index
        %swap3A_710 = tpu.vector_load %arg8[%swap3A_708, %swap3A_709] {strides = array<i32>} : memref<16x768xf32, #tpu.memory_space<vmem>>, vector<1x16xf32>,
        %swap3A_711 = vector.shape_cast %swap3A_710 : vector<1x16xf32> to vector<16xf32>
        %swap3A_712 = vector.shape_cast %add3A_707 : vector<16xf32> to vector<1x16xf32>
        tpu.vector_store %arg8[%swap3A_708, %swap3A_709], %swap3A_712 {strides = array<i32>} : memref<16x768xf32, #tpu.memory_space<vmem>>, vector<1x16xf32>,
        %get3A_713 = arith.index_cast %scan3A_280 : i32 to index
        %get3A_714 = arith.constant 496 : index
        %get3A_715 = tpu.vector_load %arg8[%get3A_713, %get3A_714] {strides = array<i32>} : memref<16x768xf32, #tpu.memory_space<vmem>>, vector<1x16xf32>,
        %get3A_716 = vector.shape_cast %get3A_715 : vector<1x16xf32> to vector<16xf32>
        %get3A_717 = arith.index_cast %scan3A_280 : i32 to index
        %get3A_718 = arith.constant 496 : index
        %get3A_719 = tpu.vector_load %arg12[%get3A_717, %get3A_718] {strides = array<i32>} : memref<16x768xf32, #tpu.memory_space<vmem>>, vector<1x16xf32>,
        %get3A_720 = vector.shape_cast %get3A_719 : vector<1x16xf32> to vector<16xf32>
        %add3A_721 = arith.addf %get3A_716, %get3A_720 : vector<16xf32>
        %swap3A_722 = arith.index_cast %scan3A_280 : i32 to index
        %swap3A_723 = arith.constant 496 : index
        %swap3A_724 = tpu.vector_load %arg8[%swap3A_722, %swap3A_723] {strides = array<i32>} : memref<16x768xf32, #tpu.memory_space<vmem>>, vector<1x16xf32>,
        %swap3A_725 = vector.shape_cast %swap3A_724 : vector<1x16xf32> to vector<16xf32>
        %swap3A_726 = vector.shape_cast %add3A_721 : vector<16xf32> to vector<1x16xf32>
        tpu.vector_store %arg8[%swap3A_722, %swap3A_723], %swap3A_726 {strides = array<i32>} : memref<16x768xf32, #tpu.memory_space<vmem>>, vector<1x16xf32>,
        %get3A_727 = arith.index_cast %scan3A_280 : i32 to index
        %get3A_728 = arith.constant 512 : index
        %get3A_729 = tpu.vector_load %arg8[%get3A_727, %get3A_728] {strides = array<i32>} : memref<16x768xf32, #tpu.memory_space<vmem>>, vector<1x16xf32>,
        %get3A_730 = vector.shape_cast %get3A_729 : vector<1x16xf32> to vector<16xf32>
        %get3A_731 = arith.index_cast %scan3A_280 : i32 to index
        %get3A_732 = arith.constant 512 : index
        %get3A_733 = tpu.vector_load %arg12[%get3A_731, %get3A_732] {strides = array<i32>} : memref<16x768xf32, #tpu.memory_space<vmem>>, vector<1x16xf32>,
        %get3A_734 = vector.shape_cast %get3A_733 : vector<1x16xf32> to vector<16xf32>
        %add3A_735 = arith.addf %get3A_730, %get3A_734 : vector<16xf32>
        %swap3A_736 = arith.index_cast %scan3A_280 : i32 to index
        %swap3A_737 = arith.constant 512 : index
        %swap3A_738 = tpu.vector_load %arg8[%swap3A_736, %swap3A_737] {strides = array<i32>} : memref<16x768xf32, #tpu.memory_space<vmem>>, vector<1x16xf32>,
        %swap3A_739 = vector.shape_cast %swap3A_738 : vector<1x16xf32> to vector<16xf32>
        %swap3A_740 = vector.shape_cast %add3A_735 : vector<16xf32> to vector<1x16xf32>
        tpu.vector_store %arg8[%swap3A_736, %swap3A_737], %swap3A_740 {strides = array<i32>} : memref<16x768xf32, #tpu.memory_space<vmem>>, vector<1x16xf32>,
        %get3A_741 = arith.index_cast %scan3A_280 : i32 to index
        %get3A_742 = arith.constant 528 : index
        %get3A_743 = tpu.vector_load %arg8[%get3A_741, %get3A_742] {strides = array<i32>} : memref<16x768xf32, #tpu.memory_space<vmem>>, vector<1x16xf32>,
        %get3A_744 = vector.shape_cast %get3A_743 : vector<1x16xf32> to vector<16xf32>
        %get3A_745 = arith.index_cast %scan3A_280 : i32 to index
        %get3A_746 = arith.constant 528 : index
        %get3A_747 = tpu.vector_load %arg12[%get3A_745, %get3A_746] {strides = array<i32>} : memref<16x768xf32, #tpu.memory_space<vmem>>, vector<1x16xf32>,
        %get3A_748 = vector.shape_cast %get3A_747 : vector<1x16xf32> to vector<16xf32>
        %add3A_749 = arith.addf %get3A_744, %get3A_748 : vector<16xf32>
        %swap3A_750 = arith.index_cast %scan3A_280 : i32 to index
        %swap3A_751 = arith.constant 528 : index
        %swap3A_752 = tpu.vector_load %arg8[%swap3A_750, %swap3A_751] {strides = array<i32>} : memref<16x768xf32, #tpu.memory_space<vmem>>, vector<1x16xf32>,
        %swap3A_753 = vector.shape_cast %swap3A_752 : vector<1x16xf32> to vector<16xf32>
        %swap3A_754 = vector.shape_cast %add3A_749 : vector<16xf32> to vector<1x16xf32>
        tpu.vector_store %arg8[%swap3A_750, %swap3A_751], %swap3A_754 {strides = array<i32>} : memref<16x768xf32, #tpu.memory_space<vmem>>, vector<1x16xf32>,
        %get3A_755 = arith.index_cast %scan3A_280 : i32 to index
        %get3A_756 = arith.constant 544 : index
        %get3A_757 = tpu.vector_load %arg8[%get3A_755, %get3A_756] {strides = array<i32>} : memref<16x768xf32, #tpu.memory_space<vmem>>, vector<1x16xf32>,
        %get3A_758 = vector.shape_cast %get3A_757 : vector<1x16xf32> to vector<16xf32>
        %get3A_759 = arith.index_cast %scan3A_280 : i32 to index
        %get3A_760 = arith.constant 544 : index
        %get3A_761 = tpu.vector_load %arg12[%get3A_759, %get3A_760] {strides = array<i32>} : memref<16x768xf32, #tpu.memory_space<vmem>>, vector<1x16xf32>,
        %get3A_762 = vector.shape_cast %get3A_761 : vector<1x16xf32> to vector<16xf32>
        %add3A_763 = arith.addf %get3A_758, %get3A_762 : vector<16xf32>
        %swap3A_764 = arith.index_cast %scan3A_280 : i32 to index
        %swap3A_765 = arith.constant 544 : index
        %swap3A_766 = tpu.vector_load %arg8[%swap3A_764, %swap3A_765] {strides = array<i32>} : memref<16x768xf32, #tpu.memory_space<vmem>>, vector<1x16xf32>,
        %swap3A_767 = vector.shape_cast %swap3A_766 : vector<1x16xf32> to vector<16xf32>
        %swap3A_768 = vector.shape_cast %add3A_763 : vector<16xf32> to vector<1x16xf32>
        tpu.vector_store %arg8[%swap3A_764, %swap3A_765], %swap3A_768 {strides = array<i32>} : memref<16x768xf32, #tpu.memory_space<vmem>>, vector<1x16xf32>,
        %get3A_769 = arith.index_cast %scan3A_280 : i32 to index
        %get3A_770 = arith.constant 560 : index
        %get3A_771 = tpu.vector_load %arg8[%get3A_769, %get3A_770] {strides = array<i32>} : memref<16x768xf32, #tpu.memory_space<vmem>>, vector<1x16xf32>,
        %get3A_772 = vector.shape_cast %get3A_771 : vector<1x16xf32> to vector<16xf32>
        %get3A_773 = arith.index_cast %scan3A_280 : i32 to index
        %get3A_774 = arith.constant 560 : index
        %get3A_775 = tpu.vector_load %arg12[%get3A_773, %get3A_774] {strides = array<i32>} : memref<16x768xf32, #tpu.memory_space<vmem>>, vector<1x16xf32>,
        %get3A_776 = vector.shape_cast %get3A_775 : vector<1x16xf32> to vector<16xf32>
        %add3A_777 = arith.addf %get3A_772, %get3A_776 : vector<16xf32>
        %swap3A_778 = arith.index_cast %scan3A_280 : i32 to index
        %swap3A_779 = arith.constant 560 : index
        %swap3A_780 = tpu.vector_load %arg8[%swap3A_778, %swap3A_779] {strides = array<i32>} : memref<16x768xf32, #tpu.memory_space<vmem>>, vector<1x16xf32>,
        %swap3A_781 = vector.shape_cast %swap3A_780 : vector<1x16xf32> to vector<16xf32>
        %swap3A_782 = vector.shape_cast %add3A_777 : vector<16xf32> to vector<1x16xf32>
        tpu.vector_store %arg8[%swap3A_778, %swap3A_779], %swap3A_782 {strides = array<i32>} : memref<16x768xf32, #tpu.memory_space<vmem>>, vector<1x16xf32>,
        %get3A_783 = arith.index_cast %scan3A_280 : i32 to index
        %get3A_784 = arith.constant 576 : index
        %get3A_785 = tpu.vector_load %arg8[%get3A_783, %get3A_784] {strides = array<i32>} : memref<16x768xf32, #tpu.memory_space<vmem>>, vector<1x16xf32>,
        %get3A_786 = vector.shape_cast %get3A_785 : vector<1x16xf32> to vector<16xf32>
        %get3A_787 = arith.index_cast %scan3A_280 : i32 to index
        %get3A_788 = arith.constant 576 : index
        %get3A_789 = tpu.vector_load %arg12[%get3A_787, %get3A_788] {strides = array<i32>} : memref<16x768xf32, #tpu.memory_space<vmem>>, vector<1x16xf32>,
        %get3A_790 = vector.shape_cast %get3A_789 : vector<1x16xf32> to vector<16xf32>
        %add3A_791 = arith.addf %get3A_786, %get3A_790 : vector<16xf32>
        %swap3A_792 = arith.index_cast %scan3A_280 : i32 to index
        %swap3A_793 = arith.constant 576 : index
        %swap3A_794 = tpu.vector_load %arg8[%swap3A_792, %swap3A_793] {strides = array<i32>} : memref<16x768xf32, #tpu.memory_space<vmem>>, vector<1x16xf32>,
        %swap3A_795 = vector.shape_cast %swap3A_794 : vector<1x16xf32> to vector<16xf32>
        %swap3A_796 = vector.shape_cast %add3A_791 : vector<16xf32> to vector<1x16xf32>
        tpu.vector_store %arg8[%swap3A_792, %swap3A_793], %swap3A_796 {strides = array<i32>} : memref<16x768xf32, #tpu.memory_space<vmem>>, vector<1x16xf32>,
        %get3A_797 = arith.index_cast %scan3A_280 : i32 to index
        %get3A_798 = arith.constant 592 : index
        %get3A_799 = tpu.vector_load %arg8[%get3A_797, %get3A_798] {strides = array<i32>} : memref<16x768xf32, #tpu.memory_space<vmem>>, vector<1x16xf32>,
        %get3A_800 = vector.shape_cast %get3A_799 : vector<1x16xf32> to vector<16xf32>
        %get3A_801 = arith.index_cast %scan3A_280 : i32 to index
        %get3A_802 = arith.constant 592 : index
        %get3A_803 = tpu.vector_load %arg12[%get3A_801, %get3A_802] {strides = array<i32>} : memref<16x768xf32, #tpu.memory_space<vmem>>, vector<1x16xf32>,
        %get3A_804 = vector.shape_cast %get3A_803 : vector<1x16xf32> to vector<16xf32>
        %add3A_805 = arith.addf %get3A_800, %get3A_804 : vector<16xf32>
        %swap3A_806 = arith.index_cast %scan3A_280 : i32 to index
        %swap3A_807 = arith.constant 592 : index
        %swap3A_808 = tpu.vector_load %arg8[%swap3A_806, %swap3A_807] {strides = array<i32>} : memref<16x768xf32, #tpu.memory_space<vmem>>, vector<1x16xf32>,
        %swap3A_809 = vector.shape_cast %swap3A_808 : vector<1x16xf32> to vector<16xf32>
        %swap3A_810 = vector.shape_cast %add3A_805 : vector<16xf32> to vector<1x16xf32>
        tpu.vector_store %arg8[%swap3A_806, %swap3A_807], %swap3A_810 {strides = array<i32>} : memref<16x768xf32, #tpu.memory_space<vmem>>, vector<1x16xf32>,
        %get3A_811 = arith.index_cast %scan3A_280 : i32 to index
        %get3A_812 = arith.constant 608 : index
        %get3A_813 = tpu.vector_load %arg8[%get3A_811, %get3A_812] {strides = array<i32>} : memref<16x768xf32, #tpu.memory_space<vmem>>, vector<1x16xf32>,
        %get3A_814 = vector.shape_cast %get3A_813 : vector<1x16xf32> to vector<16xf32>
        %get3A_815 = arith.index_cast %scan3A_280 : i32 to index
        %get3A_816 = arith.constant 608 : index
        %get3A_817 = tpu.vector_load %arg12[%get3A_815, %get3A_816] {strides = array<i32>} : memref<16x768xf32, #tpu.memory_space<vmem>>, vector<1x16xf32>,
        %get3A_818 = vector.shape_cast %get3A_817 : vector<1x16xf32> to vector<16xf32>
        %add3A_819 = arith.addf %get3A_814, %get3A_818 : vector<16xf32>
        %swap3A_820 = arith.index_cast %scan3A_280 : i32 to index
        %swap3A_821 = arith.constant 608 : index
        %swap3A_822 = tpu.vector_load %arg8[%swap3A_820, %swap3A_821] {strides = array<i32>} : memref<16x768xf32, #tpu.memory_space<vmem>>, vector<1x16xf32>,
        %swap3A_823 = vector.shape_cast %swap3A_822 : vector<1x16xf32> to vector<16xf32>
        %swap3A_824 = vector.shape_cast %add3A_819 : vector<16xf32> to vector<1x16xf32>
        tpu.vector_store %arg8[%swap3A_820, %swap3A_821], %swap3A_824 {strides = array<i32>} : memref<16x768xf32, #tpu.memory_space<vmem>>, vector<1x16xf32>,
        %get3A_825 = arith.index_cast %scan3A_280 : i32 to index
        %get3A_826 = arith.constant 624 : index
        %get3A_827 = tpu.vector_load %arg8[%get3A_825, %get3A_826] {strides = array<i32>} : memref<16x768xf32, #tpu.memory_space<vmem>>, vector<1x16xf32>,
        %get3A_828 = vector.shape_cast %get3A_827 : vector<1x16xf32> to vector<16xf32>
        %get3A_829 = arith.index_cast %scan3A_280 : i32 to index
        %get3A_830 = arith.constant 624 : index
        %get3A_831 = tpu.vector_load %arg12[%get3A_829, %get3A_830] {strides = array<i32>} : memref<16x768xf32, #tpu.memory_space<vmem>>, vector<1x16xf32>,
        %get3A_832 = vector.shape_cast %get3A_831 : vector<1x16xf32> to vector<16xf32>
        %add3A_833 = arith.addf %get3A_828, %get3A_832 : vector<16xf32>
        %swap3A_834 = arith.index_cast %scan3A_280 : i32 to index
        %swap3A_835 = arith.constant 624 : index
        %swap3A_836 = tpu.vector_load %arg8[%swap3A_834, %swap3A_835] {strides = array<i32>} : memref<16x768xf32, #tpu.memory_space<vmem>>, vector<1x16xf32>,
        %swap3A_837 = vector.shape_cast %swap3A_836 : vector<1x16xf32> to vector<16xf32>
        %swap3A_838 = vector.shape_cast %add3A_833 : vector<16xf32> to vector<1x16xf32>
        tpu.vector_store %arg8[%swap3A_834, %swap3A_835], %swap3A_838 {strides = array<i32>} : memref<16x768xf32, #tpu.memory_space<vmem>>, vector<1x16xf32>,
        %get3A_839 = arith.index_cast %scan3A_280 : i32 to index
        %get3A_840 = arith.constant 640 : index
        %get3A_841 = tpu.vector_load %arg8[%get3A_839, %get3A_840] {strides = array<i32>} : memref<16x768xf32, #tpu.memory_space<vmem>>, vector<1x16xf32>,
        %get3A_842 = vector.shape_cast %get3A_841 : vector<1x16xf32> to vector<16xf32>
        %get3A_843 = arith.index_cast %scan3A_280 : i32 to index
        %get3A_844 = arith.constant 640 : index
        %get3A_845 = tpu.vector_load %arg12[%get3A_843, %get3A_844] {strides = array<i32>} : memref<16x768xf32, #tpu.memory_space<vmem>>, vector<1x16xf32>,
        %get3A_846 = vector.shape_cast %get3A_845 : vector<1x16xf32> to vector<16xf32>
        %add3A_847 = arith.addf %get3A_842, %get3A_846 : vector<16xf32>
        %swap3A_848 = arith.index_cast %scan3A_280 : i32 to index
        %swap3A_849 = arith.constant 640 : index
        %swap3A_850 = tpu.vector_load %arg8[%swap3A_848, %swap3A_849] {strides = array<i32>} : memref<16x768xf32, #tpu.memory_space<vmem>>, vector<1x16xf32>,
        %swap3A_851 = vector.shape_cast %swap3A_850 : vector<1x16xf32> to vector<16xf32>
        %swap3A_852 = vector.shape_cast %add3A_847 : vector<16xf32> to vector<1x16xf32>
        tpu.vector_store %arg8[%swap3A_848, %swap3A_849], %swap3A_852 {strides = array<i32>} : memref<16x768xf32, #tpu.memory_space<vmem>>, vector<1x16xf32>,
        %get3A_853 = arith.index_cast %scan3A_280 : i32 to index
        %get3A_854 = arith.constant 656 : index
        %get3A_855 = tpu.vector_load %arg8[%get3A_853, %get3A_854] {strides = array<i32>} : memref<16x768xf32, #tpu.memory_space<vmem>>, vector<1x16xf32>,
        %get3A_856 = vector.shape_cast %get3A_855 : vector<1x16xf32> to vector<16xf32>
        %get3A_857 = arith.index_cast %scan3A_280 : i32 to index
        %get3A_858 = arith.constant 656 : index
        %get3A_859 = tpu.vector_load %arg12[%get3A_857, %get3A_858] {strides = array<i32>} : memref<16x768xf32, #tpu.memory_space<vmem>>, vector<1x16xf32>,
        %get3A_860 = vector.shape_cast %get3A_859 : vector<1x16xf32> to vector<16xf32>
        %add3A_861 = arith.addf %get3A_856, %get3A_860 : vector<16xf32>
        %swap3A_862 = arith.index_cast %scan3A_280 : i32 to index
        %swap3A_863 = arith.constant 656 : index
        %swap3A_864 = tpu.vector_load %arg8[%swap3A_862, %swap3A_863] {strides = array<i32>} : memref<16x768xf32, #tpu.memory_space<vmem>>, vector<1x16xf32>,
        %swap3A_865 = vector.shape_cast %swap3A_864 : vector<1x16xf32> to vector<16xf32>
        %swap3A_866 = vector.shape_cast %add3A_861 : vector<16xf32> to vector<1x16xf32>
        tpu.vector_store %arg8[%swap3A_862, %swap3A_863], %swap3A_866 {strides = array<i32>} : memref<16x768xf32, #tpu.memory_space<vmem>>, vector<1x16xf32>,
        %get3A_867 = arith.index_cast %scan3A_280 : i32 to index
        %get3A_868 = arith.constant 672 : index
        %get3A_869 = tpu.vector_load %arg8[%get3A_867, %get3A_868] {strides = array<i32>} : memref<16x768xf32, #tpu.memory_space<vmem>>, vector<1x16xf32>,
        %get3A_870 = vector.shape_cast %get3A_869 : vector<1x16xf32> to vector<16xf32>
        %get3A_871 = arith.index_cast %scan3A_280 : i32 to index
        %get3A_872 = arith.constant 672 : index
        %get3A_873 = tpu.vector_load %arg12[%get3A_871, %get3A_872] {strides = array<i32>} : memref<16x768xf32, #tpu.memory_space<vmem>>, vector<1x16xf32>,
        %get3A_874 = vector.shape_cast %get3A_873 : vector<1x16xf32> to vector<16xf32>
        %add3A_875 = arith.addf %get3A_870, %get3A_874 : vector<16xf32>
        %swap3A_876 = arith.index_cast %scan3A_280 : i32 to index
        %swap3A_877 = arith.constant 672 : index
        %swap3A_878 = tpu.vector_load %arg8[%swap3A_876, %swap3A_877] {strides = array<i32>} : memref<16x768xf32, #tpu.memory_space<vmem>>, vector<1x16xf32>,
        %swap3A_879 = vector.shape_cast %swap3A_878 : vector<1x16xf32> to vector<16xf32>
        %swap3A_880 = vector.shape_cast %add3A_875 : vector<16xf32> to vector<1x16xf32>
        tpu.vector_store %arg8[%swap3A_876, %swap3A_877], %swap3A_880 {strides = array<i32>} : memref<16x768xf32, #tpu.memory_space<vmem>>, vector<1x16xf32>,
        %get3A_881 = arith.index_cast %scan3A_280 : i32 to index
        %get3A_882 = arith.constant 688 : index
        %get3A_883 = tpu.vector_load %arg8[%get3A_881, %get3A_882] {strides = array<i32>} : memref<16x768xf32, #tpu.memory_space<vmem>>, vector<1x16xf32>,
        %get3A_884 = vector.shape_cast %get3A_883 : vector<1x16xf32> to vector<16xf32>
        %get3A_885 = arith.index_cast %scan3A_280 : i32 to index
        %get3A_886 = arith.constant 688 : index
        %get3A_887 = tpu.vector_load %arg12[%get3A_885, %get3A_886] {strides = array<i32>} : memref<16x768xf32, #tpu.memory_space<vmem>>, vector<1x16xf32>,
        %get3A_888 = vector.shape_cast %get3A_887 : vector<1x16xf32> to vector<16xf32>
        %add3A_889 = arith.addf %get3A_884, %get3A_888 : vector<16xf32>
        %swap3A_890 = arith.index_cast %scan3A_280 : i32 to index
        %swap3A_891 = arith.constant 688 : index
        %swap3A_892 = tpu.vector_load %arg8[%swap3A_890, %swap3A_891] {strides = array<i32>} : memref<16x768xf32, #tpu.memory_space<vmem>>, vector<1x16xf32>,
        %swap3A_893 = vector.shape_cast %swap3A_892 : vector<1x16xf32> to vector<16xf32>
        %swap3A_894 = vector.shape_cast %add3A_889 : vector<16xf32> to vector<1x16xf32>
        tpu.vector_store %arg8[%swap3A_890, %swap3A_891], %swap3A_894 {strides = array<i32>} : memref<16x768xf32, #tpu.memory_space<vmem>>, vector<1x16xf32>,
        %get3A_895 = arith.index_cast %scan3A_280 : i32 to index
        %get3A_896 = arith.constant 704 : index
        %get3A_897 = tpu.vector_load %arg8[%get3A_895, %get3A_896] {strides = array<i32>} : memref<16x768xf32, #tpu.memory_space<vmem>>, vector<1x16xf32>,
        %get3A_898 = vector.shape_cast %get3A_897 : vector<1x16xf32> to vector<16xf32>
        %get3A_899 = arith.index_cast %scan3A_280 : i32 to index
        %get3A_900 = arith.constant 704 : index
        %get3A_901 = tpu.vector_load %arg12[%get3A_899, %get3A_900] {strides = array<i32>} : memref<16x768xf32, #tpu.memory_space<vmem>>, vector<1x16xf32>,
        %get3A_902 = vector.shape_cast %get3A_901 : vector<1x16xf32> to vector<16xf32>
        %add3A_903 = arith.addf %get3A_898, %get3A_902 : vector<16xf32>
        %swap3A_904 = arith.index_cast %scan3A_280 : i32 to index
        %swap3A_905 = arith.constant 704 : index
        %swap3A_906 = tpu.vector_load %arg8[%swap3A_904, %swap3A_905] {strides = array<i32>} : memref<16x768xf32, #tpu.memory_space<vmem>>, vector<1x16xf32>,
        %swap3A_907 = vector.shape_cast %swap3A_906 : vector<1x16xf32> to vector<16xf32>
        %swap3A_908 = vector.shape_cast %add3A_903 : vector<16xf32> to vector<1x16xf32>
        tpu.vector_store %arg8[%swap3A_904, %swap3A_905], %swap3A_908 {strides = array<i32>} : memref<16x768xf32, #tpu.memory_space<vmem>>, vector<1x16xf32>,
        %get3A_909 = arith.index_cast %scan3A_280 : i32 to index
        %get3A_910 = arith.constant 720 : index
        %get3A_911 = tpu.vector_load %arg8[%get3A_909, %get3A_910] {strides = array<i32>} : memref<16x768xf32, #tpu.memory_space<vmem>>, vector<1x16xf32>,
        %get3A_912 = vector.shape_cast %get3A_911 : vector<1x16xf32> to vector<16xf32>
        %get3A_913 = arith.index_cast %scan3A_280 : i32 to index
        %get3A_914 = arith.constant 720 : index
        %get3A_915 = tpu.vector_load %arg12[%get3A_913, %get3A_914] {strides = array<i32>} : memref<16x768xf32, #tpu.memory_space<vmem>>, vector<1x16xf32>,
        %get3A_916 = vector.shape_cast %get3A_915 : vector<1x16xf32> to vector<16xf32>
        %add3A_917 = arith.addf %get3A_912, %get3A_916 : vector<16xf32>
        %swap3A_918 = arith.index_cast %scan3A_280 : i32 to index
        %swap3A_919 = arith.constant 720 : index
        %swap3A_920 = tpu.vector_load %arg8[%swap3A_918, %swap3A_919] {strides = array<i32>} : memref<16x768xf32, #tpu.memory_space<vmem>>, vector<1x16xf32>,
        %swap3A_921 = vector.shape_cast %swap3A_920 : vector<1x16xf32> to vector<16xf32>
        %swap3A_922 = vector.shape_cast %add3A_917 : vector<16xf32> to vector<1x16xf32>
        tpu.vector_store %arg8[%swap3A_918, %swap3A_919], %swap3A_922 {strides = array<i32>} : memref<16x768xf32, #tpu.memory_space<vmem>>, vector<1x16xf32>,
        %get3A_923 = arith.index_cast %scan3A_280 : i32 to index
        %get3A_924 = arith.constant 736 : index
        %get3A_925 = tpu.vector_load %arg8[%get3A_923, %get3A_924] {strides = array<i32>} : memref<16x768xf32, #tpu.memory_space<vmem>>, vector<1x16xf32>,
        %get3A_926 = vector.shape_cast %get3A_925 : vector<1x16xf32> to vector<16xf32>
        %get3A_927 = arith.index_cast %scan3A_280 : i32 to index
        %get3A_928 = arith.constant 736 : index
        %get3A_929 = tpu.vector_load %arg12[%get3A_927, %get3A_928] {strides = array<i32>} : memref<16x768xf32, #tpu.memory_space<vmem>>, vector<1x16xf32>,
        %get3A_930 = vector.shape_cast %get3A_929 : vector<1x16xf32> to vector<16xf32>
        %add3A_931 = arith.addf %get3A_926, %get3A_930 : vector<16xf32>
        %swap3A_932 = arith.index_cast %scan3A_280 : i32 to index
        %swap3A_933 = arith.constant 736 : index
        %swap3A_934 = tpu.vector_load %arg8[%swap3A_932, %swap3A_933] {strides = array<i32>} : memref<16x768xf32, #tpu.memory_space<vmem>>, vector<1x16xf32>,
        %swap3A_935 = vector.shape_cast %swap3A_934 : vector<1x16xf32> to vector<16xf32>
        %swap3A_936 = vector.shape_cast %add3A_931 : vector<16xf32> to vector<1x16xf32>
        tpu.vector_store %arg8[%swap3A_932, %swap3A_933], %swap3A_936 {strides = array<i32>} : memref<16x768xf32, #tpu.memory_space<vmem>>, vector<1x16xf32>,
        %get3A_937 = arith.index_cast %scan3A_280 : i32 to index
        %get3A_938 = arith.constant 752 : index
        %get3A_939 = tpu.vector_load %arg8[%get3A_937, %get3A_938] {strides = array<i32>} : memref<16x768xf32, #tpu.memory_space<vmem>>, vector<1x16xf32>,
        %get3A_940 = vector.shape_cast %get3A_939 : vector<1x16xf32> to vector<16xf32>
        %get3A_941 = arith.index_cast %scan3A_280 : i32 to index
        %get3A_942 = arith.constant 752 : index
        %get3A_943 = tpu.vector_load %arg12[%get3A_941, %get3A_942] {strides = array<i32>} : memref<16x768xf32, #tpu.memory_space<vmem>>, vector<1x16xf32>,
        %get3A_944 = vector.shape_cast %get3A_943 : vector<1x16xf32> to vector<16xf32>
        %add3A_945 = arith.addf %get3A_940, %get3A_944 : vector<16xf32>
        %swap3A_946 = arith.index_cast %scan3A_280 : i32 to index
        %swap3A_947 = arith.constant 752 : index
        %swap3A_948 = tpu.vector_load %arg8[%swap3A_946, %swap3A_947] {strides = array<i32>} : memref<16x768xf32, #tpu.memory_space<vmem>>, vector<1x16xf32>,
        %swap3A_949 = vector.shape_cast %swap3A_948 : vector<1x16xf32> to vector<16xf32>
        %swap3A_950 = vector.shape_cast %add3A_945 : vector<16xf32> to vector<1x16xf32>
        tpu.vector_store %arg8[%swap3A_946, %swap3A_947], %swap3A_950 {strides = array<i32>} : memref<16x768xf32, #tpu.memory_space<vmem>>, vector<1x16xf32>,
      }
      %scan3A_192 = arith.constant 16 : i32
      %mul3A_193 = arith.constant 16 : i32
      %mul3A_194 = arith.muli %add3A_166, %mul3A_193 : i32
      %add3A_195 = arith.addi %mul3A_32, %mul3A_194 : i32
      %dma_start3A_196 = arith.constant 0 : i32
      %dma_start3A_197 = tpu.memref_slice %arg5[%select_n3A, %add3A_195, %dma_start3A_196] : memref<2x2048x768xf32, #tpu.memory_space<hbm>> -> memref<1x16x768xf32, #tpu.memory_space<hbm>>
      %dma_start3A_198 = tpu.memref_squeeze %dma_start3A_197 : memref<1x16x768xf32, #tpu.memory_space<hbm>> -> memref<16x768xf32, #tpu.memory_space<hbm>>
      %dma_start3A_199 = arith.constant 0 : i32
      %dma_start3A_200 = tpu.memref_slice %arg5[%select_n3A, %add3A_195, %dma_start3A_199] : memref<2x2048x768xf32, #tpu.memory_space<hbm>> -> memref<1x16x768xf32, #tpu.memory_space<hbm>>
      %dma_start3A_201 = tpu.memref_squeeze %dma_start3A_200 : memref<1x16x768xf32, #tpu.memory_space<hbm>> -> memref<16x768xf32, #tpu.memory_space<hbm>>
      tpu.enqueue_dma source(%arg8 : memref<16x768xf32, #tpu.memory_space<vmem>>) target(%dma_start3A_201 : memref<16x768xf32, #tpu.memory_space<hbm>>) target_semaphore(%arg24 : memref<!tpu.dma_semaphore, #tpu.memory_space<semaphore_mem>>)
      %mul3A_202 = arith.constant 4 : i32
      %mul3A_203 = arith.muli %scan3A_107, %mul3A_202 : i32
      %add3A_204 = arith.constant 2 : i32
      %add3A_205 = arith.addi %mul3A_203, %add3A_204 : i32
      %eq3A_206 = arith.constant 0 : i32
      %eq3A_207 = arith.cmpi eq, %scan3A_107, %eq3A_206 : i32
      %convert_element_type3A_208 = arith.extui %eq3A_207 : i1 to i32
      %cond3A_209 = arith.constant 0 : i32
      %cond3A_210 = arith.cmpi ne, %convert_element_type3A_208, %cond3A_209 : i32
      scf.if %cond3A_210 {
        %sub3A_280 = arith.constant 1 : i32
        %sub3A_281 = arith.subi %add3A_205, %sub3A_280 : i32
        %mul3A_282 = arith.constant 16 : i32
        %mul3A_283 = arith.muli %sub3A_281, %mul3A_282 : i32
        %add3A_284 = arith.addi %mul3A_32, %mul3A_283 : i32
        %dma_wait3A_285 = arith.constant 0 : i32
        %dma_wait3A_286 = tpu.memref_slice %arg5[%select_n3A, %add3A_284, %dma_wait3A_285] : memref<2x2048x768xf32, #tpu.memory_space<hbm>> -> memref<1x16x768xf32, #tpu.memory_space<hbm>>
        %dma_wait3A_287 = tpu.memref_squeeze %dma_wait3A_286 : memref<1x16x768xf32, #tpu.memory_space<hbm>> -> memref<16x768xf32, #tpu.memory_space<hbm>>
        %dma_wait3A_288 = arith.constant 0 : i32
        %dma_wait3A_289 = tpu.memref_slice %arg5[%select_n3A, %add3A_284, %dma_wait3A_288] : memref<2x2048x768xf32, #tpu.memory_space<hbm>> -> memref<1x16x768xf32, #tpu.memory_space<hbm>>
        %dma_wait3A_290 = tpu.memref_squeeze %dma_wait3A_289 : memref<1x16x768xf32, #tpu.memory_space<hbm>> -> memref<16x768xf32, #tpu.memory_space<hbm>>
        tpu.wait_dma2 semaphore(%arg24 : memref<!tpu.dma_semaphore, #tpu.memory_space<semaphore_mem>>) src(%arg8 : memref<16x768xf32, #tpu.memory_space<vmem>>) dst(%dma_wait3A_290 : memref<16x768xf32, #tpu.memory_space<hbm>>)
        %add3A_291 = arith.constant 3 : i32
        %add3A_292 = arith.addi %add3A_205, %add3A_291 : i32
        %mul3A_293 = arith.constant 16 : i32
        %mul3A_294 = arith.muli %add3A_292, %mul3A_293 : i32
        %dma_start3A_295 = tpu.memref_slice %arg6[%mul3A_294] : memref<128xi32, #tpu.memory_space<vmem>> -> memref<16xi32, #tpu.memory_space<vmem>>
        %dma_start3A_296 = arith.constant 0 : i32
        %dma_start3A_297 = arith.constant 0 : i32
        %dma_start3A_298 = tpu.memref_slice %arg4[%dma_start3A_296, %dma_start3A_297] : memref<100000x768xf32, #tpu.memory_space<hbm>> -> memref<100000x768xf32, #tpu.memory_space<hbm>>
        tpu.enqueue_indirect_dma source(%dma_start3A_298 : memref<100000x768xf32, #tpu.memory_space<hbm>>) target(%arg8 : memref<16x768xf32, #tpu.memory_space<vmem>>) offsets(%dma_start3A_295 : memref<16xi32, #tpu.memory_space<vmem>>) semaphore(%arg16 : memref<!tpu.dma_semaphore, #tpu.memory_space<semaphore_mem>>)
        %add3A_299 = arith.constant 3 : i32
        %add3A_300 = arith.addi %add3A_205, %add3A_299 : i32
        %mul3A_301 = arith.constant 16 : i32
        %mul3A_302 = arith.muli %add3A_300, %mul3A_301 : i32
        %add3A_303 = arith.addi %mul3A_32, %mul3A_302 : i32
        %dma_start3A_304 = arith.constant 0 : i32
        %dma_start3A_305 = tpu.memref_slice %arg3[%select_n3A, %add3A_303, %dma_start3A_304] : memref<2x2048x768xf32, #tpu.memory_space<hbm>> -> memref<1x16x768xf32, #tpu.memory_space<hbm>>
        %dma_start3A_306 = tpu.memref_squeeze %dma_start3A_305 : memref<1x16x768xf32, #tpu.memory_space<hbm>> -> memref<16x768xf32, #tpu.memory_space<hbm>>
        %dma_start3A_307 = arith.constant 0 : i32
        %dma_start3A_308 = tpu.memref_slice %arg3[%select_n3A, %add3A_303, %dma_start3A_307] : memref<2x2048x768xf32, #tpu.memory_space<hbm>> -> memref<1x16x768xf32, #tpu.memory_space<hbm>>
        %dma_start3A_309 = tpu.memref_squeeze %dma_start3A_308 : memref<1x16x768xf32, #tpu.memory_space<hbm>> -> memref<16x768xf32, #tpu.memory_space<hbm>>
        tpu.enqueue_dma source(%dma_start3A_309 : memref<16x768xf32, #tpu.memory_space<hbm>>) target(%arg12 : memref<16x768xf32, #tpu.memory_space<vmem>>) target_semaphore(%arg20 : memref<!tpu.dma_semaphore, #tpu.memory_space<semaphore_mem>>)
      } else {
      }
      %mul3A_211 = arith.constant 16 : i32
      %mul3A_212 = arith.muli %add3A_205, %mul3A_211 : i32
      %dma_wait3A_213 = tpu.memref_slice %arg6[%mul3A_212] : memref<128xi32, #tpu.memory_space<vmem>> -> memref<16xi32, #tpu.memory_space<vmem>>
      %dma_wait3A_214 = arith.constant 0 : i32
      %dma_wait3A_215 = arith.constant 0 : i32
      %dma_wait3A_216 = tpu.memref_slice %arg4[%dma_wait3A_214, %dma_wait3A_215] : memref<100000x768xf32, #tpu.memory_space<hbm>> -> memref<100000x768xf32, #tpu.memory_space<hbm>>
      tpu.wait_indirect_dma semaphore(%arg17 : memref<!tpu.dma_semaphore, #tpu.memory_space<semaphore_mem>>) src(%dma_wait3A_216 : memref<100000x768xf32, #tpu.memory_space<hbm>>) dst(%arg9 : memref<16x768xf32, #tpu.memory_space<vmem>>)
      %mul3A_217 = arith.constant 16 : i32
      %mul3A_218 = arith.muli %add3A_205, %mul3A_217 : i32
      %add3A_219 = arith.addi %mul3A_32, %mul3A_218 : i32
      %dma_wait3A_220 = arith.constant 0 : i32
      %dma_wait3A_221 = tpu.memref_slice %arg3[%select_n3A, %add3A_219, %dma_wait3A_220] : memref<2x2048x768xf32, #tpu.memory_space<hbm>> -> memref<1x16x768xf32, #tpu.memory_space<hbm>>
      %dma_wait3A_222 = tpu.memref_squeeze %dma_wait3A_221 : memref<1x16x768xf32, #tpu.memory_space<hbm>> -> memref<16x768xf32, #tpu.memory_space<hbm>>
      %dma_wait3A_223 = arith.constant 0 : i32
      %dma_wait3A_224 = tpu.memref_slice %arg3[%select_n3A, %add3A_219, %dma_wait3A_223] : memref<2x2048x768xf32, #tpu.memory_space<hbm>> -> memref<1x16x768xf32, #tpu.memory_space<hbm>>
      %dma_wait3A_225 = tpu.memref_squeeze %dma_wait3A_224 : memref<1x16x768xf32, #tpu.memory_space<hbm>> -> memref<16x768xf32, #tpu.memory_space<hbm>>
      tpu.wait_dma2 semaphore(%arg21 : memref<!tpu.dma_semaphore, #tpu.memory_space<semaphore_mem>>) src(%dma_wait3A_225 : memref<16x768xf32, #tpu.memory_space<hbm>>) dst(%arg13 : memref<16x768xf32, #tpu.memory_space<vmem>>)
      %scan3A_226 = arith.constant 0 : i32
      %scan3A_227 = arith.constant 0 : i32
      %scan3A_228 = arith.constant 16 : i32
      %scan3A_229 = arith.addi %scan3A_227, %scan3A_228 : i32
      %scan3A_230 = arith.constant 1 : i32
      scf.for %scan3A_280 = %scan3A_227 to %scan3A_229 step %scan3A_230  : i32 {
        %get3A = arith.index_cast %scan3A_280 : i32 to index
        %get3A_281 = arith.constant 0 : index
        %get3A_282 = tpu.vector_load %arg9[%get3A, %get3A_281] {strides = array<i32>} : memref<16x768xf32, #tpu.memory_space<vmem>>, vector<1x16xf32>,
        %get3A_283 = vector.shape_cast %get3A_282 : vector<1x16xf32> to vector<16xf32>
        %get3A_284 = arith.index_cast %scan3A_280 : i32 to index
        %get3A_285 = arith.constant 0 : index
        %get3A_286 = tpu.vector_load %arg13[%get3A_284, %get3A_285] {strides = array<i32>} : memref<16x768xf32, #tpu.memory_space<vmem>>, vector<1x16xf32>,
        %get3A_287 = vector.shape_cast %get3A_286 : vector<1x16xf32> to vector<16xf32>
        %add3A_288 = arith.addf %get3A_283, %get3A_287 : vector<16xf32>
        %swap3A = arith.index_cast %scan3A_280 : i32 to index
        %swap3A_289 = arith.constant 0 : index
        %swap3A_290 = tpu.vector_load %arg9[%swap3A, %swap3A_289] {strides = array<i32>} : memref<16x768xf32, #tpu.memory_space<vmem>>, vector<1x16xf32>,
        %swap3A_291 = vector.shape_cast %swap3A_290 : vector<1x16xf32> to vector<16xf32>
        %swap3A_292 = vector.shape_cast %add3A_288 : vector<16xf32> to vector<1x16xf32>
        tpu.vector_store %arg9[%swap3A, %swap3A_289], %swap3A_292 {strides = array<i32>} : memref<16x768xf32, #tpu.memory_space<vmem>>, vector<1x16xf32>,
        %get3A_293 = arith.index_cast %scan3A_280 : i32 to index
        %get3A_294 = arith.constant 16 : index
        %get3A_295 = tpu.vector_load %arg9[%get3A_293, %get3A_294] {strides = array<i32>} : memref<16x768xf32, #tpu.memory_space<vmem>>, vector<1x16xf32>,
        %get3A_296 = vector.shape_cast %get3A_295 : vector<1x16xf32> to vector<16xf32>
        %get3A_297 = arith.index_cast %scan3A_280 : i32 to index
        %get3A_298 = arith.constant 16 : index
        %get3A_299 = tpu.vector_load %arg13[%get3A_297, %get3A_298] {strides = array<i32>} : memref<16x768xf32, #tpu.memory_space<vmem>>, vector<1x16xf32>,
        %get3A_300 = vector.shape_cast %get3A_299 : vector<1x16xf32> to vector<16xf32>
        %add3A_301 = arith.addf %get3A_296, %get3A_300 : vector<16xf32>
        %swap3A_302 = arith.index_cast %scan3A_280 : i32 to index
        %swap3A_303 = arith.constant 16 : index
        %swap3A_304 = tpu.vector_load %arg9[%swap3A_302, %swap3A_303] {strides = array<i32>} : memref<16x768xf32, #tpu.memory_space<vmem>>, vector<1x16xf32>,
        %swap3A_305 = vector.shape_cast %swap3A_304 : vector<1x16xf32> to vector<16xf32>
        %swap3A_306 = vector.shape_cast %add3A_301 : vector<16xf32> to vector<1x16xf32>
        tpu.vector_store %arg9[%swap3A_302, %swap3A_303], %swap3A_306 {strides = array<i32>} : memref<16x768xf32, #tpu.memory_space<vmem>>, vector<1x16xf32>,
        %get3A_307 = arith.index_cast %scan3A_280 : i32 to index
        %get3A_308 = arith.constant 32 : index
        %get3A_309 = tpu.vector_load %arg9[%get3A_307, %get3A_308] {strides = array<i32>} : memref<16x768xf32, #tpu.memory_space<vmem>>, vector<1x16xf32>,
        %get3A_310 = vector.shape_cast %get3A_309 : vector<1x16xf32> to vector<16xf32>
        %get3A_311 = arith.index_cast %scan3A_280 : i32 to index
        %get3A_312 = arith.constant 32 : index
        %get3A_313 = tpu.vector_load %arg13[%get3A_311, %get3A_312] {strides = array<i32>} : memref<16x768xf32, #tpu.memory_space<vmem>>, vector<1x16xf32>,
        %get3A_314 = vector.shape_cast %get3A_313 : vector<1x16xf32> to vector<16xf32>
        %add3A_315 = arith.addf %get3A_310, %get3A_314 : vector<16xf32>
        %swap3A_316 = arith.index_cast %scan3A_280 : i32 to index
        %swap3A_317 = arith.constant 32 : index
        %swap3A_318 = tpu.vector_load %arg9[%swap3A_316, %swap3A_317] {strides = array<i32>} : memref<16x768xf32, #tpu.memory_space<vmem>>, vector<1x16xf32>,
        %swap3A_319 = vector.shape_cast %swap3A_318 : vector<1x16xf32> to vector<16xf32>
        %swap3A_320 = vector.shape_cast %add3A_315 : vector<16xf32> to vector<1x16xf32>
        tpu.vector_store %arg9[%swap3A_316, %swap3A_317], %swap3A_320 {strides = array<i32>} : memref<16x768xf32, #tpu.memory_space<vmem>>, vector<1x16xf32>,
        %get3A_321 = arith.index_cast %scan3A_280 : i32 to index
        %get3A_322 = arith.constant 48 : index
        %get3A_323 = tpu.vector_load %arg9[%get3A_321, %get3A_322] {strides = array<i32>} : memref<16x768xf32, #tpu.memory_space<vmem>>, vector<1x16xf32>,
        %get3A_324 = vector.shape_cast %get3A_323 : vector<1x16xf32> to vector<16xf32>
        %get3A_325 = arith.index_cast %scan3A_280 : i32 to index
        %get3A_326 = arith.constant 48 : index
        %get3A_327 = tpu.vector_load %arg13[%get3A_325, %get3A_326] {strides = array<i32>} : memref<16x768xf32, #tpu.memory_space<vmem>>, vector<1x16xf32>,
        %get3A_328 = vector.shape_cast %get3A_327 : vector<1x16xf32> to vector<16xf32>
        %add3A_329 = arith.addf %get3A_324, %get3A_328 : vector<16xf32>
        %swap3A_330 = arith.index_cast %scan3A_280 : i32 to index
        %swap3A_331 = arith.constant 48 : index
        %swap3A_332 = tpu.vector_load %arg9[%swap3A_330, %swap3A_331] {strides = array<i32>} : memref<16x768xf32, #tpu.memory_space<vmem>>, vector<1x16xf32>,
        %swap3A_333 = vector.shape_cast %swap3A_332 : vector<1x16xf32> to vector<16xf32>
        %swap3A_334 = vector.shape_cast %add3A_329 : vector<16xf32> to vector<1x16xf32>
        tpu.vector_store %arg9[%swap3A_330, %swap3A_331], %swap3A_334 {strides = array<i32>} : memref<16x768xf32, #tpu.memory_space<vmem>>, vector<1x16xf32>,
        %get3A_335 = arith.index_cast %scan3A_280 : i32 to index
        %get3A_336 = arith.constant 64 : index
        %get3A_337 = tpu.vector_load %arg9[%get3A_335, %get3A_336] {strides = array<i32>} : memref<16x768xf32, #tpu.memory_space<vmem>>, vector<1x16xf32>,
        %get3A_338 = vector.shape_cast %get3A_337 : vector<1x16xf32> to vector<16xf32>
        %get3A_339 = arith.index_cast %scan3A_280 : i32 to index
        %get3A_340 = arith.constant 64 : index
        %get3A_341 = tpu.vector_load %arg13[%get3A_339, %get3A_340] {strides = array<i32>} : memref<16x768xf32, #tpu.memory_space<vmem>>, vector<1x16xf32>,
        %get3A_342 = vector.shape_cast %get3A_341 : vector<1x16xf32> to vector<16xf32>
        %add3A_343 = arith.addf %get3A_338, %get3A_342 : vector<16xf32>
        %swap3A_344 = arith.index_cast %scan3A_280 : i32 to index
        %swap3A_345 = arith.constant 64 : index
        %swap3A_346 = tpu.vector_load %arg9[%swap3A_344, %swap3A_345] {strides = array<i32>} : memref<16x768xf32, #tpu.memory_space<vmem>>, vector<1x16xf32>,
        %swap3A_347 = vector.shape_cast %swap3A_346 : vector<1x16xf32> to vector<16xf32>
        %swap3A_348 = vector.shape_cast %add3A_343 : vector<16xf32> to vector<1x16xf32>
        tpu.vector_store %arg9[%swap3A_344, %swap3A_345], %swap3A_348 {strides = array<i32>} : memref<16x768xf32, #tpu.memory_space<vmem>>, vector<1x16xf32>,
        %get3A_349 = arith.index_cast %scan3A_280 : i32 to index
        %get3A_350 = arith.constant 80 : index
        %get3A_351 = tpu.vector_load %arg9[%get3A_349, %get3A_350] {strides = array<i32>} : memref<16x768xf32, #tpu.memory_space<vmem>>, vector<1x16xf32>,
        %get3A_352 = vector.shape_cast %get3A_351 : vector<1x16xf32> to vector<16xf32>
        %get3A_353 = arith.index_cast %scan3A_280 : i32 to index
        %get3A_354 = arith.constant 80 : index
        %get3A_355 = tpu.vector_load %arg13[%get3A_353, %get3A_354] {strides = array<i32>} : memref<16x768xf32, #tpu.memory_space<vmem>>, vector<1x16xf32>,
        %get3A_356 = vector.shape_cast %get3A_355 : vector<1x16xf32> to vector<16xf32>
        %add3A_357 = arith.addf %get3A_352, %get3A_356 : vector<16xf32>
        %swap3A_358 = arith.index_cast %scan3A_280 : i32 to index
        %swap3A_359 = arith.constant 80 : index
        %swap3A_360 = tpu.vector_load %arg9[%swap3A_358, %swap3A_359] {strides = array<i32>} : memref<16x768xf32, #tpu.memory_space<vmem>>, vector<1x16xf32>,
        %swap3A_361 = vector.shape_cast %swap3A_360 : vector<1x16xf32> to vector<16xf32>
        %swap3A_362 = vector.shape_cast %add3A_357 : vector<16xf32> to vector<1x16xf32>
        tpu.vector_store %arg9[%swap3A_358, %swap3A_359], %swap3A_362 {strides = array<i32>} : memref<16x768xf32, #tpu.memory_space<vmem>>, vector<1x16xf32>,
        %get3A_363 = arith.index_cast %scan3A_280 : i32 to index
        %get3A_364 = arith.constant 96 : index
        %get3A_365 = tpu.vector_load %arg9[%get3A_363, %get3A_364] {strides = array<i32>} : memref<16x768xf32, #tpu.memory_space<vmem>>, vector<1x16xf32>,
        %get3A_366 = vector.shape_cast %get3A_365 : vector<1x16xf32> to vector<16xf32>
        %get3A_367 = arith.index_cast %scan3A_280 : i32 to index
        %get3A_368 = arith.constant 96 : index
        %get3A_369 = tpu.vector_load %arg13[%get3A_367, %get3A_368] {strides = array<i32>} : memref<16x768xf32, #tpu.memory_space<vmem>>, vector<1x16xf32>,
        %get3A_370 = vector.shape_cast %get3A_369 : vector<1x16xf32> to vector<16xf32>
        %add3A_371 = arith.addf %get3A_366, %get3A_370 : vector<16xf32>
        %swap3A_372 = arith.index_cast %scan3A_280 : i32 to index
        %swap3A_373 = arith.constant 96 : index
        %swap3A_374 = tpu.vector_load %arg9[%swap3A_372, %swap3A_373] {strides = array<i32>} : memref<16x768xf32, #tpu.memory_space<vmem>>, vector<1x16xf32>,
        %swap3A_375 = vector.shape_cast %swap3A_374 : vector<1x16xf32> to vector<16xf32>
        %swap3A_376 = vector.shape_cast %add3A_371 : vector<16xf32> to vector<1x16xf32>
        tpu.vector_store %arg9[%swap3A_372, %swap3A_373], %swap3A_376 {strides = array<i32>} : memref<16x768xf32, #tpu.memory_space<vmem>>, vector<1x16xf32>,
        %get3A_377 = arith.index_cast %scan3A_280 : i32 to index
        %get3A_378 = arith.constant 112 : index
        %get3A_379 = tpu.vector_load %arg9[%get3A_377, %get3A_378] {strides = array<i32>} : memref<16x768xf32, #tpu.memory_space<vmem>>, vector<1x16xf32>,
        %get3A_380 = vector.shape_cast %get3A_379 : vector<1x16xf32> to vector<16xf32>
        %get3A_381 = arith.index_cast %scan3A_280 : i32 to index
        %get3A_382 = arith.constant 112 : index
        %get3A_383 = tpu.vector_load %arg13[%get3A_381, %get3A_382] {strides = array<i32>} : memref<16x768xf32, #tpu.memory_space<vmem>>, vector<1x16xf32>,
        %get3A_384 = vector.shape_cast %get3A_383 : vector<1x16xf32> to vector<16xf32>
        %add3A_385 = arith.addf %get3A_380, %get3A_384 : vector<16xf32>
        %swap3A_386 = arith.index_cast %scan3A_280 : i32 to index
        %swap3A_387 = arith.constant 112 : index
        %swap3A_388 = tpu.vector_load %arg9[%swap3A_386, %swap3A_387] {strides = array<i32>} : memref<16x768xf32, #tpu.memory_space<vmem>>, vector<1x16xf32>,
        %swap3A_389 = vector.shape_cast %swap3A_388 : vector<1x16xf32> to vector<16xf32>
        %swap3A_390 = vector.shape_cast %add3A_385 : vector<16xf32> to vector<1x16xf32>
        tpu.vector_store %arg9[%swap3A_386, %swap3A_387], %swap3A_390 {strides = array<i32>} : memref<16x768xf32, #tpu.memory_space<vmem>>, vector<1x16xf32>,
        %get3A_391 = arith.index_cast %scan3A_280 : i32 to index
        %get3A_392 = arith.constant 128 : index
        %get3A_393 = tpu.vector_load %arg9[%get3A_391, %get3A_392] {strides = array<i32>} : memref<16x768xf32, #tpu.memory_space<vmem>>, vector<1x16xf32>,
        %get3A_394 = vector.shape_cast %get3A_393 : vector<1x16xf32> to vector<16xf32>
        %get3A_395 = arith.index_cast %scan3A_280 : i32 to index
        %get3A_396 = arith.constant 128 : index
        %get3A_397 = tpu.vector_load %arg13[%get3A_395, %get3A_396] {strides = array<i32>} : memref<16x768xf32, #tpu.memory_space<vmem>>, vector<1x16xf32>,
        %get3A_398 = vector.shape_cast %get3A_397 : vector<1x16xf32> to vector<16xf32>
        %add3A_399 = arith.addf %get3A_394, %get3A_398 : vector<16xf32>
        %swap3A_400 = arith.index_cast %scan3A_280 : i32 to index
        %swap3A_401 = arith.constant 128 : index
        %swap3A_402 = tpu.vector_load %arg9[%swap3A_400, %swap3A_401] {strides = array<i32>} : memref<16x768xf32, #tpu.memory_space<vmem>>, vector<1x16xf32>,
        %swap3A_403 = vector.shape_cast %swap3A_402 : vector<1x16xf32> to vector<16xf32>
        %swap3A_404 = vector.shape_cast %add3A_399 : vector<16xf32> to vector<1x16xf32>
        tpu.vector_store %arg9[%swap3A_400, %swap3A_401], %swap3A_404 {strides = array<i32>} : memref<16x768xf32, #tpu.memory_space<vmem>>, vector<1x16xf32>,
        %get3A_405 = arith.index_cast %scan3A_280 : i32 to index
        %get3A_406 = arith.constant 144 : index
        %get3A_407 = tpu.vector_load %arg9[%get3A_405, %get3A_406] {strides = array<i32>} : memref<16x768xf32, #tpu.memory_space<vmem>>, vector<1x16xf32>,
        %get3A_408 = vector.shape_cast %get3A_407 : vector<1x16xf32> to vector<16xf32>
        %get3A_409 = arith.index_cast %scan3A_280 : i32 to index
        %get3A_410 = arith.constant 144 : index
        %get3A_411 = tpu.vector_load %arg13[%get3A_409, %get3A_410] {strides = array<i32>} : memref<16x768xf32, #tpu.memory_space<vmem>>, vector<1x16xf32>,
        %get3A_412 = vector.shape_cast %get3A_411 : vector<1x16xf32> to vector<16xf32>
        %add3A_413 = arith.addf %get3A_408, %get3A_412 : vector<16xf32>
        %swap3A_414 = arith.index_cast %scan3A_280 : i32 to index
        %swap3A_415 = arith.constant 144 : index
        %swap3A_416 = tpu.vector_load %arg9[%swap3A_414, %swap3A_415] {strides = array<i32>} : memref<16x768xf32, #tpu.memory_space<vmem>>, vector<1x16xf32>,
        %swap3A_417 = vector.shape_cast %swap3A_416 : vector<1x16xf32> to vector<16xf32>
        %swap3A_418 = vector.shape_cast %add3A_413 : vector<16xf32> to vector<1x16xf32>
        tpu.vector_store %arg9[%swap3A_414, %swap3A_415], %swap3A_418 {strides = array<i32>} : memref<16x768xf32, #tpu.memory_space<vmem>>, vector<1x16xf32>,
        %get3A_419 = arith.index_cast %scan3A_280 : i32 to index
        %get3A_420 = arith.constant 160 : index
        %get3A_421 = tpu.vector_load %arg9[%get3A_419, %get3A_420] {strides = array<i32>} : memref<16x768xf32, #tpu.memory_space<vmem>>, vector<1x16xf32>,
        %get3A_422 = vector.shape_cast %get3A_421 : vector<1x16xf32> to vector<16xf32>
        %get3A_423 = arith.index_cast %scan3A_280 : i32 to index
        %get3A_424 = arith.constant 160 : index
        %get3A_425 = tpu.vector_load %arg13[%get3A_423, %get3A_424] {strides = array<i32>} : memref<16x768xf32, #tpu.memory_space<vmem>>, vector<1x16xf32>,
        %get3A_426 = vector.shape_cast %get3A_425 : vector<1x16xf32> to vector<16xf32>
        %add3A_427 = arith.addf %get3A_422, %get3A_426 : vector<16xf32>
        %swap3A_428 = arith.index_cast %scan3A_280 : i32 to index
        %swap3A_429 = arith.constant 160 : index
        %swap3A_430 = tpu.vector_load %arg9[%swap3A_428, %swap3A_429] {strides = array<i32>} : memref<16x768xf32, #tpu.memory_space<vmem>>, vector<1x16xf32>,
        %swap3A_431 = vector.shape_cast %swap3A_430 : vector<1x16xf32> to vector<16xf32>
        %swap3A_432 = vector.shape_cast %add3A_427 : vector<16xf32> to vector<1x16xf32>
        tpu.vector_store %arg9[%swap3A_428, %swap3A_429], %swap3A_432 {strides = array<i32>} : memref<16x768xf32, #tpu.memory_space<vmem>>, vector<1x16xf32>,
        %get3A_433 = arith.index_cast %scan3A_280 : i32 to index
        %get3A_434 = arith.constant 176 : index
        %get3A_435 = tpu.vector_load %arg9[%get3A_433, %get3A_434] {strides = array<i32>} : memref<16x768xf32, #tpu.memory_space<vmem>>, vector<1x16xf32>,
        %get3A_436 = vector.shape_cast %get3A_435 : vector<1x16xf32> to vector<16xf32>
        %get3A_437 = arith.index_cast %scan3A_280 : i32 to index
        %get3A_438 = arith.constant 176 : index
        %get3A_439 = tpu.vector_load %arg13[%get3A_437, %get3A_438] {strides = array<i32>} : memref<16x768xf32, #tpu.memory_space<vmem>>, vector<1x16xf32>,
        %get3A_440 = vector.shape_cast %get3A_439 : vector<1x16xf32> to vector<16xf32>
        %add3A_441 = arith.addf %get3A_436, %get3A_440 : vector<16xf32>
        %swap3A_442 = arith.index_cast %scan3A_280 : i32 to index
        %swap3A_443 = arith.constant 176 : index
        %swap3A_444 = tpu.vector_load %arg9[%swap3A_442, %swap3A_443] {strides = array<i32>} : memref<16x768xf32, #tpu.memory_space<vmem>>, vector<1x16xf32>,
        %swap3A_445 = vector.shape_cast %swap3A_444 : vector<1x16xf32> to vector<16xf32>
        %swap3A_446 = vector.shape_cast %add3A_441 : vector<16xf32> to vector<1x16xf32>
        tpu.vector_store %arg9[%swap3A_442, %swap3A_443], %swap3A_446 {strides = array<i32>} : memref<16x768xf32, #tpu.memory_space<vmem>>, vector<1x16xf32>,
        %get3A_447 = arith.index_cast %scan3A_280 : i32 to index
        %get3A_448 = arith.constant 192 : index
        %get3A_449 = tpu.vector_load %arg9[%get3A_447, %get3A_448] {strides = array<i32>} : memref<16x768xf32, #tpu.memory_space<vmem>>, vector<1x16xf32>,
        %get3A_450 = vector.shape_cast %get3A_449 : vector<1x16xf32> to vector<16xf32>
        %get3A_451 = arith.index_cast %scan3A_280 : i32 to index
        %get3A_452 = arith.constant 192 : index
        %get3A_453 = tpu.vector_load %arg13[%get3A_451, %get3A_452] {strides = array<i32>} : memref<16x768xf32, #tpu.memory_space<vmem>>, vector<1x16xf32>,
        %get3A_454 = vector.shape_cast %get3A_453 : vector<1x16xf32> to vector<16xf32>
        %add3A_455 = arith.addf %get3A_450, %get3A_454 : vector<16xf32>
        %swap3A_456 = arith.index_cast %scan3A_280 : i32 to index
        %swap3A_457 = arith.constant 192 : index
        %swap3A_458 = tpu.vector_load %arg9[%swap3A_456, %swap3A_457] {strides = array<i32>} : memref<16x768xf32, #tpu.memory_space<vmem>>, vector<1x16xf32>,
        %swap3A_459 = vector.shape_cast %swap3A_458 : vector<1x16xf32> to vector<16xf32>
        %swap3A_460 = vector.shape_cast %add3A_455 : vector<16xf32> to vector<1x16xf32>
        tpu.vector_store %arg9[%swap3A_456, %swap3A_457], %swap3A_460 {strides = array<i32>} : memref<16x768xf32, #tpu.memory_space<vmem>>, vector<1x16xf32>,
        %get3A_461 = arith.index_cast %scan3A_280 : i32 to index
        %get3A_462 = arith.constant 208 : index
        %get3A_463 = tpu.vector_load %arg9[%get3A_461, %get3A_462] {strides = array<i32>} : memref<16x768xf32, #tpu.memory_space<vmem>>, vector<1x16xf32>,
        %get3A_464 = vector.shape_cast %get3A_463 : vector<1x16xf32> to vector<16xf32>
        %get3A_465 = arith.index_cast %scan3A_280 : i32 to index
        %get3A_466 = arith.constant 208 : index
        %get3A_467 = tpu.vector_load %arg13[%get3A_465, %get3A_466] {strides = array<i32>} : memref<16x768xf32, #tpu.memory_space<vmem>>, vector<1x16xf32>,
        %get3A_468 = vector.shape_cast %get3A_467 : vector<1x16xf32> to vector<16xf32>
        %add3A_469 = arith.addf %get3A_464, %get3A_468 : vector<16xf32>
        %swap3A_470 = arith.index_cast %scan3A_280 : i32 to index
        %swap3A_471 = arith.constant 208 : index
        %swap3A_472 = tpu.vector_load %arg9[%swap3A_470, %swap3A_471] {strides = array<i32>} : memref<16x768xf32, #tpu.memory_space<vmem>>, vector<1x16xf32>,
        %swap3A_473 = vector.shape_cast %swap3A_472 : vector<1x16xf32> to vector<16xf32>
        %swap3A_474 = vector.shape_cast %add3A_469 : vector<16xf32> to vector<1x16xf32>
        tpu.vector_store %arg9[%swap3A_470, %swap3A_471], %swap3A_474 {strides = array<i32>} : memref<16x768xf32, #tpu.memory_space<vmem>>, vector<1x16xf32>,
        %get3A_475 = arith.index_cast %scan3A_280 : i32 to index
        %get3A_476 = arith.constant 224 : index
        %get3A_477 = tpu.vector_load %arg9[%get3A_475, %get3A_476] {strides = array<i32>} : memref<16x768xf32, #tpu.memory_space<vmem>>, vector<1x16xf32>,
        %get3A_478 = vector.shape_cast %get3A_477 : vector<1x16xf32> to vector<16xf32>
        %get3A_479 = arith.index_cast %scan3A_280 : i32 to index
        %get3A_480 = arith.constant 224 : index
        %get3A_481 = tpu.vector_load %arg13[%get3A_479, %get3A_480] {strides = array<i32>} : memref<16x768xf32, #tpu.memory_space<vmem>>, vector<1x16xf32>,
        %get3A_482 = vector.shape_cast %get3A_481 : vector<1x16xf32> to vector<16xf32>
        %add3A_483 = arith.addf %get3A_478, %get3A_482 : vector<16xf32>
        %swap3A_484 = arith.index_cast %scan3A_280 : i32 to index
        %swap3A_485 = arith.constant 224 : index
        %swap3A_486 = tpu.vector_load %arg9[%swap3A_484, %swap3A_485] {strides = array<i32>} : memref<16x768xf32, #tpu.memory_space<vmem>>, vector<1x16xf32>,
        %swap3A_487 = vector.shape_cast %swap3A_486 : vector<1x16xf32> to vector<16xf32>
        %swap3A_488 = vector.shape_cast %add3A_483 : vector<16xf32> to vector<1x16xf32>
        tpu.vector_store %arg9[%swap3A_484, %swap3A_485], %swap3A_488 {strides = array<i32>} : memref<16x768xf32, #tpu.memory_space<vmem>>, vector<1x16xf32>,
        %get3A_489 = arith.index_cast %scan3A_280 : i32 to index
        %get3A_490 = arith.constant 240 : index
        %get3A_491 = tpu.vector_load %arg9[%get3A_489, %get3A_490] {strides = array<i32>} : memref<16x768xf32, #tpu.memory_space<vmem>>, vector<1x16xf32>,
        %get3A_492 = vector.shape_cast %get3A_491 : vector<1x16xf32> to vector<16xf32>
        %get3A_493 = arith.index_cast %scan3A_280 : i32 to index
        %get3A_494 = arith.constant 240 : index
        %get3A_495 = tpu.vector_load %arg13[%get3A_493, %get3A_494] {strides = array<i32>} : memref<16x768xf32, #tpu.memory_space<vmem>>, vector<1x16xf32>,
        %get3A_496 = vector.shape_cast %get3A_495 : vector<1x16xf32> to vector<16xf32>
        %add3A_497 = arith.addf %get3A_492, %get3A_496 : vector<16xf32>
        %swap3A_498 = arith.index_cast %scan3A_280 : i32 to index
        %swap3A_499 = arith.constant 240 : index
        %swap3A_500 = tpu.vector_load %arg9[%swap3A_498, %swap3A_499] {strides = array<i32>} : memref<16x768xf32, #tpu.memory_space<vmem>>, vector<1x16xf32>,
        %swap3A_501 = vector.shape_cast %swap3A_500 : vector<1x16xf32> to vector<16xf32>
        %swap3A_502 = vector.shape_cast %add3A_497 : vector<16xf32> to vector<1x16xf32>
        tpu.vector_store %arg9[%swap3A_498, %swap3A_499], %swap3A_502 {strides = array<i32>} : memref<16x768xf32, #tpu.memory_space<vmem>>, vector<1x16xf32>,
        %get3A_503 = arith.index_cast %scan3A_280 : i32 to index
        %get3A_504 = arith.constant 256 : index
        %get3A_505 = tpu.vector_load %arg9[%get3A_503, %get3A_504] {strides = array<i32>} : memref<16x768xf32, #tpu.memory_space<vmem>>, vector<1x16xf32>,
        %get3A_506 = vector.shape_cast %get3A_505 : vector<1x16xf32> to vector<16xf32>
        %get3A_507 = arith.index_cast %scan3A_280 : i32 to index
        %get3A_508 = arith.constant 256 : index
        %get3A_509 = tpu.vector_load %arg13[%get3A_507, %get3A_508] {strides = array<i32>} : memref<16x768xf32, #tpu.memory_space<vmem>>, vector<1x16xf32>,
        %get3A_510 = vector.shape_cast %get3A_509 : vector<1x16xf32> to vector<16xf32>
        %add3A_511 = arith.addf %get3A_506, %get3A_510 : vector<16xf32>
        %swap3A_512 = arith.index_cast %scan3A_280 : i32 to index
        %swap3A_513 = arith.constant 256 : index
        %swap3A_514 = tpu.vector_load %arg9[%swap3A_512, %swap3A_513] {strides = array<i32>} : memref<16x768xf32, #tpu.memory_space<vmem>>, vector<1x16xf32>,
        %swap3A_515 = vector.shape_cast %swap3A_514 : vector<1x16xf32> to vector<16xf32>
        %swap3A_516 = vector.shape_cast %add3A_511 : vector<16xf32> to vector<1x16xf32>
        tpu.vector_store %arg9[%swap3A_512, %swap3A_513], %swap3A_516 {strides = array<i32>} : memref<16x768xf32, #tpu.memory_space<vmem>>, vector<1x16xf32>,
        %get3A_517 = arith.index_cast %scan3A_280 : i32 to index
        %get3A_518 = arith.constant 272 : index
        %get3A_519 = tpu.vector_load %arg9[%get3A_517, %get3A_518] {strides = array<i32>} : memref<16x768xf32, #tpu.memory_space<vmem>>, vector<1x16xf32>,
        %get3A_520 = vector.shape_cast %get3A_519 : vector<1x16xf32> to vector<16xf32>
        %get3A_521 = arith.index_cast %scan3A_280 : i32 to index
        %get3A_522 = arith.constant 272 : index
        %get3A_523 = tpu.vector_load %arg13[%get3A_521, %get3A_522] {strides = array<i32>} : memref<16x768xf32, #tpu.memory_space<vmem>>, vector<1x16xf32>,
        %get3A_524 = vector.shape_cast %get3A_523 : vector<1x16xf32> to vector<16xf32>
        %add3A_525 = arith.addf %get3A_520, %get3A_524 : vector<16xf32>
        %swap3A_526 = arith.index_cast %scan3A_280 : i32 to index
        %swap3A_527 = arith.constant 272 : index
        %swap3A_528 = tpu.vector_load %arg9[%swap3A_526, %swap3A_527] {strides = array<i32>} : memref<16x768xf32, #tpu.memory_space<vmem>>, vector<1x16xf32>,
        %swap3A_529 = vector.shape_cast %swap3A_528 : vector<1x16xf32> to vector<16xf32>
        %swap3A_530 = vector.shape_cast %add3A_525 : vector<16xf32> to vector<1x16xf32>
        tpu.vector_store %arg9[%swap3A_526, %swap3A_527], %swap3A_530 {strides = array<i32>} : memref<16x768xf32, #tpu.memory_space<vmem>>, vector<1x16xf32>,
        %get3A_531 = arith.index_cast %scan3A_280 : i32 to index
        %get3A_532 = arith.constant 288 : index
        %get3A_533 = tpu.vector_load %arg9[%get3A_531, %get3A_532] {strides = array<i32>} : memref<16x768xf32, #tpu.memory_space<vmem>>, vector<1x16xf32>,
        %get3A_534 = vector.shape_cast %get3A_533 : vector<1x16xf32> to vector<16xf32>
        %get3A_535 = arith.index_cast %scan3A_280 : i32 to index
        %get3A_536 = arith.constant 288 : index
        %get3A_537 = tpu.vector_load %arg13[%get3A_535, %get3A_536] {strides = array<i32>} : memref<16x768xf32, #tpu.memory_space<vmem>>, vector<1x16xf32>,
        %get3A_538 = vector.shape_cast %get3A_537 : vector<1x16xf32> to vector<16xf32>
        %add3A_539 = arith.addf %get3A_534, %get3A_538 : vector<16xf32>
        %swap3A_540 = arith.index_cast %scan3A_280 : i32 to index
        %swap3A_541 = arith.constant 288 : index
        %swap3A_542 = tpu.vector_load %arg9[%swap3A_540, %swap3A_541] {strides = array<i32>} : memref<16x768xf32, #tpu.memory_space<vmem>>, vector<1x16xf32>,
        %swap3A_543 = vector.shape_cast %swap3A_542 : vector<1x16xf32> to vector<16xf32>
        %swap3A_544 = vector.shape_cast %add3A_539 : vector<16xf32> to vector<1x16xf32>
        tpu.vector_store %arg9[%swap3A_540, %swap3A_541], %swap3A_544 {strides = array<i32>} : memref<16x768xf32, #tpu.memory_space<vmem>>, vector<1x16xf32>,
        %get3A_545 = arith.index_cast %scan3A_280 : i32 to index
        %get3A_546 = arith.constant 304 : index
        %get3A_547 = tpu.vector_load %arg9[%get3A_545, %get3A_546] {strides = array<i32>} : memref<16x768xf32, #tpu.memory_space<vmem>>, vector<1x16xf32>,
        %get3A_548 = vector.shape_cast %get3A_547 : vector<1x16xf32> to vector<16xf32>
        %get3A_549 = arith.index_cast %scan3A_280 : i32 to index
        %get3A_550 = arith.constant 304 : index
        %get3A_551 = tpu.vector_load %arg13[%get3A_549, %get3A_550] {strides = array<i32>} : memref<16x768xf32, #tpu.memory_space<vmem>>, vector<1x16xf32>,
        %get3A_552 = vector.shape_cast %get3A_551 : vector<1x16xf32> to vector<16xf32>
        %add3A_553 = arith.addf %get3A_548, %get3A_552 : vector<16xf32>
        %swap3A_554 = arith.index_cast %scan3A_280 : i32 to index
        %swap3A_555 = arith.constant 304 : index
        %swap3A_556 = tpu.vector_load %arg9[%swap3A_554, %swap3A_555] {strides = array<i32>} : memref<16x768xf32, #tpu.memory_space<vmem>>, vector<1x16xf32>,
        %swap3A_557 = vector.shape_cast %swap3A_556 : vector<1x16xf32> to vector<16xf32>
        %swap3A_558 = vector.shape_cast %add3A_553 : vector<16xf32> to vector<1x16xf32>
        tpu.vector_store %arg9[%swap3A_554, %swap3A_555], %swap3A_558 {strides = array<i32>} : memref<16x768xf32, #tpu.memory_space<vmem>>, vector<1x16xf32>,
        %get3A_559 = arith.index_cast %scan3A_280 : i32 to index
        %get3A_560 = arith.constant 320 : index
        %get3A_561 = tpu.vector_load %arg9[%get3A_559, %get3A_560] {strides = array<i32>} : memref<16x768xf32, #tpu.memory_space<vmem>>, vector<1x16xf32>,
        %get3A_562 = vector.shape_cast %get3A_561 : vector<1x16xf32> to vector<16xf32>
        %get3A_563 = arith.index_cast %scan3A_280 : i32 to index
        %get3A_564 = arith.constant 320 : index
        %get3A_565 = tpu.vector_load %arg13[%get3A_563, %get3A_564] {strides = array<i32>} : memref<16x768xf32, #tpu.memory_space<vmem>>, vector<1x16xf32>,
        %get3A_566 = vector.shape_cast %get3A_565 : vector<1x16xf32> to vector<16xf32>
        %add3A_567 = arith.addf %get3A_562, %get3A_566 : vector<16xf32>
        %swap3A_568 = arith.index_cast %scan3A_280 : i32 to index
        %swap3A_569 = arith.constant 320 : index
        %swap3A_570 = tpu.vector_load %arg9[%swap3A_568, %swap3A_569] {strides = array<i32>} : memref<16x768xf32, #tpu.memory_space<vmem>>, vector<1x16xf32>,
        %swap3A_571 = vector.shape_cast %swap3A_570 : vector<1x16xf32> to vector<16xf32>
        %swap3A_572 = vector.shape_cast %add3A_567 : vector<16xf32> to vector<1x16xf32>
        tpu.vector_store %arg9[%swap3A_568, %swap3A_569], %swap3A_572 {strides = array<i32>} : memref<16x768xf32, #tpu.memory_space<vmem>>, vector<1x16xf32>,
        %get3A_573 = arith.index_cast %scan3A_280 : i32 to index
        %get3A_574 = arith.constant 336 : index
        %get3A_575 = tpu.vector_load %arg9[%get3A_573, %get3A_574] {strides = array<i32>} : memref<16x768xf32, #tpu.memory_space<vmem>>, vector<1x16xf32>,
        %get3A_576 = vector.shape_cast %get3A_575 : vector<1x16xf32> to vector<16xf32>
        %get3A_577 = arith.index_cast %scan3A_280 : i32 to index
        %get3A_578 = arith.constant 336 : index
        %get3A_579 = tpu.vector_load %arg13[%get3A_577, %get3A_578] {strides = array<i32>} : memref<16x768xf32, #tpu.memory_space<vmem>>, vector<1x16xf32>,
        %get3A_580 = vector.shape_cast %get3A_579 : vector<1x16xf32> to vector<16xf32>
        %add3A_581 = arith.addf %get3A_576, %get3A_580 : vector<16xf32>
        %swap3A_582 = arith.index_cast %scan3A_280 : i32 to index
        %swap3A_583 = arith.constant 336 : index
        %swap3A_584 = tpu.vector_load %arg9[%swap3A_582, %swap3A_583] {strides = array<i32>} : memref<16x768xf32, #tpu.memory_space<vmem>>, vector<1x16xf32>,
        %swap3A_585 = vector.shape_cast %swap3A_584 : vector<1x16xf32> to vector<16xf32>
        %swap3A_586 = vector.shape_cast %add3A_581 : vector<16xf32> to vector<1x16xf32>
        tpu.vector_store %arg9[%swap3A_582, %swap3A_583], %swap3A_586 {strides = array<i32>} : memref<16x768xf32, #tpu.memory_space<vmem>>, vector<1x16xf32>,
        %get3A_587 = arith.index_cast %scan3A_280 : i32 to index
        %get3A_588 = arith.constant 352 : index
        %get3A_589 = tpu.vector_load %arg9[%get3A_587, %get3A_588] {strides = array<i32>} : memref<16x768xf32, #tpu.memory_space<vmem>>, vector<1x16xf32>,
        %get3A_590 = vector.shape_cast %get3A_589 : vector<1x16xf32> to vector<16xf32>
        %get3A_591 = arith.index_cast %scan3A_280 : i32 to index
        %get3A_592 = arith.constant 352 : index
        %get3A_593 = tpu.vector_load %arg13[%get3A_591, %get3A_592] {strides = array<i32>} : memref<16x768xf32, #tpu.memory_space<vmem>>, vector<1x16xf32>,
        %get3A_594 = vector.shape_cast %get3A_593 : vector<1x16xf32> to vector<16xf32>
        %add3A_595 = arith.addf %get3A_590, %get3A_594 : vector<16xf32>
        %swap3A_596 = arith.index_cast %scan3A_280 : i32 to index
        %swap3A_597 = arith.constant 352 : index
        %swap3A_598 = tpu.vector_load %arg9[%swap3A_596, %swap3A_597] {strides = array<i32>} : memref<16x768xf32, #tpu.memory_space<vmem>>, vector<1x16xf32>,
        %swap3A_599 = vector.shape_cast %swap3A_598 : vector<1x16xf32> to vector<16xf32>
        %swap3A_600 = vector.shape_cast %add3A_595 : vector<16xf32> to vector<1x16xf32>
        tpu.vector_store %arg9[%swap3A_596, %swap3A_597], %swap3A_600 {strides = array<i32>} : memref<16x768xf32, #tpu.memory_space<vmem>>, vector<1x16xf32>,
        %get3A_601 = arith.index_cast %scan3A_280 : i32 to index
        %get3A_602 = arith.constant 368 : index
        %get3A_603 = tpu.vector_load %arg9[%get3A_601, %get3A_602] {strides = array<i32>} : memref<16x768xf32, #tpu.memory_space<vmem>>, vector<1x16xf32>,
        %get3A_604 = vector.shape_cast %get3A_603 : vector<1x16xf32> to vector<16xf32>
        %get3A_605 = arith.index_cast %scan3A_280 : i32 to index
        %get3A_606 = arith.constant 368 : index
        %get3A_607 = tpu.vector_load %arg13[%get3A_605, %get3A_606] {strides = array<i32>} : memref<16x768xf32, #tpu.memory_space<vmem>>, vector<1x16xf32>,
        %get3A_608 = vector.shape_cast %get3A_607 : vector<1x16xf32> to vector<16xf32>
        %add3A_609 = arith.addf %get3A_604, %get3A_608 : vector<16xf32>
        %swap3A_610 = arith.index_cast %scan3A_280 : i32 to index
        %swap3A_611 = arith.constant 368 : index
        %swap3A_612 = tpu.vector_load %arg9[%swap3A_610, %swap3A_611] {strides = array<i32>} : memref<16x768xf32, #tpu.memory_space<vmem>>, vector<1x16xf32>,
        %swap3A_613 = vector.shape_cast %swap3A_612 : vector<1x16xf32> to vector<16xf32>
        %swap3A_614 = vector.shape_cast %add3A_609 : vector<16xf32> to vector<1x16xf32>
        tpu.vector_store %arg9[%swap3A_610, %swap3A_611], %swap3A_614 {strides = array<i32>} : memref<16x768xf32, #tpu.memory_space<vmem>>, vector<1x16xf32>,
        %get3A_615 = arith.index_cast %scan3A_280 : i32 to index
        %get3A_616 = arith.constant 384 : index
        %get3A_617 = tpu.vector_load %arg9[%get3A_615, %get3A_616] {strides = array<i32>} : memref<16x768xf32, #tpu.memory_space<vmem>>, vector<1x16xf32>,
        %get3A_618 = vector.shape_cast %get3A_617 : vector<1x16xf32> to vector<16xf32>
        %get3A_619 = arith.index_cast %scan3A_280 : i32 to index
        %get3A_620 = arith.constant 384 : index
        %get3A_621 = tpu.vector_load %arg13[%get3A_619, %get3A_620] {strides = array<i32>} : memref<16x768xf32, #tpu.memory_space<vmem>>, vector<1x16xf32>,
        %get3A_622 = vector.shape_cast %get3A_621 : vector<1x16xf32> to vector<16xf32>
        %add3A_623 = arith.addf %get3A_618, %get3A_622 : vector<16xf32>
        %swap3A_624 = arith.index_cast %scan3A_280 : i32 to index
        %swap3A_625 = arith.constant 384 : index
        %swap3A_626 = tpu.vector_load %arg9[%swap3A_624, %swap3A_625] {strides = array<i32>} : memref<16x768xf32, #tpu.memory_space<vmem>>, vector<1x16xf32>,
        %swap3A_627 = vector.shape_cast %swap3A_626 : vector<1x16xf32> to vector<16xf32>
        %swap3A_628 = vector.shape_cast %add3A_623 : vector<16xf32> to vector<1x16xf32>
        tpu.vector_store %arg9[%swap3A_624, %swap3A_625], %swap3A_628 {strides = array<i32>} : memref<16x768xf32, #tpu.memory_space<vmem>>, vector<1x16xf32>,
        %get3A_629 = arith.index_cast %scan3A_280 : i32 to index
        %get3A_630 = arith.constant 400 : index
        %get3A_631 = tpu.vector_load %arg9[%get3A_629, %get3A_630] {strides = array<i32>} : memref<16x768xf32, #tpu.memory_space<vmem>>, vector<1x16xf32>,
        %get3A_632 = vector.shape_cast %get3A_631 : vector<1x16xf32> to vector<16xf32>
        %get3A_633 = arith.index_cast %scan3A_280 : i32 to index
        %get3A_634 = arith.constant 400 : index
        %get3A_635 = tpu.vector_load %arg13[%get3A_633, %get3A_634] {strides = array<i32>} : memref<16x768xf32, #tpu.memory_space<vmem>>, vector<1x16xf32>,
        %get3A_636 = vector.shape_cast %get3A_635 : vector<1x16xf32> to vector<16xf32>
        %add3A_637 = arith.addf %get3A_632, %get3A_636 : vector<16xf32>
        %swap3A_638 = arith.index_cast %scan3A_280 : i32 to index
        %swap3A_639 = arith.constant 400 : index
        %swap3A_640 = tpu.vector_load %arg9[%swap3A_638, %swap3A_639] {strides = array<i32>} : memref<16x768xf32, #tpu.memory_space<vmem>>, vector<1x16xf32>,
        %swap3A_641 = vector.shape_cast %swap3A_640 : vector<1x16xf32> to vector<16xf32>
        %swap3A_642 = vector.shape_cast %add3A_637 : vector<16xf32> to vector<1x16xf32>
        tpu.vector_store %arg9[%swap3A_638, %swap3A_639], %swap3A_642 {strides = array<i32>} : memref<16x768xf32, #tpu.memory_space<vmem>>, vector<1x16xf32>,
        %get3A_643 = arith.index_cast %scan3A_280 : i32 to index
        %get3A_644 = arith.constant 416 : index
        %get3A_645 = tpu.vector_load %arg9[%get3A_643, %get3A_644] {strides = array<i32>} : memref<16x768xf32, #tpu.memory_space<vmem>>, vector<1x16xf32>,
        %get3A_646 = vector.shape_cast %get3A_645 : vector<1x16xf32> to vector<16xf32>
        %get3A_647 = arith.index_cast %scan3A_280 : i32 to index
        %get3A_648 = arith.constant 416 : index
        %get3A_649 = tpu.vector_load %arg13[%get3A_647, %get3A_648] {strides = array<i32>} : memref<16x768xf32, #tpu.memory_space<vmem>>, vector<1x16xf32>,
        %get3A_650 = vector.shape_cast %get3A_649 : vector<1x16xf32> to vector<16xf32>
        %add3A_651 = arith.addf %get3A_646, %get3A_650 : vector<16xf32>
        %swap3A_652 = arith.index_cast %scan3A_280 : i32 to index
        %swap3A_653 = arith.constant 416 : index
        %swap3A_654 = tpu.vector_load %arg9[%swap3A_652, %swap3A_653] {strides = array<i32>} : memref<16x768xf32, #tpu.memory_space<vmem>>, vector<1x16xf32>,
        %swap3A_655 = vector.shape_cast %swap3A_654 : vector<1x16xf32> to vector<16xf32>
        %swap3A_656 = vector.shape_cast %add3A_651 : vector<16xf32> to vector<1x16xf32>
        tpu.vector_store %arg9[%swap3A_652, %swap3A_653], %swap3A_656 {strides = array<i32>} : memref<16x768xf32, #tpu.memory_space<vmem>>, vector<1x16xf32>,
        %get3A_657 = arith.index_cast %scan3A_280 : i32 to index
        %get3A_658 = arith.constant 432 : index
        %get3A_659 = tpu.vector_load %arg9[%get3A_657, %get3A_658] {strides = array<i32>} : memref<16x768xf32, #tpu.memory_space<vmem>>, vector<1x16xf32>,
        %get3A_660 = vector.shape_cast %get3A_659 : vector<1x16xf32> to vector<16xf32>
        %get3A_661 = arith.index_cast %scan3A_280 : i32 to index
        %get3A_662 = arith.constant 432 : index
        %get3A_663 = tpu.vector_load %arg13[%get3A_661, %get3A_662] {strides = array<i32>} : memref<16x768xf32, #tpu.memory_space<vmem>>, vector<1x16xf32>,
        %get3A_664 = vector.shape_cast %get3A_663 : vector<1x16xf32> to vector<16xf32>
        %add3A_665 = arith.addf %get3A_660, %get3A_664 : vector<16xf32>
        %swap3A_666 = arith.index_cast %scan3A_280 : i32 to index
        %swap3A_667 = arith.constant 432 : index
        %swap3A_668 = tpu.vector_load %arg9[%swap3A_666, %swap3A_667] {strides = array<i32>} : memref<16x768xf32, #tpu.memory_space<vmem>>, vector<1x16xf32>,
        %swap3A_669 = vector.shape_cast %swap3A_668 : vector<1x16xf32> to vector<16xf32>
        %swap3A_670 = vector.shape_cast %add3A_665 : vector<16xf32> to vector<1x16xf32>
        tpu.vector_store %arg9[%swap3A_666, %swap3A_667], %swap3A_670 {strides = array<i32>} : memref<16x768xf32, #tpu.memory_space<vmem>>, vector<1x16xf32>,
        %get3A_671 = arith.index_cast %scan3A_280 : i32 to index
        %get3A_672 = arith.constant 448 : index
        %get3A_673 = tpu.vector_load %arg9[%get3A_671, %get3A_672] {strides = array<i32>} : memref<16x768xf32, #tpu.memory_space<vmem>>, vector<1x16xf32>,
        %get3A_674 = vector.shape_cast %get3A_673 : vector<1x16xf32> to vector<16xf32>
        %get3A_675 = arith.index_cast %scan3A_280 : i32 to index
        %get3A_676 = arith.constant 448 : index
        %get3A_677 = tpu.vector_load %arg13[%get3A_675, %get3A_676] {strides = array<i32>} : memref<16x768xf32, #tpu.memory_space<vmem>>, vector<1x16xf32>,
        %get3A_678 = vector.shape_cast %get3A_677 : vector<1x16xf32> to vector<16xf32>
        %add3A_679 = arith.addf %get3A_674, %get3A_678 : vector<16xf32>
        %swap3A_680 = arith.index_cast %scan3A_280 : i32 to index
        %swap3A_681 = arith.constant 448 : index
        %swap3A_682 = tpu.vector_load %arg9[%swap3A_680, %swap3A_681] {strides = array<i32>} : memref<16x768xf32, #tpu.memory_space<vmem>>, vector<1x16xf32>,
        %swap3A_683 = vector.shape_cast %swap3A_682 : vector<1x16xf32> to vector<16xf32>
        %swap3A_684 = vector.shape_cast %add3A_679 : vector<16xf32> to vector<1x16xf32>
        tpu.vector_store %arg9[%swap3A_680, %swap3A_681], %swap3A_684 {strides = array<i32>} : memref<16x768xf32, #tpu.memory_space<vmem>>, vector<1x16xf32>,
        %get3A_685 = arith.index_cast %scan3A_280 : i32 to index
        %get3A_686 = arith.constant 464 : index
        %get3A_687 = tpu.vector_load %arg9[%get3A_685, %get3A_686] {strides = array<i32>} : memref<16x768xf32, #tpu.memory_space<vmem>>, vector<1x16xf32>,
        %get3A_688 = vector.shape_cast %get3A_687 : vector<1x16xf32> to vector<16xf32>
        %get3A_689 = arith.index_cast %scan3A_280 : i32 to index
        %get3A_690 = arith.constant 464 : index
        %get3A_691 = tpu.vector_load %arg13[%get3A_689, %get3A_690] {strides = array<i32>} : memref<16x768xf32, #tpu.memory_space<vmem>>, vector<1x16xf32>,
        %get3A_692 = vector.shape_cast %get3A_691 : vector<1x16xf32> to vector<16xf32>
        %add3A_693 = arith.addf %get3A_688, %get3A_692 : vector<16xf32>
        %swap3A_694 = arith.index_cast %scan3A_280 : i32 to index
        %swap3A_695 = arith.constant 464 : index
        %swap3A_696 = tpu.vector_load %arg9[%swap3A_694, %swap3A_695] {strides = array<i32>} : memref<16x768xf32, #tpu.memory_space<vmem>>, vector<1x16xf32>,
        %swap3A_697 = vector.shape_cast %swap3A_696 : vector<1x16xf32> to vector<16xf32>
        %swap3A_698 = vector.shape_cast %add3A_693 : vector<16xf32> to vector<1x16xf32>
        tpu.vector_store %arg9[%swap3A_694, %swap3A_695], %swap3A_698 {strides = array<i32>} : memref<16x768xf32, #tpu.memory_space<vmem>>, vector<1x16xf32>,
        %get3A_699 = arith.index_cast %scan3A_280 : i32 to index
        %get3A_700 = arith.constant 480 : index
        %get3A_701 = tpu.vector_load %arg9[%get3A_699, %get3A_700] {strides = array<i32>} : memref<16x768xf32, #tpu.memory_space<vmem>>, vector<1x16xf32>,
        %get3A_702 = vector.shape_cast %get3A_701 : vector<1x16xf32> to vector<16xf32>
        %get3A_703 = arith.index_cast %scan3A_280 : i32 to index
        %get3A_704 = arith.constant 480 : index
        %get3A_705 = tpu.vector_load %arg13[%get3A_703, %get3A_704] {strides = array<i32>} : memref<16x768xf32, #tpu.memory_space<vmem>>, vector<1x16xf32>,
        %get3A_706 = vector.shape_cast %get3A_705 : vector<1x16xf32> to vector<16xf32>
        %add3A_707 = arith.addf %get3A_702, %get3A_706 : vector<16xf32>
        %swap3A_708 = arith.index_cast %scan3A_280 : i32 to index
        %swap3A_709 = arith.constant 480 : index
        %swap3A_710 = tpu.vector_load %arg9[%swap3A_708, %swap3A_709] {strides = array<i32>} : memref<16x768xf32, #tpu.memory_space<vmem>>, vector<1x16xf32>,
        %swap3A_711 = vector.shape_cast %swap3A_710 : vector<1x16xf32> to vector<16xf32>
        %swap3A_712 = vector.shape_cast %add3A_707 : vector<16xf32> to vector<1x16xf32>
        tpu.vector_store %arg9[%swap3A_708, %swap3A_709], %swap3A_712 {strides = array<i32>} : memref<16x768xf32, #tpu.memory_space<vmem>>, vector<1x16xf32>,
        %get3A_713 = arith.index_cast %scan3A_280 : i32 to index
        %get3A_714 = arith.constant 496 : index
        %get3A_715 = tpu.vector_load %arg9[%get3A_713, %get3A_714] {strides = array<i32>} : memref<16x768xf32, #tpu.memory_space<vmem>>, vector<1x16xf32>,
        %get3A_716 = vector.shape_cast %get3A_715 : vector<1x16xf32> to vector<16xf32>
        %get3A_717 = arith.index_cast %scan3A_280 : i32 to index
        %get3A_718 = arith.constant 496 : index
        %get3A_719 = tpu.vector_load %arg13[%get3A_717, %get3A_718] {strides = array<i32>} : memref<16x768xf32, #tpu.memory_space<vmem>>, vector<1x16xf32>,
        %get3A_720 = vector.shape_cast %get3A_719 : vector<1x16xf32> to vector<16xf32>
        %add3A_721 = arith.addf %get3A_716, %get3A_720 : vector<16xf32>
        %swap3A_722 = arith.index_cast %scan3A_280 : i32 to index
        %swap3A_723 = arith.constant 496 : index
        %swap3A_724 = tpu.vector_load %arg9[%swap3A_722, %swap3A_723] {strides = array<i32>} : memref<16x768xf32, #tpu.memory_space<vmem>>, vector<1x16xf32>,
        %swap3A_725 = vector.shape_cast %swap3A_724 : vector<1x16xf32> to vector<16xf32>
        %swap3A_726 = vector.shape_cast %add3A_721 : vector<16xf32> to vector<1x16xf32>
        tpu.vector_store %arg9[%swap3A_722, %swap3A_723], %swap3A_726 {strides = array<i32>} : memref<16x768xf32, #tpu.memory_space<vmem>>, vector<1x16xf32>,
        %get3A_727 = arith.index_cast %scan3A_280 : i32 to index
        %get3A_728 = arith.constant 512 : index
        %get3A_729 = tpu.vector_load %arg9[%get3A_727, %get3A_728] {strides = array<i32>} : memref<16x768xf32, #tpu.memory_space<vmem>>, vector<1x16xf32>,
        %get3A_730 = vector.shape_cast %get3A_729 : vector<1x16xf32> to vector<16xf32>
        %get3A_731 = arith.index_cast %scan3A_280 : i32 to index
        %get3A_732 = arith.constant 512 : index
        %get3A_733 = tpu.vector_load %arg13[%get3A_731, %get3A_732] {strides = array<i32>} : memref<16x768xf32, #tpu.memory_space<vmem>>, vector<1x16xf32>,
        %get3A_734 = vector.shape_cast %get3A_733 : vector<1x16xf32> to vector<16xf32>
        %add3A_735 = arith.addf %get3A_730, %get3A_734 : vector<16xf32>
        %swap3A_736 = arith.index_cast %scan3A_280 : i32 to index
        %swap3A_737 = arith.constant 512 : index
        %swap3A_738 = tpu.vector_load %arg9[%swap3A_736, %swap3A_737] {strides = array<i32>} : memref<16x768xf32, #tpu.memory_space<vmem>>, vector<1x16xf32>,
        %swap3A_739 = vector.shape_cast %swap3A_738 : vector<1x16xf32> to vector<16xf32>
        %swap3A_740 = vector.shape_cast %add3A_735 : vector<16xf32> to vector<1x16xf32>
        tpu.vector_store %arg9[%swap3A_736, %swap3A_737], %swap3A_740 {strides = array<i32>} : memref<16x768xf32, #tpu.memory_space<vmem>>, vector<1x16xf32>,
        %get3A_741 = arith.index_cast %scan3A_280 : i32 to index
        %get3A_742 = arith.constant 528 : index
        %get3A_743 = tpu.vector_load %arg9[%get3A_741, %get3A_742] {strides = array<i32>} : memref<16x768xf32, #tpu.memory_space<vmem>>, vector<1x16xf32>,
        %get3A_744 = vector.shape_cast %get3A_743 : vector<1x16xf32> to vector<16xf32>
        %get3A_745 = arith.index_cast %scan3A_280 : i32 to index
        %get3A_746 = arith.constant 528 : index
        %get3A_747 = tpu.vector_load %arg13[%get3A_745, %get3A_746] {strides = array<i32>} : memref<16x768xf32, #tpu.memory_space<vmem>>, vector<1x16xf32>,
        %get3A_748 = vector.shape_cast %get3A_747 : vector<1x16xf32> to vector<16xf32>
        %add3A_749 = arith.addf %get3A_744, %get3A_748 : vector<16xf32>
        %swap3A_750 = arith.index_cast %scan3A_280 : i32 to index
        %swap3A_751 = arith.constant 528 : index
        %swap3A_752 = tpu.vector_load %arg9[%swap3A_750, %swap3A_751] {strides = array<i32>} : memref<16x768xf32, #tpu.memory_space<vmem>>, vector<1x16xf32>,
        %swap3A_753 = vector.shape_cast %swap3A_752 : vector<1x16xf32> to vector<16xf32>
        %swap3A_754 = vector.shape_cast %add3A_749 : vector<16xf32> to vector<1x16xf32>
        tpu.vector_store %arg9[%swap3A_750, %swap3A_751], %swap3A_754 {strides = array<i32>} : memref<16x768xf32, #tpu.memory_space<vmem>>, vector<1x16xf32>,
        %get3A_755 = arith.index_cast %scan3A_280 : i32 to index
        %get3A_756 = arith.constant 544 : index
        %get3A_757 = tpu.vector_load %arg9[%get3A_755, %get3A_756] {strides = array<i32>} : memref<16x768xf32, #tpu.memory_space<vmem>>, vector<1x16xf32>,
        %get3A_758 = vector.shape_cast %get3A_757 : vector<1x16xf32> to vector<16xf32>
        %get3A_759 = arith.index_cast %scan3A_280 : i32 to index
        %get3A_760 = arith.constant 544 : index
        %get3A_761 = tpu.vector_load %arg13[%get3A_759, %get3A_760] {strides = array<i32>} : memref<16x768xf32, #tpu.memory_space<vmem>>, vector<1x16xf32>,
        %get3A_762 = vector.shape_cast %get3A_761 : vector<1x16xf32> to vector<16xf32>
        %add3A_763 = arith.addf %get3A_758, %get3A_762 : vector<16xf32>
        %swap3A_764 = arith.index_cast %scan3A_280 : i32 to index
        %swap3A_765 = arith.constant 544 : index
        %swap3A_766 = tpu.vector_load %arg9[%swap3A_764, %swap3A_765] {strides = array<i32>} : memref<16x768xf32, #tpu.memory_space<vmem>>, vector<1x16xf32>,
        %swap3A_767 = vector.shape_cast %swap3A_766 : vector<1x16xf32> to vector<16xf32>
        %swap3A_768 = vector.shape_cast %add3A_763 : vector<16xf32> to vector<1x16xf32>
        tpu.vector_store %arg9[%swap3A_764, %swap3A_765], %swap3A_768 {strides = array<i32>} : memref<16x768xf32, #tpu.memory_space<vmem>>, vector<1x16xf32>,
        %get3A_769 = arith.index_cast %scan3A_280 : i32 to index
        %get3A_770 = arith.constant 560 : index
        %get3A_771 = tpu.vector_load %arg9[%get3A_769, %get3A_770] {strides = array<i32>} : memref<16x768xf32, #tpu.memory_space<vmem>>, vector<1x16xf32>,
        %get3A_772 = vector.shape_cast %get3A_771 : vector<1x16xf32> to vector<16xf32>
        %get3A_773 = arith.index_cast %scan3A_280 : i32 to index
        %get3A_774 = arith.constant 560 : index
        %get3A_775 = tpu.vector_load %arg13[%get3A_773, %get3A_774] {strides = array<i32>} : memref<16x768xf32, #tpu.memory_space<vmem>>, vector<1x16xf32>,
        %get3A_776 = vector.shape_cast %get3A_775 : vector<1x16xf32> to vector<16xf32>
        %add3A_777 = arith.addf %get3A_772, %get3A_776 : vector<16xf32>
        %swap3A_778 = arith.index_cast %scan3A_280 : i32 to index
        %swap3A_779 = arith.constant 560 : index
        %swap3A_780 = tpu.vector_load %arg9[%swap3A_778, %swap3A_779] {strides = array<i32>} : memref<16x768xf32, #tpu.memory_space<vmem>>, vector<1x16xf32>,
        %swap3A_781 = vector.shape_cast %swap3A_780 : vector<1x16xf32> to vector<16xf32>
        %swap3A_782 = vector.shape_cast %add3A_777 : vector<16xf32> to vector<1x16xf32>
        tpu.vector_store %arg9[%swap3A_778, %swap3A_779], %swap3A_782 {strides = array<i32>} : memref<16x768xf32, #tpu.memory_space<vmem>>, vector<1x16xf32>,
        %get3A_783 = arith.index_cast %scan3A_280 : i32 to index
        %get3A_784 = arith.constant 576 : index
        %get3A_785 = tpu.vector_load %arg9[%get3A_783, %get3A_784] {strides = array<i32>} : memref<16x768xf32, #tpu.memory_space<vmem>>, vector<1x16xf32>,
        %get3A_786 = vector.shape_cast %get3A_785 : vector<1x16xf32> to vector<16xf32>
        %get3A_787 = arith.index_cast %scan3A_280 : i32 to index
        %get3A_788 = arith.constant 576 : index
        %get3A_789 = tpu.vector_load %arg13[%get3A_787, %get3A_788] {strides = array<i32>} : memref<16x768xf32, #tpu.memory_space<vmem>>, vector<1x16xf32>,
        %get3A_790 = vector.shape_cast %get3A_789 : vector<1x16xf32> to vector<16xf32>
        %add3A_791 = arith.addf %get3A_786, %get3A_790 : vector<16xf32>
        %swap3A_792 = arith.index_cast %scan3A_280 : i32 to index
        %swap3A_793 = arith.constant 576 : index
        %swap3A_794 = tpu.vector_load %arg9[%swap3A_792, %swap3A_793] {strides = array<i32>} : memref<16x768xf32, #tpu.memory_space<vmem>>, vector<1x16xf32>,
        %swap3A_795 = vector.shape_cast %swap3A_794 : vector<1x16xf32> to vector<16xf32>
        %swap3A_796 = vector.shape_cast %add3A_791 : vector<16xf32> to vector<1x16xf32>
        tpu.vector_store %arg9[%swap3A_792, %swap3A_793], %swap3A_796 {strides = array<i32>} : memref<16x768xf32, #tpu.memory_space<vmem>>, vector<1x16xf32>,
        %get3A_797 = arith.index_cast %scan3A_280 : i32 to index
        %get3A_798 = arith.constant 592 : index
        %get3A_799 = tpu.vector_load %arg9[%get3A_797, %get3A_798] {strides = array<i32>} : memref<16x768xf32, #tpu.memory_space<vmem>>, vector<1x16xf32>,
        %get3A_800 = vector.shape_cast %get3A_799 : vector<1x16xf32> to vector<16xf32>
        %get3A_801 = arith.index_cast %scan3A_280 : i32 to index
        %get3A_802 = arith.constant 592 : index
        %get3A_803 = tpu.vector_load %arg13[%get3A_801, %get3A_802] {strides = array<i32>} : memref<16x768xf32, #tpu.memory_space<vmem>>, vector<1x16xf32>,
        %get3A_804 = vector.shape_cast %get3A_803 : vector<1x16xf32> to vector<16xf32>
        %add3A_805 = arith.addf %get3A_800, %get3A_804 : vector<16xf32>
        %swap3A_806 = arith.index_cast %scan3A_280 : i32 to index
        %swap3A_807 = arith.constant 592 : index
        %swap3A_808 = tpu.vector_load %arg9[%swap3A_806, %swap3A_807] {strides = array<i32>} : memref<16x768xf32, #tpu.memory_space<vmem>>, vector<1x16xf32>,
        %swap3A_809 = vector.shape_cast %swap3A_808 : vector<1x16xf32> to vector<16xf32>
        %swap3A_810 = vector.shape_cast %add3A_805 : vector<16xf32> to vector<1x16xf32>
        tpu.vector_store %arg9[%swap3A_806, %swap3A_807], %swap3A_810 {strides = array<i32>} : memref<16x768xf32, #tpu.memory_space<vmem>>, vector<1x16xf32>,
        %get3A_811 = arith.index_cast %scan3A_280 : i32 to index
        %get3A_812 = arith.constant 608 : index
        %get3A_813 = tpu.vector_load %arg9[%get3A_811, %get3A_812] {strides = array<i32>} : memref<16x768xf32, #tpu.memory_space<vmem>>, vector<1x16xf32>,
        %get3A_814 = vector.shape_cast %get3A_813 : vector<1x16xf32> to vector<16xf32>
        %get3A_815 = arith.index_cast %scan3A_280 : i32 to index
        %get3A_816 = arith.constant 608 : index
        %get3A_817 = tpu.vector_load %arg13[%get3A_815, %get3A_816] {strides = array<i32>} : memref<16x768xf32, #tpu.memory_space<vmem>>, vector<1x16xf32>,
        %get3A_818 = vector.shape_cast %get3A_817 : vector<1x16xf32> to vector<16xf32>
        %add3A_819 = arith.addf %get3A_814, %get3A_818 : vector<16xf32>
        %swap3A_820 = arith.index_cast %scan3A_280 : i32 to index
        %swap3A_821 = arith.constant 608 : index
        %swap3A_822 = tpu.vector_load %arg9[%swap3A_820, %swap3A_821] {strides = array<i32>} : memref<16x768xf32, #tpu.memory_space<vmem>>, vector<1x16xf32>,
        %swap3A_823 = vector.shape_cast %swap3A_822 : vector<1x16xf32> to vector<16xf32>
        %swap3A_824 = vector.shape_cast %add3A_819 : vector<16xf32> to vector<1x16xf32>
        tpu.vector_store %arg9[%swap3A_820, %swap3A_821], %swap3A_824 {strides = array<i32>} : memref<16x768xf32, #tpu.memory_space<vmem>>, vector<1x16xf32>,
        %get3A_825 = arith.index_cast %scan3A_280 : i32 to index
        %get3A_826 = arith.constant 624 : index
        %get3A_827 = tpu.vector_load %arg9[%get3A_825, %get3A_826] {strides = array<i32>} : memref<16x768xf32, #tpu.memory_space<vmem>>, vector<1x16xf32>,
        %get3A_828 = vector.shape_cast %get3A_827 : vector<1x16xf32> to vector<16xf32>
        %get3A_829 = arith.index_cast %scan3A_280 : i32 to index
        %get3A_830 = arith.constant 624 : index
        %get3A_831 = tpu.vector_load %arg13[%get3A_829, %get3A_830] {strides = array<i32>} : memref<16x768xf32, #tpu.memory_space<vmem>>, vector<1x16xf32>,
        %get3A_832 = vector.shape_cast %get3A_831 : vector<1x16xf32> to vector<16xf32>
        %add3A_833 = arith.addf %get3A_828, %get3A_832 : vector<16xf32>
        %swap3A_834 = arith.index_cast %scan3A_280 : i32 to index
        %swap3A_835 = arith.constant 624 : index
        %swap3A_836 = tpu.vector_load %arg9[%swap3A_834, %swap3A_835] {strides = array<i32>} : memref<16x768xf32, #tpu.memory_space<vmem>>, vector<1x16xf32>,
        %swap3A_837 = vector.shape_cast %swap3A_836 : vector<1x16xf32> to vector<16xf32>
        %swap3A_838 = vector.shape_cast %add3A_833 : vector<16xf32> to vector<1x16xf32>
        tpu.vector_store %arg9[%swap3A_834, %swap3A_835], %swap3A_838 {strides = array<i32>} : memref<16x768xf32, #tpu.memory_space<vmem>>, vector<1x16xf32>,
        %get3A_839 = arith.index_cast %scan3A_280 : i32 to index
        %get3A_840 = arith.constant 640 : index
        %get3A_841 = tpu.vector_load %arg9[%get3A_839, %get3A_840] {strides = array<i32>} : memref<16x768xf32, #tpu.memory_space<vmem>>, vector<1x16xf32>,
        %get3A_842 = vector.shape_cast %get3A_841 : vector<1x16xf32> to vector<16xf32>
        %get3A_843 = arith.index_cast %scan3A_280 : i32 to index
        %get3A_844 = arith.constant 640 : index
        %get3A_845 = tpu.vector_load %arg13[%get3A_843, %get3A_844] {strides = array<i32>} : memref<16x768xf32, #tpu.memory_space<vmem>>, vector<1x16xf32>,
        %get3A_846 = vector.shape_cast %get3A_845 : vector<1x16xf32> to vector<16xf32>
        %add3A_847 = arith.addf %get3A_842, %get3A_846 : vector<16xf32>
        %swap3A_848 = arith.index_cast %scan3A_280 : i32 to index
        %swap3A_849 = arith.constant 640 : index
        %swap3A_850 = tpu.vector_load %arg9[%swap3A_848, %swap3A_849] {strides = array<i32>} : memref<16x768xf32, #tpu.memory_space<vmem>>, vector<1x16xf32>,
        %swap3A_851 = vector.shape_cast %swap3A_850 : vector<1x16xf32> to vector<16xf32>
        %swap3A_852 = vector.shape_cast %add3A_847 : vector<16xf32> to vector<1x16xf32>
        tpu.vector_store %arg9[%swap3A_848, %swap3A_849], %swap3A_852 {strides = array<i32>} : memref<16x768xf32, #tpu.memory_space<vmem>>, vector<1x16xf32>,
        %get3A_853 = arith.index_cast %scan3A_280 : i32 to index
        %get3A_854 = arith.constant 656 : index
        %get3A_855 = tpu.vector_load %arg9[%get3A_853, %get3A_854] {strides = array<i32>} : memref<16x768xf32, #tpu.memory_space<vmem>>, vector<1x16xf32>,
        %get3A_856 = vector.shape_cast %get3A_855 : vector<1x16xf32> to vector<16xf32>
        %get3A_857 = arith.index_cast %scan3A_280 : i32 to index
        %get3A_858 = arith.constant 656 : index
        %get3A_859 = tpu.vector_load %arg13[%get3A_857, %get3A_858] {strides = array<i32>} : memref<16x768xf32, #tpu.memory_space<vmem>>, vector<1x16xf32>,
        %get3A_860 = vector.shape_cast %get3A_859 : vector<1x16xf32> to vector<16xf32>
        %add3A_861 = arith.addf %get3A_856, %get3A_860 : vector<16xf32>
        %swap3A_862 = arith.index_cast %scan3A_280 : i32 to index
        %swap3A_863 = arith.constant 656 : index
        %swap3A_864 = tpu.vector_load %arg9[%swap3A_862, %swap3A_863] {strides = array<i32>} : memref<16x768xf32, #tpu.memory_space<vmem>>, vector<1x16xf32>,
        %swap3A_865 = vector.shape_cast %swap3A_864 : vector<1x16xf32> to vector<16xf32>
        %swap3A_866 = vector.shape_cast %add3A_861 : vector<16xf32> to vector<1x16xf32>
        tpu.vector_store %arg9[%swap3A_862, %swap3A_863], %swap3A_866 {strides = array<i32>} : memref<16x768xf32, #tpu.memory_space<vmem>>, vector<1x16xf32>,
        %get3A_867 = arith.index_cast %scan3A_280 : i32 to index
        %get3A_868 = arith.constant 672 : index
        %get3A_869 = tpu.vector_load %arg9[%get3A_867, %get3A_868] {strides = array<i32>} : memref<16x768xf32, #tpu.memory_space<vmem>>, vector<1x16xf32>,
        %get3A_870 = vector.shape_cast %get3A_869 : vector<1x16xf32> to vector<16xf32>
        %get3A_871 = arith.index_cast %scan3A_280 : i32 to index
        %get3A_872 = arith.constant 672 : index
        %get3A_873 = tpu.vector_load %arg13[%get3A_871, %get3A_872] {strides = array<i32>} : memref<16x768xf32, #tpu.memory_space<vmem>>, vector<1x16xf32>,
        %get3A_874 = vector.shape_cast %get3A_873 : vector<1x16xf32> to vector<16xf32>
        %add3A_875 = arith.addf %get3A_870, %get3A_874 : vector<16xf32>
        %swap3A_876 = arith.index_cast %scan3A_280 : i32 to index
        %swap3A_877 = arith.constant 672 : index
        %swap3A_878 = tpu.vector_load %arg9[%swap3A_876, %swap3A_877] {strides = array<i32>} : memref<16x768xf32, #tpu.memory_space<vmem>>, vector<1x16xf32>,
        %swap3A_879 = vector.shape_cast %swap3A_878 : vector<1x16xf32> to vector<16xf32>
        %swap3A_880 = vector.shape_cast %add3A_875 : vector<16xf32> to vector<1x16xf32>
        tpu.vector_store %arg9[%swap3A_876, %swap3A_877], %swap3A_880 {strides = array<i32>} : memref<16x768xf32, #tpu.memory_space<vmem>>, vector<1x16xf32>,
        %get3A_881 = arith.index_cast %scan3A_280 : i32 to index
        %get3A_882 = arith.constant 688 : index
        %get3A_883 = tpu.vector_load %arg9[%get3A_881, %get3A_882] {strides = array<i32>} : memref<16x768xf32, #tpu.memory_space<vmem>>, vector<1x16xf32>,
        %get3A_884 = vector.shape_cast %get3A_883 : vector<1x16xf32> to vector<16xf32>
        %get3A_885 = arith.index_cast %scan3A_280 : i32 to index
        %get3A_886 = arith.constant 688 : index
        %get3A_887 = tpu.vector_load %arg13[%get3A_885, %get3A_886] {strides = array<i32>} : memref<16x768xf32, #tpu.memory_space<vmem>>, vector<1x16xf32>,
        %get3A_888 = vector.shape_cast %get3A_887 : vector<1x16xf32> to vector<16xf32>
        %add3A_889 = arith.addf %get3A_884, %get3A_888 : vector<16xf32>
        %swap3A_890 = arith.index_cast %scan3A_280 : i32 to index
        %swap3A_891 = arith.constant 688 : index
        %swap3A_892 = tpu.vector_load %arg9[%swap3A_890, %swap3A_891] {strides = array<i32>} : memref<16x768xf32, #tpu.memory_space<vmem>>, vector<1x16xf32>,
        %swap3A_893 = vector.shape_cast %swap3A_892 : vector<1x16xf32> to vector<16xf32>
        %swap3A_894 = vector.shape_cast %add3A_889 : vector<16xf32> to vector<1x16xf32>
        tpu.vector_store %arg9[%swap3A_890, %swap3A_891], %swap3A_894 {strides = array<i32>} : memref<16x768xf32, #tpu.memory_space<vmem>>, vector<1x16xf32>,
        %get3A_895 = arith.index_cast %scan3A_280 : i32 to index
        %get3A_896 = arith.constant 704 : index
        %get3A_897 = tpu.vector_load %arg9[%get3A_895, %get3A_896] {strides = array<i32>} : memref<16x768xf32, #tpu.memory_space<vmem>>, vector<1x16xf32>,
        %get3A_898 = vector.shape_cast %get3A_897 : vector<1x16xf32> to vector<16xf32>
        %get3A_899 = arith.index_cast %scan3A_280 : i32 to index
        %get3A_900 = arith.constant 704 : index
        %get3A_901 = tpu.vector_load %arg13[%get3A_899, %get3A_900] {strides = array<i32>} : memref<16x768xf32, #tpu.memory_space<vmem>>, vector<1x16xf32>,
        %get3A_902 = vector.shape_cast %get3A_901 : vector<1x16xf32> to vector<16xf32>
        %add3A_903 = arith.addf %get3A_898, %get3A_902 : vector<16xf32>
        %swap3A_904 = arith.index_cast %scan3A_280 : i32 to index
        %swap3A_905 = arith.constant 704 : index
        %swap3A_906 = tpu.vector_load %arg9[%swap3A_904, %swap3A_905] {strides = array<i32>} : memref<16x768xf32, #tpu.memory_space<vmem>>, vector<1x16xf32>,
        %swap3A_907 = vector.shape_cast %swap3A_906 : vector<1x16xf32> to vector<16xf32>
        %swap3A_908 = vector.shape_cast %add3A_903 : vector<16xf32> to vector<1x16xf32>
        tpu.vector_store %arg9[%swap3A_904, %swap3A_905], %swap3A_908 {strides = array<i32>} : memref<16x768xf32, #tpu.memory_space<vmem>>, vector<1x16xf32>,
        %get3A_909 = arith.index_cast %scan3A_280 : i32 to index
        %get3A_910 = arith.constant 720 : index
        %get3A_911 = tpu.vector_load %arg9[%get3A_909, %get3A_910] {strides = array<i32>} : memref<16x768xf32, #tpu.memory_space<vmem>>, vector<1x16xf32>,
        %get3A_912 = vector.shape_cast %get3A_911 : vector<1x16xf32> to vector<16xf32>
        %get3A_913 = arith.index_cast %scan3A_280 : i32 to index
        %get3A_914 = arith.constant 720 : index
        %get3A_915 = tpu.vector_load %arg13[%get3A_913, %get3A_914] {strides = array<i32>} : memref<16x768xf32, #tpu.memory_space<vmem>>, vector<1x16xf32>,
        %get3A_916 = vector.shape_cast %get3A_915 : vector<1x16xf32> to vector<16xf32>
        %add3A_917 = arith.addf %get3A_912, %get3A_916 : vector<16xf32>
        %swap3A_918 = arith.index_cast %scan3A_280 : i32 to index
        %swap3A_919 = arith.constant 720 : index
        %swap3A_920 = tpu.vector_load %arg9[%swap3A_918, %swap3A_919] {strides = array<i32>} : memref<16x768xf32, #tpu.memory_space<vmem>>, vector<1x16xf32>,
        %swap3A_921 = vector.shape_cast %swap3A_920 : vector<1x16xf32> to vector<16xf32>
        %swap3A_922 = vector.shape_cast %add3A_917 : vector<16xf32> to vector<1x16xf32>
        tpu.vector_store %arg9[%swap3A_918, %swap3A_919], %swap3A_922 {strides = array<i32>} : memref<16x768xf32, #tpu.memory_space<vmem>>, vector<1x16xf32>,
        %get3A_923 = arith.index_cast %scan3A_280 : i32 to index
        %get3A_924 = arith.constant 736 : index
        %get3A_925 = tpu.vector_load %arg9[%get3A_923, %get3A_924] {strides = array<i32>} : memref<16x768xf32, #tpu.memory_space<vmem>>, vector<1x16xf32>,
        %get3A_926 = vector.shape_cast %get3A_925 : vector<1x16xf32> to vector<16xf32>
        %get3A_927 = arith.index_cast %scan3A_280 : i32 to index
        %get3A_928 = arith.constant 736 : index
        %get3A_929 = tpu.vector_load %arg13[%get3A_927, %get3A_928] {strides = array<i32>} : memref<16x768xf32, #tpu.memory_space<vmem>>, vector<1x16xf32>,
        %get3A_930 = vector.shape_cast %get3A_929 : vector<1x16xf32> to vector<16xf32>
        %add3A_931 = arith.addf %get3A_926, %get3A_930 : vector<16xf32>
        %swap3A_932 = arith.index_cast %scan3A_280 : i32 to index
        %swap3A_933 = arith.constant 736 : index
        %swap3A_934 = tpu.vector_load %arg9[%swap3A_932, %swap3A_933] {strides = array<i32>} : memref<16x768xf32, #tpu.memory_space<vmem>>, vector<1x16xf32>,
        %swap3A_935 = vector.shape_cast %swap3A_934 : vector<1x16xf32> to vector<16xf32>
        %swap3A_936 = vector.shape_cast %add3A_931 : vector<16xf32> to vector<1x16xf32>
        tpu.vector_store %arg9[%swap3A_932, %swap3A_933], %swap3A_936 {strides = array<i32>} : memref<16x768xf32, #tpu.memory_space<vmem>>, vector<1x16xf32>,
        %get3A_937 = arith.index_cast %scan3A_280 : i32 to index
        %get3A_938 = arith.constant 752 : index
        %get3A_939 = tpu.vector_load %arg9[%get3A_937, %get3A_938] {strides = array<i32>} : memref<16x768xf32, #tpu.memory_space<vmem>>, vector<1x16xf32>,
        %get3A_940 = vector.shape_cast %get3A_939 : vector<1x16xf32> to vector<16xf32>
        %get3A_941 = arith.index_cast %scan3A_280 : i32 to index
        %get3A_942 = arith.constant 752 : index
        %get3A_943 = tpu.vector_load %arg13[%get3A_941, %get3A_942] {strides = array<i32>} : memref<16x768xf32, #tpu.memory_space<vmem>>, vector<1x16xf32>,
        %get3A_944 = vector.shape_cast %get3A_943 : vector<1x16xf32> to vector<16xf32>
        %add3A_945 = arith.addf %get3A_940, %get3A_944 : vector<16xf32>
        %swap3A_946 = arith.index_cast %scan3A_280 : i32 to index
        %swap3A_947 = arith.constant 752 : index
        %swap3A_948 = tpu.vector_load %arg9[%swap3A_946, %swap3A_947] {strides = array<i32>} : memref<16x768xf32, #tpu.memory_space<vmem>>, vector<1x16xf32>,
        %swap3A_949 = vector.shape_cast %swap3A_948 : vector<1x16xf32> to vector<16xf32>
        %swap3A_950 = vector.shape_cast %add3A_945 : vector<16xf32> to vector<1x16xf32>
        tpu.vector_store %arg9[%swap3A_946, %swap3A_947], %swap3A_950 {strides = array<i32>} : memref<16x768xf32, #tpu.memory_space<vmem>>, vector<1x16xf32>,
      }
      %scan3A_231 = arith.constant 16 : i32
      %mul3A_232 = arith.constant 16 : i32
      %mul3A_233 = arith.muli %add3A_205, %mul3A_232 : i32
      %add3A_234 = arith.addi %mul3A_32, %mul3A_233 : i32
      %dma_start3A_235 = arith.constant 0 : i32
      %dma_start3A_236 = tpu.memref_slice %arg5[%select_n3A, %add3A_234, %dma_start3A_235] : memref<2x2048x768xf32, #tpu.memory_space<hbm>> -> memref<1x16x768xf32, #tpu.memory_space<hbm>>
      %dma_start3A_237 = tpu.memref_squeeze %dma_start3A_236 : memref<1x16x768xf32, #tpu.memory_space<hbm>> -> memref<16x768xf32, #tpu.memory_space<hbm>>
      %dma_start3A_238 = arith.constant 0 : i32
      %dma_start3A_239 = tpu.memref_slice %arg5[%select_n3A, %add3A_234, %dma_start3A_238] : memref<2x2048x768xf32, #tpu.memory_space<hbm>> -> memref<1x16x768xf32, #tpu.memory_space<hbm>>
      %dma_start3A_240 = tpu.memref_squeeze %dma_start3A_239 : memref<1x16x768xf32, #tpu.memory_space<hbm>> -> memref<16x768xf32, #tpu.memory_space<hbm>>
      tpu.enqueue_dma source(%arg9 : memref<16x768xf32, #tpu.memory_space<vmem>>) target(%dma_start3A_240 : memref<16x768xf32, #tpu.memory_space<hbm>>) target_semaphore(%arg25 : memref<!tpu.dma_semaphore, #tpu.memory_space<semaphore_mem>>)
      %mul3A_241 = arith.constant 4 : i32
      %mul3A_242 = arith.muli %scan3A_107, %mul3A_241 : i32
      %add3A_243 = arith.constant 3 : i32
      %add3A_244 = arith.addi %mul3A_242, %add3A_243 : i32
      %eq3A_245 = arith.constant 0 : i32
      %eq3A_246 = arith.cmpi eq, %scan3A_107, %eq3A_245 : i32
      %convert_element_type3A_247 = arith.extui %eq3A_246 : i1 to i32
      %cond3A_248 = arith.constant 0 : i32
      %cond3A_249 = arith.cmpi ne, %convert_element_type3A_247, %cond3A_248 : i32
      scf.if %cond3A_249 {
        %sub3A_280 = arith.constant 1 : i32
        %sub3A_281 = arith.subi %add3A_244, %sub3A_280 : i32
        %mul3A_282 = arith.constant 16 : i32
        %mul3A_283 = arith.muli %sub3A_281, %mul3A_282 : i32
        %add3A_284 = arith.addi %mul3A_32, %mul3A_283 : i32
        %dma_wait3A_285 = arith.constant 0 : i32
        %dma_wait3A_286 = tpu.memref_slice %arg5[%select_n3A, %add3A_284, %dma_wait3A_285] : memref<2x2048x768xf32, #tpu.memory_space<hbm>> -> memref<1x16x768xf32, #tpu.memory_space<hbm>>
        %dma_wait3A_287 = tpu.memref_squeeze %dma_wait3A_286 : memref<1x16x768xf32, #tpu.memory_space<hbm>> -> memref<16x768xf32, #tpu.memory_space<hbm>>
        %dma_wait3A_288 = arith.constant 0 : i32
        %dma_wait3A_289 = tpu.memref_slice %arg5[%select_n3A, %add3A_284, %dma_wait3A_288] : memref<2x2048x768xf32, #tpu.memory_space<hbm>> -> memref<1x16x768xf32, #tpu.memory_space<hbm>>
        %dma_wait3A_290 = tpu.memref_squeeze %dma_wait3A_289 : memref<1x16x768xf32, #tpu.memory_space<hbm>> -> memref<16x768xf32, #tpu.memory_space<hbm>>
        tpu.wait_dma2 semaphore(%arg25 : memref<!tpu.dma_semaphore, #tpu.memory_space<semaphore_mem>>) src(%arg9 : memref<16x768xf32, #tpu.memory_space<vmem>>) dst(%dma_wait3A_290 : memref<16x768xf32, #tpu.memory_space<hbm>>)
        %add3A_291 = arith.constant 3 : i32
        %add3A_292 = arith.addi %add3A_244, %add3A_291 : i32
        %mul3A_293 = arith.constant 16 : i32
        %mul3A_294 = arith.muli %add3A_292, %mul3A_293 : i32
        %dma_start3A_295 = tpu.memref_slice %arg6[%mul3A_294] : memref<128xi32, #tpu.memory_space<vmem>> -> memref<16xi32, #tpu.memory_space<vmem>>
        %dma_start3A_296 = arith.constant 0 : i32
        %dma_start3A_297 = arith.constant 0 : i32
        %dma_start3A_298 = tpu.memref_slice %arg4[%dma_start3A_296, %dma_start3A_297] : memref<100000x768xf32, #tpu.memory_space<hbm>> -> memref<100000x768xf32, #tpu.memory_space<hbm>>
        tpu.enqueue_indirect_dma source(%dma_start3A_298 : memref<100000x768xf32, #tpu.memory_space<hbm>>) target(%arg9 : memref<16x768xf32, #tpu.memory_space<vmem>>) offsets(%dma_start3A_295 : memref<16xi32, #tpu.memory_space<vmem>>) semaphore(%arg17 : memref<!tpu.dma_semaphore, #tpu.memory_space<semaphore_mem>>)
        %add3A_299 = arith.constant 3 : i32
        %add3A_300 = arith.addi %add3A_244, %add3A_299 : i32
        %mul3A_301 = arith.constant 16 : i32
        %mul3A_302 = arith.muli %add3A_300, %mul3A_301 : i32
        %add3A_303 = arith.addi %mul3A_32, %mul3A_302 : i32
        %dma_start3A_304 = arith.constant 0 : i32
        %dma_start3A_305 = tpu.memref_slice %arg3[%select_n3A, %add3A_303, %dma_start3A_304] : memref<2x2048x768xf32, #tpu.memory_space<hbm>> -> memref<1x16x768xf32, #tpu.memory_space<hbm>>
        %dma_start3A_306 = tpu.memref_squeeze %dma_start3A_305 : memref<1x16x768xf32, #tpu.memory_space<hbm>> -> memref<16x768xf32, #tpu.memory_space<hbm>>
        %dma_start3A_307 = arith.constant 0 : i32
        %dma_start3A_308 = tpu.memref_slice %arg3[%select_n3A, %add3A_303, %dma_start3A_307] : memref<2x2048x768xf32, #tpu.memory_space<hbm>> -> memref<1x16x768xf32, #tpu.memory_space<hbm>>
        %dma_start3A_309 = tpu.memref_squeeze %dma_start3A_308 : memref<1x16x768xf32, #tpu.memory_space<hbm>> -> memref<16x768xf32, #tpu.memory_space<hbm>>
        tpu.enqueue_dma source(%dma_start3A_309 : memref<16x768xf32, #tpu.memory_space<hbm>>) target(%arg13 : memref<16x768xf32, #tpu.memory_space<vmem>>) target_semaphore(%arg21 : memref<!tpu.dma_semaphore, #tpu.memory_space<semaphore_mem>>)
      } else {
      }
      %mul3A_250 = arith.constant 16 : i32
      %mul3A_251 = arith.muli %add3A_244, %mul3A_250 : i32
      %dma_wait3A_252 = tpu.memref_slice %arg6[%mul3A_251] : memref<128xi32, #tpu.memory_space<vmem>> -> memref<16xi32, #tpu.memory_space<vmem>>
      %dma_wait3A_253 = arith.constant 0 : i32
      %dma_wait3A_254 = arith.constant 0 : i32
      %dma_wait3A_255 = tpu.memref_slice %arg4[%dma_wait3A_253, %dma_wait3A_254] : memref<100000x768xf32, #tpu.memory_space<hbm>> -> memref<100000x768xf32, #tpu.memory_space<hbm>>
      tpu.wait_indirect_dma semaphore(%arg18 : memref<!tpu.dma_semaphore, #tpu.memory_space<semaphore_mem>>) src(%dma_wait3A_255 : memref<100000x768xf32, #tpu.memory_space<hbm>>) dst(%arg10 : memref<16x768xf32, #tpu.memory_space<vmem>>)
      %mul3A_256 = arith.constant 16 : i32
      %mul3A_257 = arith.muli %add3A_244, %mul3A_256 : i32
      %add3A_258 = arith.addi %mul3A_32, %mul3A_257 : i32
      %dma_wait3A_259 = arith.constant 0 : i32
      %dma_wait3A_260 = tpu.memref_slice %arg3[%select_n3A, %add3A_258, %dma_wait3A_259] : memref<2x2048x768xf32, #tpu.memory_space<hbm>> -> memref<1x16x768xf32, #tpu.memory_space<hbm>>
      %dma_wait3A_261 = tpu.memref_squeeze %dma_wait3A_260 : memref<1x16x768xf32, #tpu.memory_space<hbm>> -> memref<16x768xf32, #tpu.memory_space<hbm>>
      %dma_wait3A_262 = arith.constant 0 : i32
      %dma_wait3A_263 = tpu.memref_slice %arg3[%select_n3A, %add3A_258, %dma_wait3A_262] : memref<2x2048x768xf32, #tpu.memory_space<hbm>> -> memref<1x16x768xf32, #tpu.memory_space<hbm>>
      %dma_wait3A_264 = tpu.memref_squeeze %dma_wait3A_263 : memref<1x16x768xf32, #tpu.memory_space<hbm>> -> memref<16x768xf32, #tpu.memory_space<hbm>>
      tpu.wait_dma2 semaphore(%arg22 : memref<!tpu.dma_semaphore, #tpu.memory_space<semaphore_mem>>) src(%dma_wait3A_264 : memref<16x768xf32, #tpu.memory_space<hbm>>) dst(%arg14 : memref<16x768xf32, #tpu.memory_space<vmem>>)
      %scan3A_265 = arith.constant 0 : i32
      %scan3A_266 = arith.constant 0 : i32
      %scan3A_267 = arith.constant 16 : i32
      %scan3A_268 = arith.addi %scan3A_266, %scan3A_267 : i32
      %scan3A_269 = arith.constant 1 : i32
      scf.for %scan3A_280 = %scan3A_266 to %scan3A_268 step %scan3A_269  : i32 {
        %get3A = arith.index_cast %scan3A_280 : i32 to index
        %get3A_281 = arith.constant 0 : index
        %get3A_282 = tpu.vector_load %arg10[%get3A, %get3A_281] {strides = array<i32>} : memref<16x768xf32, #tpu.memory_space<vmem>>, vector<1x16xf32>,
        %get3A_283 = vector.shape_cast %get3A_282 : vector<1x16xf32> to vector<16xf32>
        %get3A_284 = arith.index_cast %scan3A_280 : i32 to index
        %get3A_285 = arith.constant 0 : index
        %get3A_286 = tpu.vector_load %arg14[%get3A_284, %get3A_285] {strides = array<i32>} : memref<16x768xf32, #tpu.memory_space<vmem>>, vector<1x16xf32>,
        %get3A_287 = vector.shape_cast %get3A_286 : vector<1x16xf32> to vector<16xf32>
        %add3A_288 = arith.addf %get3A_283, %get3A_287 : vector<16xf32>
        %swap3A = arith.index_cast %scan3A_280 : i32 to index
        %swap3A_289 = arith.constant 0 : index
        %swap3A_290 = tpu.vector_load %arg10[%swap3A, %swap3A_289] {strides = array<i32>} : memref<16x768xf32, #tpu.memory_space<vmem>>, vector<1x16xf32>,
        %swap3A_291 = vector.shape_cast %swap3A_290 : vector<1x16xf32> to vector<16xf32>
        %swap3A_292 = vector.shape_cast %add3A_288 : vector<16xf32> to vector<1x16xf32>
        tpu.vector_store %arg10[%swap3A, %swap3A_289], %swap3A_292 {strides = array<i32>} : memref<16x768xf32, #tpu.memory_space<vmem>>, vector<1x16xf32>,
        %get3A_293 = arith.index_cast %scan3A_280 : i32 to index
        %get3A_294 = arith.constant 16 : index
        %get3A_295 = tpu.vector_load %arg10[%get3A_293, %get3A_294] {strides = array<i32>} : memref<16x768xf32, #tpu.memory_space<vmem>>, vector<1x16xf32>,
        %get3A_296 = vector.shape_cast %get3A_295 : vector<1x16xf32> to vector<16xf32>
        %get3A_297 = arith.index_cast %scan3A_280 : i32 to index
        %get3A_298 = arith.constant 16 : index
        %get3A_299 = tpu.vector_load %arg14[%get3A_297, %get3A_298] {strides = array<i32>} : memref<16x768xf32, #tpu.memory_space<vmem>>, vector<1x16xf32>,
        %get3A_300 = vector.shape_cast %get3A_299 : vector<1x16xf32> to vector<16xf32>
        %add3A_301 = arith.addf %get3A_296, %get3A_300 : vector<16xf32>
        %swap3A_302 = arith.index_cast %scan3A_280 : i32 to index
        %swap3A_303 = arith.constant 16 : index
        %swap3A_304 = tpu.vector_load %arg10[%swap3A_302, %swap3A_303] {strides = array<i32>} : memref<16x768xf32, #tpu.memory_space<vmem>>, vector<1x16xf32>,
        %swap3A_305 = vector.shape_cast %swap3A_304 : vector<1x16xf32> to vector<16xf32>
        %swap3A_306 = vector.shape_cast %add3A_301 : vector<16xf32> to vector<1x16xf32>
        tpu.vector_store %arg10[%swap3A_302, %swap3A_303], %swap3A_306 {strides = array<i32>} : memref<16x768xf32, #tpu.memory_space<vmem>>, vector<1x16xf32>,
        %get3A_307 = arith.index_cast %scan3A_280 : i32 to index
        %get3A_308 = arith.constant 32 : index
        %get3A_309 = tpu.vector_load %arg10[%get3A_307, %get3A_308] {strides = array<i32>} : memref<16x768xf32, #tpu.memory_space<vmem>>, vector<1x16xf32>,
        %get3A_310 = vector.shape_cast %get3A_309 : vector<1x16xf32> to vector<16xf32>
        %get3A_311 = arith.index_cast %scan3A_280 : i32 to index
        %get3A_312 = arith.constant 32 : index
        %get3A_313 = tpu.vector_load %arg14[%get3A_311, %get3A_312] {strides = array<i32>} : memref<16x768xf32, #tpu.memory_space<vmem>>, vector<1x16xf32>,
        %get3A_314 = vector.shape_cast %get3A_313 : vector<1x16xf32> to vector<16xf32>
        %add3A_315 = arith.addf %get3A_310, %get3A_314 : vector<16xf32>
        %swap3A_316 = arith.index_cast %scan3A_280 : i32 to index
        %swap3A_317 = arith.constant 32 : index
        %swap3A_318 = tpu.vector_load %arg10[%swap3A_316, %swap3A_317] {strides = array<i32>} : memref<16x768xf32, #tpu.memory_space<vmem>>, vector<1x16xf32>,
        %swap3A_319 = vector.shape_cast %swap3A_318 : vector<1x16xf32> to vector<16xf32>
        %swap3A_320 = vector.shape_cast %add3A_315 : vector<16xf32> to vector<1x16xf32>
        tpu.vector_store %arg10[%swap3A_316, %swap3A_317], %swap3A_320 {strides = array<i32>} : memref<16x768xf32, #tpu.memory_space<vmem>>, vector<1x16xf32>,
        %get3A_321 = arith.index_cast %scan3A_280 : i32 to index
        %get3A_322 = arith.constant 48 : index
        %get3A_323 = tpu.vector_load %arg10[%get3A_321, %get3A_322] {strides = array<i32>} : memref<16x768xf32, #tpu.memory_space<vmem>>, vector<1x16xf32>,
        %get3A_324 = vector.shape_cast %get3A_323 : vector<1x16xf32> to vector<16xf32>
        %get3A_325 = arith.index_cast %scan3A_280 : i32 to index
        %get3A_326 = arith.constant 48 : index
        %get3A_327 = tpu.vector_load %arg14[%get3A_325, %get3A_326] {strides = array<i32>} : memref<16x768xf32, #tpu.memory_space<vmem>>, vector<1x16xf32>,
        %get3A_328 = vector.shape_cast %get3A_327 : vector<1x16xf32> to vector<16xf32>
        %add3A_329 = arith.addf %get3A_324, %get3A_328 : vector<16xf32>
        %swap3A_330 = arith.index_cast %scan3A_280 : i32 to index
        %swap3A_331 = arith.constant 48 : index
        %swap3A_332 = tpu.vector_load %arg10[%swap3A_330, %swap3A_331] {strides = array<i32>} : memref<16x768xf32, #tpu.memory_space<vmem>>, vector<1x16xf32>,
        %swap3A_333 = vector.shape_cast %swap3A_332 : vector<1x16xf32> to vector<16xf32>
        %swap3A_334 = vector.shape_cast %add3A_329 : vector<16xf32> to vector<1x16xf32>
        tpu.vector_store %arg10[%swap3A_330, %swap3A_331], %swap3A_334 {strides = array<i32>} : memref<16x768xf32, #tpu.memory_space<vmem>>, vector<1x16xf32>,
        %get3A_335 = arith.index_cast %scan3A_280 : i32 to index
        %get3A_336 = arith.constant 64 : index
        %get3A_337 = tpu.vector_load %arg10[%get3A_335, %get3A_336] {strides = array<i32>} : memref<16x768xf32, #tpu.memory_space<vmem>>, vector<1x16xf32>,
        %get3A_338 = vector.shape_cast %get3A_337 : vector<1x16xf32> to vector<16xf32>
        %get3A_339 = arith.index_cast %scan3A_280 : i32 to index
        %get3A_340 = arith.constant 64 : index
        %get3A_341 = tpu.vector_load %arg14[%get3A_339, %get3A_340] {strides = array<i32>} : memref<16x768xf32, #tpu.memory_space<vmem>>, vector<1x16xf32>,
        %get3A_342 = vector.shape_cast %get3A_341 : vector<1x16xf32> to vector<16xf32>
        %add3A_343 = arith.addf %get3A_338, %get3A_342 : vector<16xf32>
        %swap3A_344 = arith.index_cast %scan3A_280 : i32 to index
        %swap3A_345 = arith.constant 64 : index
        %swap3A_346 = tpu.vector_load %arg10[%swap3A_344, %swap3A_345] {strides = array<i32>} : memref<16x768xf32, #tpu.memory_space<vmem>>, vector<1x16xf32>,
        %swap3A_347 = vector.shape_cast %swap3A_346 : vector<1x16xf32> to vector<16xf32>
        %swap3A_348 = vector.shape_cast %add3A_343 : vector<16xf32> to vector<1x16xf32>
        tpu.vector_store %arg10[%swap3A_344, %swap3A_345], %swap3A_348 {strides = array<i32>} : memref<16x768xf32, #tpu.memory_space<vmem>>, vector<1x16xf32>,
        %get3A_349 = arith.index_cast %scan3A_280 : i32 to index
        %get3A_350 = arith.constant 80 : index
        %get3A_351 = tpu.vector_load %arg10[%get3A_349, %get3A_350] {strides = array<i32>} : memref<16x768xf32, #tpu.memory_space<vmem>>, vector<1x16xf32>,
        %get3A_352 = vector.shape_cast %get3A_351 : vector<1x16xf32> to vector<16xf32>
        %get3A_353 = arith.index_cast %scan3A_280 : i32 to index
        %get3A_354 = arith.constant 80 : index
        %get3A_355 = tpu.vector_load %arg14[%get3A_353, %get3A_354] {strides = array<i32>} : memref<16x768xf32, #tpu.memory_space<vmem>>, vector<1x16xf32>,
        %get3A_356 = vector.shape_cast %get3A_355 : vector<1x16xf32> to vector<16xf32>
        %add3A_357 = arith.addf %get3A_352, %get3A_356 : vector<16xf32>
        %swap3A_358 = arith.index_cast %scan3A_280 : i32 to index
        %swap3A_359 = arith.constant 80 : index
        %swap3A_360 = tpu.vector_load %arg10[%swap3A_358, %swap3A_359] {strides = array<i32>} : memref<16x768xf32, #tpu.memory_space<vmem>>, vector<1x16xf32>,
        %swap3A_361 = vector.shape_cast %swap3A_360 : vector<1x16xf32> to vector<16xf32>
        %swap3A_362 = vector.shape_cast %add3A_357 : vector<16xf32> to vector<1x16xf32>
        tpu.vector_store %arg10[%swap3A_358, %swap3A_359], %swap3A_362 {strides = array<i32>} : memref<16x768xf32, #tpu.memory_space<vmem>>, vector<1x16xf32>,
        %get3A_363 = arith.index_cast %scan3A_280 : i32 to index
        %get3A_364 = arith.constant 96 : index
        %get3A_365 = tpu.vector_load %arg10[%get3A_363, %get3A_364] {strides = array<i32>} : memref<16x768xf32, #tpu.memory_space<vmem>>, vector<1x16xf32>,
        %get3A_366 = vector.shape_cast %get3A_365 : vector<1x16xf32> to vector<16xf32>
        %get3A_367 = arith.index_cast %scan3A_280 : i32 to index
        %get3A_368 = arith.constant 96 : index
        %get3A_369 = tpu.vector_load %arg14[%get3A_367, %get3A_368] {strides = array<i32>} : memref<16x768xf32, #tpu.memory_space<vmem>>, vector<1x16xf32>,
        %get3A_370 = vector.shape_cast %get3A_369 : vector<1x16xf32> to vector<16xf32>
        %add3A_371 = arith.addf %get3A_366, %get3A_370 : vector<16xf32>
        %swap3A_372 = arith.index_cast %scan3A_280 : i32 to index
        %swap3A_373 = arith.constant 96 : index
        %swap3A_374 = tpu.vector_load %arg10[%swap3A_372, %swap3A_373] {strides = array<i32>} : memref<16x768xf32, #tpu.memory_space<vmem>>, vector<1x16xf32>,
        %swap3A_375 = vector.shape_cast %swap3A_374 : vector<1x16xf32> to vector<16xf32>
        %swap3A_376 = vector.shape_cast %add3A_371 : vector<16xf32> to vector<1x16xf32>
        tpu.vector_store %arg10[%swap3A_372, %swap3A_373], %swap3A_376 {strides = array<i32>} : memref<16x768xf32, #tpu.memory_space<vmem>>, vector<1x16xf32>,
        %get3A_377 = arith.index_cast %scan3A_280 : i32 to index
        %get3A_378 = arith.constant 112 : index
        %get3A_379 = tpu.vector_load %arg10[%get3A_377, %get3A_378] {strides = array<i32>} : memref<16x768xf32, #tpu.memory_space<vmem>>, vector<1x16xf32>,
        %get3A_380 = vector.shape_cast %get3A_379 : vector<1x16xf32> to vector<16xf32>
        %get3A_381 = arith.index_cast %scan3A_280 : i32 to index
        %get3A_382 = arith.constant 112 : index
        %get3A_383 = tpu.vector_load %arg14[%get3A_381, %get3A_382] {strides = array<i32>} : memref<16x768xf32, #tpu.memory_space<vmem>>, vector<1x16xf32>,
        %get3A_384 = vector.shape_cast %get3A_383 : vector<1x16xf32> to vector<16xf32>
        %add3A_385 = arith.addf %get3A_380, %get3A_384 : vector<16xf32>
        %swap3A_386 = arith.index_cast %scan3A_280 : i32 to index
        %swap3A_387 = arith.constant 112 : index
        %swap3A_388 = tpu.vector_load %arg10[%swap3A_386, %swap3A_387] {strides = array<i32>} : memref<16x768xf32, #tpu.memory_space<vmem>>, vector<1x16xf32>,
        %swap3A_389 = vector.shape_cast %swap3A_388 : vector<1x16xf32> to vector<16xf32>
        %swap3A_390 = vector.shape_cast %add3A_385 : vector<16xf32> to vector<1x16xf32>
        tpu.vector_store %arg10[%swap3A_386, %swap3A_387], %swap3A_390 {strides = array<i32>} : memref<16x768xf32, #tpu.memory_space<vmem>>, vector<1x16xf32>,
        %get3A_391 = arith.index_cast %scan3A_280 : i32 to index
        %get3A_392 = arith.constant 128 : index
        %get3A_393 = tpu.vector_load %arg10[%get3A_391, %get3A_392] {strides = array<i32>} : memref<16x768xf32, #tpu.memory_space<vmem>>, vector<1x16xf32>,
        %get3A_394 = vector.shape_cast %get3A_393 : vector<1x16xf32> to vector<16xf32>
        %get3A_395 = arith.index_cast %scan3A_280 : i32 to index
        %get3A_396 = arith.constant 128 : index
        %get3A_397 = tpu.vector_load %arg14[%get3A_395, %get3A_396] {strides = array<i32>} : memref<16x768xf32, #tpu.memory_space<vmem>>, vector<1x16xf32>,
        %get3A_398 = vector.shape_cast %get3A_397 : vector<1x16xf32> to vector<16xf32>
        %add3A_399 = arith.addf %get3A_394, %get3A_398 : vector<16xf32>
        %swap3A_400 = arith.index_cast %scan3A_280 : i32 to index
        %swap3A_401 = arith.constant 128 : index
        %swap3A_402 = tpu.vector_load %arg10[%swap3A_400, %swap3A_401] {strides = array<i32>} : memref<16x768xf32, #tpu.memory_space<vmem>>, vector<1x16xf32>,
        %swap3A_403 = vector.shape_cast %swap3A_402 : vector<1x16xf32> to vector<16xf32>
        %swap3A_404 = vector.shape_cast %add3A_399 : vector<16xf32> to vector<1x16xf32>
        tpu.vector_store %arg10[%swap3A_400, %swap3A_401], %swap3A_404 {strides = array<i32>} : memref<16x768xf32, #tpu.memory_space<vmem>>, vector<1x16xf32>,
        %get3A_405 = arith.index_cast %scan3A_280 : i32 to index
        %get3A_406 = arith.constant 144 : index
        %get3A_407 = tpu.vector_load %arg10[%get3A_405, %get3A_406] {strides = array<i32>} : memref<16x768xf32, #tpu.memory_space<vmem>>, vector<1x16xf32>,
        %get3A_408 = vector.shape_cast %get3A_407 : vector<1x16xf32> to vector<16xf32>
        %get3A_409 = arith.index_cast %scan3A_280 : i32 to index
        %get3A_410 = arith.constant 144 : index
        %get3A_411 = tpu.vector_load %arg14[%get3A_409, %get3A_410] {strides = array<i32>} : memref<16x768xf32, #tpu.memory_space<vmem>>, vector<1x16xf32>,
        %get3A_412 = vector.shape_cast %get3A_411 : vector<1x16xf32> to vector<16xf32>
        %add3A_413 = arith.addf %get3A_408, %get3A_412 : vector<16xf32>
        %swap3A_414 = arith.index_cast %scan3A_280 : i32 to index
        %swap3A_415 = arith.constant 144 : index
        %swap3A_416 = tpu.vector_load %arg10[%swap3A_414, %swap3A_415] {strides = array<i32>} : memref<16x768xf32, #tpu.memory_space<vmem>>, vector<1x16xf32>,
        %swap3A_417 = vector.shape_cast %swap3A_416 : vector<1x16xf32> to vector<16xf32>
        %swap3A_418 = vector.shape_cast %add3A_413 : vector<16xf32> to vector<1x16xf32>
        tpu.vector_store %arg10[%swap3A_414, %swap3A_415], %swap3A_418 {strides = array<i32>} : memref<16x768xf32, #tpu.memory_space<vmem>>, vector<1x16xf32>,
        %get3A_419 = arith.index_cast %scan3A_280 : i32 to index
        %get3A_420 = arith.constant 160 : index
        %get3A_421 = tpu.vector_load %arg10[%get3A_419, %get3A_420] {strides = array<i32>} : memref<16x768xf32, #tpu.memory_space<vmem>>, vector<1x16xf32>,
        %get3A_422 = vector.shape_cast %get3A_421 : vector<1x16xf32> to vector<16xf32>
        %get3A_423 = arith.index_cast %scan3A_280 : i32 to index
        %get3A_424 = arith.constant 160 : index
        %get3A_425 = tpu.vector_load %arg14[%get3A_423, %get3A_424] {strides = array<i32>} : memref<16x768xf32, #tpu.memory_space<vmem>>, vector<1x16xf32>,
        %get3A_426 = vector.shape_cast %get3A_425 : vector<1x16xf32> to vector<16xf32>
        %add3A_427 = arith.addf %get3A_422, %get3A_426 : vector<16xf32>
        %swap3A_428 = arith.index_cast %scan3A_280 : i32 to index
        %swap3A_429 = arith.constant 160 : index
        %swap3A_430 = tpu.vector_load %arg10[%swap3A_428, %swap3A_429] {strides = array<i32>} : memref<16x768xf32, #tpu.memory_space<vmem>>, vector<1x16xf32>,
        %swap3A_431 = vector.shape_cast %swap3A_430 : vector<1x16xf32> to vector<16xf32>
        %swap3A_432 = vector.shape_cast %add3A_427 : vector<16xf32> to vector<1x16xf32>
        tpu.vector_store %arg10[%swap3A_428, %swap3A_429], %swap3A_432 {strides = array<i32>} : memref<16x768xf32, #tpu.memory_space<vmem>>, vector<1x16xf32>,
        %get3A_433 = arith.index_cast %scan3A_280 : i32 to index
        %get3A_434 = arith.constant 176 : index
        %get3A_435 = tpu.vector_load %arg10[%get3A_433, %get3A_434] {strides = array<i32>} : memref<16x768xf32, #tpu.memory_space<vmem>>, vector<1x16xf32>,
        %get3A_436 = vector.shape_cast %get3A_435 : vector<1x16xf32> to vector<16xf32>
        %get3A_437 = arith.index_cast %scan3A_280 : i32 to index
        %get3A_438 = arith.constant 176 : index
        %get3A_439 = tpu.vector_load %arg14[%get3A_437, %get3A_438] {strides = array<i32>} : memref<16x768xf32, #tpu.memory_space<vmem>>, vector<1x16xf32>,
        %get3A_440 = vector.shape_cast %get3A_439 : vector<1x16xf32> to vector<16xf32>
        %add3A_441 = arith.addf %get3A_436, %get3A_440 : vector<16xf32>
        %swap3A_442 = arith.index_cast %scan3A_280 : i32 to index
        %swap3A_443 = arith.constant 176 : index
        %swap3A_444 = tpu.vector_load %arg10[%swap3A_442, %swap3A_443] {strides = array<i32>} : memref<16x768xf32, #tpu.memory_space<vmem>>, vector<1x16xf32>,
        %swap3A_445 = vector.shape_cast %swap3A_444 : vector<1x16xf32> to vector<16xf32>
        %swap3A_446 = vector.shape_cast %add3A_441 : vector<16xf32> to vector<1x16xf32>
        tpu.vector_store %arg10[%swap3A_442, %swap3A_443], %swap3A_446 {strides = array<i32>} : memref<16x768xf32, #tpu.memory_space<vmem>>, vector<1x16xf32>,
        %get3A_447 = arith.index_cast %scan3A_280 : i32 to index
        %get3A_448 = arith.constant 192 : index
        %get3A_449 = tpu.vector_load %arg10[%get3A_447, %get3A_448] {strides = array<i32>} : memref<16x768xf32, #tpu.memory_space<vmem>>, vector<1x16xf32>,
        %get3A_450 = vector.shape_cast %get3A_449 : vector<1x16xf32> to vector<16xf32>
        %get3A_451 = arith.index_cast %scan3A_280 : i32 to index
        %get3A_452 = arith.constant 192 : index
        %get3A_453 = tpu.vector_load %arg14[%get3A_451, %get3A_452] {strides = array<i32>} : memref<16x768xf32, #tpu.memory_space<vmem>>, vector<1x16xf32>,
        %get3A_454 = vector.shape_cast %get3A_453 : vector<1x16xf32> to vector<16xf32>
        %add3A_455 = arith.addf %get3A_450, %get3A_454 : vector<16xf32>
        %swap3A_456 = arith.index_cast %scan3A_280 : i32 to index
        %swap3A_457 = arith.constant 192 : index
        %swap3A_458 = tpu.vector_load %arg10[%swap3A_456, %swap3A_457] {strides = array<i32>} : memref<16x768xf32, #tpu.memory_space<vmem>>, vector<1x16xf32>,
        %swap3A_459 = vector.shape_cast %swap3A_458 : vector<1x16xf32> to vector<16xf32>
        %swap3A_460 = vector.shape_cast %add3A_455 : vector<16xf32> to vector<1x16xf32>
        tpu.vector_store %arg10[%swap3A_456, %swap3A_457], %swap3A_460 {strides = array<i32>} : memref<16x768xf32, #tpu.memory_space<vmem>>, vector<1x16xf32>,
        %get3A_461 = arith.index_cast %scan3A_280 : i32 to index
        %get3A_462 = arith.constant 208 : index
        %get3A_463 = tpu.vector_load %arg10[%get3A_461, %get3A_462] {strides = array<i32>} : memref<16x768xf32, #tpu.memory_space<vmem>>, vector<1x16xf32>,
        %get3A_464 = vector.shape_cast %get3A_463 : vector<1x16xf32> to vector<16xf32>
        %get3A_465 = arith.index_cast %scan3A_280 : i32 to index
        %get3A_466 = arith.constant 208 : index
        %get3A_467 = tpu.vector_load %arg14[%get3A_465, %get3A_466] {strides = array<i32>} : memref<16x768xf32, #tpu.memory_space<vmem>>, vector<1x16xf32>,
        %get3A_468 = vector.shape_cast %get3A_467 : vector<1x16xf32> to vector<16xf32>
        %add3A_469 = arith.addf %get3A_464, %get3A_468 : vector<16xf32>
        %swap3A_470 = arith.index_cast %scan3A_280 : i32 to index
        %swap3A_471 = arith.constant 208 : index
        %swap3A_472 = tpu.vector_load %arg10[%swap3A_470, %swap3A_471] {strides = array<i32>} : memref<16x768xf32, #tpu.memory_space<vmem>>, vector<1x16xf32>,
        %swap3A_473 = vector.shape_cast %swap3A_472 : vector<1x16xf32> to vector<16xf32>
        %swap3A_474 = vector.shape_cast %add3A_469 : vector<16xf32> to vector<1x16xf32>
        tpu.vector_store %arg10[%swap3A_470, %swap3A_471], %swap3A_474 {strides = array<i32>} : memref<16x768xf32, #tpu.memory_space<vmem>>, vector<1x16xf32>,
        %get3A_475 = arith.index_cast %scan3A_280 : i32 to index
        %get3A_476 = arith.constant 224 : index
        %get3A_477 = tpu.vector_load %arg10[%get3A_475, %get3A_476] {strides = array<i32>} : memref<16x768xf32, #tpu.memory_space<vmem>>, vector<1x16xf32>,
        %get3A_478 = vector.shape_cast %get3A_477 : vector<1x16xf32> to vector<16xf32>
        %get3A_479 = arith.index_cast %scan3A_280 : i32 to index
        %get3A_480 = arith.constant 224 : index
        %get3A_481 = tpu.vector_load %arg14[%get3A_479, %get3A_480] {strides = array<i32>} : memref<16x768xf32, #tpu.memory_space<vmem>>, vector<1x16xf32>,
        %get3A_482 = vector.shape_cast %get3A_481 : vector<1x16xf32> to vector<16xf32>
        %add3A_483 = arith.addf %get3A_478, %get3A_482 : vector<16xf32>
        %swap3A_484 = arith.index_cast %scan3A_280 : i32 to index
        %swap3A_485 = arith.constant 224 : index
        %swap3A_486 = tpu.vector_load %arg10[%swap3A_484, %swap3A_485] {strides = array<i32>} : memref<16x768xf32, #tpu.memory_space<vmem>>, vector<1x16xf32>,
        %swap3A_487 = vector.shape_cast %swap3A_486 : vector<1x16xf32> to vector<16xf32>
        %swap3A_488 = vector.shape_cast %add3A_483 : vector<16xf32> to vector<1x16xf32>
        tpu.vector_store %arg10[%swap3A_484, %swap3A_485], %swap3A_488 {strides = array<i32>} : memref<16x768xf32, #tpu.memory_space<vmem>>, vector<1x16xf32>,
        %get3A_489 = arith.index_cast %scan3A_280 : i32 to index
        %get3A_490 = arith.constant 240 : index
        %get3A_491 = tpu.vector_load %arg10[%get3A_489, %get3A_490] {strides = array<i32>} : memref<16x768xf32, #tpu.memory_space<vmem>>, vector<1x16xf32>,
        %get3A_492 = vector.shape_cast %get3A_491 : vector<1x16xf32> to vector<16xf32>
        %get3A_493 = arith.index_cast %scan3A_280 : i32 to index
        %get3A_494 = arith.constant 240 : index
        %get3A_495 = tpu.vector_load %arg14[%get3A_493, %get3A_494] {strides = array<i32>} : memref<16x768xf32, #tpu.memory_space<vmem>>, vector<1x16xf32>,
        %get3A_496 = vector.shape_cast %get3A_495 : vector<1x16xf32> to vector<16xf32>
        %add3A_497 = arith.addf %get3A_492, %get3A_496 : vector<16xf32>
        %swap3A_498 = arith.index_cast %scan3A_280 : i32 to index
        %swap3A_499 = arith.constant 240 : index
        %swap3A_500 = tpu.vector_load %arg10[%swap3A_498, %swap3A_499] {strides = array<i32>} : memref<16x768xf32, #tpu.memory_space<vmem>>, vector<1x16xf32>,
        %swap3A_501 = vector.shape_cast %swap3A_500 : vector<1x16xf32> to vector<16xf32>
        %swap3A_502 = vector.shape_cast %add3A_497 : vector<16xf32> to vector<1x16xf32>
        tpu.vector_store %arg10[%swap3A_498, %swap3A_499], %swap3A_502 {strides = array<i32>} : memref<16x768xf32, #tpu.memory_space<vmem>>, vector<1x16xf32>,
        %get3A_503 = arith.index_cast %scan3A_280 : i32 to index
        %get3A_504 = arith.constant 256 : index
        %get3A_505 = tpu.vector_load %arg10[%get3A_503, %get3A_504] {strides = array<i32>} : memref<16x768xf32, #tpu.memory_space<vmem>>, vector<1x16xf32>,
        %get3A_506 = vector.shape_cast %get3A_505 : vector<1x16xf32> to vector<16xf32>
        %get3A_507 = arith.index_cast %scan3A_280 : i32 to index
        %get3A_508 = arith.constant 256 : index
        %get3A_509 = tpu.vector_load %arg14[%get3A_507, %get3A_508] {strides = array<i32>} : memref<16x768xf32, #tpu.memory_space<vmem>>, vector<1x16xf32>,
        %get3A_510 = vector.shape_cast %get3A_509 : vector<1x16xf32> to vector<16xf32>
        %add3A_511 = arith.addf %get3A_506, %get3A_510 : vector<16xf32>
        %swap3A_512 = arith.index_cast %scan3A_280 : i32 to index
        %swap3A_513 = arith.constant 256 : index
        %swap3A_514 = tpu.vector_load %arg10[%swap3A_512, %swap3A_513] {strides = array<i32>} : memref<16x768xf32, #tpu.memory_space<vmem>>, vector<1x16xf32>,
        %swap3A_515 = vector.shape_cast %swap3A_514 : vector<1x16xf32> to vector<16xf32>
        %swap3A_516 = vector.shape_cast %add3A_511 : vector<16xf32> to vector<1x16xf32>
        tpu.vector_store %arg10[%swap3A_512, %swap3A_513], %swap3A_516 {strides = array<i32>} : memref<16x768xf32, #tpu.memory_space<vmem>>, vector<1x16xf32>,
        %get3A_517 = arith.index_cast %scan3A_280 : i32 to index
        %get3A_518 = arith.constant 272 : index
        %get3A_519 = tpu.vector_load %arg10[%get3A_517, %get3A_518] {strides = array<i32>} : memref<16x768xf32, #tpu.memory_space<vmem>>, vector<1x16xf32>,
        %get3A_520 = vector.shape_cast %get3A_519 : vector<1x16xf32> to vector<16xf32>
        %get3A_521 = arith.index_cast %scan3A_280 : i32 to index
        %get3A_522 = arith.constant 272 : index
        %get3A_523 = tpu.vector_load %arg14[%get3A_521, %get3A_522] {strides = array<i32>} : memref<16x768xf32, #tpu.memory_space<vmem>>, vector<1x16xf32>,
        %get3A_524 = vector.shape_cast %get3A_523 : vector<1x16xf32> to vector<16xf32>
        %add3A_525 = arith.addf %get3A_520, %get3A_524 : vector<16xf32>
        %swap3A_526 = arith.index_cast %scan3A_280 : i32 to index
        %swap3A_527 = arith.constant 272 : index
        %swap3A_528 = tpu.vector_load %arg10[%swap3A_526, %swap3A_527] {strides = array<i32>} : memref<16x768xf32, #tpu.memory_space<vmem>>, vector<1x16xf32>,
        %swap3A_529 = vector.shape_cast %swap3A_528 : vector<1x16xf32> to vector<16xf32>
        %swap3A_530 = vector.shape_cast %add3A_525 : vector<16xf32> to vector<1x16xf32>
        tpu.vector_store %arg10[%swap3A_526, %swap3A_527], %swap3A_530 {strides = array<i32>} : memref<16x768xf32, #tpu.memory_space<vmem>>, vector<1x16xf32>,
        %get3A_531 = arith.index_cast %scan3A_280 : i32 to index
        %get3A_532 = arith.constant 288 : index
        %get3A_533 = tpu.vector_load %arg10[%get3A_531, %get3A_532] {strides = array<i32>} : memref<16x768xf32, #tpu.memory_space<vmem>>, vector<1x16xf32>,
        %get3A_534 = vector.shape_cast %get3A_533 : vector<1x16xf32> to vector<16xf32>
        %get3A_535 = arith.index_cast %scan3A_280 : i32 to index
        %get3A_536 = arith.constant 288 : index
        %get3A_537 = tpu.vector_load %arg14[%get3A_535, %get3A_536] {strides = array<i32>} : memref<16x768xf32, #tpu.memory_space<vmem>>, vector<1x16xf32>,
        %get3A_538 = vector.shape_cast %get3A_537 : vector<1x16xf32> to vector<16xf32>
        %add3A_539 = arith.addf %get3A_534, %get3A_538 : vector<16xf32>
        %swap3A_540 = arith.index_cast %scan3A_280 : i32 to index
        %swap3A_541 = arith.constant 288 : index
        %swap3A_542 = tpu.vector_load %arg10[%swap3A_540, %swap3A_541] {strides = array<i32>} : memref<16x768xf32, #tpu.memory_space<vmem>>, vector<1x16xf32>,
        %swap3A_543 = vector.shape_cast %swap3A_542 : vector<1x16xf32> to vector<16xf32>
        %swap3A_544 = vector.shape_cast %add3A_539 : vector<16xf32> to vector<1x16xf32>
        tpu.vector_store %arg10[%swap3A_540, %swap3A_541], %swap3A_544 {strides = array<i32>} : memref<16x768xf32, #tpu.memory_space<vmem>>, vector<1x16xf32>,
        %get3A_545 = arith.index_cast %scan3A_280 : i32 to index
        %get3A_546 = arith.constant 304 : index
        %get3A_547 = tpu.vector_load %arg10[%get3A_545, %get3A_546] {strides = array<i32>} : memref<16x768xf32, #tpu.memory_space<vmem>>, vector<1x16xf32>,
        %get3A_548 = vector.shape_cast %get3A_547 : vector<1x16xf32> to vector<16xf32>
        %get3A_549 = arith.index_cast %scan3A_280 : i32 to index
        %get3A_550 = arith.constant 304 : index
        %get3A_551 = tpu.vector_load %arg14[%get3A_549, %get3A_550] {strides = array<i32>} : memref<16x768xf32, #tpu.memory_space<vmem>>, vector<1x16xf32>,
        %get3A_552 = vector.shape_cast %get3A_551 : vector<1x16xf32> to vector<16xf32>
        %add3A_553 = arith.addf %get3A_548, %get3A_552 : vector<16xf32>
        %swap3A_554 = arith.index_cast %scan3A_280 : i32 to index
        %swap3A_555 = arith.constant 304 : index
        %swap3A_556 = tpu.vector_load %arg10[%swap3A_554, %swap3A_555] {strides = array<i32>} : memref<16x768xf32, #tpu.memory_space<vmem>>, vector<1x16xf32>,
        %swap3A_557 = vector.shape_cast %swap3A_556 : vector<1x16xf32> to vector<16xf32>
        %swap3A_558 = vector.shape_cast %add3A_553 : vector<16xf32> to vector<1x16xf32>
        tpu.vector_store %arg10[%swap3A_554, %swap3A_555], %swap3A_558 {strides = array<i32>} : memref<16x768xf32, #tpu.memory_space<vmem>>, vector<1x16xf32>,
        %get3A_559 = arith.index_cast %scan3A_280 : i32 to index
        %get3A_560 = arith.constant 320 : index
        %get3A_561 = tpu.vector_load %arg10[%get3A_559, %get3A_560] {strides = array<i32>} : memref<16x768xf32, #tpu.memory_space<vmem>>, vector<1x16xf32>,
        %get3A_562 = vector.shape_cast %get3A_561 : vector<1x16xf32> to vector<16xf32>
        %get3A_563 = arith.index_cast %scan3A_280 : i32 to index
        %get3A_564 = arith.constant 320 : index
        %get3A_565 = tpu.vector_load %arg14[%get3A_563, %get3A_564] {strides = array<i32>} : memref<16x768xf32, #tpu.memory_space<vmem>>, vector<1x16xf32>,
        %get3A_566 = vector.shape_cast %get3A_565 : vector<1x16xf32> to vector<16xf32>
        %add3A_567 = arith.addf %get3A_562, %get3A_566 : vector<16xf32>
        %swap3A_568 = arith.index_cast %scan3A_280 : i32 to index
        %swap3A_569 = arith.constant 320 : index
        %swap3A_570 = tpu.vector_load %arg10[%swap3A_568, %swap3A_569] {strides = array<i32>} : memref<16x768xf32, #tpu.memory_space<vmem>>, vector<1x16xf32>,
        %swap3A_571 = vector.shape_cast %swap3A_570 : vector<1x16xf32> to vector<16xf32>
        %swap3A_572 = vector.shape_cast %add3A_567 : vector<16xf32> to vector<1x16xf32>
        tpu.vector_store %arg10[%swap3A_568, %swap3A_569], %swap3A_572 {strides = array<i32>} : memref<16x768xf32, #tpu.memory_space<vmem>>, vector<1x16xf32>,
        %get3A_573 = arith.index_cast %scan3A_280 : i32 to index
        %get3A_574 = arith.constant 336 : index
        %get3A_575 = tpu.vector_load %arg10[%get3A_573, %get3A_574] {strides = array<i32>} : memref<16x768xf32, #tpu.memory_space<vmem>>, vector<1x16xf32>,
        %get3A_576 = vector.shape_cast %get3A_575 : vector<1x16xf32> to vector<16xf32>
        %get3A_577 = arith.index_cast %scan3A_280 : i32 to index
        %get3A_578 = arith.constant 336 : index
        %get3A_579 = tpu.vector_load %arg14[%get3A_577, %get3A_578] {strides = array<i32>} : memref<16x768xf32, #tpu.memory_space<vmem>>, vector<1x16xf32>,
        %get3A_580 = vector.shape_cast %get3A_579 : vector<1x16xf32> to vector<16xf32>
        %add3A_581 = arith.addf %get3A_576, %get3A_580 : vector<16xf32>
        %swap3A_582 = arith.index_cast %scan3A_280 : i32 to index
        %swap3A_583 = arith.constant 336 : index
        %swap3A_584 = tpu.vector_load %arg10[%swap3A_582, %swap3A_583] {strides = array<i32>} : memref<16x768xf32, #tpu.memory_space<vmem>>, vector<1x16xf32>,
        %swap3A_585 = vector.shape_cast %swap3A_584 : vector<1x16xf32> to vector<16xf32>
        %swap3A_586 = vector.shape_cast %add3A_581 : vector<16xf32> to vector<1x16xf32>
        tpu.vector_store %arg10[%swap3A_582, %swap3A_583], %swap3A_586 {strides = array<i32>} : memref<16x768xf32, #tpu.memory_space<vmem>>, vector<1x16xf32>,
        %get3A_587 = arith.index_cast %scan3A_280 : i32 to index
        %get3A_588 = arith.constant 352 : index
        %get3A_589 = tpu.vector_load %arg10[%get3A_587, %get3A_588] {strides = array<i32>} : memref<16x768xf32, #tpu.memory_space<vmem>>, vector<1x16xf32>,
        %get3A_590 = vector.shape_cast %get3A_589 : vector<1x16xf32> to vector<16xf32>
        %get3A_591 = arith.index_cast %scan3A_280 : i32 to index
        %get3A_592 = arith.constant 352 : index
        %get3A_593 = tpu.vector_load %arg14[%get3A_591, %get3A_592] {strides = array<i32>} : memref<16x768xf32, #tpu.memory_space<vmem>>, vector<1x16xf32>,
        %get3A_594 = vector.shape_cast %get3A_593 : vector<1x16xf32> to vector<16xf32>
        %add3A_595 = arith.addf %get3A_590, %get3A_594 : vector<16xf32>
        %swap3A_596 = arith.index_cast %scan3A_280 : i32 to index
        %swap3A_597 = arith.constant 352 : index
        %swap3A_598 = tpu.vector_load %arg10[%swap3A_596, %swap3A_597] {strides = array<i32>} : memref<16x768xf32, #tpu.memory_space<vmem>>, vector<1x16xf32>,
        %swap3A_599 = vector.shape_cast %swap3A_598 : vector<1x16xf32> to vector<16xf32>
        %swap3A_600 = vector.shape_cast %add3A_595 : vector<16xf32> to vector<1x16xf32>
        tpu.vector_store %arg10[%swap3A_596, %swap3A_597], %swap3A_600 {strides = array<i32>} : memref<16x768xf32, #tpu.memory_space<vmem>>, vector<1x16xf32>,
        %get3A_601 = arith.index_cast %scan3A_280 : i32 to index
        %get3A_602 = arith.constant 368 : index
        %get3A_603 = tpu.vector_load %arg10[%get3A_601, %get3A_602] {strides = array<i32>} : memref<16x768xf32, #tpu.memory_space<vmem>>, vector<1x16xf32>,
        %get3A_604 = vector.shape_cast %get3A_603 : vector<1x16xf32> to vector<16xf32>
        %get3A_605 = arith.index_cast %scan3A_280 : i32 to index
        %get3A_606 = arith.constant 368 : index
        %get3A_607 = tpu.vector_load %arg14[%get3A_605, %get3A_606] {strides = array<i32>} : memref<16x768xf32, #tpu.memory_space<vmem>>, vector<1x16xf32>,
        %get3A_608 = vector.shape_cast %get3A_607 : vector<1x16xf32> to vector<16xf32>
        %add3A_609 = arith.addf %get3A_604, %get3A_608 : vector<16xf32>
        %swap3A_610 = arith.index_cast %scan3A_280 : i32 to index
        %swap3A_611 = arith.constant 368 : index
        %swap3A_612 = tpu.vector_load %arg10[%swap3A_610, %swap3A_611] {strides = array<i32>} : memref<16x768xf32, #tpu.memory_space<vmem>>, vector<1x16xf32>,
        %swap3A_613 = vector.shape_cast %swap3A_612 : vector<1x16xf32> to vector<16xf32>
        %swap3A_614 = vector.shape_cast %add3A_609 : vector<16xf32> to vector<1x16xf32>
        tpu.vector_store %arg10[%swap3A_610, %swap3A_611], %swap3A_614 {strides = array<i32>} : memref<16x768xf32, #tpu.memory_space<vmem>>, vector<1x16xf32>,
        %get3A_615 = arith.index_cast %scan3A_280 : i32 to index
        %get3A_616 = arith.constant 384 : index
        %get3A_617 = tpu.vector_load %arg10[%get3A_615, %get3A_616] {strides = array<i32>} : memref<16x768xf32, #tpu.memory_space<vmem>>, vector<1x16xf32>,
        %get3A_618 = vector.shape_cast %get3A_617 : vector<1x16xf32> to vector<16xf32>
        %get3A_619 = arith.index_cast %scan3A_280 : i32 to index
        %get3A_620 = arith.constant 384 : index
        %get3A_621 = tpu.vector_load %arg14[%get3A_619, %get3A_620] {strides = array<i32>} : memref<16x768xf32, #tpu.memory_space<vmem>>, vector<1x16xf32>,
        %get3A_622 = vector.shape_cast %get3A_621 : vector<1x16xf32> to vector<16xf32>
        %add3A_623 = arith.addf %get3A_618, %get3A_622 : vector<16xf32>
        %swap3A_624 = arith.index_cast %scan3A_280 : i32 to index
        %swap3A_625 = arith.constant 384 : index
        %swap3A_626 = tpu.vector_load %arg10[%swap3A_624, %swap3A_625] {strides = array<i32>} : memref<16x768xf32, #tpu.memory_space<vmem>>, vector<1x16xf32>,
        %swap3A_627 = vector.shape_cast %swap3A_626 : vector<1x16xf32> to vector<16xf32>
        %swap3A_628 = vector.shape_cast %add3A_623 : vector<16xf32> to vector<1x16xf32>
        tpu.vector_store %arg10[%swap3A_624, %swap3A_625], %swap3A_628 {strides = array<i32>} : memref<16x768xf32, #tpu.memory_space<vmem>>, vector<1x16xf32>,
        %get3A_629 = arith.index_cast %scan3A_280 : i32 to index
        %get3A_630 = arith.constant 400 : index
        %get3A_631 = tpu.vector_load %arg10[%get3A_629, %get3A_630] {strides = array<i32>} : memref<16x768xf32, #tpu.memory_space<vmem>>, vector<1x16xf32>,
        %get3A_632 = vector.shape_cast %get3A_631 : vector<1x16xf32> to vector<16xf32>
        %get3A_633 = arith.index_cast %scan3A_280 : i32 to index
        %get3A_634 = arith.constant 400 : index
        %get3A_635 = tpu.vector_load %arg14[%get3A_633, %get3A_634] {strides = array<i32>} : memref<16x768xf32, #tpu.memory_space<vmem>>, vector<1x16xf32>,
        %get3A_636 = vector.shape_cast %get3A_635 : vector<1x16xf32> to vector<16xf32>
        %add3A_637 = arith.addf %get3A_632, %get3A_636 : vector<16xf32>
        %swap3A_638 = arith.index_cast %scan3A_280 : i32 to index
        %swap3A_639 = arith.constant 400 : index
        %swap3A_640 = tpu.vector_load %arg10[%swap3A_638, %swap3A_639] {strides = array<i32>} : memref<16x768xf32, #tpu.memory_space<vmem>>, vector<1x16xf32>,
        %swap3A_641 = vector.shape_cast %swap3A_640 : vector<1x16xf32> to vector<16xf32>
        %swap3A_642 = vector.shape_cast %add3A_637 : vector<16xf32> to vector<1x16xf32>
        tpu.vector_store %arg10[%swap3A_638, %swap3A_639], %swap3A_642 {strides = array<i32>} : memref<16x768xf32, #tpu.memory_space<vmem>>, vector<1x16xf32>,
        %get3A_643 = arith.index_cast %scan3A_280 : i32 to index
        %get3A_644 = arith.constant 416 : index
        %get3A_645 = tpu.vector_load %arg10[%get3A_643, %get3A_644] {strides = array<i32>} : memref<16x768xf32, #tpu.memory_space<vmem>>, vector<1x16xf32>,
        %get3A_646 = vector.shape_cast %get3A_645 : vector<1x16xf32> to vector<16xf32>
        %get3A_647 = arith.index_cast %scan3A_280 : i32 to index
        %get3A_648 = arith.constant 416 : index
        %get3A_649 = tpu.vector_load %arg14[%get3A_647, %get3A_648] {strides = array<i32>} : memref<16x768xf32, #tpu.memory_space<vmem>>, vector<1x16xf32>,
        %get3A_650 = vector.shape_cast %get3A_649 : vector<1x16xf32> to vector<16xf32>
        %add3A_651 = arith.addf %get3A_646, %get3A_650 : vector<16xf32>
        %swap3A_652 = arith.index_cast %scan3A_280 : i32 to index
        %swap3A_653 = arith.constant 416 : index
        %swap3A_654 = tpu.vector_load %arg10[%swap3A_652, %swap3A_653] {strides = array<i32>} : memref<16x768xf32, #tpu.memory_space<vmem>>, vector<1x16xf32>,
        %swap3A_655 = vector.shape_cast %swap3A_654 : vector<1x16xf32> to vector<16xf32>
        %swap3A_656 = vector.shape_cast %add3A_651 : vector<16xf32> to vector<1x16xf32>
        tpu.vector_store %arg10[%swap3A_652, %swap3A_653], %swap3A_656 {strides = array<i32>} : memref<16x768xf32, #tpu.memory_space<vmem>>, vector<1x16xf32>,
        %get3A_657 = arith.index_cast %scan3A_280 : i32 to index
        %get3A_658 = arith.constant 432 : index
        %get3A_659 = tpu.vector_load %arg10[%get3A_657, %get3A_658] {strides = array<i32>} : memref<16x768xf32, #tpu.memory_space<vmem>>, vector<1x16xf32>,
        %get3A_660 = vector.shape_cast %get3A_659 : vector<1x16xf32> to vector<16xf32>
        %get3A_661 = arith.index_cast %scan3A_280 : i32 to index
        %get3A_662 = arith.constant 432 : index
        %get3A_663 = tpu.vector_load %arg14[%get3A_661, %get3A_662] {strides = array<i32>} : memref<16x768xf32, #tpu.memory_space<vmem>>, vector<1x16xf32>,
        %get3A_664 = vector.shape_cast %get3A_663 : vector<1x16xf32> to vector<16xf32>
        %add3A_665 = arith.addf %get3A_660, %get3A_664 : vector<16xf32>
        %swap3A_666 = arith.index_cast %scan3A_280 : i32 to index
        %swap3A_667 = arith.constant 432 : index
        %swap3A_668 = tpu.vector_load %arg10[%swap3A_666, %swap3A_667] {strides = array<i32>} : memref<16x768xf32, #tpu.memory_space<vmem>>, vector<1x16xf32>,
        %swap3A_669 = vector.shape_cast %swap3A_668 : vector<1x16xf32> to vector<16xf32>
        %swap3A_670 = vector.shape_cast %add3A_665 : vector<16xf32> to vector<1x16xf32>
        tpu.vector_store %arg10[%swap3A_666, %swap3A_667], %swap3A_670 {strides = array<i32>} : memref<16x768xf32, #tpu.memory_space<vmem>>, vector<1x16xf32>,
        %get3A_671 = arith.index_cast %scan3A_280 : i32 to index
        %get3A_672 = arith.constant 448 : index
        %get3A_673 = tpu.vector_load %arg10[%get3A_671, %get3A_672] {strides = array<i32>} : memref<16x768xf32, #tpu.memory_space<vmem>>, vector<1x16xf32>,
        %get3A_674 = vector.shape_cast %get3A_673 : vector<1x16xf32> to vector<16xf32>
        %get3A_675 = arith.index_cast %scan3A_280 : i32 to index
        %get3A_676 = arith.constant 448 : index
        %get3A_677 = tpu.vector_load %arg14[%get3A_675, %get3A_676] {strides = array<i32>} : memref<16x768xf32, #tpu.memory_space<vmem>>, vector<1x16xf32>,
        %get3A_678 = vector.shape_cast %get3A_677 : vector<1x16xf32> to vector<16xf32>
        %add3A_679 = arith.addf %get3A_674, %get3A_678 : vector<16xf32>
        %swap3A_680 = arith.index_cast %scan3A_280 : i32 to index
        %swap3A_681 = arith.constant 448 : index
        %swap3A_682 = tpu.vector_load %arg10[%swap3A_680, %swap3A_681] {strides = array<i32>} : memref<16x768xf32, #tpu.memory_space<vmem>>, vector<1x16xf32>,
        %swap3A_683 = vector.shape_cast %swap3A_682 : vector<1x16xf32> to vector<16xf32>
        %swap3A_684 = vector.shape_cast %add3A_679 : vector<16xf32> to vector<1x16xf32>
        tpu.vector_store %arg10[%swap3A_680, %swap3A_681], %swap3A_684 {strides = array<i32>} : memref<16x768xf32, #tpu.memory_space<vmem>>, vector<1x16xf32>,
        %get3A_685 = arith.index_cast %scan3A_280 : i32 to index
        %get3A_686 = arith.constant 464 : index
        %get3A_687 = tpu.vector_load %arg10[%get3A_685, %get3A_686] {strides = array<i32>} : memref<16x768xf32, #tpu.memory_space<vmem>>, vector<1x16xf32>,
        %get3A_688 = vector.shape_cast %get3A_687 : vector<1x16xf32> to vector<16xf32>
        %get3A_689 = arith.index_cast %scan3A_280 : i32 to index
        %get3A_690 = arith.constant 464 : index
        %get3A_691 = tpu.vector_load %arg14[%get3A_689, %get3A_690] {strides = array<i32>} : memref<16x768xf32, #tpu.memory_space<vmem>>, vector<1x16xf32>,
        %get3A_692 = vector.shape_cast %get3A_691 : vector<1x16xf32> to vector<16xf32>
        %add3A_693 = arith.addf %get3A_688, %get3A_692 : vector<16xf32>
        %swap3A_694 = arith.index_cast %scan3A_280 : i32 to index
        %swap3A_695 = arith.constant 464 : index
        %swap3A_696 = tpu.vector_load %arg10[%swap3A_694, %swap3A_695] {strides = array<i32>} : memref<16x768xf32, #tpu.memory_space<vmem>>, vector<1x16xf32>,
        %swap3A_697 = vector.shape_cast %swap3A_696 : vector<1x16xf32> to vector<16xf32>
        %swap3A_698 = vector.shape_cast %add3A_693 : vector<16xf32> to vector<1x16xf32>
        tpu.vector_store %arg10[%swap3A_694, %swap3A_695], %swap3A_698 {strides = array<i32>} : memref<16x768xf32, #tpu.memory_space<vmem>>, vector<1x16xf32>,
        %get3A_699 = arith.index_cast %scan3A_280 : i32 to index
        %get3A_700 = arith.constant 480 : index
        %get3A_701 = tpu.vector_load %arg10[%get3A_699, %get3A_700] {strides = array<i32>} : memref<16x768xf32, #tpu.memory_space<vmem>>, vector<1x16xf32>,
        %get3A_702 = vector.shape_cast %get3A_701 : vector<1x16xf32> to vector<16xf32>
        %get3A_703 = arith.index_cast %scan3A_280 : i32 to index
        %get3A_704 = arith.constant 480 : index
        %get3A_705 = tpu.vector_load %arg14[%get3A_703, %get3A_704] {strides = array<i32>} : memref<16x768xf32, #tpu.memory_space<vmem>>, vector<1x16xf32>,
        %get3A_706 = vector.shape_cast %get3A_705 : vector<1x16xf32> to vector<16xf32>
        %add3A_707 = arith.addf %get3A_702, %get3A_706 : vector<16xf32>
        %swap3A_708 = arith.index_cast %scan3A_280 : i32 to index
        %swap3A_709 = arith.constant 480 : index
        %swap3A_710 = tpu.vector_load %arg10[%swap3A_708, %swap3A_709] {strides = array<i32>} : memref<16x768xf32, #tpu.memory_space<vmem>>, vector<1x16xf32>,
        %swap3A_711 = vector.shape_cast %swap3A_710 : vector<1x16xf32> to vector<16xf32>
        %swap3A_712 = vector.shape_cast %add3A_707 : vector<16xf32> to vector<1x16xf32>
        tpu.vector_store %arg10[%swap3A_708, %swap3A_709], %swap3A_712 {strides = array<i32>} : memref<16x768xf32, #tpu.memory_space<vmem>>, vector<1x16xf32>,
        %get3A_713 = arith.index_cast %scan3A_280 : i32 to index
        %get3A_714 = arith.constant 496 : index
        %get3A_715 = tpu.vector_load %arg10[%get3A_713, %get3A_714] {strides = array<i32>} : memref<16x768xf32, #tpu.memory_space<vmem>>, vector<1x16xf32>,
        %get3A_716 = vector.shape_cast %get3A_715 : vector<1x16xf32> to vector<16xf32>
        %get3A_717 = arith.index_cast %scan3A_280 : i32 to index
        %get3A_718 = arith.constant 496 : index
        %get3A_719 = tpu.vector_load %arg14[%get3A_717, %get3A_718] {strides = array<i32>} : memref<16x768xf32, #tpu.memory_space<vmem>>, vector<1x16xf32>,
        %get3A_720 = vector.shape_cast %get3A_719 : vector<1x16xf32> to vector<16xf32>
        %add3A_721 = arith.addf %get3A_716, %get3A_720 : vector<16xf32>
        %swap3A_722 = arith.index_cast %scan3A_280 : i32 to index
        %swap3A_723 = arith.constant 496 : index
        %swap3A_724 = tpu.vector_load %arg10[%swap3A_722, %swap3A_723] {strides = array<i32>} : memref<16x768xf32, #tpu.memory_space<vmem>>, vector<1x16xf32>,
        %swap3A_725 = vector.shape_cast %swap3A_724 : vector<1x16xf32> to vector<16xf32>
        %swap3A_726 = vector.shape_cast %add3A_721 : vector<16xf32> to vector<1x16xf32>
        tpu.vector_store %arg10[%swap3A_722, %swap3A_723], %swap3A_726 {strides = array<i32>} : memref<16x768xf32, #tpu.memory_space<vmem>>, vector<1x16xf32>,
        %get3A_727 = arith.index_cast %scan3A_280 : i32 to index
        %get3A_728 = arith.constant 512 : index
        %get3A_729 = tpu.vector_load %arg10[%get3A_727, %get3A_728] {strides = array<i32>} : memref<16x768xf32, #tpu.memory_space<vmem>>, vector<1x16xf32>,
        %get3A_730 = vector.shape_cast %get3A_729 : vector<1x16xf32> to vector<16xf32>
        %get3A_731 = arith.index_cast %scan3A_280 : i32 to index
        %get3A_732 = arith.constant 512 : index
        %get3A_733 = tpu.vector_load %arg14[%get3A_731, %get3A_732] {strides = array<i32>} : memref<16x768xf32, #tpu.memory_space<vmem>>, vector<1x16xf32>,
        %get3A_734 = vector.shape_cast %get3A_733 : vector<1x16xf32> to vector<16xf32>
        %add3A_735 = arith.addf %get3A_730, %get3A_734 : vector<16xf32>
        %swap3A_736 = arith.index_cast %scan3A_280 : i32 to index
        %swap3A_737 = arith.constant 512 : index
        %swap3A_738 = tpu.vector_load %arg10[%swap3A_736, %swap3A_737] {strides = array<i32>} : memref<16x768xf32, #tpu.memory_space<vmem>>, vector<1x16xf32>,
        %swap3A_739 = vector.shape_cast %swap3A_738 : vector<1x16xf32> to vector<16xf32>
        %swap3A_740 = vector.shape_cast %add3A_735 : vector<16xf32> to vector<1x16xf32>
        tpu.vector_store %arg10[%swap3A_736, %swap3A_737], %swap3A_740 {strides = array<i32>} : memref<16x768xf32, #tpu.memory_space<vmem>>, vector<1x16xf32>,
        %get3A_741 = arith.index_cast %scan3A_280 : i32 to index
        %get3A_742 = arith.constant 528 : index
        %get3A_743 = tpu.vector_load %arg10[%get3A_741, %get3A_742] {strides = array<i32>} : memref<16x768xf32, #tpu.memory_space<vmem>>, vector<1x16xf32>,
        %get3A_744 = vector.shape_cast %get3A_743 : vector<1x16xf32> to vector<16xf32>
        %get3A_745 = arith.index_cast %scan3A_280 : i32 to index
        %get3A_746 = arith.constant 528 : index
        %get3A_747 = tpu.vector_load %arg14[%get3A_745, %get3A_746] {strides = array<i32>} : memref<16x768xf32, #tpu.memory_space<vmem>>, vector<1x16xf32>,
        %get3A_748 = vector.shape_cast %get3A_747 : vector<1x16xf32> to vector<16xf32>
        %add3A_749 = arith.addf %get3A_744, %get3A_748 : vector<16xf32>
        %swap3A_750 = arith.index_cast %scan3A_280 : i32 to index
        %swap3A_751 = arith.constant 528 : index
        %swap3A_752 = tpu.vector_load %arg10[%swap3A_750, %swap3A_751] {strides = array<i32>} : memref<16x768xf32, #tpu.memory_space<vmem>>, vector<1x16xf32>,
        %swap3A_753 = vector.shape_cast %swap3A_752 : vector<1x16xf32> to vector<16xf32>
        %swap3A_754 = vector.shape_cast %add3A_749 : vector<16xf32> to vector<1x16xf32>
        tpu.vector_store %arg10[%swap3A_750, %swap3A_751], %swap3A_754 {strides = array<i32>} : memref<16x768xf32, #tpu.memory_space<vmem>>, vector<1x16xf32>,
        %get3A_755 = arith.index_cast %scan3A_280 : i32 to index
        %get3A_756 = arith.constant 544 : index
        %get3A_757 = tpu.vector_load %arg10[%get3A_755, %get3A_756] {strides = array<i32>} : memref<16x768xf32, #tpu.memory_space<vmem>>, vector<1x16xf32>,
        %get3A_758 = vector.shape_cast %get3A_757 : vector<1x16xf32> to vector<16xf32>
        %get3A_759 = arith.index_cast %scan3A_280 : i32 to index
        %get3A_760 = arith.constant 544 : index
        %get3A_761 = tpu.vector_load %arg14[%get3A_759, %get3A_760] {strides = array<i32>} : memref<16x768xf32, #tpu.memory_space<vmem>>, vector<1x16xf32>,
        %get3A_762 = vector.shape_cast %get3A_761 : vector<1x16xf32> to vector<16xf32>
        %add3A_763 = arith.addf %get3A_758, %get3A_762 : vector<16xf32>
        %swap3A_764 = arith.index_cast %scan3A_280 : i32 to index
        %swap3A_765 = arith.constant 544 : index
        %swap3A_766 = tpu.vector_load %arg10[%swap3A_764, %swap3A_765] {strides = array<i32>} : memref<16x768xf32, #tpu.memory_space<vmem>>, vector<1x16xf32>,
        %swap3A_767 = vector.shape_cast %swap3A_766 : vector<1x16xf32> to vector<16xf32>
        %swap3A_768 = vector.shape_cast %add3A_763 : vector<16xf32> to vector<1x16xf32>
        tpu.vector_store %arg10[%swap3A_764, %swap3A_765], %swap3A_768 {strides = array<i32>} : memref<16x768xf32, #tpu.memory_space<vmem>>, vector<1x16xf32>,
        %get3A_769 = arith.index_cast %scan3A_280 : i32 to index
        %get3A_770 = arith.constant 560 : index
        %get3A_771 = tpu.vector_load %arg10[%get3A_769, %get3A_770] {strides = array<i32>} : memref<16x768xf32, #tpu.memory_space<vmem>>, vector<1x16xf32>,
        %get3A_772 = vector.shape_cast %get3A_771 : vector<1x16xf32> to vector<16xf32>
        %get3A_773 = arith.index_cast %scan3A_280 : i32 to index
        %get3A_774 = arith.constant 560 : index
        %get3A_775 = tpu.vector_load %arg14[%get3A_773, %get3A_774] {strides = array<i32>} : memref<16x768xf32, #tpu.memory_space<vmem>>, vector<1x16xf32>,
        %get3A_776 = vector.shape_cast %get3A_775 : vector<1x16xf32> to vector<16xf32>
        %add3A_777 = arith.addf %get3A_772, %get3A_776 : vector<16xf32>
        %swap3A_778 = arith.index_cast %scan3A_280 : i32 to index
        %swap3A_779 = arith.constant 560 : index
        %swap3A_780 = tpu.vector_load %arg10[%swap3A_778, %swap3A_779] {strides = array<i32>} : memref<16x768xf32, #tpu.memory_space<vmem>>, vector<1x16xf32>,
        %swap3A_781 = vector.shape_cast %swap3A_780 : vector<1x16xf32> to vector<16xf32>
        %swap3A_782 = vector.shape_cast %add3A_777 : vector<16xf32> to vector<1x16xf32>
        tpu.vector_store %arg10[%swap3A_778, %swap3A_779], %swap3A_782 {strides = array<i32>} : memref<16x768xf32, #tpu.memory_space<vmem>>, vector<1x16xf32>,
        %get3A_783 = arith.index_cast %scan3A_280 : i32 to index
        %get3A_784 = arith.constant 576 : index
        %get3A_785 = tpu.vector_load %arg10[%get3A_783, %get3A_784] {strides = array<i32>} : memref<16x768xf32, #tpu.memory_space<vmem>>, vector<1x16xf32>,
        %get3A_786 = vector.shape_cast %get3A_785 : vector<1x16xf32> to vector<16xf32>
        %get3A_787 = arith.index_cast %scan3A_280 : i32 to index
        %get3A_788 = arith.constant 576 : index
        %get3A_789 = tpu.vector_load %arg14[%get3A_787, %get3A_788] {strides = array<i32>} : memref<16x768xf32, #tpu.memory_space<vmem>>, vector<1x16xf32>,
        %get3A_790 = vector.shape_cast %get3A_789 : vector<1x16xf32> to vector<16xf32>
        %add3A_791 = arith.addf %get3A_786, %get3A_790 : vector<16xf32>
        %swap3A_792 = arith.index_cast %scan3A_280 : i32 to index
        %swap3A_793 = arith.constant 576 : index
        %swap3A_794 = tpu.vector_load %arg10[%swap3A_792, %swap3A_793] {strides = array<i32>} : memref<16x768xf32, #tpu.memory_space<vmem>>, vector<1x16xf32>,
        %swap3A_795 = vector.shape_cast %swap3A_794 : vector<1x16xf32> to vector<16xf32>
        %swap3A_796 = vector.shape_cast %add3A_791 : vector<16xf32> to vector<1x16xf32>
        tpu.vector_store %arg10[%swap3A_792, %swap3A_793], %swap3A_796 {strides = array<i32>} : memref<16x768xf32, #tpu.memory_space<vmem>>, vector<1x16xf32>,
        %get3A_797 = arith.index_cast %scan3A_280 : i32 to index
        %get3A_798 = arith.constant 592 : index
        %get3A_799 = tpu.vector_load %arg10[%get3A_797, %get3A_798] {strides = array<i32>} : memref<16x768xf32, #tpu.memory_space<vmem>>, vector<1x16xf32>,
        %get3A_800 = vector.shape_cast %get3A_799 : vector<1x16xf32> to vector<16xf32>
        %get3A_801 = arith.index_cast %scan3A_280 : i32 to index
        %get3A_802 = arith.constant 592 : index
        %get3A_803 = tpu.vector_load %arg14[%get3A_801, %get3A_802] {strides = array<i32>} : memref<16x768xf32, #tpu.memory_space<vmem>>, vector<1x16xf32>,
        %get3A_804 = vector.shape_cast %get3A_803 : vector<1x16xf32> to vector<16xf32>
        %add3A_805 = arith.addf %get3A_800, %get3A_804 : vector<16xf32>
        %swap3A_806 = arith.index_cast %scan3A_280 : i32 to index
        %swap3A_807 = arith.constant 592 : index
        %swap3A_808 = tpu.vector_load %arg10[%swap3A_806, %swap3A_807] {strides = array<i32>} : memref<16x768xf32, #tpu.memory_space<vmem>>, vector<1x16xf32>,
        %swap3A_809 = vector.shape_cast %swap3A_808 : vector<1x16xf32> to vector<16xf32>
        %swap3A_810 = vector.shape_cast %add3A_805 : vector<16xf32> to vector<1x16xf32>
        tpu.vector_store %arg10[%swap3A_806, %swap3A_807], %swap3A_810 {strides = array<i32>} : memref<16x768xf32, #tpu.memory_space<vmem>>, vector<1x16xf32>,
        %get3A_811 = arith.index_cast %scan3A_280 : i32 to index
        %get3A_812 = arith.constant 608 : index
        %get3A_813 = tpu.vector_load %arg10[%get3A_811, %get3A_812] {strides = array<i32>} : memref<16x768xf32, #tpu.memory_space<vmem>>, vector<1x16xf32>,
        %get3A_814 = vector.shape_cast %get3A_813 : vector<1x16xf32> to vector<16xf32>
        %get3A_815 = arith.index_cast %scan3A_280 : i32 to index
        %get3A_816 = arith.constant 608 : index
        %get3A_817 = tpu.vector_load %arg14[%get3A_815, %get3A_816] {strides = array<i32>} : memref<16x768xf32, #tpu.memory_space<vmem>>, vector<1x16xf32>,
        %get3A_818 = vector.shape_cast %get3A_817 : vector<1x16xf32> to vector<16xf32>
        %add3A_819 = arith.addf %get3A_814, %get3A_818 : vector<16xf32>
        %swap3A_820 = arith.index_cast %scan3A_280 : i32 to index
        %swap3A_821 = arith.constant 608 : index
        %swap3A_822 = tpu.vector_load %arg10[%swap3A_820, %swap3A_821] {strides = array<i32>} : memref<16x768xf32, #tpu.memory_space<vmem>>, vector<1x16xf32>,
        %swap3A_823 = vector.shape_cast %swap3A_822 : vector<1x16xf32> to vector<16xf32>
        %swap3A_824 = vector.shape_cast %add3A_819 : vector<16xf32> to vector<1x16xf32>
        tpu.vector_store %arg10[%swap3A_820, %swap3A_821], %swap3A_824 {strides = array<i32>} : memref<16x768xf32, #tpu.memory_space<vmem>>, vector<1x16xf32>,
        %get3A_825 = arith.index_cast %scan3A_280 : i32 to index
        %get3A_826 = arith.constant 624 : index
        %get3A_827 = tpu.vector_load %arg10[%get3A_825, %get3A_826] {strides = array<i32>} : memref<16x768xf32, #tpu.memory_space<vmem>>, vector<1x16xf32>,
        %get3A_828 = vector.shape_cast %get3A_827 : vector<1x16xf32> to vector<16xf32>
        %get3A_829 = arith.index_cast %scan3A_280 : i32 to index
        %get3A_830 = arith.constant 624 : index
        %get3A_831 = tpu.vector_load %arg14[%get3A_829, %get3A_830] {strides = array<i32>} : memref<16x768xf32, #tpu.memory_space<vmem>>, vector<1x16xf32>,
        %get3A_832 = vector.shape_cast %get3A_831 : vector<1x16xf32> to vector<16xf32>
        %add3A_833 = arith.addf %get3A_828, %get3A_832 : vector<16xf32>
        %swap3A_834 = arith.index_cast %scan3A_280 : i32 to index
        %swap3A_835 = arith.constant 624 : index
        %swap3A_836 = tpu.vector_load %arg10[%swap3A_834, %swap3A_835] {strides = array<i32>} : memref<16x768xf32, #tpu.memory_space<vmem>>, vector<1x16xf32>,
        %swap3A_837 = vector.shape_cast %swap3A_836 : vector<1x16xf32> to vector<16xf32>
        %swap3A_838 = vector.shape_cast %add3A_833 : vector<16xf32> to vector<1x16xf32>
        tpu.vector_store %arg10[%swap3A_834, %swap3A_835], %swap3A_838 {strides = array<i32>} : memref<16x768xf32, #tpu.memory_space<vmem>>, vector<1x16xf32>,
        %get3A_839 = arith.index_cast %scan3A_280 : i32 to index
        %get3A_840 = arith.constant 640 : index
        %get3A_841 = tpu.vector_load %arg10[%get3A_839, %get3A_840] {strides = array<i32>} : memref<16x768xf32, #tpu.memory_space<vmem>>, vector<1x16xf32>,
        %get3A_842 = vector.shape_cast %get3A_841 : vector<1x16xf32> to vector<16xf32>
        %get3A_843 = arith.index_cast %scan3A_280 : i32 to index
        %get3A_844 = arith.constant 640 : index
        %get3A_845 = tpu.vector_load %arg14[%get3A_843, %get3A_844] {strides = array<i32>} : memref<16x768xf32, #tpu.memory_space<vmem>>, vector<1x16xf32>,
        %get3A_846 = vector.shape_cast %get3A_845 : vector<1x16xf32> to vector<16xf32>
        %add3A_847 = arith.addf %get3A_842, %get3A_846 : vector<16xf32>
        %swap3A_848 = arith.index_cast %scan3A_280 : i32 to index
        %swap3A_849 = arith.constant 640 : index
        %swap3A_850 = tpu.vector_load %arg10[%swap3A_848, %swap3A_849] {strides = array<i32>} : memref<16x768xf32, #tpu.memory_space<vmem>>, vector<1x16xf32>,
        %swap3A_851 = vector.shape_cast %swap3A_850 : vector<1x16xf32> to vector<16xf32>
        %swap3A_852 = vector.shape_cast %add3A_847 : vector<16xf32> to vector<1x16xf32>
        tpu.vector_store %arg10[%swap3A_848, %swap3A_849], %swap3A_852 {strides = array<i32>} : memref<16x768xf32, #tpu.memory_space<vmem>>, vector<1x16xf32>,
        %get3A_853 = arith.index_cast %scan3A_280 : i32 to index
        %get3A_854 = arith.constant 656 : index
        %get3A_855 = tpu.vector_load %arg10[%get3A_853, %get3A_854] {strides = array<i32>} : memref<16x768xf32, #tpu.memory_space<vmem>>, vector<1x16xf32>,
        %get3A_856 = vector.shape_cast %get3A_855 : vector<1x16xf32> to vector<16xf32>
        %get3A_857 = arith.index_cast %scan3A_280 : i32 to index
        %get3A_858 = arith.constant 656 : index
        %get3A_859 = tpu.vector_load %arg14[%get3A_857, %get3A_858] {strides = array<i32>} : memref<16x768xf32, #tpu.memory_space<vmem>>, vector<1x16xf32>,
        %get3A_860 = vector.shape_cast %get3A_859 : vector<1x16xf32> to vector<16xf32>
        %add3A_861 = arith.addf %get3A_856, %get3A_860 : vector<16xf32>
        %swap3A_862 = arith.index_cast %scan3A_280 : i32 to index
        %swap3A_863 = arith.constant 656 : index
        %swap3A_864 = tpu.vector_load %arg10[%swap3A_862, %swap3A_863] {strides = array<i32>} : memref<16x768xf32, #tpu.memory_space<vmem>>, vector<1x16xf32>,
        %swap3A_865 = vector.shape_cast %swap3A_864 : vector<1x16xf32> to vector<16xf32>
        %swap3A_866 = vector.shape_cast %add3A_861 : vector<16xf32> to vector<1x16xf32>
        tpu.vector_store %arg10[%swap3A_862, %swap3A_863], %swap3A_866 {strides = array<i32>} : memref<16x768xf32, #tpu.memory_space<vmem>>, vector<1x16xf32>,
        %get3A_867 = arith.index_cast %scan3A_280 : i32 to index
        %get3A_868 = arith.constant 672 : index
        %get3A_869 = tpu.vector_load %arg10[%get3A_867, %get3A_868] {strides = array<i32>} : memref<16x768xf32, #tpu.memory_space<vmem>>, vector<1x16xf32>,
        %get3A_870 = vector.shape_cast %get3A_869 : vector<1x16xf32> to vector<16xf32>
        %get3A_871 = arith.index_cast %scan3A_280 : i32 to index
        %get3A_872 = arith.constant 672 : index
        %get3A_873 = tpu.vector_load %arg14[%get3A_871, %get3A_872] {strides = array<i32>} : memref<16x768xf32, #tpu.memory_space<vmem>>, vector<1x16xf32>,
        %get3A_874 = vector.shape_cast %get3A_873 : vector<1x16xf32> to vector<16xf32>
        %add3A_875 = arith.addf %get3A_870, %get3A_874 : vector<16xf32>
        %swap3A_876 = arith.index_cast %scan3A_280 : i32 to index
        %swap3A_877 = arith.constant 672 : index
        %swap3A_878 = tpu.vector_load %arg10[%swap3A_876, %swap3A_877] {strides = array<i32>} : memref<16x768xf32, #tpu.memory_space<vmem>>, vector<1x16xf32>,
        %swap3A_879 = vector.shape_cast %swap3A_878 : vector<1x16xf32> to vector<16xf32>
        %swap3A_880 = vector.shape_cast %add3A_875 : vector<16xf32> to vector<1x16xf32>
        tpu.vector_store %arg10[%swap3A_876, %swap3A_877], %swap3A_880 {strides = array<i32>} : memref<16x768xf32, #tpu.memory_space<vmem>>, vector<1x16xf32>,
        %get3A_881 = arith.index_cast %scan3A_280 : i32 to index
        %get3A_882 = arith.constant 688 : index
        %get3A_883 = tpu.vector_load %arg10[%get3A_881, %get3A_882] {strides = array<i32>} : memref<16x768xf32, #tpu.memory_space<vmem>>, vector<1x16xf32>,
        %get3A_884 = vector.shape_cast %get3A_883 : vector<1x16xf32> to vector<16xf32>
        %get3A_885 = arith.index_cast %scan3A_280 : i32 to index
        %get3A_886 = arith.constant 688 : index
        %get3A_887 = tpu.vector_load %arg14[%get3A_885, %get3A_886] {strides = array<i32>} : memref<16x768xf32, #tpu.memory_space<vmem>>, vector<1x16xf32>,
        %get3A_888 = vector.shape_cast %get3A_887 : vector<1x16xf32> to vector<16xf32>
        %add3A_889 = arith.addf %get3A_884, %get3A_888 : vector<16xf32>
        %swap3A_890 = arith.index_cast %scan3A_280 : i32 to index
        %swap3A_891 = arith.constant 688 : index
        %swap3A_892 = tpu.vector_load %arg10[%swap3A_890, %swap3A_891] {strides = array<i32>} : memref<16x768xf32, #tpu.memory_space<vmem>>, vector<1x16xf32>,
        %swap3A_893 = vector.shape_cast %swap3A_892 : vector<1x16xf32> to vector<16xf32>
        %swap3A_894 = vector.shape_cast %add3A_889 : vector<16xf32> to vector<1x16xf32>
        tpu.vector_store %arg10[%swap3A_890, %swap3A_891], %swap3A_894 {strides = array<i32>} : memref<16x768xf32, #tpu.memory_space<vmem>>, vector<1x16xf32>,
        %get3A_895 = arith.index_cast %scan3A_280 : i32 to index
        %get3A_896 = arith.constant 704 : index
        %get3A_897 = tpu.vector_load %arg10[%get3A_895, %get3A_896] {strides = array<i32>} : memref<16x768xf32, #tpu.memory_space<vmem>>, vector<1x16xf32>,
        %get3A_898 = vector.shape_cast %get3A_897 : vector<1x16xf32> to vector<16xf32>
        %get3A_899 = arith.index_cast %scan3A_280 : i32 to index
        %get3A_900 = arith.constant 704 : index
        %get3A_901 = tpu.vector_load %arg14[%get3A_899, %get3A_900] {strides = array<i32>} : memref<16x768xf32, #tpu.memory_space<vmem>>, vector<1x16xf32>,
        %get3A_902 = vector.shape_cast %get3A_901 : vector<1x16xf32> to vector<16xf32>
        %add3A_903 = arith.addf %get3A_898, %get3A_902 : vector<16xf32>
        %swap3A_904 = arith.index_cast %scan3A_280 : i32 to index
        %swap3A_905 = arith.constant 704 : index
        %swap3A_906 = tpu.vector_load %arg10[%swap3A_904, %swap3A_905] {strides = array<i32>} : memref<16x768xf32, #tpu.memory_space<vmem>>, vector<1x16xf32>,
        %swap3A_907 = vector.shape_cast %swap3A_906 : vector<1x16xf32> to vector<16xf32>
        %swap3A_908 = vector.shape_cast %add3A_903 : vector<16xf32> to vector<1x16xf32>
        tpu.vector_store %arg10[%swap3A_904, %swap3A_905], %swap3A_908 {strides = array<i32>} : memref<16x768xf32, #tpu.memory_space<vmem>>, vector<1x16xf32>,
        %get3A_909 = arith.index_cast %scan3A_280 : i32 to index
        %get3A_910 = arith.constant 720 : index
        %get3A_911 = tpu.vector_load %arg10[%get3A_909, %get3A_910] {strides = array<i32>} : memref<16x768xf32, #tpu.memory_space<vmem>>, vector<1x16xf32>,
        %get3A_912 = vector.shape_cast %get3A_911 : vector<1x16xf32> to vector<16xf32>
        %get3A_913 = arith.index_cast %scan3A_280 : i32 to index
        %get3A_914 = arith.constant 720 : index
        %get3A_915 = tpu.vector_load %arg14[%get3A_913, %get3A_914] {strides = array<i32>} : memref<16x768xf32, #tpu.memory_space<vmem>>, vector<1x16xf32>,
        %get3A_916 = vector.shape_cast %get3A_915 : vector<1x16xf32> to vector<16xf32>
        %add3A_917 = arith.addf %get3A_912, %get3A_916 : vector<16xf32>
        %swap3A_918 = arith.index_cast %scan3A_280 : i32 to index
        %swap3A_919 = arith.constant 720 : index
        %swap3A_920 = tpu.vector_load %arg10[%swap3A_918, %swap3A_919] {strides = array<i32>} : memref<16x768xf32, #tpu.memory_space<vmem>>, vector<1x16xf32>,
        %swap3A_921 = vector.shape_cast %swap3A_920 : vector<1x16xf32> to vector<16xf32>
        %swap3A_922 = vector.shape_cast %add3A_917 : vector<16xf32> to vector<1x16xf32>
        tpu.vector_store %arg10[%swap3A_918, %swap3A_919], %swap3A_922 {strides = array<i32>} : memref<16x768xf32, #tpu.memory_space<vmem>>, vector<1x16xf32>,
        %get3A_923 = arith.index_cast %scan3A_280 : i32 to index
        %get3A_924 = arith.constant 736 : index
        %get3A_925 = tpu.vector_load %arg10[%get3A_923, %get3A_924] {strides = array<i32>} : memref<16x768xf32, #tpu.memory_space<vmem>>, vector<1x16xf32>,
        %get3A_926 = vector.shape_cast %get3A_925 : vector<1x16xf32> to vector<16xf32>
        %get3A_927 = arith.index_cast %scan3A_280 : i32 to index
        %get3A_928 = arith.constant 736 : index
        %get3A_929 = tpu.vector_load %arg14[%get3A_927, %get3A_928] {strides = array<i32>} : memref<16x768xf32, #tpu.memory_space<vmem>>, vector<1x16xf32>,
        %get3A_930 = vector.shape_cast %get3A_929 : vector<1x16xf32> to vector<16xf32>
        %add3A_931 = arith.addf %get3A_926, %get3A_930 : vector<16xf32>
        %swap3A_932 = arith.index_cast %scan3A_280 : i32 to index
        %swap3A_933 = arith.constant 736 : index
        %swap3A_934 = tpu.vector_load %arg10[%swap3A_932, %swap3A_933] {strides = array<i32>} : memref<16x768xf32, #tpu.memory_space<vmem>>, vector<1x16xf32>,
        %swap3A_935 = vector.shape_cast %swap3A_934 : vector<1x16xf32> to vector<16xf32>
        %swap3A_936 = vector.shape_cast %add3A_931 : vector<16xf32> to vector<1x16xf32>
        tpu.vector_store %arg10[%swap3A_932, %swap3A_933], %swap3A_936 {strides = array<i32>} : memref<16x768xf32, #tpu.memory_space<vmem>>, vector<1x16xf32>,
        %get3A_937 = arith.index_cast %scan3A_280 : i32 to index
        %get3A_938 = arith.constant 752 : index
        %get3A_939 = tpu.vector_load %arg10[%get3A_937, %get3A_938] {strides = array<i32>} : memref<16x768xf32, #tpu.memory_space<vmem>>, vector<1x16xf32>,
        %get3A_940 = vector.shape_cast %get3A_939 : vector<1x16xf32> to vector<16xf32>
        %get3A_941 = arith.index_cast %scan3A_280 : i32 to index
        %get3A_942 = arith.constant 752 : index
        %get3A_943 = tpu.vector_load %arg14[%get3A_941, %get3A_942] {strides = array<i32>} : memref<16x768xf32, #tpu.memory_space<vmem>>, vector<1x16xf32>,
        %get3A_944 = vector.shape_cast %get3A_943 : vector<1x16xf32> to vector<16xf32>
        %add3A_945 = arith.addf %get3A_940, %get3A_944 : vector<16xf32>
        %swap3A_946 = arith.index_cast %scan3A_280 : i32 to index
        %swap3A_947 = arith.constant 752 : index
        %swap3A_948 = tpu.vector_load %arg10[%swap3A_946, %swap3A_947] {strides = array<i32>} : memref<16x768xf32, #tpu.memory_space<vmem>>, vector<1x16xf32>,
        %swap3A_949 = vector.shape_cast %swap3A_948 : vector<1x16xf32> to vector<16xf32>
        %swap3A_950 = vector.shape_cast %add3A_945 : vector<16xf32> to vector<1x16xf32>
        tpu.vector_store %arg10[%swap3A_946, %swap3A_947], %swap3A_950 {strides = array<i32>} : memref<16x768xf32, #tpu.memory_space<vmem>>, vector<1x16xf32>,
      }
      %scan3A_270 = arith.constant 16 : i32
      %mul3A_271 = arith.constant 16 : i32
      %mul3A_272 = arith.muli %add3A_244, %mul3A_271 : i32
      %add3A_273 = arith.addi %mul3A_32, %mul3A_272 : i32
      %dma_start3A_274 = arith.constant 0 : i32
      %dma_start3A_275 = tpu.memref_slice %arg5[%select_n3A, %add3A_273, %dma_start3A_274] : memref<2x2048x768xf32, #tpu.memory_space<hbm>> -> memref<1x16x768xf32, #tpu.memory_space<hbm>>
      %dma_start3A_276 = tpu.memref_squeeze %dma_start3A_275 : memref<1x16x768xf32, #tpu.memory_space<hbm>> -> memref<16x768xf32, #tpu.memory_space<hbm>>
      %dma_start3A_277 = arith.constant 0 : i32
      %dma_start3A_278 = tpu.memref_slice %arg5[%select_n3A, %add3A_273, %dma_start3A_277] : memref<2x2048x768xf32, #tpu.memory_space<hbm>> -> memref<1x16x768xf32, #tpu.memory_space<hbm>>
      %dma_start3A_279 = tpu.memref_squeeze %dma_start3A_278 : memref<1x16x768xf32, #tpu.memory_space<hbm>> -> memref<16x768xf32, #tpu.memory_space<hbm>>
      tpu.enqueue_dma source(%arg10 : memref<16x768xf32, #tpu.memory_space<vmem>>) target(%dma_start3A_279 : memref<16x768xf32, #tpu.memory_space<hbm>>) target_semaphore(%arg26 : memref<!tpu.dma_semaphore, #tpu.memory_space<semaphore_mem>>)
    }
    %scan3A_75 = arith.constant 2 : i32
    %add3A_76 = arith.constant 64 : i32
    %add3A_77 = arith.addi %mul3A_32, %add3A_76 : i32
    %dma_wait3A = arith.constant 0 : i32
    %dma_wait3A_78 = tpu.memref_slice %arg5[%select_n3A, %add3A_77, %dma_wait3A] : memref<2x2048x768xf32, #tpu.memory_space<hbm>> -> memref<1x16x768xf32, #tpu.memory_space<hbm>>
    %dma_wait3A_79 = tpu.memref_squeeze %dma_wait3A_78 : memref<1x16x768xf32, #tpu.memory_space<hbm>> -> memref<16x768xf32, #tpu.memory_space<hbm>>
    %dma_wait3A_80 = arith.constant 0 : i32
    %dma_wait3A_81 = tpu.memref_slice %arg5[%select_n3A, %add3A_77, %dma_wait3A_80] : memref<2x2048x768xf32, #tpu.memory_space<hbm>> -> memref<1x16x768xf32, #tpu.memory_space<hbm>>
    %dma_wait3A_82 = tpu.memref_squeeze %dma_wait3A_81 : memref<1x16x768xf32, #tpu.memory_space<hbm>> -> memref<16x768xf32, #tpu.memory_space<hbm>>
    tpu.wait_dma2 semaphore(%arg23 : memref<!tpu.dma_semaphore, #tpu.memory_space<semaphore_mem>>) src(%arg7 : memref<16x768xf32, #tpu.memory_space<vmem>>) dst(%dma_wait3A_82 : memref<16x768xf32, #tpu.memory_space<hbm>>)
    %add3A_83 = arith.constant 80 : i32
    %add3A_84 = arith.addi %mul3A_32, %add3A_83 : i32
    %dma_wait3A_85 = arith.constant 0 : i32
    %dma_wait3A_86 = tpu.memref_slice %arg5[%select_n3A, %add3A_84, %dma_wait3A_85] : memref<2x2048x768xf32, #tpu.memory_space<hbm>> -> memref<1x16x768xf32, #tpu.memory_space<hbm>>
    %dma_wait3A_87 = tpu.memref_squeeze %dma_wait3A_86 : memref<1x16x768xf32, #tpu.memory_space<hbm>> -> memref<16x768xf32, #tpu.memory_space<hbm>>
    %dma_wait3A_88 = arith.constant 0 : i32
    %dma_wait3A_89 = tpu.memref_slice %arg5[%select_n3A, %add3A_84, %dma_wait3A_88] : memref<2x2048x768xf32, #tpu.memory_space<hbm>> -> memref<1x16x768xf32, #tpu.memory_space<hbm>>
    %dma_wait3A_90 = tpu.memref_squeeze %dma_wait3A_89 : memref<1x16x768xf32, #tpu.memory_space<hbm>> -> memref<16x768xf32, #tpu.memory_space<hbm>>
    tpu.wait_dma2 semaphore(%arg24 : memref<!tpu.dma_semaphore, #tpu.memory_space<semaphore_mem>>) src(%arg8 : memref<16x768xf32, #tpu.memory_space<vmem>>) dst(%dma_wait3A_90 : memref<16x768xf32, #tpu.memory_space<hbm>>)
    %add3A_91 = arith.constant 96 : i32
    %add3A_92 = arith.addi %mul3A_32, %add3A_91 : i32
    %dma_wait3A_93 = arith.constant 0 : i32
    %dma_wait3A_94 = tpu.memref_slice %arg5[%select_n3A, %add3A_92, %dma_wait3A_93] : memref<2x2048x768xf32, #tpu.memory_space<hbm>> -> memref<1x16x768xf32, #tpu.memory_space<hbm>>
    %dma_wait3A_95 = tpu.memref_squeeze %dma_wait3A_94 : memref<1x16x768xf32, #tpu.memory_space<hbm>> -> memref<16x768xf32, #tpu.memory_space<hbm>>
    %dma_wait3A_96 = arith.constant 0 : i32
    %dma_wait3A_97 = tpu.memref_slice %arg5[%select_n3A, %add3A_92, %dma_wait3A_96] : memref<2x2048x768xf32, #tpu.memory_space<hbm>> -> memref<1x16x768xf32, #tpu.memory_space<hbm>>
    %dma_wait3A_98 = tpu.memref_squeeze %dma_wait3A_97 : memref<1x16x768xf32, #tpu.memory_space<hbm>> -> memref<16x768xf32, #tpu.memory_space<hbm>>
    tpu.wait_dma2 semaphore(%arg25 : memref<!tpu.dma_semaphore, #tpu.memory_space<semaphore_mem>>) src(%arg9 : memref<16x768xf32, #tpu.memory_space<vmem>>) dst(%dma_wait3A_98 : memref<16x768xf32, #tpu.memory_space<hbm>>)
    %add3A_99 = arith.constant 112 : i32
    %add3A_100 = arith.addi %mul3A_32, %add3A_99 : i32
    %dma_wait3A_101 = arith.constant 0 : i32
    %dma_wait3A_102 = tpu.memref_slice %arg5[%select_n3A, %add3A_100, %dma_wait3A_101] : memref<2x2048x768xf32, #tpu.memory_space<hbm>> -> memref<1x16x768xf32, #tpu.memory_space<hbm>>
    %dma_wait3A_103 = tpu.memref_squeeze %dma_wait3A_102 : memref<1x16x768xf32, #tpu.memory_space<hbm>> -> memref<16x768xf32, #tpu.memory_space<hbm>>
    %dma_wait3A_104 = arith.constant 0 : i32
    %dma_wait3A_105 = tpu.memref_slice %arg5[%select_n3A, %add3A_100, %dma_wait3A_104] : memref<2x2048x768xf32, #tpu.memory_space<hbm>> -> memref<1x16x768xf32, #tpu.memory_space<hbm>>
    %dma_wait3A_106 = tpu.memref_squeeze %dma_wait3A_105 : memref<1x16x768xf32, #tpu.memory_space<hbm>> -> memref<16x768xf32, #tpu.memory_space<hbm>>
    tpu.wait_dma2 semaphore(%arg26 : memref<!tpu.dma_semaphore, #tpu.memory_space<semaphore_mem>>) src(%arg10 : memref<16x768xf32, #tpu.memory_space<vmem>>) dst(%dma_wait3A_106 : memref<16x768xf32, #tpu.memory_space<hbm>>)
    return
  }
}

</mosaic_0001>

<sc_bundles>
// kernel: kernel.3.cloned.1.call-start
scs
__scs_entry_jumppad:
0x0: {  	(pc) =	sbr.rel $0x88, $3  }
0x1: {  	(tag) =	ssettag $0x0;
	lr =	simm.s32 $0x1  }
0x2: {  	[smem:$0x3F9E] =	sst lr;
	_ =	strace $0xD0000000  }
0x3: {  	_ = 	snop  }
0x4: {  	_ = 	snop  }
0x5: {  	_ = 	snop  }
0x6: {  	_ = 	snop  }
0x7: {  	_ = 	snop  }
__scs_overlays_trampoline_lowered:
0x8: {  	[smem:$0x3FAD] =	sst s0  }
0x9: {  	[smem:$0x3FAE] =	sst s1  }
0xa: {  	[smem:$0x3FAF] =	sst s2  }
0xb: {  	[smem:$0x3FB0] =	sst s3  }
0xc: {  	[smem:$0x3FB1] =	sst s4  }
0xd: {  	[smem:$0x3FB2] =	sst s5  }
0xe: {  	[smem:$0x3FB3] =	sst s6  }
0xf: {  	[smem:$0x3FB4] =	sst s7  }
0x10: {  	[smem:$0x3FB5] =	sst s8  }
0x11: {  	[smem:$0x3FB6] =	sst s9;
	s0 =	simm.s32 @!p0 $0x0  }
0x12: {  	s1 =	sld [smem:$0x3F9C];
	s0 =	simm.s32 @p0 $0x1  }
0x13: {  	[smem:$0x3FB7] =	sst s0;
	s0 =	simm.s32 @!p1 $0x0  }
0x14: {  	s2 =	sld [smem:$0x3F9B];
	s0 =	simm.s32 @p1 $0x1  }
0x15: {  	[smem:$0x3FB8] =	sst s0;
	s0 =	simm.s32 @!p2 $0x0  }
0x16: {  	s3 =	sld [smem:$0x3FDB];
	s0 =	simm.s32 @p2 $0x1  }
0x17: {  	s4 =	simm.s32 $0x1BF5;
	[smem:$0x3FBA] =	sst s0  }
0x18: {  	s0 =	sld [smem:$0x3F9D];
	_ =	swait.ge [sflag:s4], $0x0  }
0x19: {  	s7 =	sld [smem:$0x3F9E]  }
0x1a: {  	s8 =	sadd.s32 $0xFFFFE003, lr  }
0x1b: {  	s9 =	sadd.s32 $0xFFFFFEF7, lr;
	s5 =	simm.s32 $0xFFFFFFFF;
	p2 =	slt.u32 s8, $0xFFFFF086  }
0x1c: {  	p1 =	slt.u32 s9, $0xF7A;
	s5 =	simm.s32 @!p2 $0x0  }
0x1d: {  	s5 =	simm.s32 @p1 $0x1;
	p0 =	seq.s32 s7, s2  }
0x1e: {  	s7 =	smul.u32 @!p0 $0xF7A, s2;
	p2 =	seq.s32 @!p0 s5, $0x0  }
0x1f: {  	s9 =	smul.u32 $0xF7A, s1;
	s8 =	simm.s32 @!p0 $0x1BF5;
	p2 =	por !p2, p0  }
0x20: {  	[sflag:s8] =	ssyncset.s32 @!p0 $0xFFFFF086;
	s6 =	sadd.s32 @!p0 s3, s7;
	s7 =	simm.s32 @!p0 $0x108  }
0x21: {  	s3 =	sadd.s32 s3, s9;
	s6 =	sadd.s32 @!p0 $0x88, s6;
	s7 =	simm.s32 @p2 $0x1082  }
0x22: {  	[simem:s7], [sflag:s8] =	dma.local @!p0 [hbm:s6], $0xF7A  }
0x23: {  	s9 =	sor.u32 $0xD0000000, s2;
	s6 =	simm.s32 $0x108;
	_ =	swait.ge @!p0 [sflag:s8], $0x0  }
0x24: {  	s3 =	sadd.s32 $0x88, s3;
	s6 =	simm.s32 @!p1 $0x1082;
	[sflag:s4] =	ssyncset.s32 $0xFFFFF086  }
0x25: {  	[simem:s6], [sflag:s4] =	dma.local [hbm:s3], $0xF7A  }
0x26: {  	[smem:$0x3F9E] =	sst s1;
	(tag) =	ssettag s2;
	_ =	strace s9  }
0x27: {  	s1 =	sld [smem:$0x3FAE]  }
0x28: {  	s2 =	sld [smem:$0x3FAF]  }
0x29: {  	s4 =	sld [smem:$0x3FB1]  }
0x2a: {  	p0 =	seq.s32 s5, $0x0;
	s5 =	sld [smem:$0x3FB2]  }
0x2b: {  	s6 =	sld [smem:$0x3FB3]  }
0x2c: {  	s7 =	sld [smem:$0x3FB4]  }
0x2d: {  	s3 =	simm.s32 $0x108;
	s8 =	sld [smem:$0x3FB5]  }
0x2e: {  	s3 =	simm.s32 @!p0 $0x1082;
	s9 =	sld [smem:$0x3FB6]  }
0x2f: {  	lr =	sadd.s32 s0, s3;
	s0 =	sld [smem:$0x3FAD]  }
0x30: {  	s3 =	sld [smem:$0x3FB0]  }
0x31: {  	[smem:$0x3FB9] =	sst s10  }
0x32: {  	s10 =	sld [smem:$0x3FB7];
	_ =	sdelay $0x3  }
0x33: {  	p0 =	seq.s32 s10, $0x1;
	s10 =	sld [smem:$0x3FB9];
	_ =	sdelay $0x3  }
0x34: {  	[smem:$0x3FB9] =	sst s10  }
0x35: {  	s10 =	sld [smem:$0x3FB8];
	_ =	sdelay $0x3  }
0x36: {  	p1 =	seq.s32 s10, $0x1;
	s10 =	sld [smem:$0x3FB9];
	_ =	sdelay $0x3  }
0x37: {  	[smem:$0x3FB9] =	sst s10  }
0x38: {  	s10 =	sld [smem:$0x3FBA]  }
0x39: {  	_ = 	snop;
	(pc) =	sbr.ind lr, $3  }
0x3a: {  	_ = 	snop  }
0x3b: {  	_ = 	snop  }
0x3c: {  	p2 =	seq.s32 s10, $0x1;
	s10 =	sld [smem:$0x3FB9]  }
0x3d: {  	_ =	shalt  }
0x3e: {  	_ =	shalt  }
0x3f: {  	_ =	shalt  }
0x40: {  	_ =	shalt  }
0x41: {  	_ =	shalt  }
0x42: {  	_ =	shalt  }
0x43: {  	_ =	shalt  }
0x44: {  	_ =	shalt  }
0x45: {  	_ =	shalt  }
0x46: {  	_ =	shalt  }
0x47: {  	_ =	shalt  }
0x48: {  	_ =	shalt  }
0x49: {  	_ =	shalt  }
0x4a: {  	_ =	shalt  }
0x4b: {  	_ =	shalt  }
0x4c: {  	_ =	shalt  }
0x4d: {  	_ =	shalt  }
0x4e: {  	_ =	shalt  }
0x4f: {  	_ =	shalt  }
0x50: {  	_ =	shalt  }
0x51: {  	_ =	shalt  }
0x52: {  	_ =	shalt  }
0x53: {  	_ =	shalt  }
0x54: {  	_ =	shalt  }
0x55: {  	_ =	shalt  }
0x56: {  	_ =	shalt  }
0x57: {  	_ =	shalt  }
0x58: {  	_ =	shalt  }
0x59: {  	_ =	shalt  }
0x5a: {  	_ =	shalt  }
0x5b: {  	_ =	shalt  }
0x5c: {  	_ =	shalt  }
0x5d: {  	_ =	shalt  }
0x5e: {  	_ =	shalt  }
0x5f: {  	_ =	shalt  }
0x60: {  	_ =	shalt  }
0x61: {  	_ =	shalt  }
0x62: {  	_ =	shalt  }
0x63: {  	_ =	shalt  }
0x64: {  	_ =	shalt  }
0x65: {  	_ =	shalt  }
0x66: {  	_ =	shalt  }
0x67: {  	_ =	shalt  }
0x68: {  	_ =	shalt  }
0x69: {  	_ =	shalt  }
0x6a: {  	_ =	shalt  }
0x6b: {  	_ =	shalt  }
0x6c: {  	_ =	shalt  }
0x6d: {  	_ =	shalt  }
0x6e: {  	_ =	shalt  }
0x6f: {  	_ =	shalt  }
0x70: {  	_ =	shalt  }
0x71: {  	_ =	shalt  }
0x72: {  	_ =	shalt  }
0x73: {  	_ =	shalt  }
0x74: {  	_ =	shalt  }
0x75: {  	_ =	shalt  }
0x76: {  	_ =	shalt  }
0x77: {  	_ =	shalt  }
0x78: {  	_ =	shalt  }
0x79: {  	_ =	shalt  }
0x7a: {  	_ =	shalt  }
0x7b: {  	_ =	shalt  }
0x7c: {  	_ =	shalt  }
0x7d: {  	_ =	shalt  }
0x7e: {  	_ =	shalt  }
0x7f: {  	_ =	shalt  }
0x80: {  	_ =	shalt  }
0x81: {  	_ =	shalt  }
0x82: {  	_ =	shalt  }
0x83: {  	_ =	shalt  }
0x84: {  	_ =	shalt  }
0x85: {  	_ =	shalt  }
0x86: {  	_ =	shalt  }
0x87: {  	_ =	shalt  }
.Lfunc_end0:
.L_simem_size_0:
called_computation_lowered:
.L_overlay_start_0:
0x88: {  	s2 =	sld [smem:$0x3FD9]  }
0x89: {  	s3 =	sld [smem:$0x3FFE];
	_ =	sdelay $0x1  }
0x8a: {  	s1 =	srdreg.scid  }
0x8b: {  	s0 =	sand.u32 $0x1, s1  }
0x8c: {  	s18 =	sshll.u32 s0, $0xA;
	s2 =	sadd.s32 s3, s2  }
0x8d: {  	s2 =	sadd.s32 s2, s18  }
0x8e: {  	[smem:$0x3FC5] =	sst s2  }
0x8f: {  	_ = 	snop  }
0x90: {  	s2 =	sld [smem:$0x3FC9]  }
0x91: {  	s19 =	sld [smem:$0x3FC8]  }
0x92: {  	s4 =	sld [smem:$0x3FC7]  }
0x93: {  	s5 =	sld [smem:$0x3FD0];
	(tm) =	ssettm $0x1  }
0x94: {  	s6 =	sld [smem:$0x3FFB];
	_ =	sdelay $0x3  }
0x95: {  	_ =	strace s6  }
0x96: {  	s6 =	sld [smem:$0x3FFC];
	_ =	sdelay $0x3  }
0x97: {  	_ =	strace s6  }
0x98: {  	s6 =	sld [smem:$0x3FFD];
	_ =	sdelay $0x3  }
0x99: {  	_ =	strace s6  }
0x9a: {  	_ =	strace $0x8FFFFFFF  }
0x9b: {  	s20 =	sld [smem:$0x3FDB];
	_ =	sdelay $0x1  }
0x9c: {  	s7 =	simm.s32 $_scs_section_size  }
0x9d: {  	s8 =	simm.s32 $_size__tile_overlayer_lowered;
	s9 =	simm.s32 $_tile_overlayer_lowered  }
0x9e: {  	s23 =	simm.s32 $0x1BFF;
	s22 =	sshll.u32 s9, $0x1;
	s6 =	sadd.s32 s7, s20  }
0x9f: {  	s10 =	simm.s32 $0x0;
	s21 =	sshll.u32 s8, $0x1;
	s8 =	sadd.s32 s22, s6  }
0xa0: {  	[timem:s10], [sflag:s23] =	dma.local [hbm:s8], s21  }
0xa1: {  	_ =	swait.ge [sflag:s23], s21  }
0xa2: {  	s7 =	ssub.s32 $0x0, s21;
	[sflag:s23] =	ssyncset.done $0x0  }
0xa3: {  	[sflag:s23] =	ssyncadd.s32 s7;
	_ =	sdelay $0x1  }
0xa4: {  	s24 =	simm.s32 $0x1B8B  }
0xa5: {  	_ =	swait.ge [sflag:s24], $0x1  }
0xa6: {  	[sflag:s24] =	ssyncset.done $0x0  }
0xa7: {  	s25 =	simm.s32 $0x1B8E;
	[sflag:s24] =	ssyncadd.s32 $0xFFFFFFFF  }
0xa8: {  	s26 =	simm.s32 $execute0_lowered;
	[smem:$0x3FD2] =	sst s25  }
0xa9: {  	s7 =	sshll.u32 s26, $0x1;
	_ =	strace $0x80000046;
	[dreg:$0x1] =	wrdreg $0xFFFFFFFF  }
0xaa: {  	s28 =	simm.s32 $_size_execute0_lowered;
	s6 =	sadd.s32 s6, s7;
	[dreg:$0x0] =	wrdreg $0x0  }
0xab: {  	s7 =	sshll.u32 s28, $0x1;
	[dreg:$0x2] =	wrdreg s6  }
0xac: {  	[dreg:$0x3] =	wrdreg s7  }
0xad: {  	[dreg:$0x4] =	wrdreg $0xC0  }
0xae: {  	_ =	task [dreg:s10], $0x5FFFF  }
0xaf: {  	[dreg:$0x1] =	wrdreg $0xFFFFFFFF  }
0xb0: {  	[dreg:$0x0] =	wrdreg $0x60  }
0xb1: {  	[dreg:$0x2] =	wrdreg s2  }
0xb2: {  	[dreg:$0x3] =	wrdreg s19  }
0xb3: {  	[dreg:$0x4] =	wrdreg s4  }
0xb4: {  	[dreg:$0x5] =	wrdreg s5  }
0xb5: {  	[dreg:$0x6] =	wrdreg $0x9  }
0xb6: {  	_ =	task.clear_ibuf [dreg:s10], $0x7FFFF;
	_ =	strace $0x90000046  }
0xb7: {  	s29 =	simm.s32 $0x9;
	_ =	strace $0x80000048  }
0xb8: {  	_ =	swait.ge [sflag:s29], $0x1  }
0xb9: {  	[sflag:s29] =	ssyncadd.s32 $0xFFFFFFFF  }
0xba: {  	_ =	strace $0x90000048  }
0xbb: {  	_ =	sfence  }
0xbc: {  	s30 =	sld [smem:$0x0];
	_ =	sdelay $0x2  }
0xbd: {  	s31 =	sshll.u32 s1, $0xD;
	s1 =	sshrl.u32 s1, $0x2  }
0xbe: {  	s3 =	sand.u32 $0x4000, s31;
	s1 =	sadd.s32 s1, s30  }
0xbf: {  	s0 =	sor.u32 s3, s0;
	s1 =	sshll.u32 s1, $0x11  }
0xc0: {  	s0 =	sor.u32 s1, s0  }
0xc1: {  	s0 =	sadd.s32 $0x8F2B, s0  }
0xc2: {  	[sflag:s0] =	ssyncadd.remote.s32 $0x1  }
0xc3: {  	_ =	sfence.sel $0xFFFF  }
0xc4: {  	[dreg:$0x0] =	wrdreg $0xFFFFFFFF;
	(pc) =	sbr.abs _section_cstart, $3  }
0xc5: {  	[dreg:$0x1] =	wrdreg $0xFFFFFFFF  }
0xc6: {  	_ =	task.clear_ibuf [dreg:s10], $0x2FFFF;
	_ =	strace $0x9FFFFFFF  }
0xc7: {  	(tm) =	ssettm $0x7FFFFFFF  }
tec
execute0_lowered:
.L_overlay_start_1:
0x0: {  	(tag) =	ssettag $0x1  }
0x1: {  	s0 =	rddreg [dreg:$0x0]  }
0x2: {  	s10 =	rddreg [dreg:$0x1]  }
0x3: {  	s3 =	rddreg [dreg:$0x2]  }
0x4: {  	s4 =	rddreg [dreg:$0x3]  }
0x5: {  	s5 =	stileid.u32;
	s1 =	srdreg.scid;
	s20 =	simm.s32 $0x80  }
0x6: {  	s28 =	simm.s32 $0x3080;
	s31 =	simm.s32 $0x9080;
	s29 =	simm.s32 $0x5  }
0x7: {  	s30 =	simm.s32 $0x2;
	s12 =	simm.s32 $0x3;
	s13 =	simm.s32 $0x7  }
0x8: {  	s17 =	simm.s32 $0x4;
	s2 =	sshll.u32 s5, $0x1;
	s1 =	sand.u32 $0x1, s1  }
0x9: {  	s7 =	sshrl.u32 s5, $0x3;
	s5 =	simm.s32 $0x0;
	s11 =	sadd.s32 $0x200, s3  }
0xa: {  	s2 =	sand.u32 $0xE, s2;
	s6 =	smul.u32 $0x180000, s7;
	[smem:$0x7FF] =	sst s5  }
0xb: {  	s7 =	sshll.u32 s7, $0x4;
	s2 =	sor.u32 s1, s2;
	s1 =	ssub.s32 $0x2, s1  }
0xc: {  	_ =	strace $0x80000047;
	s0 =	sadd.s32 s0, s7;
	s8 =	smul.u32 $0x18000, s2  }
0xd: {  	s9 =	sshrl.u32 s1, $0x1;
	s22 =	sshll.u32 s2, $0x5;
	s7 =	sshll.u32 s2, $0x7  }
0xe: {  	s18 =	sor.u32 $0x6000, s6;
	s2 =	simm.s32 $0x0;
	s1 =	ssub.s32 s1, s9  }
0xf: {  	s0 =	sadd.s32 s22, s0;
	s22 =	simm.s32 $0x6080;
	s9 =	simm.s32 $0x8  }
0x10: {  	s8 =	sadd.s32 s6, s8;
	[dreg:$0x5] =	wrdreg s0;
	s26 =	smax.u32 s1, $0x1  }
0x11: {  	s8 =	sshrl.u32 s8, $0x3;
	[dreg:$0x9] =	wrdreg s26;
	s26 =	simm.s32 $0x1  }
0x12: {  	s23 =	sadd.s32 s10, s8;
	s10 =	sadd.s32 $0x100, s3;
	s8 =	simm.s32 $0x6  }
0x13: {  	v2 =	vlaneseq.u32;
	s24 =	sadd.s32 $0x600, s23;
	s25 =	sadd.s32 $0xC00, s23;
	[dreg:$0x6] =	wrdreg s23  }
0x14: {  	vm0 =	vmmov $0xffff;
	v1 =	vshrl.u32 v2, $0x3;
	s14 =	sadd.s32 $0x1800, s23;
	s15 =	sadd.s32 $0x1E00, s23;
	[dreg:$0x7] =	wrdreg s24  }
0x15: {  	v0 =	vand.u32 $0x7, v2;
	v2 =	vor.u32 $0x8, v2;
	v1 =	vmul.u32 $0x8, v1;
	s16 =	sadd.s32 $0x2400, s23;
	[dreg:$0x8] =	wrdreg s25;
	s25 =	simm.s32 $0x15080  }
.LBB2_1:
0x16: {  	[dreg:$0xa] =	wrdreg s2  }
0x17: {  	s0 =	rddreg [dreg:$0x5];
	s21 =	simm.s32 $0xD  }
0x18: {  	[tilespmem:s5], [sflag:$0xD] =	stream.linear.gather [hbm4b:s0+s5], $0x80, $0x38;
	[tilespmem:$0x18080] =	vst v63  }
0x19: {  	_ =	swait.ge [sflag:s21], $0x80  }
0x1a: {  	[sflag:s21] =	ssyncset.done $0x0  }
0x1b: {  	[sflag:s21] =	ssyncadd.s32 $0xFFFFFF80  }
0x1c: {  	v3 =	vld [tilespmem:$0x0];
	_ =	sdelay $0x4  }
0x1d: {  	v4 =	vshrl.u32 v3, $0x3  }
0x1e: {  	v4 =	vmul.u32 $0x30, v4  }
0x1f: {  	v3 =	vand.u32 $0x7, v3  }
0x20: {  	v3 =	vor.u32 v3, v4  }
0x21: {  	v4 =	vperm.xlane v3, v0;
	_ =	sdelay $0x1  }
0x22: {  	v4 =	vadd.s32 v1, v4;
	_ =	sdelay $0x3  }
0x23: {  	v3 =	vperm.xlane v3, v2  }
0x24: {  	[tilespmem:s20], [sflag:$0x1] =	stream.indirect_vreg.gather [hbm4b:s3+s5], $0x80, v4, vm0, $0xb8;
	[tilespmem:$0x18080] =	vst v63  }
0x25: {  	s23 =	simm.s32 $0x880;
	v3 =	vadd.s32 v1, v3  }
0x26: {  	[tilespmem:s23], [sflag:$0x1] =	stream.indirect_vreg.gather [hbm4b:s10+s5], $0x80, v4, vm0, $0xb8;
	[tilespmem:$0x18080] =	vst v63  }
0x27: {  	s24 =	simm.s32 $0x1080  }
0x28: {  	[tilespmem:s24], [sflag:$0x1] =	stream.indirect_vreg.gather [hbm4b:s11+s5], $0x80, v4, vm0, $0xb8;
	[tilespmem:$0x18080] =	vst v63  }
0x29: {  	s1 =	simm.s32 $0x1880  }
0x2a: {  	[tilespmem:s1], [sflag:$0x1] =	stream.indirect_vreg.gather [hbm4b:s3+s5], $0x80, v3, vm0, $0xb8;
	[tilespmem:$0x18080] =	vst v63  }
0x2b: {  	s2 =	simm.s32 $0x2080  }
0x2c: {  	[tilespmem:s2], [sflag:$0x1] =	stream.indirect_vreg.gather [hbm4b:s10+s5], $0x80, v3, vm0, $0xb8;
	[tilespmem:$0x18080] =	vst v63  }
0x2d: {  	s19 =	simm.s32 $0x2880  }
0x2e: {  	[tilespmem:s19], [sflag:$0x1] =	stream.indirect_vreg.gather [hbm4b:s11+s5], $0x80, v3, vm0, $0xb8;
	[tilespmem:$0x18080] =	vst v63  }
0x2f: {  	s21 =	rddreg [dreg:$0x6];
	s1 =	simm.s32 $0xC080  }
0x30: {  	[tilespmem:s1], [sflag:$0x5] =	stream.linear.gather [hbm4b:s21+s5], $0x3000, $0x38;
	[tilespmem:$0x18080] =	vst v63  }
0x31: {  	v3 =	vld [tilespmem:$0x10];
	_ =	sdelay $0x4  }
0x32: {  	v62 =	vshrl.u32 v3, $0x3  }
0x33: {  	v4 =	vmul.u32 $0x30, v62  }
0x34: {  	v3 =	vand.u32 $0x7, v3  }
0x35: {  	v3 =	vor.u32 v3, v4  }
0x36: {  	v4 =	vperm.xlane v3, v0;
	_ =	sdelay $0x1  }
0x37: {  	v4 =	vadd.s32 v1, v4;
	_ =	sdelay $0x3  }
0x38: {  	v3 =	vperm.xlane v3, v2  }
0x39: {  	[tilespmem:s28], [sflag:$0x2] =	stream.indirect_vreg.gather [hbm4b:s3+s5], $0x80, v4, vm0, $0xb8;
	[tilespmem:$0x18080] =	vst v63  }
0x3a: {  	s23 =	simm.s32 $0x3880;
	v3 =	vadd.s32 v1, v3  }
0x3b: {  	[tilespmem:s23], [sflag:$0x2] =	stream.indirect_vreg.gather [hbm4b:s10+s5], $0x80, v4, vm0, $0xb8;
	[tilespmem:$0x18080] =	vst v63  }
0x3c: {  	s24 =	simm.s32 $0x4080  }
0x3d: {  	[tilespmem:s24], [sflag:$0x2] =	stream.indirect_vreg.gather [hbm4b:s11+s5], $0x80, v4, vm0, $0xb8;
	[tilespmem:$0x18080] =	vst v63  }
0x3e: {  	s1 =	simm.s32 $0x4880  }
0x3f: {  	[tilespmem:s1], [sflag:$0x2] =	stream.indirect_vreg.gather [hbm4b:s3+s5], $0x80, v3, vm0, $0xb8;
	[tilespmem:$0x18080] =	vst v63  }
0x40: {  	s2 =	simm.s32 $0x5080  }
0x41: {  	[tilespmem:s2], [sflag:$0x2] =	stream.indirect_vreg.gather [hbm4b:s10+s5], $0x80, v3, vm0, $0xb8;
	[tilespmem:$0x18080] =	vst v63  }
0x42: {  	s19 =	simm.s32 $0x5880  }
0x43: {  	[tilespmem:s19], [sflag:$0x2] =	stream.indirect_vreg.gather [hbm4b:s11+s5], $0x80, v3, vm0, $0xb8;
	[tilespmem:$0x18080] =	vst v63  }
0x44: {  	s21 =	rddreg [dreg:$0x7];
	s23 =	simm.s32 $0xF080  }
0x45: {  	[tilespmem:s23], [sflag:$0x6] =	stream.linear.gather [hbm4b:s21+s5], $0x3000, $0x38;
	[tilespmem:$0x18080] =	vst v63  }
0x46: {  	v3 =	vld [tilespmem:$0x20];
	_ =	sdelay $0x4  }
0x47: {  	v63 =	vshrl.u32 v3, $0x3  }
0x48: {  	v4 =	vmul.u32 $0x30, v63  }
0x49: {  	v3 =	vand.u32 $0x7, v3  }
0x4a: {  	v3 =	vor.u32 v3, v4  }
0x4b: {  	v4 =	vperm.xlane v3, v0;
	_ =	sdelay $0x1  }
0x4c: {  	v4 =	vadd.s32 v1, v4;
	_ =	sdelay $0x3  }
0x4d: {  	v3 =	vperm.xlane v3, v2  }
0x4e: {  	[tilespmem:s22], [sflag:$0x3] =	stream.indirect_vreg.gather [hbm4b:s3+s5], $0x80, v4, vm0, $0xb8;
	[tilespmem:$0x18080] =	vst v63  }
0x4f: {  	s24 =	simm.s32 $0x6880;
	v3 =	vadd.s32 v1, v3  }
0x50: {  	[tilespmem:s24], [sflag:$0x3] =	stream.indirect_vreg.gather [hbm4b:s10+s5], $0x80, v4, vm0, $0xb8;
	[tilespmem:$0x18080] =	vst v63  }
0x51: {  	s1 =	simm.s32 $0x7080  }
0x52: {  	[tilespmem:s1], [sflag:$0x3] =	stream.indirect_vreg.gather [hbm4b:s11+s5], $0x80, v4, vm0, $0xb8;
	[tilespmem:$0x18080] =	vst v63  }
0x53: {  	s2 =	simm.s32 $0x7880  }
0x54: {  	[tilespmem:s2], [sflag:$0x3] =	stream.indirect_vreg.gather [hbm4b:s3+s5], $0x80, v3, vm0, $0xb8;
	[tilespmem:$0x18080] =	vst v63  }
0x55: {  	s19 =	simm.s32 $0x8080  }
0x56: {  	[tilespmem:s19], [sflag:$0x3] =	stream.indirect_vreg.gather [hbm4b:s10+s5], $0x80, v3, vm0, $0xb8;
	[tilespmem:$0x18080] =	vst v63  }
0x57: {  	p1 =	por $0x1, $0x1;
	p2 =	por $0x0, $0x0;
	s21 =	simm.s32 $0x8880  }
0x58: {  	[tilespmem:s21], [sflag:$0x3] =	stream.indirect_vreg.gather [hbm4b:s11+s5], $0x80, v3, vm0, $0xb8;
	[tilespmem:$0x18080] =	vst v63  }
0x59: {  	s23 =	rddreg [dreg:$0x8];
	s24 =	simm.s32 $0x12080;
	s2 =	simm.s32 $0x0  }
0x5a: {  	[tilespmem:s24], [sflag:$0x7] =	stream.linear.gather [hbm4b:s23+s5], $0x3000, $0x38;
	[tilespmem:$0x18080] =	vst v63  }
.LBB2_2:
0x5b: {  	s0 =	simm.s32 @p2 $0xC  }
0x5c: {  	_ =	swait.ge @p2 [sflag:s0], $0x3000  }
0x5d: {  	[sflag:s0] =	ssyncset.done @p2 $0x0  }
0x5e: {  	[sflag:s0] =	ssyncadd.s32 @p2 $0xFFFFD000;
	s0 =	sor.u32 $0x30, s2  }
0x5f: {  	v3 =	vld [tilespmem:s0+$0x0];
	_ =	sdelay $0x4  }
0x60: {  	v4 =	vshrl.u32 v3, $0x3  }
0x61: {  	v4 =	vmul.u32 $0x30, v4  }
0x62: {  	v3 =	vand.u32 $0x7, v3  }
0x63: {  	v3 =	vor.u32 v3, v4  }
0x64: {  	v4 =	vperm.xlane v3, v0;
	_ =	sdelay $0x1  }
0x65: {  	v4 =	vadd.s32 v1, v4;
	_ =	sdelay $0x3  }
0x66: {  	s1 =	simm.s32 $0x0;
	v3 =	vperm.xlane v3, v2  }
0x67: {  	[tilespmem:s31], [sflag:$0x4] =	stream.indirect_vreg.gather [hbm4b:s3+s1], $0x80, v4, vm0, $0xb8;
	[tilespmem:$0x18080] =	vst v63  }
0x68: {  	s19 =	simm.s32 $0x9880;
	s0 =	sor.u32 s7, s0;
	v3 =	vadd.s32 v1, v3  }
0x69: {  	[tilespmem:s19], [sflag:$0x4] =	stream.indirect_vreg.gather [hbm4b:s10+s1], $0x80, v4, vm0, $0xb8;
	[tilespmem:$0x18080] =	vst v63  }
0x6a: {  	s21 =	simm.s32 $0xA080;
	s0 =	sshrl.u32 s0, $0x3  }
0x6b: {  	[tilespmem:s21], [sflag:$0x4] =	stream.indirect_vreg.gather [hbm4b:s11+s1], $0x80, v4, vm0, $0xb8;
	[tilespmem:$0x18080] =	vst v63  }
0x6c: {  	s23 =	simm.s32 $0xA880;
	s0 =	smul.u32 $0x1800, s0  }
0x6d: {  	[tilespmem:s23], [sflag:$0x4] =	stream.indirect_vreg.gather [hbm4b:s3+s1], $0x80, v3, vm0, $0xb8;
	[tilespmem:$0x18080] =	vst v63  }
0x6e: {  	s24 =	simm.s32 $0xB080;
	s0 =	sadd.s32 s6, s0  }
0x6f: {  	[tilespmem:s24], [sflag:$0x4] =	stream.indirect_vreg.gather [hbm4b:s10+s1], $0x80, v3, vm0, $0xb8;
	[tilespmem:$0x18080] =	vst v63  }
0x70: {  	s19 =	sshrl.u32 s0, $0x3;
	s21 =	simm.s32 $0xB880;
	s23 =	rddreg [dreg:$0x1]  }
0x71: {  	[tilespmem:s21], [sflag:$0x4] =	stream.indirect_vreg.gather [hbm4b:s11+s1], $0x80, v3, vm0, $0xb8;
	[tilespmem:$0x18080] =	vst v63  }
0x72: {  	s0 =	sadd.s32 s23, s19  }
0x73: {  	[tilespmem:s25], [sflag:$0x8] =	stream.linear.gather [hbm4b:s0+s1], $0x3000, $0x38;
	[tilespmem:$0x18080] =	vst v63  }
0x74: {  	_ =	swait.ge [sflag:s26], $0x3000  }
0x75: {  	[sflag:s26] =	ssyncset.done $0x0  }
0x76: {  	s24 =	simm.s32 $0x0;
	[sflag:s26] =	ssyncadd.s32 $0xFFFFD000  }
0x77: {  	s0 =	smul.u32 $0x1800, s24;
	_ =	swait.ge [sflag:s29], $0x3000  }
0x78: {  	s21 =	sand.u32 $0x380, s1;
	[sflag:s29] =	ssyncset.done $0x0  }
0x79: {  	s0 =	sor.u32 s21, s0;
	[sflag:s29] =	ssyncadd.s32 $0xFFFFD000  }
0x7a: {  	v14 =	vld [tilespmem:s0+$0xC080]  }
0x7b: {  	v15 =	vld [tilespmem:s0+$0xC090]  }
0x7c: {  	v16 =	vld [tilespmem:s0+$0xC0A0]  }
0x7d: {  	v17 =	vld [tilespmem:s0+$0xC0B0]  }
0x7e: {  	v18 =	vld [tilespmem:s0+$0xC0C0]  }
0x7f: {  	v19 =	vld [tilespmem:s0+$0xC0D0]  }
0x80: {  	v20 =	vld [tilespmem:s0+$0xC0E0]  }
0x81: {  	v21 =	vld [tilespmem:s0+$0xC0F0]  }
0x82: {  	v22 =	vld [tilespmem:s0+$0xC480]  }
0x83: {  	v23 =	vld [tilespmem:s0+$0xC490]  }
0x84: {  	v24 =	vld [tilespmem:s0+$0xC4A0]  }
0x85: {  	v25 =	vld [tilespmem:s0+$0xC4B0]  }
0x86: {  	v26 =	vld [tilespmem:s0+$0xC4C0]  }
0x87: {  	v27 =	vld [tilespmem:s0+$0xC4D0]  }
0x88: {  	v28 =	vld [tilespmem:s0+$0xC4E0]  }
0x89: {  	v29 =	vld [tilespmem:s0+$0xC4F0]  }
0x8a: {  	v30 =	vld [tilespmem:s0+$0xC880]  }
0x8b: {  	v31 =	vld [tilespmem:s0+$0xC890]  }
0x8c: {  	v32 =	vld [tilespmem:s0+$0xC8A0]  }
0x8d: {  	v33 =	vld [tilespmem:s0+$0xC8B0]  }
0x8e: {  	v34 =	vld [tilespmem:s0+$0xC8C0]  }
0x8f: {  	v35 =	vld [tilespmem:s0+$0xC8D0]  }
0x90: {  	v36 =	vld [tilespmem:s0+$0xC8E0]  }
0x91: {  	v37 =	vld [tilespmem:s0+$0xC8F0]  }
0x92: {  	v38 =	vld [tilespmem:s0+$0xCC80]  }
0x93: {  	v39 =	vld [tilespmem:s0+$0xCC90]  }
0x94: {  	v40 =	vld [tilespmem:s0+$0xCCA0]  }
0x95: {  	v41 =	vld [tilespmem:s0+$0xCCB0]  }
0x96: {  	v42 =	vld [tilespmem:s0+$0xCCC0]  }
0x97: {  	v43 =	vld [tilespmem:s0+$0xCCD0]  }
0x98: {  	v44 =	vld [tilespmem:s0+$0xCCE0]  }
0x99: {  	v45 =	vld [tilespmem:s0+$0xCCF0]  }
0x9a: {  	v46 =	vld [tilespmem:s0+$0xD080]  }
0x9b: {  	v47 =	vld [tilespmem:s0+$0xD090]  }
0x9c: {  	v48 =	vld [tilespmem:s0+$0xD0A0]  }
0x9d: {  	v49 =	vld [tilespmem:s0+$0xD0B0]  }
0x9e: {  	v50 =	vld [tilespmem:s0+$0xD0C0]  }
0x9f: {  	v12 =	vld [tilespmem:s0+$0xD0D0]  }
0xa0: {  	v13 =	vld [tilespmem:s0+$0xD0E0]  }
0xa1: {  	v11 =	vld [tilespmem:s0+$0xD0F0]  }
0xa2: {  	v10 =	vld [tilespmem:s0+$0xD480]  }
0xa3: {  	v9 =	vld [tilespmem:s0+$0xD490]  }
0xa4: {  	v8 =	vld [tilespmem:s0+$0xD4A0]  }
0xa5: {  	v7 =	vld [tilespmem:s0+$0xD4B0]  }
0xa6: {  	v6 =	vld [tilespmem:s0+$0xD4C0]  }
0xa7: {  	v51 =	vld [tilespmem:s0+$0x80]  }
0xa8: {  	v52 =	vld [tilespmem:s0+$0x90]  }
0xa9: {  	v53 =	vld [tilespmem:s0+$0xA0]  }
0xaa: {  	v54 =	vld [tilespmem:s0+$0xB0]  }
0xab: {  	v55 =	vld [tilespmem:s0+$0xC0]  }
0xac: {  	v61 =	vld [tilespmem:s0+$0xD0];
	v14 =	vadd.f32 v14, v51  }
0xad: {  	v62 =	vld [tilespmem:s0+$0xE0];
	v15 =	vadd.f32 v15, v52  }
0xae: {  	[tilespmem:s0+$0x80] =	vst v14;
	v14 =	vadd.f32 v16, v53;
	v16 =	vld [tilespmem:s0+$0xF0]  }
0xaf: {  	[tilespmem:s0+$0x90] =	vst v15;
	v15 =	vadd.f32 v17, v54;
	v17 =	vld [tilespmem:s0+$0x480]  }
0xb0: {  	[tilespmem:s0+$0xA0] =	vst v14;
	v14 =	vadd.f32 v18, v55;
	v18 =	vld [tilespmem:s0+$0x490]  }
0xb1: {  	[tilespmem:s0+$0xB0] =	vst v15;
	v15 =	vadd.f32 v19, v61;
	v19 =	vld [tilespmem:s0+$0x4A0]  }
0xb2: {  	v5 =	vld [tilespmem:s0+$0xD4D0];
	[tilespmem:s0+$0xC0] =	vst v14;
	v14 =	vadd.f32 v20, v62  }
0xb3: {  	[tilespmem:s0+$0xD0] =	vst v15;
	v20 =	vld [tilespmem:s0+$0x4F0];
	v15 =	vadd.f32 v21, v16  }
0xb4: {  	v16 =	vld [tilespmem:s0+$0x4B0];
	[tilespmem:s0+$0xE0] =	vst v14;
	v14 =	vadd.f32 v22, v17  }
0xb5: {  	v17 =	vld [tilespmem:s0+$0x4C0];
	[tilespmem:s0+$0xF0] =	vst v15  }
0xb6: {  	v15 =	vadd.f32 v23, v18;
	v18 =	vadd.f32 v24, v19;
	[tilespmem:s0+$0x480] =	vst v14;
	v14 =	vld [tilespmem:s0+$0x4D0]  }
0xb7: {  	v19 =	vld [tilespmem:s0+$0x4E0]  }
0xb8: {  	[tilespmem:s0+$0x4A0] =	vst v18;
	v18 =	vld [tilespmem:s0+$0x890];
	v20 =	vadd.f32 v29, v20  }
0xb9: {  	[tilespmem:s0+$0x490] =	vst v15;
	v15 =	vld [tilespmem:s0+$0x880];
	v16 =	vadd.f32 v25, v16  }
0xba: {  	v4 =	vld [tilespmem:s0+$0xD4E0];
	v17 =	vadd.f32 v26, v17;
	[tilespmem:s0+$0x4F0] =	vst v20  }
0xbb: {  	[tilespmem:s0+$0x4B0] =	vst v16;
	v16 =	vld [tilespmem:s0+$0x8A0];
	v14 =	vadd.f32 v27, v14  }
0xbc: {  	v19 =	vadd.f32 v28, v19;
	[tilespmem:s0+$0x4C0] =	vst v17;
	v17 =	vld [tilespmem:s0+$0x8B0]  }
0xbd: {  	v18 =	vadd.f32 v31, v18;
	[tilespmem:s0+$0x4D0] =	vst v14;
	v14 =	vld [tilespmem:s0+$0x8C0]  }
0xbe: {  	[tilespmem:s0+$0x4E0] =	vst v19;
	v15 =	vadd.f32 v30, v15;
	v19 =	vld [tilespmem:s0+$0x8D0]  }
0xbf: {  	[tilespmem:s0+$0x890] =	vst v18;
	v18 =	vld [tilespmem:s0+$0x8E0]  }
0xc0: {  	v20 =	vld [tilespmem:s0+$0x8F0];
	[tilespmem:s0+$0x880] =	vst v15;
	v15 =	vadd.f32 v32, v16  }
0xc1: {  	v16 =	vld [tilespmem:s0+$0xC80];
	v17 =	vadd.f32 v33, v17  }
0xc2: {  	[tilespmem:s0+$0x8A0] =	vst v15;
	v15 =	vld [tilespmem:s0+$0xC90];
	v14 =	vadd.f32 v34, v14  }
0xc3: {  	v19 =	vadd.f32 v35, v19;
	[tilespmem:s0+$0x8B0] =	vst v17;
	v17 =	vld [tilespmem:s0+$0xCA0]  }
0xc4: {  	v18 =	vadd.f32 v36, v18;
	[tilespmem:s0+$0x8C0] =	vst v14;
	v14 =	vld [tilespmem:s0+$0xCB0]  }
0xc5: {  	v20 =	vadd.f32 v37, v20;
	[tilespmem:s0+$0x8D0] =	vst v19;
	v19 =	vld [tilespmem:s0+$0xCC0]  }
0xc6: {  	v16 =	vadd.f32 v38, v16;
	[tilespmem:s0+$0x8E0] =	vst v18;
	v18 =	vld [tilespmem:s0+$0xCD0]  }
0xc7: {  	[tilespmem:s0+$0x8F0] =	vst v20;
	v20 =	vld [tilespmem:s0+$0xCF0];
	v15 =	vadd.f32 v39, v15  }
0xc8: {  	[tilespmem:s0+$0xC80] =	vst v16;
	v16 =	vadd.f32 v40, v17;
	v17 =	vld [tilespmem:s0+$0xCE0]  }
0xc9: {  	[tilespmem:s0+$0xC90] =	vst v15;
	v15 =	vld [tilespmem:s0+$0x1080];
	v14 =	vadd.f32 v41, v14  }
0xca: {  	v19 =	vadd.f32 v42, v19;
	[tilespmem:s0+$0xCA0] =	vst v16;
	v16 =	vld [tilespmem:s0+$0x1090]  }
0xcb: {  	v18 =	vadd.f32 v43, v18;
	[tilespmem:s0+$0xCB0] =	vst v14;
	v14 =	vld [tilespmem:s0+$0x10A0]  }
0xcc: {  	v20 =	vadd.f32 v45, v20;
	[tilespmem:s0+$0xCC0] =	vst v19;
	v19 =	vld [tilespmem:s0+$0x10B0]  }
0xcd: {  	v17 =	vadd.f32 v44, v17;
	[tilespmem:s0+$0xCD0] =	vst v18;
	v18 =	vld [tilespmem:s0+$0x10C0]  }
0xce: {  	v3 =	vld [tilespmem:s0+$0xD4F0];
	[tilespmem:s0+$0xCF0] =	vst v20;
	v15 =	vadd.f32 v46, v15  }
0xcf: {  	v63 =	vld [tilespmem:s0+$0x10D0];
	[tilespmem:s0+$0xCE0] =	vst v17;
	v16 =	vadd.f32 v47, v16  }
0xd0: {  	v20 =	vld [tilespmem:s0+$0x10E0];
	[tilespmem:s0+$0x1080] =	vst v15;
	v14 =	vadd.f32 v48, v14  }
0xd1: {  	v17 =	vld [tilespmem:s0+$0x10F0];
	[tilespmem:s0+$0x1090] =	vst v16;
	v16 =	vadd.f32 v49, v19  }
0xd2: {  	v15 =	vld [tilespmem:s0+$0x1480];
	v18 =	vadd.f32 v50, v18;
	[tilespmem:s0+$0x10A0] =	vst v14  }
0xd3: {  	v14 =	vld [tilespmem:s0+$0x1490];
	[tilespmem:s0+$0x10B0] =	vst v16  }
0xd4: {  	v16 =	vld [tilespmem:s0+$0x14A0];
	[tilespmem:s0+$0x10C0] =	vst v18;
	v18 =	vadd.f32 v12, v63  }
0xd5: {  	p0 =	por p1, p1;
	s21 =	simm.s32 $0x1;
	v13 =	vadd.f32 v13, v20;
	v12 =	vld [tilespmem:s0+$0x14B0]  }
.LBB2_3:
0xd6: {  	s23 =	sshrl.u32 s21, $0x3;
	p1 =	sne.s32 s21, $0xF;
	[tilespmem:s0+$0x10D0] =	vst v18;
	v11 =	vadd.f32 v11, v17;
	v17 =	vld [tilespmem:s0+$0x14C0]  }
0xd7: {  	s1 =	sadd.s32 $0x80, s1;
	s23 =	smul.u32 $0x1800, s23;
	[tilespmem:s0+$0x10E0] =	vst v13;
	v10 =	vadd.f32 v10, v15;
	v13 =	vld [tilespmem:s0+$0x14D0]  }
0xd8: {  	s24 =	sand.u32 $0x380, s1;
	[tilespmem:s0+$0x10F0] =	vst v11;
	v9 =	vadd.f32 v9, v14;
	v11 =	vld [tilespmem:s0+$0x14E0]  }
0xd9: {  	s23 =	sor.u32 s24, s23;
	[tilespmem:s0+$0x1480] =	vst v10;
	v8 =	vadd.f32 v8, v16;
	v10 =	vld [tilespmem:s0+$0x14F0]  }
0xda: {  	v39 =	vld [tilespmem:s23+$0xC080];
	[tilespmem:s0+$0x1490] =	vst v9;
	v7 =	vadd.f32 v7, v12  }
0xdb: {  	v40 =	vld [tilespmem:s23+$0xC090];
	[tilespmem:s0+$0x14A0] =	vst v8;
	v6 =	vadd.f32 v6, v17  }
0xdc: {  	v41 =	vld [tilespmem:s23+$0xC0A0];
	[tilespmem:s0+$0x14B0] =	vst v7;
	v5 =	vadd.f32 v5, v13  }
0xdd: {  	v42 =	vld [tilespmem:s23+$0xC0B0];
	[tilespmem:s0+$0x14C0] =	vst v6;
	v4 =	vadd.f32 v4, v11  }
0xde: {  	v43 =	vld [tilespmem:s23+$0xC0C0];
	[tilespmem:s0+$0x14D0] =	vst v5;
	v3 =	vadd.f32 v3, v10  }
0xdf: {  	v44 =	vld [tilespmem:s23+$0xC0D0];
	[tilespmem:s0+$0x14E0] =	vst v4  }
0xe0: {  	v45 =	vld [tilespmem:s23+$0xC0E0];
	[tilespmem:s0+$0x14F0] =	vst v3;
	s0 =	smov.u32 s23  }
0xe1: {  	v46 =	vld [tilespmem:s0+$0xC0F0]  }
0xe2: {  	v47 =	vld [tilespmem:s0+$0xC480]  }
0xe3: {  	v48 =	vld [tilespmem:s0+$0xC490]  }
0xe4: {  	v49 =	vld [tilespmem:s0+$0xC4A0]  }
0xe5: {  	v50 =	vld [tilespmem:s0+$0xC4B0]  }
0xe6: {  	v38 =	vld [tilespmem:s0+$0xC4C0]  }
0xe7: {  	v37 =	vld [tilespmem:s0+$0xC4D0]  }
0xe8: {  	v36 =	vld [tilespmem:s0+$0xC4E0]  }
0xe9: {  	v35 =	vld [tilespmem:s0+$0xC4F0]  }
0xea: {  	v34 =	vld [tilespmem:s0+$0xC880]  }
0xeb: {  	v33 =	vld [tilespmem:s0+$0xC890]  }
0xec: {  	v32 =	vld [tilespmem:s0+$0xC8A0]  }
0xed: {  	v31 =	vld [tilespmem:s0+$0xC8B0]  }
0xee: {  	v30 =	vld [tilespmem:s0+$0xC8C0]  }
0xef: {  	v29 =	vld [tilespmem:s0+$0xC8D0]  }
0xf0: {  	v28 =	vld [tilespmem:s0+$0xC8E0]  }
0xf1: {  	v27 =	vld [tilespmem:s0+$0xC8F0]  }
0xf2: {  	v26 =	vld [tilespmem:s0+$0xCC80]  }
0xf3: {  	v25 =	vld [tilespmem:s0+$0xCC90]  }
0xf4: {  	v24 =	vld [tilespmem:s0+$0xCCA0]  }
0xf5: {  	v23 =	vld [tilespmem:s0+$0xCCB0]  }
0xf6: {  	v22 =	vld [tilespmem:s0+$0xCCC0]  }
0xf7: {  	v21 =	vld [tilespmem:s0+$0xCCD0]  }
0xf8: {  	v20 =	vld [tilespmem:s0+$0xCCE0]  }
0xf9: {  	v19 =	vld [tilespmem:s0+$0xCCF0]  }
0xfa: {  	v18 =	vld [tilespmem:s0+$0xD080]  }
0xfb: {  	v17 =	vld [tilespmem:s0+$0xD090]  }
0xfc: {  	v16 =	vld [tilespmem:s0+$0xD0A0]  }
0xfd: {  	v15 =	vld [tilespmem:s0+$0xD0B0]  }
0xfe: {  	v14 =	vld [tilespmem:s0+$0xD0C0]  }
0xff: {  	v13 =	vld [tilespmem:s0+$0xD0D0]  }
0x100: {  	v12 =	vld [tilespmem:s0+$0xD0E0]  }
0x101: {  	v11 =	vld [tilespmem:s0+$0xD0F0]  }
0x102: {  	v10 =	vld [tilespmem:s0+$0xD480]  }
0x103: {  	v9 =	vld [tilespmem:s0+$0xD490]  }
0x104: {  	v8 =	vld [tilespmem:s0+$0xD4A0]  }
0x105: {  	v7 =	vld [tilespmem:s0+$0xD4B0]  }
0x106: {  	v6 =	vld [tilespmem:s0+$0xD4C0]  }
0x107: {  	v5 =	vld [tilespmem:s0+$0xD4D0]  }
0x108: {  	v4 =	vld [tilespmem:s0+$0xD4E0]  }
0x109: {  	v3 =	vld [tilespmem:s0+$0xD4F0]  }
0x10a: {  	v51 =	vld [tilespmem:s0+$0x80]  }
0x10b: {  	v52 =	vld [tilespmem:s0+$0x90]  }
0x10c: {  	v53 =	vld [tilespmem:s0+$0xA0]  }
0x10d: {  	v54 =	vld [tilespmem:s0+$0xB0]  }
0x10e: {  	v55 =	vld [tilespmem:s0+$0xC0]  }
0x10f: {  	v39 =	vadd.f32 v39, v51;
	v51 =	vld [tilespmem:s0+$0xD0]  }
0x110: {  	v40 =	vadd.f32 v40, v52;
	v52 =	vld [tilespmem:s0+$0xE0]  }
0x111: {  	[tilespmem:s0+$0x80] =	vst v39;
	v39 =	vadd.f32 v41, v53;
	v41 =	vld [tilespmem:s0+$0xF0]  }
0x112: {  	[tilespmem:s0+$0x90] =	vst v40;
	v40 =	vadd.f32 v42, v54;
	v42 =	vld [tilespmem:s0+$0x480]  }
0x113: {  	[tilespmem:s0+$0xA0] =	vst v39;
	v39 =	vadd.f32 v43, v55;
	v43 =	vld [tilespmem:s0+$0x490]  }
0x114: {  	[tilespmem:s0+$0xB0] =	vst v40;
	v40 =	vadd.f32 v44, v51;
	v44 =	vld [tilespmem:s0+$0x4A0]  }
0x115: {  	[tilespmem:s0+$0xC0] =	vst v39;
	v39 =	vadd.f32 v45, v52;
	v45 =	vld [tilespmem:s0+$0x4B0]  }
0x116: {  	[tilespmem:s0+$0xD0] =	vst v40;
	v40 =	vadd.f32 v46, v41;
	v41 =	vld [tilespmem:s0+$0x4C0]  }
0x117: {  	[tilespmem:s0+$0xE0] =	vst v39;
	v39 =	vadd.f32 v47, v42;
	v42 =	vld [tilespmem:s0+$0x4D0]  }
0x118: {  	[tilespmem:s0+$0xF0] =	vst v40;
	v40 =	vadd.f32 v48, v43;
	v43 =	vld [tilespmem:s0+$0x4E0]  }
0x119: {  	[tilespmem:s0+$0x480] =	vst v39;
	v39 =	vadd.f32 v49, v44;
	v44 =	vld [tilespmem:s0+$0x4F0]  }
0x11a: {  	[tilespmem:s0+$0x490] =	vst v40;
	v40 =	vadd.f32 v50, v45;
	v45 =	vld [tilespmem:s0+$0x880]  }
0x11b: {  	[tilespmem:s0+$0x4A0] =	vst v39;
	v38 =	vadd.f32 v38, v41;
	v39 =	vld [tilespmem:s0+$0x890]  }
0x11c: {  	[tilespmem:s0+$0x4B0] =	vst v40;
	v37 =	vadd.f32 v37, v42;
	v40 =	vld [tilespmem:s0+$0x8A0]  }
0x11d: {  	[tilespmem:s0+$0x4C0] =	vst v38;
	v36 =	vadd.f32 v36, v43;
	v38 =	vld [tilespmem:s0+$0x8B0]  }
0x11e: {  	[tilespmem:s0+$0x4D0] =	vst v37;
	v35 =	vadd.f32 v35, v44;
	v37 =	vld [tilespmem:s0+$0x8C0]  }
0x11f: {  	[tilespmem:s0+$0x4E0] =	vst v36;
	v34 =	vadd.f32 v34, v45;
	v36 =	vld [tilespmem:s0+$0x8D0]  }
0x120: {  	[tilespmem:s0+$0x4F0] =	vst v35;
	v33 =	vadd.f32 v33, v39;
	v35 =	vld [tilespmem:s0+$0x8E0]  }
0x121: {  	[tilespmem:s0+$0x880] =	vst v34;
	v32 =	vadd.f32 v32, v40;
	v34 =	vld [tilespmem:s0+$0x8F0]  }
0x122: {  	[tilespmem:s0+$0x890] =	vst v33;
	v31 =	vadd.f32 v31, v38;
	v33 =	vld [tilespmem:s0+$0xC80]  }
0x123: {  	[tilespmem:s0+$0x8A0] =	vst v32;
	v30 =	vadd.f32 v30, v37;
	v32 =	vld [tilespmem:s0+$0xC90]  }
0x124: {  	[tilespmem:s0+$0x8B0] =	vst v31;
	v29 =	vadd.f32 v29, v36;
	v31 =	vld [tilespmem:s0+$0xCA0]  }
0x125: {  	[tilespmem:s0+$0x8C0] =	vst v30;
	v28 =	vadd.f32 v28, v35;
	v30 =	vld [tilespmem:s0+$0xCB0]  }
0x126: {  	[tilespmem:s0+$0x8D0] =	vst v29;
	v27 =	vadd.f32 v27, v34;
	v29 =	vld [tilespmem:s0+$0xCC0]  }
0x127: {  	[tilespmem:s0+$0x8E0] =	vst v28;
	v26 =	vadd.f32 v26, v33;
	v28 =	vld [tilespmem:s0+$0xCD0]  }
0x128: {  	[tilespmem:s0+$0x8F0] =	vst v27;
	v25 =	vadd.f32 v25, v32;
	v27 =	vld [tilespmem:s0+$0xCE0]  }
0x129: {  	[tilespmem:s0+$0xC80] =	vst v26;
	v24 =	vadd.f32 v24, v31;
	v26 =	vld [tilespmem:s0+$0xCF0]  }
0x12a: {  	[tilespmem:s0+$0xC90] =	vst v25;
	v23 =	vadd.f32 v23, v30;
	v25 =	vld [tilespmem:s0+$0x1080]  }
0x12b: {  	[tilespmem:s0+$0xCA0] =	vst v24;
	v22 =	vadd.f32 v22, v29;
	v24 =	vld [tilespmem:s0+$0x1090]  }
0x12c: {  	[tilespmem:s0+$0xCB0] =	vst v23;
	v21 =	vadd.f32 v21, v28;
	v23 =	vld [tilespmem:s0+$0x10A0]  }
0x12d: {  	[tilespmem:s0+$0xCC0] =	vst v22;
	v20 =	vadd.f32 v20, v27;
	v22 =	vld [tilespmem:s0+$0x10B0]  }
0x12e: {  	[tilespmem:s0+$0xCD0] =	vst v21;
	v19 =	vadd.f32 v19, v26;
	v21 =	vld [tilespmem:s0+$0x10C0]  }
0x12f: {  	[tilespmem:s0+$0xCE0] =	vst v20;
	v18 =	vadd.f32 v18, v25;
	v20 =	vld [tilespmem:s0+$0x10D0]  }
0x130: {  	[tilespmem:s0+$0xCF0] =	vst v19;
	v19 =	vadd.f32 v17, v24;
	v24 =	vld [tilespmem:s0+$0x10E0]  }
.Ltmp0:
0x131: {  	[tilespmem:s0+$0x1080] =	vst v18;
	v16 =	vadd.f32 v16, v23;
	v17 =	vld [tilespmem:s0+$0x10F0];
	(pc) =	sbr.rel @p1 .LBB2_3-.Ltmp0, $4  }
0x132: {  	[tilespmem:s0+$0x1090] =	vst v19;
	v18 =	vadd.f32 v15, v22;
	v15 =	vld [tilespmem:s0+$0x1480]  }
0x133: {  	[tilespmem:s0+$0x10A0] =	vst v16;
	v19 =	vadd.f32 v14, v21;
	v14 =	vld [tilespmem:s0+$0x1490]  }
0x134: {  	[tilespmem:s0+$0x10B0] =	vst v18;
	v18 =	vadd.f32 v13, v20;
	v16 =	vld [tilespmem:s0+$0x14A0]  }
0x135: {  	s21 =	sadd.s32 $0x1, s21;
	[tilespmem:s0+$0x10C0] =	vst v19;
	v13 =	vadd.f32 v12, v24;
	v12 =	vld [tilespmem:s0+$0x14B0]  }
0x136: {  	[tilespmem:s0+$0x10D0] =	vst v18;
	v60 =	vld [tilespmem:s0+$0x14C0];
	v11 =	vadd.f32 v11, v17  }
0x137: {  	v61 =	vld [tilespmem:s0+$0x14D0];
	[tilespmem:s0+$0x10E0] =	vst v13;
	v10 =	vadd.f32 v10, v15  }
0x138: {  	v62 =	vld [tilespmem:s0+$0x14E0];
	[tilespmem:s0+$0x10F0] =	vst v11;
	v9 =	vadd.f32 v9, v14  }
0x139: {  	v63 =	vld [tilespmem:s0+$0x14F0];
	[tilespmem:s0+$0x1480] =	vst v10;
	v8 =	vadd.f32 v8, v16  }
0x13a: {  	s1 =	sor.u32 s7, s2;
	[tilespmem:s0+$0x1490] =	vst v9;
	v7 =	vadd.f32 v7, v12  }
0x13b: {  	s1 =	sshrl.u32 s1, $0x3;
	[tilespmem:s0+$0x14A0] =	vst v8;
	v6 =	vadd.f32 v6, v60  }
0x13c: {  	s2 =	smul.u32 $0x1800, s1;
	v5 =	vadd.f32 v5, v61;
	[tilespmem:s0+$0x14B0] =	vst v7  }
0x13d: {  	v4 =	vadd.f32 v4, v62;
	[tilespmem:s0+$0x14C0] =	vst v6  }
0x13e: {  	s1 =	sadd.s32 s6, s2;
	v3 =	vadd.f32 v3, v63;
	[tilespmem:s0+$0x14D0] =	vst v5  }
0x13f: {  	s1 =	sshrl.u32 s1, $0x3;
	[tilespmem:s0+$0x14E0] =	vst v4  }
0x140: {  	s24 =	sadd.s32 s4, s1;
	[tilespmem:s0+$0x14F0] =	vst v3;
	s0 =	simm.s32 @p0 $0x9  }
0x141: {  	[hbm4b:s24+s5] =	stream.linear.scatter [tilespmem:s20], [sflag:$0x9], $0x3000, $0x38;
	[tilespmem:$0x18080] =	vst v63  }
0x142: {  	_ =	swait.ge @p0 [sflag:s0], $0x3000  }
0x143: {  	[sflag:s0] =	ssyncset.done @p0 $0x0  }
0x144: {  	[sflag:s0] =	ssyncadd.s32 @p0 $0xFFFFD000  }
0x145: {  	v3 =	vld @p0 [tilespmem:$0x40];
	_ =	sdelay $0x4  }
0x146: {  	v4 =	vshrl.u32 @p0 v3, $0x3  }
0x147: {  	v4 =	vmul.u32 @p0 $0x30, v4  }
0x148: {  	v5 =	vlaneseq.u32 @p0;
	v3 =	vand.u32 @p0 $0x7, v3  }
0x149: {  	v6 =	vshrl.u32 @p0 v5, $0x3;
	v3 =	vor.u32 @p0 v3, v4;
	v4 =	vand.u32 @p0 $0x7, v5  }
0x14a: {  	v6 =	vmul.u32 @p0 $0x8, v6;
	v4 =	vperm.xlane @p0 v3, v4;
	_ =	sdelay $0x1  }
0x14b: {  	v4 =	vadd.s32 @p0 v6, v4;
	_ =	sdelay $0x2  }
0x14c: {  	v5 =	vor.u32 @p0 $0x8, v5  }
0x14d: {  	vm1 =	vmmov @p0 $0xffff;
	s1 =	simm.s32 @p0 $0x80;
	s0 =	simm.s32 @p0 $0x0;
	v3 =	vperm.xlane @p0 v3, v5  }
0x14e: {  	[tilespmem:s1], [sflag:$0x1] =	stream.indirect_vreg.gather @p0 [hbm4b:s3+s0], $0x80, v4, vm1, $0xb8;
	[tilespmem:$0x18080] =	vst v63  }
0x14f: {  	v3 =	vadd.s32 @p0 v6, v3;
	s1 =	simm.s32 @p0 $0x880  }
0x150: {  	[tilespmem:s1], [sflag:$0x1] =	stream.indirect_vreg.gather @p0 [hbm4b:s10+s0], $0x80, v4, vm1, $0xb8;
	[tilespmem:$0x18080] =	vst v63  }
0x151: {  	s1 =	simm.s32 @p0 $0x1080  }
0x152: {  	[tilespmem:s1], [sflag:$0x1] =	stream.indirect_vreg.gather @p0 [hbm4b:s11+s0], $0x80, v4, vm1, $0xb8;
	[tilespmem:$0x18080] =	vst v63  }
0x153: {  	s1 =	simm.s32 @p0 $0x1880  }
0x154: {  	[tilespmem:s1], [sflag:$0x1] =	stream.indirect_vreg.gather @p0 [hbm4b:s3+s0], $0x80, v3, vm1, $0xb8;
	[tilespmem:$0x18080] =	vst v63  }
0x155: {  	s1 =	simm.s32 @p0 $0x2080  }
0x156: {  	[tilespmem:s1], [sflag:$0x1] =	stream.indirect_vreg.gather @p0 [hbm4b:s10+s0], $0x80, v3, vm1, $0xb8;
	[tilespmem:$0x18080] =	vst v63  }
0x157: {  	s1 =	simm.s32 @p0 $0x2880  }
0x158: {  	[tilespmem:s1], [sflag:$0x1] =	stream.indirect_vreg.gather @p0 [hbm4b:s11+s0], $0x80, v3, vm1, $0xb8;
	[tilespmem:$0x18080] =	vst v63  }
0x159: {  	s1 =	simm.s32 @p0 $0xC080  }
0x15a: {  	[tilespmem:s1], [sflag:$0x5] =	stream.linear.gather @p0 [hbm4b:s14+s0], $0x3000, $0x38;
	[tilespmem:$0x18080] =	vst v63  }
0x15b: {  	_ =	swait.ge [sflag:s30], $0x3000  }
0x15c: {  	[sflag:s30] =	ssyncset.done $0x0  }
0x15d: {  	[sflag:s30] =	ssyncadd.s32 $0xFFFFD000  }
0x15e: {  	_ =	swait.ge [sflag:s8], $0x3000  }
0x15f: {  	[sflag:s8] =	ssyncset.done $0x0  }
0x160: {  	s0 =	simm.s32 $0x0;
	s1 =	simm.s32 $0x0;
	[sflag:s8] =	ssyncadd.s32 $0xFFFFD000  }
.LBB2_5:
0x161: {  	s21 =	sshrl.u32 s1, $0x3  }
0x162: {  	s21 =	smul.u32 $0x1800, s21  }
0x163: {  	s23 =	sand.u32 $0x380, s0  }
0x164: {  	s21 =	sor.u32 s23, s21  }
0x165: {  	v3 =	vld [tilespmem:s21+$0x3080]  }
0x166: {  	v4 =	vld [tilespmem:s21+$0xF080]  }
0x167: {  	v5 =	vld [tilespmem:s21+$0x3090]  }
0x168: {  	v6 =	vld [tilespmem:s21+$0xF090]  }
0x169: {  	v7 =	vld [tilespmem:s21+$0x30A0]  }
0x16a: {  	v8 =	vld [tilespmem:s21+$0xF0A0]  }
0x16b: {  	v9 =	vld [tilespmem:s21+$0x30B0]  }
0x16c: {  	v10 =	vld [tilespmem:s21+$0xF0B0]  }
0x16d: {  	v11 =	vld [tilespmem:s21+$0x30C0]  }
0x16e: {  	v12 =	vld [tilespmem:s21+$0xF0C0]  }
0x16f: {  	v13 =	vld [tilespmem:s21+$0x30D0]  }
0x170: {  	v14 =	vld [tilespmem:s21+$0xF0D0]  }
0x171: {  	v15 =	vld [tilespmem:s21+$0x30E0]  }
0x172: {  	v16 =	vld [tilespmem:s21+$0xF0E0]  }
0x173: {  	v17 =	vld [tilespmem:s21+$0x30F0]  }
0x174: {  	v18 =	vld [tilespmem:s21+$0xF0F0]  }
0x175: {  	v19 =	vld [tilespmem:s21+$0x3480]  }
0x176: {  	v20 =	vld [tilespmem:s21+$0xF480]  }
0x177: {  	v21 =	vld [tilespmem:s21+$0x3490]  }
0x178: {  	v22 =	vld [tilespmem:s21+$0xF490]  }
0x179: {  	v23 =	vld [tilespmem:s21+$0x34A0]  }
0x17a: {  	v24 =	vld [tilespmem:s21+$0xF4A0]  }
0x17b: {  	v25 =	vld [tilespmem:s21+$0x34B0]  }
0x17c: {  	v26 =	vld [tilespmem:s21+$0xF4B0]  }
0x17d: {  	v27 =	vld [tilespmem:s21+$0x34C0]  }
0x17e: {  	v28 =	vld [tilespmem:s21+$0xF4C0]  }
0x17f: {  	v29 =	vld [tilespmem:s21+$0x34D0]  }
0x180: {  	v30 =	vld [tilespmem:s21+$0xF4D0]  }
0x181: {  	v31 =	vld [tilespmem:s21+$0x34E0]  }
0x182: {  	v32 =	vld [tilespmem:s21+$0xF4E0]  }
0x183: {  	v33 =	vld [tilespmem:s21+$0x34F0]  }
0x184: {  	v34 =	vld [tilespmem:s21+$0xF4F0]  }
0x185: {  	v35 =	vld [tilespmem:s21+$0x3880]  }
0x186: {  	v36 =	vld [tilespmem:s21+$0xF880]  }
0x187: {  	v37 =	vld [tilespmem:s21+$0x3890]  }
0x188: {  	v38 =	vld [tilespmem:s21+$0xF890]  }
0x189: {  	v39 =	vld [tilespmem:s21+$0x38A0]  }
0x18a: {  	v49 =	vld [tilespmem:s21+$0xF8A0];
	v3 =	vadd.f32 v4, v3  }
0x18b: {  	v50 =	vld [tilespmem:s21+$0x38B0];
	v5 =	vadd.f32 v6, v5  }
0x18c: {  	v51 =	vld [tilespmem:s21+$0xF8B0];
	v52 =	vadd.f32 v10, v9;
	[tilespmem:s21+$0x3080] =	vst v3  }
0x18d: {  	v53 =	vld [tilespmem:s21+$0x38C0];
	v3 =	vadd.f32 v8, v7;
	[tilespmem:s21+$0x3090] =	vst v5  }
0x18e: {  	v62 =	vld [tilespmem:s21+$0x38F0];
	v55 =	vadd.f32 v14, v13;
	[tilespmem:s21+$0x30B0] =	vst v52  }
0x18f: {  	v63 =	vld [tilespmem:s21+$0xF8F0];
	[tilespmem:s21+$0x30A0] =	vst v3;
	v3 =	vadd.f32 v12, v11  }
0x190: {  	v45 =	vld [tilespmem:s21+$0x3CF0];
	v58 =	vadd.f32 v18, v17;
	[tilespmem:s21+$0x30D0] =	vst v55  }
0x191: {  	v46 =	vld [tilespmem:s21+$0xFCF0];
	[tilespmem:s21+$0x30C0] =	vst v3;
	v3 =	vadd.f32 v16, v15  }
0x192: {  	v54 =	vld [tilespmem:s21+$0xF8C0];
	v61 =	vadd.f32 v22, v21;
	[tilespmem:s21+$0x30F0] =	vst v58  }
0x193: {  	v56 =	vld [tilespmem:s21+$0x38D0];
	[tilespmem:s21+$0x30E0] =	vst v3;
	v3 =	vadd.f32 v20, v19  }
0x194: {  	v57 =	vld [tilespmem:s21+$0xF8D0];
	v41 =	vadd.f32 v63, v62;
	[tilespmem:s21+$0x3490] =	vst v61  }
0x195: {  	v59 =	vld [tilespmem:s21+$0x38E0];
	[tilespmem:s21+$0x3480] =	vst v3;
	v3 =	vadd.f32 v24, v23  }
0x196: {  	v60 =	vld [tilespmem:s21+$0xF8E0];
	v48 =	vadd.f32 v46, v45;
	[tilespmem:s21+$0x38F0] =	vst v41  }
0x197: {  	v40 =	vld [tilespmem:s21+$0xFCD0];
	[tilespmem:s21+$0x34A0] =	vst v3;
	v3 =	vadd.f32 v28, v27  }
0x198: {  	v42 =	vld [tilespmem:s21+$0x3CE0];
	[tilespmem:s21+$0x3CF0] =	vst v48;
	v23 =	vadd.f32 v26, v25  }
0x199: {  	v24 =	vld [tilespmem:s21+$0x3C80];
	[tilespmem:s21+$0x34C0] =	vst v3;
	v3 =	vadd.f32 v32, v31  }
0x19a: {  	v25 =	vld [tilespmem:s21+$0xFC80];
	v26 =	vadd.f32 v30, v29;
	[tilespmem:s21+$0x34B0] =	vst v23  }
0x19b: {  	v30 =	vld [tilespmem:s21+$0x3CA0];
	[tilespmem:s21+$0x34E0] =	vst v3;
	v3 =	vadd.f32 v36, v35  }
0x19c: {  	v29 =	vadd.f32 v34, v33;
	v33 =	vld [tilespmem:s21+$0x3CB0];
	[tilespmem:s21+$0x34D0] =	vst v26  }
0x19d: {  	v34 =	vld [tilespmem:s21+$0xFCB0];
	[tilespmem:s21+$0x3880] =	vst v3;
	v3 =	vadd.f32 v49, v39  }
0x19e: {  	v27 =	vld [tilespmem:s21+$0x3C90];
	[tilespmem:s21+$0x34F0] =	vst v29;
	v32 =	vadd.f32 v38, v37  }
0x19f: {  	v28 =	vld [tilespmem:s21+$0xFC90];
	[tilespmem:s21+$0x38A0] =	vst v3;
	v3 =	vadd.f32 v54, v53  }
0x1a0: {  	v31 =	vld [tilespmem:s21+$0xFCA0];
	v38 =	vadd.f32 v57, v56;
	[tilespmem:s21+$0x3890] =	vst v32  }
0x1a1: {  	v37 =	vld [tilespmem:s21+$0xFCC0];
	[tilespmem:s21+$0x38C0] =	vst v3;
	v3 =	vadd.f32 v60, v59  }
0x1a2: {  	v4 =	vadd.f32 v34, v33;
	v36 =	vld [tilespmem:s21+$0x3CC0];
	[tilespmem:s21+$0x38D0] =	vst v38  }
0x1a3: {  	v39 =	vld [tilespmem:s21+$0x3CD0];
	[tilespmem:s21+$0x38E0] =	vst v3;
	v3 =	vadd.f32 v25, v24  }
0x1a4: {  	v43 =	vld [tilespmem:s21+$0xFCE0];
	v35 =	vadd.f32 v51, v50;
	[tilespmem:s21+$0x3CB0] =	vst v4  }
0x1a5: {  	[tilespmem:s21+$0x3C80] =	vst v3;
	v3 =	vadd.f32 v31, v30  }
0x1a6: {  	v44 =	vadd.f32 v28, v27;
	[tilespmem:s21+$0x38B0] =	vst v35  }
0x1a7: {  	[tilespmem:s21+$0x3CA0] =	vst v3;
	v3 =	vadd.f32 v37, v36  }
0x1a8: {  	[tilespmem:s21+$0x3C90] =	vst v44;
	v47 =	vadd.f32 v40, v39  }
0x1a9: {  	[tilespmem:s21+$0x3CC0] =	vst v3;
	v3 =	vadd.f32 v43, v42  }
0x1aa: {  	[tilespmem:s21+$0x3CD0] =	vst v47  }
0x1ab: {  	s23 =	sadd.s32 $0x1000, s21;
	[tilespmem:s21+$0x3CE0] =	vst v3;
	v3 =	vld [tilespmem:s21+$0x4080]  }
0x1ac: {  	v4 =	vld [tilespmem:s23+$0xF080];
	_ =	sdelay $0x4  }
0x1ad: {  	v3 =	vadd.f32 v4, v3;
	_ =	sdelay $0x1  }
0x1ae: {  	[tilespmem:s21+$0x4080] =	vst v3;
	v3 =	vld [tilespmem:s21+$0x4090]  }
0x1af: {  	v49 =	vld [tilespmem:s23+$0xF090];
	_ =	sdelay $0x4  }
0x1b0: {  	v3 =	vadd.f32 v49, v3;
	_ =	sdelay $0x1  }
0x1b1: {  	[tilespmem:s21+$0x4090] =	vst v3;
	v3 =	vld [tilespmem:s21+$0x40A0]  }
0x1b2: {  	v50 =	vld [tilespmem:s23+$0xF0A0];
	_ =	sdelay $0x4  }
0x1b3: {  	v3 =	vadd.f32 v50, v3;
	_ =	sdelay $0x1  }
0x1b4: {  	[tilespmem:s21+$0x40A0] =	vst v3;
	v3 =	vld [tilespmem:s21+$0x40B0]  }
0x1b5: {  	v51 =	vld [tilespmem:s23+$0xF0B0];
	_ =	sdelay $0x4  }
0x1b6: {  	v3 =	vadd.f32 v51, v3;
	_ =	sdelay $0x1  }
0x1b7: {  	[tilespmem:s21+$0x40B0] =	vst v3;
	v3 =	vld [tilespmem:s21+$0x40C0]  }
0x1b8: {  	v52 =	vld [tilespmem:s23+$0xF0C0];
	_ =	sdelay $0x4  }
0x1b9: {  	v3 =	vadd.f32 v52, v3;
	_ =	sdelay $0x1  }
0x1ba: {  	[tilespmem:s21+$0x40C0] =	vst v3;
	v3 =	vld [tilespmem:s21+$0x40D0]  }
0x1bb: {  	v53 =	vld [tilespmem:s23+$0xF0D0];
	_ =	sdelay $0x4  }
0x1bc: {  	v3 =	vadd.f32 v53, v3;
	_ =	sdelay $0x1  }
0x1bd: {  	[tilespmem:s21+$0x40D0] =	vst v3;
	v3 =	vld [tilespmem:s21+$0x40E0]  }
0x1be: {  	v54 =	vld [tilespmem:s23+$0xF0E0];
	_ =	sdelay $0x4  }
0x1bf: {  	v3 =	vadd.f32 v54, v3;
	_ =	sdelay $0x1  }
0x1c0: {  	[tilespmem:s21+$0x40E0] =	vst v3;
	v3 =	vld [tilespmem:s21+$0x40F0]  }
0x1c1: {  	v55 =	vld [tilespmem:s23+$0xF0F0];
	_ =	sdelay $0x4  }
0x1c2: {  	v3 =	vadd.f32 v55, v3;
	_ =	sdelay $0x1  }
0x1c3: {  	s24 =	sadd.s32 $0x1400, s21;
	[tilespmem:s21+$0x40F0] =	vst v3;
	v3 =	vld [tilespmem:s21+$0x4480]  }
0x1c4: {  	v56 =	vld [tilespmem:s24+$0xF080];
	_ =	sdelay $0x4  }
0x1c5: {  	v3 =	vadd.f32 v56, v3;
	_ =	sdelay $0x1  }
0x1c6: {  	[tilespmem:s21+$0x4480] =	vst v3;
	v3 =	vld [tilespmem:s21+$0x4490]  }
0x1c7: {  	v57 =	vld [tilespmem:s24+$0xF090];
	_ =	sdelay $0x4  }
0x1c8: {  	v3 =	vadd.f32 v57, v3;
	_ =	sdelay $0x1  }
0x1c9: {  	[tilespmem:s21+$0x4490] =	vst v3;
	v3 =	vld [tilespmem:s21+$0x44A0]  }
0x1ca: {  	v58 =	vld [tilespmem:s24+$0xF0A0];
	_ =	sdelay $0x4  }
0x1cb: {  	v3 =	vadd.f32 v58, v3;
	_ =	sdelay $0x1  }
0x1cc: {  	[tilespmem:s21+$0x44A0] =	vst v3;
	v3 =	vld [tilespmem:s21+$0x44B0]  }
0x1cd: {  	v59 =	vld [tilespmem:s24+$0xF0B0];
	_ =	sdelay $0x4  }
0x1ce: {  	v3 =	vadd.f32 v59, v3;
	_ =	sdelay $0x1  }
0x1cf: {  	[tilespmem:s21+$0x44B0] =	vst v3;
	v3 =	vld [tilespmem:s21+$0x44C0]  }
0x1d0: {  	v60 =	vld [tilespmem:s24+$0xF0C0];
	_ =	sdelay $0x4  }
0x1d1: {  	v3 =	vadd.f32 v60, v3;
	_ =	sdelay $0x1  }
0x1d2: {  	[tilespmem:s21+$0x44C0] =	vst v3;
	v3 =	vld [tilespmem:s21+$0x44D0]  }
0x1d3: {  	v61 =	vld [tilespmem:s24+$0xF0D0];
	_ =	sdelay $0x4  }
0x1d4: {  	v3 =	vadd.f32 v61, v3;
	_ =	sdelay $0x1  }
0x1d5: {  	[tilespmem:s21+$0x44D0] =	vst v3;
	v3 =	vld [tilespmem:s21+$0x44E0]  }
0x1d6: {  	v62 =	vld [tilespmem:s24+$0xF0E0];
	_ =	sdelay $0x4  }
0x1d7: {  	v3 =	vadd.f32 v62, v3;
	_ =	sdelay $0x1  }
0x1d8: {  	[tilespmem:s21+$0x44E0] =	vst v3;
	v3 =	vld [tilespmem:s21+$0x44F0]  }
0x1d9: {  	v63 =	vld [tilespmem:s24+$0xF0F0];
	_ =	sdelay $0x1  }
0x1da: {  	p1 =	sne.s32 s1, $0xF  }
.Ltmp1:
0x1db: {  	_ = 	snop;
	(pc) =	sbr.rel @p1 .LBB2_5-.Ltmp1, $3  }
0x1dc: {  	_ = 	snop  }
0x1dd: {  	v3 =	vadd.f32 v63, v3;
	_ =	sdelay $0x1  }
0x1de: {  	s0 =	sadd.s32 $0x80, s0;
	s1 =	sadd.s32 $0x1, s1;
	[tilespmem:s21+$0x44F0] =	vst v3  }
0x1df: {  	s0 =	sadd.s32 s2, s6  }
0x1e0: {  	s0 =	sadd.s32 $0x3000, s0  }
0x1e1: {  	s0 =	sshrl.u32 s0, $0x3  }
0x1e2: {  	s0 =	sadd.s32 s4, s0  }
0x1e3: {  	[hbm4b:s0+s5] =	stream.linear.scatter [tilespmem:s28], [sflag:$0xA], $0x3000, $0x38;
	[tilespmem:$0x18080] =	vst v63  }
0x1e4: {  	s0 =	simm.s32 @p0 $0xA  }
0x1e5: {  	_ =	swait.ge @p0 [sflag:s0], $0x3000  }
0x1e6: {  	[sflag:s0] =	ssyncset.done @p0 $0x0  }
0x1e7: {  	[sflag:s0] =	ssyncadd.s32 @p0 $0xFFFFD000  }
0x1e8: {  	v3 =	vld @p0 [tilespmem:$0x50];
	_ =	sdelay $0x4  }
0x1e9: {  	v4 =	vshrl.u32 @p0 v3, $0x3  }
0x1ea: {  	v4 =	vmul.u32 @p0 $0x30, v4  }
0x1eb: {  	v5 =	vlaneseq.u32 @p0;
	v3 =	vand.u32 @p0 $0x7, v3  }
0x1ec: {  	v6 =	vshrl.u32 @p0 v5, $0x3;
	v3 =	vor.u32 @p0 v3, v4;
	v4 =	vand.u32 @p0 $0x7, v5  }
0x1ed: {  	v6 =	vmul.u32 @p0 $0x8, v6;
	v4 =	vperm.xlane @p0 v3, v4;
	_ =	sdelay $0x1  }
0x1ee: {  	v4 =	vadd.s32 @p0 v6, v4;
	_ =	sdelay $0x2  }
0x1ef: {  	v5 =	vor.u32 @p0 $0x8, v5  }
0x1f0: {  	s1 =	simm.s32 @p0 $0x3080;
	s0 =	simm.s32 @p0 $0x0;
	v3 =	vperm.xlane @p0 v3, v5  }
0x1f1: {  	[tilespmem:s1], [sflag:$0x2] =	stream.indirect_vreg.gather @p0 [hbm4b:s3+s0], $0x80, v4, vm1, $0xb8;
	[tilespmem:$0x18080] =	vst v63  }
0x1f2: {  	v3 =	vadd.s32 @p0 v6, v3;
	s1 =	simm.s32 @p0 $0x3880  }
0x1f3: {  	[tilespmem:s1], [sflag:$0x2] =	stream.indirect_vreg.gather @p0 [hbm4b:s10+s0], $0x80, v4, vm1, $0xb8;
	[tilespmem:$0x18080] =	vst v63  }
0x1f4: {  	s1 =	simm.s32 @p0 $0x4080  }
0x1f5: {  	[tilespmem:s1], [sflag:$0x2] =	stream.indirect_vreg.gather @p0 [hbm4b:s11+s0], $0x80, v4, vm1, $0xb8;
	[tilespmem:$0x18080] =	vst v63  }
0x1f6: {  	s1 =	simm.s32 @p0 $0x4880  }
0x1f7: {  	[tilespmem:s1], [sflag:$0x2] =	stream.indirect_vreg.gather @p0 [hbm4b:s3+s0], $0x80, v3, vm1, $0xb8;
	[tilespmem:$0x18080] =	vst v63  }
0x1f8: {  	s1 =	simm.s32 @p0 $0x5080  }
0x1f9: {  	[tilespmem:s1], [sflag:$0x2] =	stream.indirect_vreg.gather @p0 [hbm4b:s10+s0], $0x80, v3, vm1, $0xb8;
	[tilespmem:$0x18080] =	vst v63  }
0x1fa: {  	s1 =	simm.s32 @p0 $0x5880  }
0x1fb: {  	[tilespmem:s1], [sflag:$0x2] =	stream.indirect_vreg.gather @p0 [hbm4b:s11+s0], $0x80, v3, vm1, $0xb8;
	[tilespmem:$0x18080] =	vst v63  }
0x1fc: {  	s1 =	simm.s32 @p0 $0xF080  }
0x1fd: {  	[tilespmem:s1], [sflag:$0x6] =	stream.linear.gather @p0 [hbm4b:s15+s0], $0x3000, $0x38;
	[tilespmem:$0x18080] =	vst v63  }
0x1fe: {  	_ =	swait.ge [sflag:s12], $0x3000  }
0x1ff: {  	[sflag:s12] =	ssyncset.done $0x0  }
0x200: {  	s24 =	simm.s32 $0x0;
	[sflag:s12] =	ssyncadd.s32 $0xFFFFD000  }
0x201: {  	s1 =	simm.s32 $0x0;
	s0 =	smul.u32 $0x1800, s24;
	_ =	swait.ge [sflag:s13], $0x3000  }
0x202: {  	s21 =	sand.u32 $0x380, s1;
	[sflag:s13] =	ssyncset.done $0x0  }
0x203: {  	s0 =	sor.u32 s21, s0;
	[sflag:s13] =	ssyncadd.s32 $0xFFFFD000  }
0x204: {  	v12 =	vld [tilespmem:s0+$0x12080]  }
0x205: {  	v13 =	vld [tilespmem:s0+$0x12090]  }
0x206: {  	v14 =	vld [tilespmem:s0+$0x120A0]  }
0x207: {  	v15 =	vld [tilespmem:s0+$0x120B0]  }
0x208: {  	v16 =	vld [tilespmem:s0+$0x120C0]  }
0x209: {  	v17 =	vld [tilespmem:s0+$0x120D0]  }
0x20a: {  	v18 =	vld [tilespmem:s0+$0x120E0]  }
0x20b: {  	v19 =	vld [tilespmem:s0+$0x120F0]  }
0x20c: {  	v20 =	vld [tilespmem:s0+$0x12480]  }
0x20d: {  	v21 =	vld [tilespmem:s0+$0x12490]  }
0x20e: {  	v22 =	vld [tilespmem:s0+$0x124A0]  }
0x20f: {  	v23 =	vld [tilespmem:s0+$0x124B0]  }
0x210: {  	v24 =	vld [tilespmem:s0+$0x124C0]  }
0x211: {  	v25 =	vld [tilespmem:s0+$0x124D0]  }
0x212: {  	v26 =	vld [tilespmem:s0+$0x124E0]  }
0x213: {  	v27 =	vld [tilespmem:s0+$0x124F0]  }
0x214: {  	v28 =	vld [tilespmem:s0+$0x12880]  }
0x215: {  	v29 =	vld [tilespmem:s0+$0x12890]  }
0x216: {  	v30 =	vld [tilespmem:s0+$0x128A0]  }
0x217: {  	v31 =	vld [tilespmem:s0+$0x128B0]  }
0x218: {  	v32 =	vld [tilespmem:s0+$0x128C0]  }
0x219: {  	v33 =	vld [tilespmem:s0+$0x128D0]  }
0x21a: {  	v34 =	vld [tilespmem:s0+$0x128E0]  }
0x21b: {  	v35 =	vld [tilespmem:s0+$0x128F0]  }
0x21c: {  	v36 =	vld [tilespmem:s0+$0x12C80]  }
0x21d: {  	v37 =	vld [tilespmem:s0+$0x12C90]  }
0x21e: {  	v38 =	vld [tilespmem:s0+$0x12CA0]  }
0x21f: {  	v39 =	vld [tilespmem:s0+$0x12CB0]  }
0x220: {  	v40 =	vld [tilespmem:s0+$0x12CC0]  }
0x221: {  	v41 =	vld [tilespmem:s0+$0x12CD0]  }
0x222: {  	v42 =	vld [tilespmem:s0+$0x12CE0]  }
0x223: {  	v43 =	vld [tilespmem:s0+$0x12CF0]  }
0x224: {  	v44 =	vld [tilespmem:s0+$0x13080]  }
0x225: {  	v45 =	vld [tilespmem:s0+$0x13090]  }
0x226: {  	v46 =	vld [tilespmem:s0+$0x130A0]  }
0x227: {  	v47 =	vld [tilespmem:s0+$0x130B0]  }
0x228: {  	v48 =	vld [tilespmem:s0+$0x130C0]  }
0x229: {  	v49 =	vld [tilespmem:s0+$0x130D0]  }
0x22a: {  	v50 =	vld [tilespmem:s0+$0x130E0]  }
0x22b: {  	v11 =	vld [tilespmem:s0+$0x130F0]  }
0x22c: {  	v10 =	vld [tilespmem:s0+$0x13480]  }
0x22d: {  	v9 =	vld [tilespmem:s0+$0x13490]  }
0x22e: {  	v8 =	vld [tilespmem:s0+$0x134A0]  }
0x22f: {  	v7 =	vld [tilespmem:s0+$0x134B0]  }
0x230: {  	v6 =	vld [tilespmem:s0+$0x134C0]  }
0x231: {  	v51 =	vld [tilespmem:s0+$0x6080]  }
0x232: {  	v52 =	vld [tilespmem:s0+$0x6090]  }
0x233: {  	v53 =	vld [tilespmem:s0+$0x60A0]  }
0x234: {  	v54 =	vld [tilespmem:s0+$0x60B0]  }
0x235: {  	v55 =	vld [tilespmem:s0+$0x60C0]  }
0x236: {  	v62 =	vld [tilespmem:s0+$0x60D0];
	v12 =	vadd.f32 v12, v51  }
0x237: {  	v63 =	vld [tilespmem:s0+$0x60E0];
	v13 =	vadd.f32 v13, v52  }
0x238: {  	[tilespmem:s0+$0x6080] =	vst v12;
	v12 =	vadd.f32 v14, v53;
	v14 =	vld [tilespmem:s0+$0x60F0]  }
0x239: {  	[tilespmem:s0+$0x6090] =	vst v13;
	v13 =	vadd.f32 v15, v54;
	v15 =	vld [tilespmem:s0+$0x6480]  }
0x23a: {  	[tilespmem:s0+$0x60A0] =	vst v12;
	v12 =	vadd.f32 v16, v55;
	v16 =	vld [tilespmem:s0+$0x6490]  }
0x23b: {  	[tilespmem:s0+$0x60B0] =	vst v13;
	v13 =	vadd.f32 v17, v62;
	v17 =	vld [tilespmem:s0+$0x64A0]  }
0x23c: {  	v5 =	vld [tilespmem:s0+$0x134D0]  }
0x23d: {  	[tilespmem:s0+$0x60C0] =	vst v12;
	v12 =	vadd.f32 v18, v63;
	v18 =	vld [tilespmem:s0+$0x64F0]  }
0x23e: {  	[tilespmem:s0+$0x60D0] =	vst v13;
	v13 =	vadd.f32 v19, v14;
	v14 =	vld [tilespmem:s0+$0x64B0]  }
0x23f: {  	[tilespmem:s0+$0x60E0] =	vst v12;
	v12 =	vadd.f32 v20, v15;
	v15 =	vld [tilespmem:s0+$0x64C0]  }
0x240: {  	[tilespmem:s0+$0x60F0] =	vst v13;
	v13 =	vadd.f32 v21, v16;
	v16 =	vadd.f32 v22, v17;
	v17 =	vld [tilespmem:s0+$0x64E0]  }
0x241: {  	[tilespmem:s0+$0x6480] =	vst v12;
	v12 =	vld [tilespmem:s0+$0x64D0]  }
0x242: {  	[tilespmem:s0+$0x6490] =	vst v13;
	v13 =	vld [tilespmem:s0+$0x6880];
	v18 =	vadd.f32 v27, v18  }
0x243: {  	[tilespmem:s0+$0x64A0] =	vst v16;
	v16 =	vld [tilespmem:s0+$0x6890];
	v14 =	vadd.f32 v23, v14  }
0x244: {  	v4 =	vld [tilespmem:s0+$0x134E0];
	v15 =	vadd.f32 v24, v15;
	[tilespmem:s0+$0x64F0] =	vst v18  }
0x245: {  	[tilespmem:s0+$0x64B0] =	vst v14;
	v14 =	vld [tilespmem:s0+$0x68A0];
	v17 =	vadd.f32 v26, v17  }
0x246: {  	v12 =	vadd.f32 v25, v12;
	[tilespmem:s0+$0x64C0] =	vst v15;
	v15 =	vld [tilespmem:s0+$0x68B0]  }
0x247: {  	v18 =	vld [tilespmem:s0+$0x68F0];
	[tilespmem:s0+$0x64E0] =	vst v17;
	v13 =	vadd.f32 v28, v13  }
0x248: {  	v16 =	vadd.f32 v29, v16;
	[tilespmem:s0+$0x64D0] =	vst v12;
	v12 =	vld [tilespmem:s0+$0x68C0]  }
0x249: {  	v17 =	vld [tilespmem:s0+$0x68D0];
	[tilespmem:s0+$0x6880] =	vst v13  }
0x24a: {  	[tilespmem:s0+$0x6890] =	vst v16;
	v16 =	vld [tilespmem:s0+$0x68E0];
	v13 =	vadd.f32 v30, v14  }
0x24b: {  	v14 =	vld [tilespmem:s0+$0x6C80];
	v15 =	vadd.f32 v31, v15  }
0x24c: {  	[tilespmem:s0+$0x68A0] =	vst v13;
	v13 =	vld [tilespmem:s0+$0x6C90]  }
0x24d: {  	v12 =	vadd.f32 v32, v12;
	[tilespmem:s0+$0x68B0] =	vst v15;
	v15 =	vld [tilespmem:s0+$0x6CA0]  }
0x24e: {  	v3 =	vld [tilespmem:s0+$0x134F0];
	v17 =	vadd.f32 v33, v17  }
0x24f: {  	v16 =	vadd.f32 v34, v16;
	[tilespmem:s0+$0x68C0] =	vst v12;
	v12 =	vld [tilespmem:s0+$0x6CB0]  }
0x250: {  	[tilespmem:s0+$0x68D0] =	vst v17;
	v17 =	vld [tilespmem:s0+$0x6CC0];
	v14 =	vadd.f32 v36, v14  }
0x251: {  	v18 =	vadd.f32 v35, v18;
	[tilespmem:s0+$0x68E0] =	vst v16;
	v16 =	vld [tilespmem:s0+$0x6CD0]  }
0x252: {  	v13 =	vadd.f32 v37, v13;
	[tilespmem:s0+$0x6C80] =	vst v14;
	v14 =	vadd.f32 v38, v15;
	v15 =	vld [tilespmem:s0+$0x6CE0]  }
0x253: {  	[tilespmem:s0+$0x68F0] =	vst v18;
	v18 =	vld [tilespmem:s0+$0x6CF0]  }
0x254: {  	[tilespmem:s0+$0x6C90] =	vst v13;
	v13 =	vld [tilespmem:s0+$0x7080];
	v12 =	vadd.f32 v39, v12  }
0x255: {  	v17 =	vadd.f32 v40, v17;
	[tilespmem:s0+$0x6CA0] =	vst v14;
	v14 =	vld [tilespmem:s0+$0x7090]  }
0x256: {  	v16 =	vadd.f32 v41, v16;
	[tilespmem:s0+$0x6CB0] =	vst v12;
	v12 =	vld [tilespmem:s0+$0x70A0]  }
0x257: {  	[tilespmem:s0+$0x6CC0] =	vst v17;
	v17 =	vld [tilespmem:s0+$0x70B0];
	v15 =	vadd.f32 v42, v15  }
0x258: {  	v19 =	vld [tilespmem:s0+$0x70C0];
	[tilespmem:s0+$0x6CD0] =	vst v16;
	v16 =	vadd.f32 v43, v18  }
0x259: {  	v18 =	vld [tilespmem:s0+$0x70D0];
	v13 =	vadd.f32 v44, v13;
	[tilespmem:s0+$0x6CE0] =	vst v15  }
0x25a: {  	v20 =	vld [tilespmem:s0+$0x70E0];
	[tilespmem:s0+$0x6CF0] =	vst v16;
	v14 =	vadd.f32 v45, v14  }
0x25b: {  	v16 =	vld [tilespmem:s0+$0x70F0];
	[tilespmem:s0+$0x7080] =	vst v13;
	v12 =	vadd.f32 v46, v12  }
0x25c: {  	v15 =	vld [tilespmem:s0+$0x7480];
	v13 =	vadd.f32 v47, v17;
	[tilespmem:s0+$0x7090] =	vst v14  }
0x25d: {  	v14 =	vld [tilespmem:s0+$0x7490];
	[tilespmem:s0+$0x70A0] =	vst v12;
	v12 =	vadd.f32 v48, v19  }
0x25e: {  	[tilespmem:s0+$0x70B0] =	vst v13;
	v13 =	vld [tilespmem:s0+$0x74A0];
	v18 =	vadd.f32 v49, v18  }
0x25f: {  	s21 =	simm.s32 $0x1;
	v17 =	vadd.f32 v50, v20;
	[tilespmem:s0+$0x70C0] =	vst v12;
	v12 =	vld [tilespmem:s0+$0x74B0]  }
.LBB2_7:
0x260: {  	s23 =	sshrl.u32 s21, $0x3;
	p1 =	sne.s32 s21, $0xF;
	[tilespmem:s0+$0x70D0] =	vst v18;
	v11 =	vadd.f32 v11, v16;
	v16 =	vld [tilespmem:s0+$0x74C0]  }
0x261: {  	s1 =	sadd.s32 $0x80, s1;
	s23 =	smul.u32 $0x1800, s23;
	[tilespmem:s0+$0x70E0] =	vst v17;
	v10 =	vadd.f32 v10, v15;
	v15 =	vld [tilespmem:s0+$0x74D0]  }
0x262: {  	s24 =	sand.u32 $0x380, s1;
	[tilespmem:s0+$0x70F0] =	vst v11;
	v9 =	vadd.f32 v9, v14;
	v11 =	vld [tilespmem:s0+$0x74E0]  }
0x263: {  	s23 =	sor.u32 s24, s23;
	[tilespmem:s0+$0x7480] =	vst v10;
	v8 =	vadd.f32 v8, v13;
	v10 =	vld [tilespmem:s0+$0x74F0]  }
0x264: {  	v39 =	vld [tilespmem:s23+$0x12080];
	[tilespmem:s0+$0x7490] =	vst v9;
	v7 =	vadd.f32 v7, v12  }
0x265: {  	v40 =	vld [tilespmem:s23+$0x12090];
	[tilespmem:s0+$0x74A0] =	vst v8;
	v6 =	vadd.f32 v6, v16  }
0x266: {  	v41 =	vld [tilespmem:s23+$0x120A0];
	[tilespmem:s0+$0x74B0] =	vst v7;
	v5 =	vadd.f32 v5, v15  }
0x267: {  	v42 =	vld [tilespmem:s23+$0x120B0];
	[tilespmem:s0+$0x74C0] =	vst v6;
	v4 =	vadd.f32 v4, v11  }
0x268: {  	v43 =	vld [tilespmem:s23+$0x120C0];
	[tilespmem:s0+$0x74D0] =	vst v5;
	v3 =	vadd.f32 v3, v10  }
0x269: {  	v44 =	vld [tilespmem:s23+$0x120D0];
	[tilespmem:s0+$0x74E0] =	vst v4  }
0x26a: {  	v45 =	vld [tilespmem:s23+$0x120E0];
	[tilespmem:s0+$0x74F0] =	vst v3;
	s0 =	smov.u32 s23  }
0x26b: {  	v46 =	vld [tilespmem:s0+$0x120F0]  }
0x26c: {  	v47 =	vld [tilespmem:s0+$0x12480]  }
0x26d: {  	v48 =	vld [tilespmem:s0+$0x12490]  }
0x26e: {  	v49 =	vld [tilespmem:s0+$0x124A0]  }
0x26f: {  	v50 =	vld [tilespmem:s0+$0x124B0]  }
0x270: {  	v38 =	vld [tilespmem:s0+$0x124C0]  }
0x271: {  	v37 =	vld [tilespmem:s0+$0x124D0]  }
0x272: {  	v36 =	vld [tilespmem:s0+$0x124E0]  }
0x273: {  	v35 =	vld [tilespmem:s0+$0x124F0]  }
0x274: {  	v34 =	vld [tilespmem:s0+$0x12880]  }
0x275: {  	v33 =	vld [tilespmem:s0+$0x12890]  }
0x276: {  	v32 =	vld [tilespmem:s0+$0x128A0]  }
0x277: {  	v31 =	vld [tilespmem:s0+$0x128B0]  }
0x278: {  	v30 =	vld [tilespmem:s0+$0x128C0]  }
0x279: {  	v29 =	vld [tilespmem:s0+$0x128D0]  }
0x27a: {  	v28 =	vld [tilespmem:s0+$0x128E0]  }
0x27b: {  	v27 =	vld [tilespmem:s0+$0x128F0]  }
0x27c: {  	v26 =	vld [tilespmem:s0+$0x12C80]  }
0x27d: {  	v25 =	vld [tilespmem:s0+$0x12C90]  }
0x27e: {  	v24 =	vld [tilespmem:s0+$0x12CA0]  }
0x27f: {  	v23 =	vld [tilespmem:s0+$0x12CB0]  }
0x280: {  	v22 =	vld [tilespmem:s0+$0x12CC0]  }
0x281: {  	v21 =	vld [tilespmem:s0+$0x12CD0]  }
0x282: {  	v20 =	vld [tilespmem:s0+$0x12CE0]  }
0x283: {  	v19 =	vld [tilespmem:s0+$0x12CF0]  }
0x284: {  	v18 =	vld [tilespmem:s0+$0x13080]  }
0x285: {  	v17 =	vld [tilespmem:s0+$0x13090]  }
0x286: {  	v16 =	vld [tilespmem:s0+$0x130A0]  }
0x287: {  	v15 =	vld [tilespmem:s0+$0x130B0]  }
0x288: {  	v14 =	vld [tilespmem:s0+$0x130C0]  }
0x289: {  	v13 =	vld [tilespmem:s0+$0x130D0]  }
0x28a: {  	v12 =	vld [tilespmem:s0+$0x130E0]  }
0x28b: {  	v11 =	vld [tilespmem:s0+$0x130F0]  }
0x28c: {  	v10 =	vld [tilespmem:s0+$0x13480]  }
0x28d: {  	v9 =	vld [tilespmem:s0+$0x13490]  }
0x28e: {  	v8 =	vld [tilespmem:s0+$0x134A0]  }
0x28f: {  	v7 =	vld [tilespmem:s0+$0x134B0]  }
0x290: {  	v6 =	vld [tilespmem:s0+$0x134C0]  }
0x291: {  	v5 =	vld [tilespmem:s0+$0x134D0]  }
0x292: {  	v4 =	vld [tilespmem:s0+$0x134E0]  }
0x293: {  	v3 =	vld [tilespmem:s0+$0x134F0]  }
0x294: {  	v51 =	vld [tilespmem:s0+$0x6080]  }
0x295: {  	v52 =	vld [tilespmem:s0+$0x6090]  }
0x296: {  	v53 =	vld [tilespmem:s0+$0x60A0]  }
0x297: {  	v54 =	vld [tilespmem:s0+$0x60B0]  }
0x298: {  	v55 =	vld [tilespmem:s0+$0x60C0]  }
0x299: {  	v39 =	vadd.f32 v39, v51;
	v51 =	vld [tilespmem:s0+$0x60D0]  }
0x29a: {  	v40 =	vadd.f32 v40, v52;
	v52 =	vld [tilespmem:s0+$0x60E0]  }
0x29b: {  	[tilespmem:s0+$0x6080] =	vst v39;
	v39 =	vadd.f32 v41, v53;
	v41 =	vld [tilespmem:s0+$0x60F0]  }
0x29c: {  	[tilespmem:s0+$0x6090] =	vst v40;
	v40 =	vadd.f32 v42, v54;
	v42 =	vld [tilespmem:s0+$0x6480]  }
0x29d: {  	[tilespmem:s0+$0x60A0] =	vst v39;
	v39 =	vadd.f32 v43, v55;
	v43 =	vld [tilespmem:s0+$0x6490]  }
0x29e: {  	[tilespmem:s0+$0x60B0] =	vst v40;
	v40 =	vadd.f32 v44, v51;
	v44 =	vld [tilespmem:s0+$0x64A0]  }
0x29f: {  	[tilespmem:s0+$0x60C0] =	vst v39;
	v39 =	vadd.f32 v45, v52;
	v45 =	vld [tilespmem:s0+$0x64B0]  }
0x2a0: {  	[tilespmem:s0+$0x60D0] =	vst v40;
	v40 =	vadd.f32 v46, v41;
	v41 =	vld [tilespmem:s0+$0x64C0]  }
0x2a1: {  	[tilespmem:s0+$0x60E0] =	vst v39;
	v39 =	vadd.f32 v47, v42;
	v42 =	vld [tilespmem:s0+$0x64D0]  }
0x2a2: {  	[tilespmem:s0+$0x60F0] =	vst v40;
	v40 =	vadd.f32 v48, v43;
	v43 =	vld [tilespmem:s0+$0x64E0]  }
0x2a3: {  	[tilespmem:s0+$0x6480] =	vst v39;
	v39 =	vadd.f32 v49, v44;
	v44 =	vld [tilespmem:s0+$0x64F0]  }
0x2a4: {  	[tilespmem:s0+$0x6490] =	vst v40;
	v40 =	vadd.f32 v50, v45;
	v45 =	vld [tilespmem:s0+$0x6880]  }
0x2a5: {  	[tilespmem:s0+$0x64A0] =	vst v39;
	v38 =	vadd.f32 v38, v41;
	v39 =	vld [tilespmem:s0+$0x6890]  }
0x2a6: {  	[tilespmem:s0+$0x64B0] =	vst v40;
	v37 =	vadd.f32 v37, v42;
	v40 =	vld [tilespmem:s0+$0x68A0]  }
0x2a7: {  	[tilespmem:s0+$0x64C0] =	vst v38;
	v36 =	vadd.f32 v36, v43;
	v38 =	vld [tilespmem:s0+$0x68B0]  }
0x2a8: {  	[tilespmem:s0+$0x64D0] =	vst v37;
	v35 =	vadd.f32 v35, v44;
	v37 =	vld [tilespmem:s0+$0x68C0]  }
0x2a9: {  	[tilespmem:s0+$0x64E0] =	vst v36;
	v34 =	vadd.f32 v34, v45;
	v36 =	vld [tilespmem:s0+$0x68D0]  }
0x2aa: {  	[tilespmem:s0+$0x64F0] =	vst v35;
	v33 =	vadd.f32 v33, v39;
	v35 =	vld [tilespmem:s0+$0x68E0]  }
0x2ab: {  	[tilespmem:s0+$0x6880] =	vst v34;
	v32 =	vadd.f32 v32, v40;
	v34 =	vld [tilespmem:s0+$0x68F0]  }
0x2ac: {  	[tilespmem:s0+$0x6890] =	vst v33;
	v31 =	vadd.f32 v31, v38;
	v33 =	vld [tilespmem:s0+$0x6C80]  }
0x2ad: {  	[tilespmem:s0+$0x68A0] =	vst v32;
	v30 =	vadd.f32 v30, v37;
	v32 =	vld [tilespmem:s0+$0x6C90]  }
0x2ae: {  	[tilespmem:s0+$0x68B0] =	vst v31;
	v29 =	vadd.f32 v29, v36;
	v31 =	vld [tilespmem:s0+$0x6CA0]  }
0x2af: {  	[tilespmem:s0+$0x68C0] =	vst v30;
	v28 =	vadd.f32 v28, v35;
	v30 =	vld [tilespmem:s0+$0x6CB0]  }
0x2b0: {  	[tilespmem:s0+$0x68D0] =	vst v29;
	v27 =	vadd.f32 v27, v34;
	v29 =	vld [tilespmem:s0+$0x6CC0]  }
0x2b1: {  	[tilespmem:s0+$0x68E0] =	vst v28;
	v26 =	vadd.f32 v26, v33;
	v28 =	vld [tilespmem:s0+$0x6CD0]  }
0x2b2: {  	[tilespmem:s0+$0x68F0] =	vst v27;
	v25 =	vadd.f32 v25, v32;
	v27 =	vld [tilespmem:s0+$0x6CE0]  }
0x2b3: {  	[tilespmem:s0+$0x6C80] =	vst v26;
	v24 =	vadd.f32 v24, v31;
	v26 =	vld [tilespmem:s0+$0x6CF0]  }
0x2b4: {  	[tilespmem:s0+$0x6C90] =	vst v25;
	v23 =	vadd.f32 v23, v30;
	v25 =	vld [tilespmem:s0+$0x7080]  }
0x2b5: {  	[tilespmem:s0+$0x6CA0] =	vst v24;
	v22 =	vadd.f32 v22, v29;
	v24 =	vld [tilespmem:s0+$0x7090]  }
0x2b6: {  	[tilespmem:s0+$0x6CB0] =	vst v23;
	v21 =	vadd.f32 v21, v28;
	v23 =	vld [tilespmem:s0+$0x70A0]  }
0x2b7: {  	[tilespmem:s0+$0x6CC0] =	vst v22;
	v20 =	vadd.f32 v20, v27;
	v22 =	vld [tilespmem:s0+$0x70B0]  }
0x2b8: {  	[tilespmem:s0+$0x6CD0] =	vst v21;
	v19 =	vadd.f32 v19, v26;
	v21 =	vld [tilespmem:s0+$0x70C0]  }
0x2b9: {  	[tilespmem:s0+$0x6CE0] =	vst v20;
	v18 =	vadd.f32 v18, v25;
	v20 =	vld [tilespmem:s0+$0x70D0]  }
0x2ba: {  	[tilespmem:s0+$0x6CF0] =	vst v19;
	v17 =	vadd.f32 v17, v24;
	v19 =	vld [tilespmem:s0+$0x70E0]  }
.Ltmp2:
0x2bb: {  	[tilespmem:s0+$0x7080] =	vst v18;
	v18 =	vadd.f32 v16, v23;
	v16 =	vld [tilespmem:s0+$0x70F0];
	(pc) =	sbr.rel @p1 .LBB2_7-.Ltmp2, $4  }
0x2bc: {  	[tilespmem:s0+$0x7090] =	vst v17;
	v17 =	vadd.f32 v15, v22;
	v15 =	vld [tilespmem:s0+$0x7480]  }
0x2bd: {  	[tilespmem:s0+$0x70A0] =	vst v18;
	v21 =	vadd.f32 v14, v21;
	v14 =	vld [tilespmem:s0+$0x7490]  }
0x2be: {  	[tilespmem:s0+$0x70B0] =	vst v17;
	v18 =	vadd.f32 v13, v20;
	v13 =	vld [tilespmem:s0+$0x74A0]  }
0x2bf: {  	s21 =	sadd.s32 $0x1, s21;
	[tilespmem:s0+$0x70C0] =	vst v21;
	v17 =	vadd.f32 v12, v19;
	v12 =	vld [tilespmem:s0+$0x74B0]  }
0x2c0: {  	[tilespmem:s0+$0x70D0] =	vst v18;
	v18 =	vld [tilespmem:s0+$0x74C0];
	v11 =	vadd.f32 v11, v16  }
0x2c1: {  	v16 =	vld [tilespmem:s0+$0x74D0];
	[tilespmem:s0+$0x70E0] =	vst v17;
	v10 =	vadd.f32 v10, v15  }
0x2c2: {  	[tilespmem:s0+$0x70F0] =	vst v11;
	v9 =	vadd.f32 v9, v14;
	v11 =	vld [tilespmem:s0+$0x74E0]  }
0x2c3: {  	[tilespmem:s0+$0x7480] =	vst v10;
	v8 =	vadd.f32 v8, v13;
	v10 =	vld [tilespmem:s0+$0x74F0]  }
0x2c4: {  	[tilespmem:s0+$0x7490] =	vst v9;
	v7 =	vadd.f32 v7, v12  }
0x2c5: {  	[tilespmem:s0+$0x74A0] =	vst v8;
	v6 =	vadd.f32 v6, v18  }
0x2c6: {  	v5 =	vadd.f32 v5, v16;
	[tilespmem:s0+$0x74B0] =	vst v7  }
0x2c7: {  	[tilespmem:s0+$0x74C0] =	vst v6;
	v4 =	vadd.f32 v4, v11  }
0x2c8: {  	s1 =	sadd.s32 s18, s2;
	[tilespmem:s0+$0x74D0] =	vst v5;
	v3 =	vadd.f32 v3, v10  }
0x2c9: {  	s1 =	sshrl.u32 s1, $0x3;
	[tilespmem:s0+$0x74E0] =	vst v4  }
0x2ca: {  	s21 =	sadd.s32 s4, s1;
	[tilespmem:s0+$0x74F0] =	vst v3;
	s0 =	simm.s32 @p0 $0xB  }
0x2cb: {  	[hbm4b:s21+s5] =	stream.linear.scatter [tilespmem:s22], [sflag:$0xB], $0x3000, $0x38;
	[tilespmem:$0x18080] =	vst v63  }
0x2cc: {  	_ =	swait.ge @p0 [sflag:s0], $0x3000  }
0x2cd: {  	[sflag:s0] =	ssyncset.done @p0 $0x0  }
0x2ce: {  	[sflag:s0] =	ssyncadd.s32 @p0 $0xFFFFD000  }
0x2cf: {  	v3 =	vld @p0 [tilespmem:$0x60];
	_ =	sdelay $0x4  }
0x2d0: {  	v4 =	vshrl.u32 @p0 v3, $0x3  }
0x2d1: {  	v4 =	vmul.u32 @p0 $0x30, v4  }
0x2d2: {  	v5 =	vlaneseq.u32 @p0;
	v3 =	vand.u32 @p0 $0x7, v3  }
0x2d3: {  	v6 =	vshrl.u32 @p0 v5, $0x3;
	v3 =	vor.u32 @p0 v3, v4;
	v4 =	vand.u32 @p0 $0x7, v5  }
0x2d4: {  	v6 =	vmul.u32 @p0 $0x8, v6;
	v4 =	vperm.xlane @p0 v3, v4;
	_ =	sdelay $0x1  }
0x2d5: {  	v4 =	vadd.s32 @p0 v6, v4;
	_ =	sdelay $0x2  }
0x2d6: {  	v5 =	vor.u32 @p0 $0x8, v5  }
0x2d7: {  	s1 =	simm.s32 @p0 $0x6080;
	s0 =	simm.s32 @p0 $0x0;
	v3 =	vperm.xlane @p0 v3, v5  }
0x2d8: {  	[tilespmem:s1], [sflag:$0x3] =	stream.indirect_vreg.gather @p0 [hbm4b:s3+s0], $0x80, v4, vm1, $0xb8;
	[tilespmem:$0x18080] =	vst v63  }
0x2d9: {  	v3 =	vadd.s32 @p0 v6, v3;
	s1 =	simm.s32 @p0 $0x6880  }
0x2da: {  	[tilespmem:s1], [sflag:$0x3] =	stream.indirect_vreg.gather @p0 [hbm4b:s10+s0], $0x80, v4, vm1, $0xb8;
	[tilespmem:$0x18080] =	vst v63  }
0x2db: {  	s1 =	simm.s32 @p0 $0x7080  }
0x2dc: {  	[tilespmem:s1], [sflag:$0x3] =	stream.indirect_vreg.gather @p0 [hbm4b:s11+s0], $0x80, v4, vm1, $0xb8;
	[tilespmem:$0x18080] =	vst v63  }
0x2dd: {  	s1 =	simm.s32 @p0 $0x7880  }
0x2de: {  	[tilespmem:s1], [sflag:$0x3] =	stream.indirect_vreg.gather @p0 [hbm4b:s3+s0], $0x80, v3, vm1, $0xb8;
	[tilespmem:$0x18080] =	vst v63  }
0x2df: {  	s1 =	simm.s32 @p0 $0x8080  }
0x2e0: {  	[tilespmem:s1], [sflag:$0x3] =	stream.indirect_vreg.gather @p0 [hbm4b:s10+s0], $0x80, v3, vm1, $0xb8;
	[tilespmem:$0x18080] =	vst v63  }
0x2e1: {  	s1 =	simm.s32 @p0 $0x8880  }
0x2e2: {  	[tilespmem:s1], [sflag:$0x3] =	stream.indirect_vreg.gather @p0 [hbm4b:s11+s0], $0x80, v3, vm1, $0xb8;
	[tilespmem:$0x18080] =	vst v63  }
0x2e3: {  	s1 =	simm.s32 @p0 $0x12080  }
0x2e4: {  	[tilespmem:s1], [sflag:$0x7] =	stream.linear.gather @p0 [hbm4b:s16+s0], $0x3000, $0x38;
	[tilespmem:$0x18080] =	vst v63  }
0x2e5: {  	_ =	swait.ge [sflag:s17], $0x3000  }
0x2e6: {  	[sflag:s17] =	ssyncset.done $0x0  }
0x2e7: {  	s23 =	simm.s32 $0x0;
	[sflag:s17] =	ssyncadd.s32 $0xFFFFD000  }
0x2e8: {  	s1 =	simm.s32 $0x0;
	s0 =	smul.u32 $0x1800, s23;
	_ =	swait.ge [sflag:s9], $0x3000  }
0x2e9: {  	s24 =	sand.u32 $0x380, s1;
	[sflag:s9] =	ssyncset.done $0x0  }
0x2ea: {  	s0 =	sor.u32 s24, s0;
	[sflag:s9] =	ssyncadd.s32 $0xFFFFD000  }
0x2eb: {  	v12 =	vld [tilespmem:s0+$0x15080]  }
0x2ec: {  	v13 =	vld [tilespmem:s0+$0x15090]  }
0x2ed: {  	v14 =	vld [tilespmem:s0+$0x150A0]  }
0x2ee: {  	v15 =	vld [tilespmem:s0+$0x150B0]  }
0x2ef: {  	v16 =	vld [tilespmem:s0+$0x150C0]  }
0x2f0: {  	v17 =	vld [tilespmem:s0+$0x150D0]  }
0x2f1: {  	v18 =	vld [tilespmem:s0+$0x150E0]  }
0x2f2: {  	v19 =	vld [tilespmem:s0+$0x150F0]  }
0x2f3: {  	v20 =	vld [tilespmem:s0+$0x15480]  }
0x2f4: {  	v21 =	vld [tilespmem:s0+$0x15490]  }
0x2f5: {  	v22 =	vld [tilespmem:s0+$0x154A0]  }
0x2f6: {  	v23 =	vld [tilespmem:s0+$0x154B0]  }
0x2f7: {  	v24 =	vld [tilespmem:s0+$0x154C0]  }
0x2f8: {  	v25 =	vld [tilespmem:s0+$0x154D0]  }
0x2f9: {  	v26 =	vld [tilespmem:s0+$0x154E0]  }
0x2fa: {  	v27 =	vld [tilespmem:s0+$0x154F0]  }
0x2fb: {  	v28 =	vld [tilespmem:s0+$0x15880]  }
0x2fc: {  	v29 =	vld [tilespmem:s0+$0x15890]  }
0x2fd: {  	v30 =	vld [tilespmem:s0+$0x158A0]  }
0x2fe: {  	v31 =	vld [tilespmem:s0+$0x158B0]  }
0x2ff: {  	v32 =	vld [tilespmem:s0+$0x158C0]  }
0x300: {  	v33 =	vld [tilespmem:s0+$0x158D0]  }
0x301: {  	v34 =	vld [tilespmem:s0+$0x158E0]  }
0x302: {  	v35 =	vld [tilespmem:s0+$0x158F0]  }
0x303: {  	v36 =	vld [tilespmem:s0+$0x15C80]  }
0x304: {  	v37 =	vld [tilespmem:s0+$0x15C90]  }
0x305: {  	v38 =	vld [tilespmem:s0+$0x15CA0]  }
0x306: {  	v39 =	vld [tilespmem:s0+$0x15CB0]  }
0x307: {  	v40 =	vld [tilespmem:s0+$0x15CC0]  }
0x308: {  	v41 =	vld [tilespmem:s0+$0x15CD0]  }
0x309: {  	v42 =	vld [tilespmem:s0+$0x15CE0]  }
0x30a: {  	v43 =	vld [tilespmem:s0+$0x15CF0]  }
0x30b: {  	v44 =	vld [tilespmem:s0+$0x16080]  }
0x30c: {  	v45 =	vld [tilespmem:s0+$0x16090]  }
0x30d: {  	v46 =	vld [tilespmem:s0+$0x160A0]  }
0x30e: {  	v47 =	vld [tilespmem:s0+$0x160B0]  }
0x30f: {  	v48 =	vld [tilespmem:s0+$0x160C0]  }
0x310: {  	v49 =	vld [tilespmem:s0+$0x160D0]  }
0x311: {  	v50 =	vld [tilespmem:s0+$0x160E0]  }
0x312: {  	v11 =	vld [tilespmem:s0+$0x160F0]  }
0x313: {  	v10 =	vld [tilespmem:s0+$0x16480]  }
0x314: {  	v9 =	vld [tilespmem:s0+$0x16490]  }
0x315: {  	v8 =	vld [tilespmem:s0+$0x164A0]  }
0x316: {  	v7 =	vld [tilespmem:s0+$0x164B0]  }
0x317: {  	v6 =	vld [tilespmem:s0+$0x164C0]  }
0x318: {  	v51 =	vld [tilespmem:s0+$0x9080]  }
0x319: {  	v52 =	vld [tilespmem:s0+$0x9090]  }
0x31a: {  	v53 =	vld [tilespmem:s0+$0x90A0]  }
0x31b: {  	v54 =	vld [tilespmem:s0+$0x90B0]  }
0x31c: {  	v55 =	vld [tilespmem:s0+$0x90C0]  }
0x31d: {  	v62 =	vld [tilespmem:s0+$0x90D0];
	v12 =	vadd.f32 v12, v51  }
0x31e: {  	v63 =	vld [tilespmem:s0+$0x90E0];
	v13 =	vadd.f32 v13, v52  }
0x31f: {  	[tilespmem:s0+$0x9080] =	vst v12;
	v12 =	vadd.f32 v14, v53;
	v14 =	vld [tilespmem:s0+$0x90F0]  }
0x320: {  	[tilespmem:s0+$0x9090] =	vst v13;
	v13 =	vadd.f32 v15, v54;
	v15 =	vld [tilespmem:s0+$0x9480]  }
0x321: {  	[tilespmem:s0+$0x90A0] =	vst v12;
	v12 =	vadd.f32 v16, v55;
	v16 =	vld [tilespmem:s0+$0x9490]  }
0x322: {  	[tilespmem:s0+$0x90B0] =	vst v13;
	v13 =	vadd.f32 v17, v62;
	v17 =	vld [tilespmem:s0+$0x94A0]  }
0x323: {  	v5 =	vld [tilespmem:s0+$0x164D0]  }
0x324: {  	[tilespmem:s0+$0x90C0] =	vst v12;
	v12 =	vadd.f32 v18, v63;
	v18 =	vld [tilespmem:s0+$0x94F0]  }
0x325: {  	[tilespmem:s0+$0x90D0] =	vst v13;
	v13 =	vadd.f32 v19, v14;
	v14 =	vld [tilespmem:s0+$0x94B0]  }
0x326: {  	[tilespmem:s0+$0x90E0] =	vst v12;
	v12 =	vadd.f32 v20, v15;
	v15 =	vld [tilespmem:s0+$0x94C0]  }
0x327: {  	[tilespmem:s0+$0x90F0] =	vst v13;
	v13 =	vadd.f32 v21, v16;
	v16 =	vadd.f32 v22, v17;
	v17 =	vld [tilespmem:s0+$0x94E0]  }
0x328: {  	[tilespmem:s0+$0x9480] =	vst v12;
	v12 =	vld [tilespmem:s0+$0x94D0]  }
0x329: {  	[tilespmem:s0+$0x9490] =	vst v13;
	v13 =	vld [tilespmem:s0+$0x9880];
	v18 =	vadd.f32 v27, v18  }
0x32a: {  	[tilespmem:s0+$0x94A0] =	vst v16;
	v16 =	vld [tilespmem:s0+$0x9890];
	v14 =	vadd.f32 v23, v14  }
0x32b: {  	v4 =	vld [tilespmem:s0+$0x164E0];
	v15 =	vadd.f32 v24, v15;
	[tilespmem:s0+$0x94F0] =	vst v18  }
0x32c: {  	[tilespmem:s0+$0x94B0] =	vst v14;
	v14 =	vld [tilespmem:s0+$0x98A0];
	v17 =	vadd.f32 v26, v17  }
0x32d: {  	v12 =	vadd.f32 v25, v12;
	[tilespmem:s0+$0x94C0] =	vst v15;
	v15 =	vld [tilespmem:s0+$0x98B0]  }
0x32e: {  	v18 =	vld [tilespmem:s0+$0x98F0];
	[tilespmem:s0+$0x94E0] =	vst v17;
	v13 =	vadd.f32 v28, v13  }
0x32f: {  	v16 =	vadd.f32 v29, v16;
	[tilespmem:s0+$0x94D0] =	vst v12;
	v12 =	vld [tilespmem:s0+$0x98C0]  }
0x330: {  	v17 =	vld [tilespmem:s0+$0x98D0];
	[tilespmem:s0+$0x9880] =	vst v13  }
0x331: {  	[tilespmem:s0+$0x9890] =	vst v16;
	v16 =	vld [tilespmem:s0+$0x98E0];
	v13 =	vadd.f32 v30, v14  }
0x332: {  	v14 =	vld [tilespmem:s0+$0x9C80];
	v15 =	vadd.f32 v31, v15  }
0x333: {  	[tilespmem:s0+$0x98A0] =	vst v13;
	v13 =	vld [tilespmem:s0+$0x9C90]  }
0x334: {  	v12 =	vadd.f32 v32, v12;
	[tilespmem:s0+$0x98B0] =	vst v15;
	v15 =	vld [tilespmem:s0+$0x9CA0]  }
0x335: {  	v3 =	vld [tilespmem:s0+$0x164F0];
	v17 =	vadd.f32 v33, v17  }
0x336: {  	v16 =	vadd.f32 v34, v16;
	[tilespmem:s0+$0x98C0] =	vst v12;
	v12 =	vld [tilespmem:s0+$0x9CB0]  }
0x337: {  	[tilespmem:s0+$0x98D0] =	vst v17;
	v17 =	vld [tilespmem:s0+$0x9CC0];
	v14 =	vadd.f32 v36, v14  }
0x338: {  	v18 =	vadd.f32 v35, v18;
	[tilespmem:s0+$0x98E0] =	vst v16;
	v16 =	vld [tilespmem:s0+$0x9CD0]  }
0x339: {  	v13 =	vadd.f32 v37, v13;
	[tilespmem:s0+$0x9C80] =	vst v14;
	v14 =	vadd.f32 v38, v15;
	v15 =	vld [tilespmem:s0+$0x9CE0]  }
0x33a: {  	[tilespmem:s0+$0x98F0] =	vst v18;
	v18 =	vld [tilespmem:s0+$0x9CF0]  }
0x33b: {  	[tilespmem:s0+$0x9C90] =	vst v13;
	v13 =	vld [tilespmem:s0+$0xA080];
	v12 =	vadd.f32 v39, v12  }
0x33c: {  	v17 =	vadd.f32 v40, v17;
	[tilespmem:s0+$0x9CA0] =	vst v14;
	v14 =	vld [tilespmem:s0+$0xA090]  }
0x33d: {  	v16 =	vadd.f32 v41, v16;
	[tilespmem:s0+$0x9CB0] =	vst v12;
	v12 =	vld [tilespmem:s0+$0xA0A0]  }
0x33e: {  	[tilespmem:s0+$0x9CC0] =	vst v17;
	v17 =	vld [tilespmem:s0+$0xA0B0];
	v15 =	vadd.f32 v42, v15  }
0x33f: {  	v19 =	vld [tilespmem:s0+$0xA0C0];
	[tilespmem:s0+$0x9CD0] =	vst v16;
	v16 =	vadd.f32 v43, v18  }
0x340: {  	v18 =	vld [tilespmem:s0+$0xA0D0];
	v13 =	vadd.f32 v44, v13;
	[tilespmem:s0+$0x9CE0] =	vst v15  }
0x341: {  	v20 =	vld [tilespmem:s0+$0xA0E0];
	[tilespmem:s0+$0x9CF0] =	vst v16;
	v14 =	vadd.f32 v45, v14  }
0x342: {  	v16 =	vld [tilespmem:s0+$0xA0F0];
	[tilespmem:s0+$0xA080] =	vst v13;
	v12 =	vadd.f32 v46, v12  }
0x343: {  	v15 =	vld [tilespmem:s0+$0xA480];
	v13 =	vadd.f32 v47, v17;
	[tilespmem:s0+$0xA090] =	vst v14  }
0x344: {  	v14 =	vld [tilespmem:s0+$0xA490];
	[tilespmem:s0+$0xA0A0] =	vst v12;
	v12 =	vadd.f32 v48, v19  }
0x345: {  	[tilespmem:s0+$0xA0B0] =	vst v13;
	v13 =	vld [tilespmem:s0+$0xA4A0];
	v18 =	vadd.f32 v49, v18  }
0x346: {  	s2 =	simm.s32 $0x1;
	v17 =	vadd.f32 v50, v20;
	[tilespmem:s0+$0xA0C0] =	vst v12;
	v12 =	vld [tilespmem:s0+$0xA4B0]  }
.LBB2_9:
0x347: {  	s21 =	sshrl.u32 s2, $0x3;
	p1 =	sne.s32 s2, $0xF;
	[tilespmem:s0+$0xA0D0] =	vst v18;
	v11 =	vadd.f32 v11, v16;
	v16 =	vld [tilespmem:s0+$0xA4C0]  }
0x348: {  	s1 =	sadd.s32 $0x80, s1;
	s21 =	smul.u32 $0x1800, s21;
	[tilespmem:s0+$0xA0E0] =	vst v17;
	v10 =	vadd.f32 v10, v15;
	v15 =	vld [tilespmem:s0+$0xA4D0]  }
0x349: {  	s23 =	sand.u32 $0x380, s1;
	[tilespmem:s0+$0xA0F0] =	vst v11;
	v9 =	vadd.f32 v9, v14;
	v11 =	vld [tilespmem:s0+$0xA4E0]  }
0x34a: {  	s21 =	sor.u32 s23, s21;
	[tilespmem:s0+$0xA480] =	vst v10;
	v8 =	vadd.f32 v8, v13;
	v10 =	vld [tilespmem:s0+$0xA4F0]  }
0x34b: {  	v39 =	vld [tilespmem:s21+$0x15080];
	[tilespmem:s0+$0xA490] =	vst v9;
	v7 =	vadd.f32 v7, v12  }
0x34c: {  	v40 =	vld [tilespmem:s21+$0x15090];
	[tilespmem:s0+$0xA4A0] =	vst v8;
	v6 =	vadd.f32 v6, v16  }
0x34d: {  	v41 =	vld [tilespmem:s21+$0x150A0];
	[tilespmem:s0+$0xA4B0] =	vst v7;
	v5 =	vadd.f32 v5, v15  }
0x34e: {  	v42 =	vld [tilespmem:s21+$0x150B0];
	[tilespmem:s0+$0xA4C0] =	vst v6;
	v4 =	vadd.f32 v4, v11  }
0x34f: {  	v43 =	vld [tilespmem:s21+$0x150C0];
	[tilespmem:s0+$0xA4D0] =	vst v5;
	v3 =	vadd.f32 v3, v10  }
0x350: {  	v44 =	vld [tilespmem:s21+$0x150D0];
	[tilespmem:s0+$0xA4E0] =	vst v4  }
0x351: {  	v45 =	vld [tilespmem:s21+$0x150E0];
	[tilespmem:s0+$0xA4F0] =	vst v3;
	s0 =	smov.u32 s21  }
0x352: {  	v46 =	vld [tilespmem:s0+$0x150F0]  }
0x353: {  	v47 =	vld [tilespmem:s0+$0x15480]  }
0x354: {  	v48 =	vld [tilespmem:s0+$0x15490]  }
0x355: {  	v49 =	vld [tilespmem:s0+$0x154A0]  }
0x356: {  	v50 =	vld [tilespmem:s0+$0x154B0]  }
0x357: {  	v38 =	vld [tilespmem:s0+$0x154C0]  }
0x358: {  	v37 =	vld [tilespmem:s0+$0x154D0]  }
0x359: {  	v36 =	vld [tilespmem:s0+$0x154E0]  }
0x35a: {  	v35 =	vld [tilespmem:s0+$0x154F0]  }
0x35b: {  	v34 =	vld [tilespmem:s0+$0x15880]  }
0x35c: {  	v33 =	vld [tilespmem:s0+$0x15890]  }
0x35d: {  	v32 =	vld [tilespmem:s0+$0x158A0]  }
0x35e: {  	v31 =	vld [tilespmem:s0+$0x158B0]  }
0x35f: {  	v30 =	vld [tilespmem:s0+$0x158C0]  }
0x360: {  	v29 =	vld [tilespmem:s0+$0x158D0]  }
0x361: {  	v28 =	vld [tilespmem:s0+$0x158E0]  }
0x362: {  	v27 =	vld [tilespmem:s0+$0x158F0]  }
0x363: {  	v26 =	vld [tilespmem:s0+$0x15C80]  }
0x364: {  	v25 =	vld [tilespmem:s0+$0x15C90]  }
0x365: {  	v24 =	vld [tilespmem:s0+$0x15CA0]  }
0x366: {  	v23 =	vld [tilespmem:s0+$0x15CB0]  }
0x367: {  	v22 =	vld [tilespmem:s0+$0x15CC0]  }
0x368: {  	v21 =	vld [tilespmem:s0+$0x15CD0]  }
0x369: {  	v20 =	vld [tilespmem:s0+$0x15CE0]  }
0x36a: {  	v19 =	vld [tilespmem:s0+$0x15CF0]  }
0x36b: {  	v18 =	vld [tilespmem:s0+$0x16080]  }
0x36c: {  	v17 =	vld [tilespmem:s0+$0x16090]  }
0x36d: {  	v16 =	vld [tilespmem:s0+$0x160A0]  }
0x36e: {  	v15 =	vld [tilespmem:s0+$0x160B0]  }
0x36f: {  	v14 =	vld [tilespmem:s0+$0x160C0]  }
0x370: {  	v13 =	vld [tilespmem:s0+$0x160D0]  }
0x371: {  	v12 =	vld [tilespmem:s0+$0x160E0]  }
0x372: {  	v11 =	vld [tilespmem:s0+$0x160F0]  }
0x373: {  	v10 =	vld [tilespmem:s0+$0x16480]  }
0x374: {  	v9 =	vld [tilespmem:s0+$0x16490]  }
0x375: {  	v8 =	vld [tilespmem:s0+$0x164A0]  }
0x376: {  	v7 =	vld [tilespmem:s0+$0x164B0]  }
0x377: {  	v6 =	vld [tilespmem:s0+$0x164C0]  }
0x378: {  	v5 =	vld [tilespmem:s0+$0x164D0]  }
0x379: {  	v4 =	vld [tilespmem:s0+$0x164E0]  }
0x37a: {  	v3 =	vld [tilespmem:s0+$0x164F0]  }
0x37b: {  	v51 =	vld [tilespmem:s0+$0x9080]  }
0x37c: {  	v52 =	vld [tilespmem:s0+$0x9090]  }
0x37d: {  	v53 =	vld [tilespmem:s0+$0x90A0]  }
0x37e: {  	v54 =	vld [tilespmem:s0+$0x90B0]  }
0x37f: {  	v55 =	vld [tilespmem:s0+$0x90C0]  }
0x380: {  	v39 =	vadd.f32 v39, v51;
	v51 =	vld [tilespmem:s0+$0x90D0]  }
0x381: {  	v40 =	vadd.f32 v40, v52;
	v52 =	vld [tilespmem:s0+$0x90E0]  }
0x382: {  	[tilespmem:s0+$0x9080] =	vst v39;
	v39 =	vadd.f32 v41, v53;
	v41 =	vld [tilespmem:s0+$0x90F0]  }
0x383: {  	[tilespmem:s0+$0x9090] =	vst v40;
	v40 =	vadd.f32 v42, v54;
	v42 =	vld [tilespmem:s0+$0x9480]  }
0x384: {  	[tilespmem:s0+$0x90A0] =	vst v39;
	v39 =	vadd.f32 v43, v55;
	v43 =	vld [tilespmem:s0+$0x9490]  }
0x385: {  	[tilespmem:s0+$0x90B0] =	vst v40;
	v40 =	vadd.f32 v44, v51;
	v44 =	vld [tilespmem:s0+$0x94A0]  }
0x386: {  	[tilespmem:s0+$0x90C0] =	vst v39;
	v39 =	vadd.f32 v45, v52;
	v45 =	vld [tilespmem:s0+$0x94B0]  }
0x387: {  	[tilespmem:s0+$0x90D0] =	vst v40;
	v40 =	vadd.f32 v46, v41;
	v41 =	vld [tilespmem:s0+$0x94C0]  }
0x388: {  	[tilespmem:s0+$0x90E0] =	vst v39;
	v39 =	vadd.f32 v47, v42;
	v42 =	vld [tilespmem:s0+$0x94D0]  }
0x389: {  	[tilespmem:s0+$0x90F0] =	vst v40;
	v40 =	vadd.f32 v48, v43;
	v43 =	vld [tilespmem:s0+$0x94E0]  }
0x38a: {  	[tilespmem:s0+$0x9480] =	vst v39;
	v39 =	vadd.f32 v49, v44;
	v44 =	vld [tilespmem:s0+$0x94F0]  }
0x38b: {  	[tilespmem:s0+$0x9490] =	vst v40;
	v40 =	vadd.f32 v50, v45;
	v45 =	vld [tilespmem:s0+$0x9880]  }
0x38c: {  	[tilespmem:s0+$0x94A0] =	vst v39;
	v38 =	vadd.f32 v38, v41;
	v39 =	vld [tilespmem:s0+$0x9890]  }
0x38d: {  	[tilespmem:s0+$0x94B0] =	vst v40;
	v37 =	vadd.f32 v37, v42;
	v40 =	vld [tilespmem:s0+$0x98A0]  }
0x38e: {  	[tilespmem:s0+$0x94C0] =	vst v38;
	v36 =	vadd.f32 v36, v43;
	v38 =	vld [tilespmem:s0+$0x98B0]  }
0x38f: {  	[tilespmem:s0+$0x94D0] =	vst v37;
	v35 =	vadd.f32 v35, v44;
	v37 =	vld [tilespmem:s0+$0x98C0]  }
0x390: {  	[tilespmem:s0+$0x94E0] =	vst v36;
	v34 =	vadd.f32 v34, v45;
	v36 =	vld [tilespmem:s0+$0x98D0]  }
0x391: {  	[tilespmem:s0+$0x94F0] =	vst v35;
	v33 =	vadd.f32 v33, v39;
	v35 =	vld [tilespmem:s0+$0x98E0]  }
0x392: {  	[tilespmem:s0+$0x9880] =	vst v34;
	v32 =	vadd.f32 v32, v40;
	v34 =	vld [tilespmem:s0+$0x98F0]  }
0x393: {  	[tilespmem:s0+$0x9890] =	vst v33;
	v31 =	vadd.f32 v31, v38;
	v33 =	vld [tilespmem:s0+$0x9C80]  }
0x394: {  	[tilespmem:s0+$0x98A0] =	vst v32;
	v30 =	vadd.f32 v30, v37;
	v32 =	vld [tilespmem:s0+$0x9C90]  }
0x395: {  	[tilespmem:s0+$0x98B0] =	vst v31;
	v29 =	vadd.f32 v29, v36;
	v31 =	vld [tilespmem:s0+$0x9CA0]  }
0x396: {  	[tilespmem:s0+$0x98C0] =	vst v30;
	v28 =	vadd.f32 v28, v35;
	v30 =	vld [tilespmem:s0+$0x9CB0]  }
0x397: {  	[tilespmem:s0+$0x98D0] =	vst v29;
	v27 =	vadd.f32 v27, v34;
	v29 =	vld [tilespmem:s0+$0x9CC0]  }
0x398: {  	[tilespmem:s0+$0x98E0] =	vst v28;
	v26 =	vadd.f32 v26, v33;
	v28 =	vld [tilespmem:s0+$0x9CD0]  }
0x399: {  	[tilespmem:s0+$0x98F0] =	vst v27;
	v25 =	vadd.f32 v25, v32;
	v27 =	vld [tilespmem:s0+$0x9CE0]  }
0x39a: {  	[tilespmem:s0+$0x9C80] =	vst v26;
	v24 =	vadd.f32 v24, v31;
	v26 =	vld [tilespmem:s0+$0x9CF0]  }
0x39b: {  	[tilespmem:s0+$0x9C90] =	vst v25;
	v23 =	vadd.f32 v23, v30;
	v25 =	vld [tilespmem:s0+$0xA080]  }
0x39c: {  	[tilespmem:s0+$0x9CA0] =	vst v24;
	v22 =	vadd.f32 v22, v29;
	v24 =	vld [tilespmem:s0+$0xA090]  }
0x39d: {  	[tilespmem:s0+$0x9CB0] =	vst v23;
	v21 =	vadd.f32 v21, v28;
	v23 =	vld [tilespmem:s0+$0xA0A0]  }
0x39e: {  	[tilespmem:s0+$0x9CC0] =	vst v22;
	v20 =	vadd.f32 v20, v27;
	v22 =	vld [tilespmem:s0+$0xA0B0]  }
0x39f: {  	[tilespmem:s0+$0x9CD0] =	vst v21;
	v19 =	vadd.f32 v19, v26;
	v21 =	vld [tilespmem:s0+$0xA0C0]  }
0x3a0: {  	[tilespmem:s0+$0x9CE0] =	vst v20;
	v18 =	vadd.f32 v18, v25;
	v20 =	vld [tilespmem:s0+$0xA0D0]  }
0x3a1: {  	[tilespmem:s0+$0x9CF0] =	vst v19;
	v17 =	vadd.f32 v17, v24;
	v19 =	vld [tilespmem:s0+$0xA0E0]  }
.Ltmp3:
0x3a2: {  	[tilespmem:s0+$0xA080] =	vst v18;
	v18 =	vadd.f32 v16, v23;
	v16 =	vld [tilespmem:s0+$0xA0F0];
	(pc) =	sbr.rel @p1 .LBB2_9-.Ltmp3, $4  }
0x3a3: {  	[tilespmem:s0+$0xA090] =	vst v17;
	v17 =	vadd.f32 v15, v22;
	v15 =	vld [tilespmem:s0+$0xA480]  }
0x3a4: {  	[tilespmem:s0+$0xA0A0] =	vst v18;
	v21 =	vadd.f32 v14, v21;
	v14 =	vld [tilespmem:s0+$0xA490]  }
0x3a5: {  	[tilespmem:s0+$0xA0B0] =	vst v17;
	v18 =	vadd.f32 v13, v20;
	v13 =	vld [tilespmem:s0+$0xA4A0]  }
0x3a6: {  	s2 =	sadd.s32 $0x1, s2;
	[tilespmem:s0+$0xA0C0] =	vst v21;
	v17 =	vadd.f32 v12, v19;
	v12 =	vld [tilespmem:s0+$0xA4B0]  }
0x3a7: {  	[tilespmem:s0+$0xA0D0] =	vst v18;
	v60 =	vld [tilespmem:s0+$0xA4C0];
	v11 =	vadd.f32 v11, v16  }
0x3a8: {  	v61 =	vld [tilespmem:s0+$0xA4D0];
	[tilespmem:s0+$0xA0E0] =	vst v17;
	v10 =	vadd.f32 v10, v15  }
0x3a9: {  	v62 =	vld [tilespmem:s0+$0xA4E0];
	[tilespmem:s0+$0xA0F0] =	vst v11;
	v9 =	vadd.f32 v9, v14  }
0x3aa: {  	v63 =	vld [tilespmem:s0+$0xA4F0];
	[tilespmem:s0+$0xA480] =	vst v10;
	v8 =	vadd.f32 v8, v13  }
0x3ab: {  	[tilespmem:s0+$0xA490] =	vst v9;
	v7 =	vadd.f32 v7, v12  }
0x3ac: {  	[tilespmem:s0+$0xA4A0] =	vst v8;
	v6 =	vadd.f32 v6, v60  }
0x3ad: {  	v5 =	vadd.f32 v5, v61;
	[tilespmem:s0+$0xA4B0] =	vst v7  }
.Ltmp4:
0x3ae: {  	v4 =	vadd.f32 v4, v62;
	[tilespmem:s0+$0xA4C0] =	vst v6;
	(pc) =	sbr.rel @p0 .LBB2_2-.Ltmp4, $4  }
0x3af: {  	v3 =	vadd.f32 v3, v63;
	[tilespmem:s0+$0xA4D0] =	vst v5  }
0x3b0: {  	s24 =	sadd.s32 s4, s19;
	[tilespmem:s0+$0xA4E0] =	vst v4  }
0x3b1: {  	s2 =	simm.s32 $0x40;
	p1 =	por $0x0, $0x0;
	p2 =	por $0x1, $0x1;
	[tilespmem:s0+$0xA4F0] =	vst v3  }
0x3b2: {  	[hbm4b:s24+s5] =	stream.linear.scatter [tilespmem:s31], [sflag:$0xC], $0x3000, $0x38;
	[tilespmem:$0x18080] =	vst v63  }
0x3b3: {  	s0 =	simm.s32 $0x9  }
0x3b4: {  	_ =	swait.ge [sflag:s0], $0x3000  }
0x3b5: {  	[sflag:s0] =	ssyncset.done $0x0  }
0x3b6: {  	s21 =	simm.s32 $0xA;
	[sflag:s0] =	ssyncadd.s32 $0xFFFFD000  }
0x3b7: {  	_ =	swait.ge [sflag:s21], $0x3000  }
0x3b8: {  	[sflag:s21] =	ssyncset.done $0x0  }
0x3b9: {  	s23 =	simm.s32 $0xB;
	[sflag:s21] =	ssyncadd.s32 $0xFFFFD000  }
0x3ba: {  	_ =	swait.ge [sflag:s23], $0x3000  }
0x3bb: {  	[sflag:s23] =	ssyncset.done $0x0  }
0x3bc: {  	s1 =	simm.s32 $0xC;
	[sflag:s23] =	ssyncadd.s32 $0xFFFFD000  }
0x3bd: {  	_ =	swait.ge [sflag:s1], $0x3000  }
0x3be: {  	s2 =	rddreg [dreg:$0xa]  }
0x3bf: {  	s24 =	rddreg [dreg:$0x9];
	s2 =	sadd.s32 $0x1, s2  }
0x3c0: {  	p0 =	sne.s32 s2, s24  }
.Ltmp5:
0x3c1: {  	_ = 	snop;
	(pc) =	sbr.rel @p0 .LBB2_1-.Ltmp5, $3  }
0x3c2: {  	_ =	sdelay $0x1  }
0x3c3: {  	[sflag:s1] =	ssyncset.done $0x0  }
0x3c4: {  	[sflag:s1] =	ssyncadd.s32 $0xFFFFD000  }
0x3c5: {  	_ =	sfence.sel $0x180000  }
0x3c6: {  	[bflag:$0x0] =	sbarrier.arrive $0xFFFF  }
0x3c7: {  	_ =	strace $0x90000047  }
0x3c8: {  	s0 =	stileid.u32;
	[bflag:$0x2] =	sbarrier.arrive $0xFFFF  }
0x3c9: {  	p0 =	sne.s32 s0, $0x0;
	s0 =	rddreg [dreg:$0x4]  }
0x3ca: {  	s0 =	sadd.s32 @!p0 $0x100000, s0  }
0x3cb: {  	[sflag:s0] =	ssyncadd.tile.s32 @!p0 $0x1;
	_ =	shalt  }
.Lfunc_end2:
_tile_overlayer_lowered:
.L_overlay_start_2:
0x3cc: {  	(tag) =	ssettag $0x2  }
0x3cd: {  	s0 =	rddreg [dreg:$0x0];
	s2 =	stileid.u32  }
0x3ce: {  	s1 =	rddreg [dreg:$0x1];
	p0 =	sne.s32 s2, $0x0  }
0x3cf: {  	s3 =	rddreg [dreg:$0x2];
	[bflag:$0x3] =	sbarrier.arrive $0xFFFF;
	s2 =	simm.s32 @!p0 $0x1C0D  }
0x3d0: {  	[timem:s3], [sflag:s2] =	dma.local @!p0 [hbm:s0], s1  }
0x3d1: {  	s0 =	simm.s32 @!p0 $0xD  }
0x3d2: {  	_ =	swait.ge @!p0 [sflag:s0], s1  }
0x3d3: {  	s1 =	ssub.s32 @!p0 $0x0, s1;
	[sflag:s0] =	ssyncset.done @!p0 $0x0  }
0x3d4: {  	[sflag:s0] =	ssyncadd.s32 @!p0 s1  }
0x3d5: {  	[bflag:$0x3] =	sbarrier.arrive $0xFFFF  }
0x3d6: {  	_ =	shalt  }

</sc_bundles>
